<compile_context>
chip_gen: v7x
topology: tpu7x:2x2x1
jax: 0.10.2.dev20260603
libtpu: 0.0.44.dev20260713+nightly
codegen_flags: <defaults>
</compile_context>

<pallas_src>
import functools

import jax
import jax.numpy as jnp
from jax import lax
from jax.experimental import pallas as pl
from jax.experimental.pallas import tpu as pltpu
from jax.experimental.pallas import tpu_sc as plsc

_K = 5
_LEAKY = 0.2
_EPS = 1e-5


def _prep_body(xb_ref, wb_ref, gidx_ref, cb_ref, *, rb, n):
    b = pl.program_id(0)
    r = pl.program_id(1)
    xb = xb_ref[0]
    xr = xb_ref[0, pl.ds(r * rb, rb), :]
    x2b = jnp.sum(xb * xb, axis=1).reshape(1, n)
    x2r = jnp.sum(xr * xr, axis=1, keepdims=True)
    gram = lax.dot_general(xr, xb, (((1,), (1,)), ((), ())),
                           preferred_element_type=jnp.float32)
    dist = -(x2r + x2b - 2.0 * gram)
    colsf = lax.broadcasted_iota(jnp.int32, (rb, n), 1).astype(jnp.float32)
    base = b * n
    for j in range(_K):
        m = jnp.max(dist, axis=1, keepdims=True)
        fi = jnp.min(jnp.where(dist == m, colsf, float(n)), axis=1)
        gidx_ref[j, 0, 0, :] = fi.astype(jnp.int32) + base
        if j + 1 < _K:
            dist = jnp.where(colsf == fi[:, None], -jnp.inf, dist)
    cb_ref[0] = lax.dot_general(xr, wb_ref[...], (((1,), (1,)), ((), ())),
                                preferred_element_type=jnp.float32)


def _prep(x, W, rb=512):
    B, N, C = x.shape
    O = W.shape[0]
    out_shape = [
        jax.ShapeDtypeStruct((_K, B, 1, N), jnp.int32),
        jax.ShapeDtypeStruct((B, N, O), jnp.float32),
    ]
    return pl.pallas_call(
        functools.partial(_prep_body, rb=rb, n=N),
        grid=(B, N // rb),
        in_specs=[
            pl.BlockSpec((1, N, C), lambda b, r: (b, 0, 0)),
            pl.BlockSpec((O, C), lambda b, r: (0, 1)),
        ],
        out_specs=[
            pl.BlockSpec((_K, 1, 1, rb), lambda b, r: (0, b, 0, r)),
            pl.BlockSpec((1, rb, O), lambda b, r: (b, r, 0)),
        ],
        out_shape=out_shape,
    )(x, W)


def _sc_gather(xf, gidxj, cp=128):
    BN, C = xf.shape
    nw = 32
    P = BN // nw
    nstep = _K * (P // cp)
    mesh = plsc.VectorSubcoreMesh(core_axis_name="c", subcore_axis_name="s")

    nh = P // cp

    def body(xf_hbm, gidxj_hbm, feat_hbm, slab, rows0, rows1, rows2,
             gs0, gs1, gs2, ws0, ws1, ws2):
        wid = lax.axis_index("s") * 2 + lax.axis_index("c")
        base = wid * P
        rowsb = (rows0, rows1, rows2)
        gsem = (gs0, gs1, gs2)
        wsem = (ws0, ws1, ws2)

        for j in range(_K):
            pltpu.sync_copy(gidxj_hbm.at[pl.ds(j * BN + base, P)],
                            slab.at[pl.ds(j * P, P)])

        def off(t):
            j, h = divmod(t, nh)
            return j * BN + base + h * cp

        def idxsl(t):
            j, h = divmod(t, nh)
            return slab.at[pl.ds(j * P + h * cp, cp)]

        g = [None] * nstep
        w = [None] * nstep
        for s in range(min(3, nstep)):
            g[s] = pltpu.async_copy(xf_hbm.at[idxsl(s)], rowsb[s % 3],
                                    gsem[s % 3])
        for t in range(nstep):
            p = t % 3
            g[t].wait()
            w[t] = pltpu.async_copy(rowsb[p], feat_hbm.at[pl.ds(off(t), cp)],
                                    wsem[p])
            if t + 3 < nstep:
                w[t].wait()
                g[t + 3] = pltpu.async_copy(xf_hbm.at[idxsl(t + 3)], rowsb[p],
                                            gsem[p])
        for t in range(max(0, nstep - 3), nstep):
            w[t].wait()

    f = pl.kernel(
        body,
        out_type=jax.ShapeDtypeStruct((_K * BN, C), jnp.float32),
        mesh=mesh,
        scratch_types=[
            pltpu.VMEM((_K * P,), jnp.int32),
            pltpu.VMEM((cp, C), jnp.float32),
            pltpu.VMEM((cp, C), jnp.float32),
            pltpu.VMEM((cp, C), jnp.float32),
            pltpu.SemaphoreType.DMA,
            pltpu.SemaphoreType.DMA,
            pltpu.SemaphoreType.DMA,
            pltpu.SemaphoreType.DMA,
            pltpu.SemaphoreType.DMA,
            pltpu.SemaphoreType.DMA,
        ],
    )
    return f(xf, gidxj)


def _conv_body(feat_ref, x_ref, cb_ref, wa_ref, zmax_ref, zmin_ref,
               ps_ref, ps2_ref):
    xc = x_ref[...]
    cbv = cb_ref[...]
    wa = wa_ref[...]
    zm = zn = acc = acc2 = None
    for j in range(_K):
        d = feat_ref[j] - xc
        z = lax.dot_general(d, wa, (((1,), (1,)), ((), ())),
                            preferred_element_type=jnp.float32) + cbv
        if j == 0:
            zm, zn, acc, acc2 = z, z, z, z * z
        else:
            zm = jnp.maximum(zm, z)
            zn = jnp.minimum(zn, z)
            acc = acc + z
            acc2 = acc2 + z * z
    zmax_ref[...] = zm
    zmin_ref[...] = zn
    ps_ref[0] = jnp.sum(acc, axis=0, keepdims=True)
    ps2_ref[0] = jnp.sum(acc2, axis=0, keepdims=True)


def _conv(feat, xf, cb, W, rb=512):
    BN, C = xf.shape
    O = W.shape[0]
    G = BN // rb
    out_shape = [
        jax.ShapeDtypeStruct((BN, O), jnp.float32),
        jax.ShapeDtypeStruct((BN, O), jnp.float32),
        jax.ShapeDtypeStruct((G, 1, O), jnp.float32),
        jax.ShapeDtypeStruct((G, 1, O), jnp.float32),
    ]
    zmax, zmin, ps, ps2 = pl.pallas_call(
        _conv_body,
        grid=(G,),
        in_specs=[
            pl.BlockSpec((_K, rb, C), lambda g: (0, g, 0)),
            pl.BlockSpec((rb, C), lambda g: (g, 0)),
            pl.BlockSpec((rb, O), lambda g: (g, 0)),
            pl.BlockSpec((O, C), lambda g: (0, 0)),
        ],
        out_specs=[
            pl.BlockSpec((rb, O), lambda g: (g, 0)),
            pl.BlockSpec((rb, O), lambda g: (g, 0)),
            pl.BlockSpec((1, 1, O), lambda g: (g, 0, 0)),
            pl.BlockSpec((1, 1, O), lambda g: (g, 0, 0)),
        ],
        out_shape=out_shape,
    )(feat.reshape(_K, BN, C), xf, cb, W)
    return zmax, zmin, ps.reshape(G, O), ps2.reshape(G, O)


def _fin_body(zmax_ref, zmin_ref, ps_ref, ps2_ref, g_ref, bta_ref, out_ref,
              *, cnt):
    s1 = jnp.sum(ps_ref[...], axis=0, keepdims=True)
    s2 = jnp.sum(ps2_ref[...], axis=0, keepdims=True)
    mean = s1 * (1.0 / cnt)
    var = s2 * (1.0 / cnt) - mean * mean
    inv = lax.rsqrt(var + _EPS)
    gam = g_ref[...]
    scale = gam * inv
    off = bta_ref[...] - mean * scale
    sel = jnp.where(gam >= 0.0, zmax_ref[...], zmin_ref[...])
    t = sel * scale + off
    out_ref[...] = jnp.where(t >= 0.0, t, _LEAKY * t)


def _fin(zmax, zmin, ps, ps2, g, bta, cnt, rb=512):
    BN, O = zmax.shape
    G = ps.shape[0]
    return pl.pallas_call(
        functools.partial(_fin_body, cnt=float(cnt)),
        grid=(BN // rb,),
        in_specs=[
            pl.BlockSpec((rb, O), lambda r: (r, 0)),
            pl.BlockSpec((rb, O), lambda r: (r, 0)),
            pl.BlockSpec((G, O), lambda r: (0, 0)),
            pl.BlockSpec((G, O), lambda r: (0, 0)),
            pl.BlockSpec((1, O), lambda r: (0, 0)),
            pl.BlockSpec((1, O), lambda r: (0, 0)),
        ],
        out_specs=pl.BlockSpec((rb, O), lambda r: (r, 0)),
        out_shape=jax.ShapeDtypeStruct((BN, O), jnp.float32),
    )(zmax, zmin, ps, ps2, g, bta)


def _layer(xs, W, g, bta, cnt):
    O = W.shape[0]
    pre = [_prep(xh, W) for xh in xs]
    feats = [_sc_gather(xh.reshape(-1, xh.shape[2]), p[0].reshape(-1))
             for xh, p in zip(xs, pre)]
    convs = [_conv(f, xh.reshape(-1, xh.shape[2]), p[1].reshape(-1, O), W)
             for f, xh, p in zip(feats, xs, pre)]
    ps = jnp.concatenate([c[2] for c in convs], 0)
    ps2 = jnp.concatenate([c[3] for c in convs], 0)
    outs = [_fin(c[0], c[1], ps, ps2, g.reshape(1, O), bta.reshape(1, O), cnt)
            for c in convs]
    return [o.reshape(xh.shape[0], xh.shape[1], O)
            for o, xh in zip(outs, xs)]


def kernel(interm_repr, W1, g1, b1, W2, g2, b2):
    x = interm_repr
    B, N, C = x.shape
    cnt = B * N * _K
    xs = [x[:B // 2], x[B // 2:]]
    x1s = _layer(xs, W1, g1, b1, cnt)
    x2s = _layer(x1s, W2, g2, b2, cnt)
    return jnp.concatenate(x2s, 0)

# --- scband reference (transcript-rebuilt; emitter-appended) ---
"""Pipeline reference for scband-point-cloud-teacher-30039001268631 (READ-ONLY COPY).

The authoritative reference and input builder live on the scoring server;
editing this copy changes nothing except your own understanding.
"""

import jax, jax.numpy as jnp
import numpy as np


def _get_graph_feat(x, k=5):
    # Faithful port of get_graph_feat: squared-euclidean KNN + edge features.
    B, N, C = x.shape
    x2 = jnp.sum(x * x, axis=-1)
    pair_dist = -(x2[:, :, None] + x2[:, None, :] - 2.0 * jnp.einsum('bnc,bmc->bnm', x, x))
    idx = jax.lax.top_k(pair_dist, k)[1]  # [B, N, k]
    b = jnp.arange(B)[:, None, None]
    feat = x[b, idx]  # gather neighbor features -> [B, N, k, C]
    center = x[:, :, None, :]
    features = jnp.concatenate([feat - center, jnp.broadcast_to(center, feat.shape)], axis=-1)
    return jnp.transpose(features, (0, 3, 1, 2))  # [B, 2C, N, k]


def _bn2d(x, gamma, beta, eps=1e-5):
    # BatchNorm2d in training mode (batch statistics over B, H, W).
    mean = jnp.mean(x, axis=(0, 2, 3), keepdims=True)
    var = jnp.var(x, axis=(0, 2, 3), keepdims=True)
    xn = (x - mean) / jnp.sqrt(var + eps)
    return gamma[None, :, None, None] * xn + beta[None, :, None, None]


def _leaky(x):
    return jnp.where(x >= 0, x, 0.2 * x)


def setup_inputs(seed: int = 0):
    key = jax.random.key(seed)
    ks = jax.random.split(key, 4)
    B, N, C = 4, 2048, 256
    repr_dim = 512
    interm_repr = jax.random.normal(ks[0], (B, N, C), dtype=jnp.float32)
    # edgeconv1: Conv2d(2*embed_dim -> repr_dim//2, 1x1, bias=False) + BN
    W1 = jax.random.normal(ks[1], (repr_dim // 2, 2 * C), dtype=jnp.float32) * 0.02
    g1 = jnp.ones((repr_dim // 2,), dtype=jnp.float32)
    b1 = jnp.zeros((repr_dim // 2,), dtype=jnp.float32)
    # edgeconv2: Conv2d(repr_dim -> repr_dim, 1x1, bias=False) + BN
    W2 = jax.random.normal(ks[2], (repr_dim, repr_dim), dtype=jnp.float32) * 0.02
    g2 = jnp.ones((repr_dim,), dtype=jnp.float32)
    b2 = jnp.zeros((repr_dim,), dtype=jnp.float32)
    return {"interm_repr": interm_repr, "W1": W1, "g1": g1, "b1": b1, "W2": W2, "g2": g2, "b2": b2}


def reference(interm_repr, W1, g1, b1, W2, g2, b2):
    # loss_type='disp_l2' -> no F.normalize; head_type='edgeconv' -> edgeconv path.
    x = _get_graph_feat(interm_repr, k=5)                       # [B, 2C, N, k]
    x1 = _leaky(_bn2d(jnp.einsum('oc,bcnk->bonk', W1, x), g1, b1))
    x1 = jnp.max(x1, axis=-1)                                    # [B, C1, N]
    x1 = jnp.transpose(x1, (0, 2, 1))                            # [B, N, C1]
    x = _get_graph_feat(x1, k=5)                                 # [B, 2*C1, N, k]
    x2 = _leaky(_bn2d(jnp.einsum('oc,bcnk->bonk', W2, x), g2, b2))
    x2 = jnp.max(x2, axis=-1)                                    # [B, repr_dim, N]
    x2 = jnp.transpose(x2, (0, 2, 1))                            # [B, N, repr_dim]
    return x2

if __name__ == "__main__":
    import jax
    _d = setup_inputs()
    print(jax.jit(kernel)(*tuple(_d.values())))

</pallas_src>

<mosaic_0001>
#map = affine_map<(d0, d1) -> (0, 0)>
#map1 = affine_map<(d0, d1) -> (0)>
module attributes {stable_mosaic.version = 14 : i64} {
  func.func @body(%arg0: i32, %arg1: i32, %arg2: memref<4096x256xf32, #tpu.memory_space<hbm>>, %arg3: memref<20480xi32, #tpu.memory_space<hbm>>, %arg4: memref<20480x256xf32, #tpu.memory_space<hbm>>, %arg5: memref<640xi32, #tpu.memory_space<vmem>>, %arg6: memref<128x256xf32, #tpu.memory_space<vmem>>, %arg7: memref<128x256xf32, #tpu.memory_space<vmem>>, %arg8: memref<128x256xf32, #tpu.memory_space<vmem>>, %arg9: memref<!tpu.dma_semaphore, #tpu.memory_space<semaphore_mem>>, %arg10: memref<!tpu.dma_semaphore, #tpu.memory_space<semaphore_mem>>, %arg11: memref<!tpu.dma_semaphore, #tpu.memory_space<semaphore_mem>>, %arg12: memref<!tpu.dma_semaphore, #tpu.memory_space<semaphore_mem>>, %arg13: memref<!tpu.dma_semaphore, #tpu.memory_space<semaphore_mem>>, %arg14: memref<!tpu.dma_semaphore, #tpu.memory_space<semaphore_mem>>) attributes {dimension_semantics = [#tpu.dimension_semantics<core_parallel>, #tpu.dimension_semantics<subcore_parallel>], iteration_bounds = array<i64: 2, 16>, scalar_prefetch = 0 : i64, scratch_operands = 10 : i64, tpu.core_type = #tpu.core_type<sc_vector_subcore>, window_params = [{transform_indices = #map}, {transform_indices = #map1}, {transform_indices = #map}]} {
    %mul3A = arith.constant 2 : i32
    %mul3A_0 = arith.muli %arg1, %mul3A : i32
    %add3A = arith.addi %mul3A_0, %arg0 : i32
    %mul3A_1 = arith.constant 128 : i32
    %mul3A_2 = arith.muli %add3A, %mul3A_1 : i32
    %add3A_3 = arith.constant 0 : i32
    %add3A_4 = arith.addi %add3A_3, %mul3A_2 : i32
    "tpu.region"() ({
      %run_scoped3A = tpu.sem_alloc : memref<!tpu.dma_semaphore, #tpu.memory_space<semaphore_mem>>
      %dma_start3A_121 = arith.constant 0 : i32
      %dma_start3A_122 = tpu.memref_slice %arg5[%dma_start3A_121] : memref<640xi32, #tpu.memory_space<vmem>> -> memref<128xi32, #tpu.memory_space<vmem>>
      %dma_start3A_123 = tpu.memref_slice %arg3[%add3A_4] : memref<20480xi32, #tpu.memory_space<hbm>> -> memref<128xi32, #tpu.memory_space<hbm>>
      %dma_start3A_124 = arith.constant 0 : i32
      %dma_start3A_125 = tpu.memref_slice %arg5[%dma_start3A_124] : memref<640xi32, #tpu.memory_space<vmem>> -> memref<128xi32, #tpu.memory_space<vmem>>
      %dma_start3A_126 = tpu.memref_slice %arg3[%add3A_4] : memref<20480xi32, #tpu.memory_space<hbm>> -> memref<128xi32, #tpu.memory_space<hbm>>
      tpu.enqueue_dma source(%dma_start3A_126 : memref<128xi32, #tpu.memory_space<hbm>>) target(%dma_start3A_125 : memref<128xi32, #tpu.memory_space<vmem>>) target_semaphore(%run_scoped3A : memref<!tpu.dma_semaphore, #tpu.memory_space<semaphore_mem>>)
      %dma_wait3A_127 = arith.constant 0 : i32
      %dma_wait3A_128 = tpu.memref_slice %arg5[%dma_wait3A_127] : memref<640xi32, #tpu.memory_space<vmem>> -> memref<128xi32, #tpu.memory_space<vmem>>
      %dma_wait3A_129 = tpu.memref_slice %arg3[%add3A_4] : memref<20480xi32, #tpu.memory_space<hbm>> -> memref<128xi32, #tpu.memory_space<hbm>>
      %dma_wait3A_130 = arith.constant 0 : i32
      %dma_wait3A_131 = tpu.memref_slice %arg5[%dma_wait3A_130] : memref<640xi32, #tpu.memory_space<vmem>> -> memref<128xi32, #tpu.memory_space<vmem>>
      %dma_wait3A_132 = tpu.memref_slice %arg3[%add3A_4] : memref<20480xi32, #tpu.memory_space<hbm>> -> memref<128xi32, #tpu.memory_space<hbm>>
      tpu.wait_dma2 semaphore(%run_scoped3A : memref<!tpu.dma_semaphore, #tpu.memory_space<semaphore_mem>>) src(%dma_wait3A_132 : memref<128xi32, #tpu.memory_space<hbm>>) dst(%dma_wait3A_131 : memref<128xi32, #tpu.memory_space<vmem>>)
      tpu.yield
    }) : () -> ()
    %add3A_5 = arith.constant 4096 : i32
    %add3A_6 = arith.addi %add3A_5, %mul3A_2 : i32
    "tpu.region"() ({
      %run_scoped3A = tpu.sem_alloc : memref<!tpu.dma_semaphore, #tpu.memory_space<semaphore_mem>>
      %dma_start3A_121 = arith.constant 128 : i32
      %dma_start3A_122 = tpu.memref_slice %arg5[%dma_start3A_121] : memref<640xi32, #tpu.memory_space<vmem>> -> memref<128xi32, #tpu.memory_space<vmem>>
      %dma_start3A_123 = tpu.memref_slice %arg3[%add3A_6] : memref<20480xi32, #tpu.memory_space<hbm>> -> memref<128xi32, #tpu.memory_space<hbm>>
      %dma_start3A_124 = arith.constant 128 : i32
      %dma_start3A_125 = tpu.memref_slice %arg5[%dma_start3A_124] : memref<640xi32, #tpu.memory_space<vmem>> -> memref<128xi32, #tpu.memory_space<vmem>>
      %dma_start3A_126 = tpu.memref_slice %arg3[%add3A_6] : memref<20480xi32, #tpu.memory_space<hbm>> -> memref<128xi32, #tpu.memory_space<hbm>>
      tpu.enqueue_dma source(%dma_start3A_126 : memref<128xi32, #tpu.memory_space<hbm>>) target(%dma_start3A_125 : memref<128xi32, #tpu.memory_space<vmem>>) target_semaphore(%run_scoped3A : memref<!tpu.dma_semaphore, #tpu.memory_space<semaphore_mem>>)
      %dma_wait3A_127 = arith.constant 128 : i32
      %dma_wait3A_128 = tpu.memref_slice %arg5[%dma_wait3A_127] : memref<640xi32, #tpu.memory_space<vmem>> -> memref<128xi32, #tpu.memory_space<vmem>>
      %dma_wait3A_129 = tpu.memref_slice %arg3[%add3A_6] : memref<20480xi32, #tpu.memory_space<hbm>> -> memref<128xi32, #tpu.memory_space<hbm>>
      %dma_wait3A_130 = arith.constant 128 : i32
      %dma_wait3A_131 = tpu.memref_slice %arg5[%dma_wait3A_130] : memref<640xi32, #tpu.memory_space<vmem>> -> memref<128xi32, #tpu.memory_space<vmem>>
      %dma_wait3A_132 = tpu.memref_slice %arg3[%add3A_6] : memref<20480xi32, #tpu.memory_space<hbm>> -> memref<128xi32, #tpu.memory_space<hbm>>
      tpu.wait_dma2 semaphore(%run_scoped3A : memref<!tpu.dma_semaphore, #tpu.memory_space<semaphore_mem>>) src(%dma_wait3A_132 : memref<128xi32, #tpu.memory_space<hbm>>) dst(%dma_wait3A_131 : memref<128xi32, #tpu.memory_space<vmem>>)
      tpu.yield
    }) : () -> ()
    %add3A_7 = arith.constant 8192 : i32
    %add3A_8 = arith.addi %add3A_7, %mul3A_2 : i32
    "tpu.region"() ({
      %run_scoped3A = tpu.sem_alloc : memref<!tpu.dma_semaphore, #tpu.memory_space<semaphore_mem>>
      %dma_start3A_121 = arith.constant 256 : i32
      %dma_start3A_122 = tpu.memref_slice %arg5[%dma_start3A_121] : memref<640xi32, #tpu.memory_space<vmem>> -> memref<128xi32, #tpu.memory_space<vmem>>
      %dma_start3A_123 = tpu.memref_slice %arg3[%add3A_8] : memref<20480xi32, #tpu.memory_space<hbm>> -> memref<128xi32, #tpu.memory_space<hbm>>
      %dma_start3A_124 = arith.constant 256 : i32
      %dma_start3A_125 = tpu.memref_slice %arg5[%dma_start3A_124] : memref<640xi32, #tpu.memory_space<vmem>> -> memref<128xi32, #tpu.memory_space<vmem>>
      %dma_start3A_126 = tpu.memref_slice %arg3[%add3A_8] : memref<20480xi32, #tpu.memory_space<hbm>> -> memref<128xi32, #tpu.memory_space<hbm>>
      tpu.enqueue_dma source(%dma_start3A_126 : memref<128xi32, #tpu.memory_space<hbm>>) target(%dma_start3A_125 : memref<128xi32, #tpu.memory_space<vmem>>) target_semaphore(%run_scoped3A : memref<!tpu.dma_semaphore, #tpu.memory_space<semaphore_mem>>)
      %dma_wait3A_127 = arith.constant 256 : i32
      %dma_wait3A_128 = tpu.memref_slice %arg5[%dma_wait3A_127] : memref<640xi32, #tpu.memory_space<vmem>> -> memref<128xi32, #tpu.memory_space<vmem>>
      %dma_wait3A_129 = tpu.memref_slice %arg3[%add3A_8] : memref<20480xi32, #tpu.memory_space<hbm>> -> memref<128xi32, #tpu.memory_space<hbm>>
      %dma_wait3A_130 = arith.constant 256 : i32
      %dma_wait3A_131 = tpu.memref_slice %arg5[%dma_wait3A_130] : memref<640xi32, #tpu.memory_space<vmem>> -> memref<128xi32, #tpu.memory_space<vmem>>
      %dma_wait3A_132 = tpu.memref_slice %arg3[%add3A_8] : memref<20480xi32, #tpu.memory_space<hbm>> -> memref<128xi32, #tpu.memory_space<hbm>>
      tpu.wait_dma2 semaphore(%run_scoped3A : memref<!tpu.dma_semaphore, #tpu.memory_space<semaphore_mem>>) src(%dma_wait3A_132 : memref<128xi32, #tpu.memory_space<hbm>>) dst(%dma_wait3A_131 : memref<128xi32, #tpu.memory_space<vmem>>)
      tpu.yield
    }) : () -> ()
    %add3A_9 = arith.constant 12288 : i32
    %add3A_10 = arith.addi %add3A_9, %mul3A_2 : i32
    "tpu.region"() ({
      %run_scoped3A = tpu.sem_alloc : memref<!tpu.dma_semaphore, #tpu.memory_space<semaphore_mem>>
      %dma_start3A_121 = arith.constant 384 : i32
      %dma_start3A_122 = tpu.memref_slice %arg5[%dma_start3A_121] : memref<640xi32, #tpu.memory_space<vmem>> -> memref<128xi32, #tpu.memory_space<vmem>>
      %dma_start3A_123 = tpu.memref_slice %arg3[%add3A_10] : memref<20480xi32, #tpu.memory_space<hbm>> -> memref<128xi32, #tpu.memory_space<hbm>>
      %dma_start3A_124 = arith.constant 384 : i32
      %dma_start3A_125 = tpu.memref_slice %arg5[%dma_start3A_124] : memref<640xi32, #tpu.memory_space<vmem>> -> memref<128xi32, #tpu.memory_space<vmem>>
      %dma_start3A_126 = tpu.memref_slice %arg3[%add3A_10] : memref<20480xi32, #tpu.memory_space<hbm>> -> memref<128xi32, #tpu.memory_space<hbm>>
      tpu.enqueue_dma source(%dma_start3A_126 : memref<128xi32, #tpu.memory_space<hbm>>) target(%dma_start3A_125 : memref<128xi32, #tpu.memory_space<vmem>>) target_semaphore(%run_scoped3A : memref<!tpu.dma_semaphore, #tpu.memory_space<semaphore_mem>>)
      %dma_wait3A_127 = arith.constant 384 : i32
      %dma_wait3A_128 = tpu.memref_slice %arg5[%dma_wait3A_127] : memref<640xi32, #tpu.memory_space<vmem>> -> memref<128xi32, #tpu.memory_space<vmem>>
      %dma_wait3A_129 = tpu.memref_slice %arg3[%add3A_10] : memref<20480xi32, #tpu.memory_space<hbm>> -> memref<128xi32, #tpu.memory_space<hbm>>
      %dma_wait3A_130 = arith.constant 384 : i32
      %dma_wait3A_131 = tpu.memref_slice %arg5[%dma_wait3A_130] : memref<640xi32, #tpu.memory_space<vmem>> -> memref<128xi32, #tpu.memory_space<vmem>>
      %dma_wait3A_132 = tpu.memref_slice %arg3[%add3A_10] : memref<20480xi32, #tpu.memory_space<hbm>> -> memref<128xi32, #tpu.memory_space<hbm>>
      tpu.wait_dma2 semaphore(%run_scoped3A : memref<!tpu.dma_semaphore, #tpu.memory_space<semaphore_mem>>) src(%dma_wait3A_132 : memref<128xi32, #tpu.memory_space<hbm>>) dst(%dma_wait3A_131 : memref<128xi32, #tpu.memory_space<vmem>>)
      tpu.yield
    }) : () -> ()
    %add3A_11 = arith.constant 16384 : i32
    %add3A_12 = arith.addi %add3A_11, %mul3A_2 : i32
    "tpu.region"() ({
      %run_scoped3A = tpu.sem_alloc : memref<!tpu.dma_semaphore, #tpu.memory_space<semaphore_mem>>
      %dma_start3A_121 = arith.constant 512 : i32
      %dma_start3A_122 = tpu.memref_slice %arg5[%dma_start3A_121] : memref<640xi32, #tpu.memory_space<vmem>> -> memref<128xi32, #tpu.memory_space<vmem>>
      %dma_start3A_123 = tpu.memref_slice %arg3[%add3A_12] : memref<20480xi32, #tpu.memory_space<hbm>> -> memref<128xi32, #tpu.memory_space<hbm>>
      %dma_start3A_124 = arith.constant 512 : i32
      %dma_start3A_125 = tpu.memref_slice %arg5[%dma_start3A_124] : memref<640xi32, #tpu.memory_space<vmem>> -> memref<128xi32, #tpu.memory_space<vmem>>
      %dma_start3A_126 = tpu.memref_slice %arg3[%add3A_12] : memref<20480xi32, #tpu.memory_space<hbm>> -> memref<128xi32, #tpu.memory_space<hbm>>
      tpu.enqueue_dma source(%dma_start3A_126 : memref<128xi32, #tpu.memory_space<hbm>>) target(%dma_start3A_125 : memref<128xi32, #tpu.memory_space<vmem>>) target_semaphore(%run_scoped3A : memref<!tpu.dma_semaphore, #tpu.memory_space<semaphore_mem>>)
      %dma_wait3A_127 = arith.constant 512 : i32
      %dma_wait3A_128 = tpu.memref_slice %arg5[%dma_wait3A_127] : memref<640xi32, #tpu.memory_space<vmem>> -> memref<128xi32, #tpu.memory_space<vmem>>
      %dma_wait3A_129 = tpu.memref_slice %arg3[%add3A_12] : memref<20480xi32, #tpu.memory_space<hbm>> -> memref<128xi32, #tpu.memory_space<hbm>>
      %dma_wait3A_130 = arith.constant 512 : i32
      %dma_wait3A_131 = tpu.memref_slice %arg5[%dma_wait3A_130] : memref<640xi32, #tpu.memory_space<vmem>> -> memref<128xi32, #tpu.memory_space<vmem>>
      %dma_wait3A_132 = tpu.memref_slice %arg3[%add3A_12] : memref<20480xi32, #tpu.memory_space<hbm>> -> memref<128xi32, #tpu.memory_space<hbm>>
      tpu.wait_dma2 semaphore(%run_scoped3A : memref<!tpu.dma_semaphore, #tpu.memory_space<semaphore_mem>>) src(%dma_wait3A_132 : memref<128xi32, #tpu.memory_space<hbm>>) dst(%dma_wait3A_131 : memref<128xi32, #tpu.memory_space<vmem>>)
      tpu.yield
    }) : () -> ()
    %dma_start3A = arith.constant 0 : i32
    %dma_start3A_13 = tpu.memref_slice %arg5[%dma_start3A] : memref<640xi32, #tpu.memory_space<vmem>> -> memref<128xi32, #tpu.memory_space<vmem>>
    %dma_start3A_14 = arith.constant 0 : i32
    %dma_start3A_15 = arith.constant 0 : i32
    %dma_start3A_16 = tpu.memref_slice %arg2[%dma_start3A_14, %dma_start3A_15] : memref<4096x256xf32, #tpu.memory_space<hbm>> -> memref<4096x256xf32, #tpu.memory_space<hbm>>
    tpu.enqueue_indirect_dma source(%dma_start3A_16 : memref<4096x256xf32, #tpu.memory_space<hbm>>) target(%arg6 : memref<128x256xf32, #tpu.memory_space<vmem>>) offsets(%dma_start3A_13 : memref<128xi32, #tpu.memory_space<vmem>>) semaphore(%arg9 : memref<!tpu.dma_semaphore, #tpu.memory_space<semaphore_mem>>)
    %dma_start3A_17 = arith.constant 128 : i32
    %dma_start3A_18 = tpu.memref_slice %arg5[%dma_start3A_17] : memref<640xi32, #tpu.memory_space<vmem>> -> memref<128xi32, #tpu.memory_space<vmem>>
    %dma_start3A_19 = arith.constant 0 : i32
    %dma_start3A_20 = arith.constant 0 : i32
    %dma_start3A_21 = tpu.memref_slice %arg2[%dma_start3A_19, %dma_start3A_20] : memref<4096x256xf32, #tpu.memory_space<hbm>> -> memref<4096x256xf32, #tpu.memory_space<hbm>>
    tpu.enqueue_indirect_dma source(%dma_start3A_21 : memref<4096x256xf32, #tpu.memory_space<hbm>>) target(%arg7 : memref<128x256xf32, #tpu.memory_space<vmem>>) offsets(%dma_start3A_18 : memref<128xi32, #tpu.memory_space<vmem>>) semaphore(%arg10 : memref<!tpu.dma_semaphore, #tpu.memory_space<semaphore_mem>>)
    %dma_start3A_22 = arith.constant 256 : i32
    %dma_start3A_23 = tpu.memref_slice %arg5[%dma_start3A_22] : memref<640xi32, #tpu.memory_space<vmem>> -> memref<128xi32, #tpu.memory_space<vmem>>
    %dma_start3A_24 = arith.constant 0 : i32
    %dma_start3A_25 = arith.constant 0 : i32
    %dma_start3A_26 = tpu.memref_slice %arg2[%dma_start3A_24, %dma_start3A_25] : memref<4096x256xf32, #tpu.memory_space<hbm>> -> memref<4096x256xf32, #tpu.memory_space<hbm>>
    tpu.enqueue_indirect_dma source(%dma_start3A_26 : memref<4096x256xf32, #tpu.memory_space<hbm>>) target(%arg8 : memref<128x256xf32, #tpu.memory_space<vmem>>) offsets(%dma_start3A_23 : memref<128xi32, #tpu.memory_space<vmem>>) semaphore(%arg11 : memref<!tpu.dma_semaphore, #tpu.memory_space<semaphore_mem>>)
    %dma_wait3A = arith.constant 0 : i32
    %dma_wait3A_27 = tpu.memref_slice %arg5[%dma_wait3A] : memref<640xi32, #tpu.memory_space<vmem>> -> memref<128xi32, #tpu.memory_space<vmem>>
    %dma_wait3A_28 = arith.constant 0 : i32
    %dma_wait3A_29 = arith.constant 0 : i32
    %dma_wait3A_30 = tpu.memref_slice %arg2[%dma_wait3A_28, %dma_wait3A_29] : memref<4096x256xf32, #tpu.memory_space<hbm>> -> memref<4096x256xf32, #tpu.memory_space<hbm>>
    tpu.wait_indirect_dma semaphore(%arg9 : memref<!tpu.dma_semaphore, #tpu.memory_space<semaphore_mem>>) src(%dma_wait3A_30 : memref<4096x256xf32, #tpu.memory_space<hbm>>) dst(%arg6 : memref<128x256xf32, #tpu.memory_space<vmem>>)
    %add3A_31 = arith.constant 0 : i32
    %add3A_32 = arith.addi %add3A_31, %mul3A_2 : i32
    %add3A_33 = arith.constant 0 : i32
    %add3A_34 = arith.addi %add3A_32, %add3A_33 : i32
    %dma_start3A_35 = arith.constant 0 : i32
    %dma_start3A_36 = tpu.memref_slice %arg4[%add3A_34, %dma_start3A_35] : memref<20480x256xf32, #tpu.memory_space<hbm>> -> memref<128x256xf32, #tpu.memory_space<hbm>>
    %dma_start3A_37 = arith.constant 0 : i32
    %dma_start3A_38 = tpu.memref_slice %arg4[%add3A_34, %dma_start3A_37] : memref<20480x256xf32, #tpu.memory_space<hbm>> -> memref<128x256xf32, #tpu.memory_space<hbm>>
    tpu.enqueue_dma source(%arg6 : memref<128x256xf32, #tpu.memory_space<vmem>>) target(%dma_start3A_38 : memref<128x256xf32, #tpu.memory_space<hbm>>) target_semaphore(%arg12 : memref<!tpu.dma_semaphore, #tpu.memory_space<semaphore_mem>>)
    %dma_wait3A_39 = arith.constant 0 : i32
    %dma_wait3A_40 = tpu.memref_slice %arg4[%add3A_34, %dma_wait3A_39] : memref<20480x256xf32, #tpu.memory_space<hbm>> -> memref<128x256xf32, #tpu.memory_space<hbm>>
    %dma_wait3A_41 = arith.constant 0 : i32
    %dma_wait3A_42 = tpu.memref_slice %arg4[%add3A_34, %dma_wait3A_41] : memref<20480x256xf32, #tpu.memory_space<hbm>> -> memref<128x256xf32, #tpu.memory_space<hbm>>
    tpu.wait_dma2 semaphore(%arg12 : memref<!tpu.dma_semaphore, #tpu.memory_space<semaphore_mem>>) src(%arg6 : memref<128x256xf32, #tpu.memory_space<vmem>>) dst(%dma_wait3A_42 : memref<128x256xf32, #tpu.memory_space<hbm>>)
    %dma_start3A_43 = arith.constant 384 : i32
    %dma_start3A_44 = tpu.memref_slice %arg5[%dma_start3A_43] : memref<640xi32, #tpu.memory_space<vmem>> -> memref<128xi32, #tpu.memory_space<vmem>>
    %dma_start3A_45 = arith.constant 0 : i32
    %dma_start3A_46 = arith.constant 0 : i32
    %dma_start3A_47 = tpu.memref_slice %arg2[%dma_start3A_45, %dma_start3A_46] : memref<4096x256xf32, #tpu.memory_space<hbm>> -> memref<4096x256xf32, #tpu.memory_space<hbm>>
    tpu.enqueue_indirect_dma source(%dma_start3A_47 : memref<4096x256xf32, #tpu.memory_space<hbm>>) target(%arg6 : memref<128x256xf32, #tpu.memory_space<vmem>>) offsets(%dma_start3A_44 : memref<128xi32, #tpu.memory_space<vmem>>) semaphore(%arg9 : memref<!tpu.dma_semaphore, #tpu.memory_space<semaphore_mem>>)
    %dma_wait3A_48 = arith.constant 128 : i32
    %dma_wait3A_49 = tpu.memref_slice %arg5[%dma_wait3A_48] : memref<640xi32, #tpu.memory_space<vmem>> -> memref<128xi32, #tpu.memory_space<vmem>>
    %dma_wait3A_50 = arith.constant 0 : i32
    %dma_wait3A_51 = arith.constant 0 : i32
    %dma_wait3A_52 = tpu.memref_slice %arg2[%dma_wait3A_50, %dma_wait3A_51] : memref<4096x256xf32, #tpu.memory_space<hbm>> -> memref<4096x256xf32, #tpu.memory_space<hbm>>
    tpu.wait_indirect_dma semaphore(%arg10 : memref<!tpu.dma_semaphore, #tpu.memory_space<semaphore_mem>>) src(%dma_wait3A_52 : memref<4096x256xf32, #tpu.memory_space<hbm>>) dst(%arg7 : memref<128x256xf32, #tpu.memory_space<vmem>>)
    %add3A_53 = arith.constant 4096 : i32
    %add3A_54 = arith.addi %add3A_53, %mul3A_2 : i32
    %add3A_55 = arith.constant 0 : i32
    %add3A_56 = arith.addi %add3A_54, %add3A_55 : i32
    %dma_start3A_57 = arith.constant 0 : i32
    %dma_start3A_58 = tpu.memref_slice %arg4[%add3A_56, %dma_start3A_57] : memref<20480x256xf32, #tpu.memory_space<hbm>> -> memref<128x256xf32, #tpu.memory_space<hbm>>
    %dma_start3A_59 = arith.constant 0 : i32
    %dma_start3A_60 = tpu.memref_slice %arg4[%add3A_56, %dma_start3A_59] : memref<20480x256xf32, #tpu.memory_space<hbm>> -> memref<128x256xf32, #tpu.memory_space<hbm>>
    tpu.enqueue_dma source(%arg7 : memref<128x256xf32, #tpu.memory_space<vmem>>) target(%dma_start3A_60 : memref<128x256xf32, #tpu.memory_space<hbm>>) target_semaphore(%arg13 : memref<!tpu.dma_semaphore, #tpu.memory_space<semaphore_mem>>)
    %dma_wait3A_61 = arith.constant 0 : i32
    %dma_wait3A_62 = tpu.memref_slice %arg4[%add3A_56, %dma_wait3A_61] : memref<20480x256xf32, #tpu.memory_space<hbm>> -> memref<128x256xf32, #tpu.memory_space<hbm>>
    %dma_wait3A_63 = arith.constant 0 : i32
    %dma_wait3A_64 = tpu.memref_slice %arg4[%add3A_56, %dma_wait3A_63] : memref<20480x256xf32, #tpu.memory_space<hbm>> -> memref<128x256xf32, #tpu.memory_space<hbm>>
    tpu.wait_dma2 semaphore(%arg13 : memref<!tpu.dma_semaphore, #tpu.memory_space<semaphore_mem>>) src(%arg7 : memref<128x256xf32, #tpu.memory_space<vmem>>) dst(%dma_wait3A_64 : memref<128x256xf32, #tpu.memory_space<hbm>>)
    %dma_start3A_65 = arith.constant 512 : i32
    %dma_start3A_66 = tpu.memref_slice %arg5[%dma_start3A_65] : memref<640xi32, #tpu.memory_space<vmem>> -> memref<128xi32, #tpu.memory_space<vmem>>
    %dma_start3A_67 = arith.constant 0 : i32
    %dma_start3A_68 = arith.constant 0 : i32
    %dma_start3A_69 = tpu.memref_slice %arg2[%dma_start3A_67, %dma_start3A_68] : memref<4096x256xf32, #tpu.memory_space<hbm>> -> memref<4096x256xf32, #tpu.memory_space<hbm>>
    tpu.enqueue_indirect_dma source(%dma_start3A_69 : memref<4096x256xf32, #tpu.memory_space<hbm>>) target(%arg7 : memref<128x256xf32, #tpu.memory_space<vmem>>) offsets(%dma_start3A_66 : memref<128xi32, #tpu.memory_space<vmem>>) semaphore(%arg10 : memref<!tpu.dma_semaphore, #tpu.memory_space<semaphore_mem>>)
    %dma_wait3A_70 = arith.constant 256 : i32
    %dma_wait3A_71 = tpu.memref_slice %arg5[%dma_wait3A_70] : memref<640xi32, #tpu.memory_space<vmem>> -> memref<128xi32, #tpu.memory_space<vmem>>
    %dma_wait3A_72 = arith.constant 0 : i32
    %dma_wait3A_73 = arith.constant 0 : i32
    %dma_wait3A_74 = tpu.memref_slice %arg2[%dma_wait3A_72, %dma_wait3A_73] : memref<4096x256xf32, #tpu.memory_space<hbm>> -> memref<4096x256xf32, #tpu.memory_space<hbm>>
    tpu.wait_indirect_dma semaphore(%arg11 : memref<!tpu.dma_semaphore, #tpu.memory_space<semaphore_mem>>) src(%dma_wait3A_74 : memref<4096x256xf32, #tpu.memory_space<hbm>>) dst(%arg8 : memref<128x256xf32, #tpu.memory_space<vmem>>)
    %add3A_75 = arith.constant 8192 : i32
    %add3A_76 = arith.addi %add3A_75, %mul3A_2 : i32
    %add3A_77 = arith.constant 0 : i32
    %add3A_78 = arith.addi %add3A_76, %add3A_77 : i32
    %dma_start3A_79 = arith.constant 0 : i32
    %dma_start3A_80 = tpu.memref_slice %arg4[%add3A_78, %dma_start3A_79] : memref<20480x256xf32, #tpu.memory_space<hbm>> -> memref<128x256xf32, #tpu.memory_space<hbm>>
    %dma_start3A_81 = arith.constant 0 : i32
    %dma_start3A_82 = tpu.memref_slice %arg4[%add3A_78, %dma_start3A_81] : memref<20480x256xf32, #tpu.memory_space<hbm>> -> memref<128x256xf32, #tpu.memory_space<hbm>>
    tpu.enqueue_dma source(%arg8 : memref<128x256xf32, #tpu.memory_space<vmem>>) target(%dma_start3A_82 : memref<128x256xf32, #tpu.memory_space<hbm>>) target_semaphore(%arg14 : memref<!tpu.dma_semaphore, #tpu.memory_space<semaphore_mem>>)
    %dma_wait3A_83 = arith.constant 384 : i32
    %dma_wait3A_84 = tpu.memref_slice %arg5[%dma_wait3A_83] : memref<640xi32, #tpu.memory_space<vmem>> -> memref<128xi32, #tpu.memory_space<vmem>>
    %dma_wait3A_85 = arith.constant 0 : i32
    %dma_wait3A_86 = arith.constant 0 : i32
    %dma_wait3A_87 = tpu.memref_slice %arg2[%dma_wait3A_85, %dma_wait3A_86] : memref<4096x256xf32, #tpu.memory_space<hbm>> -> memref<4096x256xf32, #tpu.memory_space<hbm>>
    tpu.wait_indirect_dma semaphore(%arg9 : memref<!tpu.dma_semaphore, #tpu.memory_space<semaphore_mem>>) src(%dma_wait3A_87 : memref<4096x256xf32, #tpu.memory_space<hbm>>) dst(%arg6 : memref<128x256xf32, #tpu.memory_space<vmem>>)
    %add3A_88 = arith.constant 12288 : i32
    %add3A_89 = arith.addi %add3A_88, %mul3A_2 : i32
    %add3A_90 = arith.constant 0 : i32
    %add3A_91 = arith.addi %add3A_89, %add3A_90 : i32
    %dma_start3A_92 = arith.constant 0 : i32
    %dma_start3A_93 = tpu.memref_slice %arg4[%add3A_91, %dma_start3A_92] : memref<20480x256xf32, #tpu.memory_space<hbm>> -> memref<128x256xf32, #tpu.memory_space<hbm>>
    %dma_start3A_94 = arith.constant 0 : i32
    %dma_start3A_95 = tpu.memref_slice %arg4[%add3A_91, %dma_start3A_94] : memref<20480x256xf32, #tpu.memory_space<hbm>> -> memref<128x256xf32, #tpu.memory_space<hbm>>
    tpu.enqueue_dma source(%arg6 : memref<128x256xf32, #tpu.memory_space<vmem>>) target(%dma_start3A_95 : memref<128x256xf32, #tpu.memory_space<hbm>>) target_semaphore(%arg12 : memref<!tpu.dma_semaphore, #tpu.memory_space<semaphore_mem>>)
    %dma_wait3A_96 = arith.constant 512 : i32
    %dma_wait3A_97 = tpu.memref_slice %arg5[%dma_wait3A_96] : memref<640xi32, #tpu.memory_space<vmem>> -> memref<128xi32, #tpu.memory_space<vmem>>
    %dma_wait3A_98 = arith.constant 0 : i32
    %dma_wait3A_99 = arith.constant 0 : i32
    %dma_wait3A_100 = tpu.memref_slice %arg2[%dma_wait3A_98, %dma_wait3A_99] : memref<4096x256xf32, #tpu.memory_space<hbm>> -> memref<4096x256xf32, #tpu.memory_space<hbm>>
    tpu.wait_indirect_dma semaphore(%arg10 : memref<!tpu.dma_semaphore, #tpu.memory_space<semaphore_mem>>) src(%dma_wait3A_100 : memref<4096x256xf32, #tpu.memory_space<hbm>>) dst(%arg7 : memref<128x256xf32, #tpu.memory_space<vmem>>)
    %add3A_101 = arith.constant 16384 : i32
    %add3A_102 = arith.addi %add3A_101, %mul3A_2 : i32
    %add3A_103 = arith.constant 0 : i32
    %add3A_104 = arith.addi %add3A_102, %add3A_103 : i32
    %dma_start3A_105 = arith.constant 0 : i32
    %dma_start3A_106 = tpu.memref_slice %arg4[%add3A_104, %dma_start3A_105] : memref<20480x256xf32, #tpu.memory_space<hbm>> -> memref<128x256xf32, #tpu.memory_space<hbm>>
    %dma_start3A_107 = arith.constant 0 : i32
    %dma_start3A_108 = tpu.memref_slice %arg4[%add3A_104, %dma_start3A_107] : memref<20480x256xf32, #tpu.memory_space<hbm>> -> memref<128x256xf32, #tpu.memory_space<hbm>>
    tpu.enqueue_dma source(%arg7 : memref<128x256xf32, #tpu.memory_space<vmem>>) target(%dma_start3A_108 : memref<128x256xf32, #tpu.memory_space<hbm>>) target_semaphore(%arg13 : memref<!tpu.dma_semaphore, #tpu.memory_space<semaphore_mem>>)
    %dma_wait3A_109 = arith.constant 0 : i32
    %dma_wait3A_110 = tpu.memref_slice %arg4[%add3A_78, %dma_wait3A_109] : memref<20480x256xf32, #tpu.memory_space<hbm>> -> memref<128x256xf32, #tpu.memory_space<hbm>>
    %dma_wait3A_111 = arith.constant 0 : i32
    %dma_wait3A_112 = tpu.memref_slice %arg4[%add3A_78, %dma_wait3A_111] : memref<20480x256xf32, #tpu.memory_space<hbm>> -> memref<128x256xf32, #tpu.memory_space<hbm>>
    tpu.wait_dma2 semaphore(%arg14 : memref<!tpu.dma_semaphore, #tpu.memory_space<semaphore_mem>>) src(%arg8 : memref<128x256xf32, #tpu.memory_space<vmem>>) dst(%dma_wait3A_112 : memref<128x256xf32, #tpu.memory_space<hbm>>)
    %dma_wait3A_113 = arith.constant 0 : i32
    %dma_wait3A_114 = tpu.memref_slice %arg4[%add3A_91, %dma_wait3A_113] : memref<20480x256xf32, #tpu.memory_space<hbm>> -> memref<128x256xf32, #tpu.memory_space<hbm>>
    %dma_wait3A_115 = arith.constant 0 : i32
    %dma_wait3A_116 = tpu.memref_slice %arg4[%add3A_91, %dma_wait3A_115] : memref<20480x256xf32, #tpu.memory_space<hbm>> -> memref<128x256xf32, #tpu.memory_space<hbm>>
    tpu.wait_dma2 semaphore(%arg12 : memref<!tpu.dma_semaphore, #tpu.memory_space<semaphore_mem>>) src(%arg6 : memref<128x256xf32, #tpu.memory_space<vmem>>) dst(%dma_wait3A_116 : memref<128x256xf32, #tpu.memory_space<hbm>>)
    %dma_wait3A_117 = arith.constant 0 : i32
    %dma_wait3A_118 = tpu.memref_slice %arg4[%add3A_104, %dma_wait3A_117] : memref<20480x256xf32, #tpu.memory_space<hbm>> -> memref<128x256xf32, #tpu.memory_space<hbm>>
    %dma_wait3A_119 = arith.constant 0 : i32
    %dma_wait3A_120 = tpu.memref_slice %arg4[%add3A_104, %dma_wait3A_119] : memref<20480x256xf32, #tpu.memory_space<hbm>> -> memref<128x256xf32, #tpu.memory_space<hbm>>
    tpu.wait_dma2 semaphore(%arg13 : memref<!tpu.dma_semaphore, #tpu.memory_space<semaphore_mem>>) src(%arg7 : memref<128x256xf32, #tpu.memory_space<vmem>>) dst(%dma_wait3A_120 : memref<128x256xf32, #tpu.memory_space<hbm>>)
    return
  }
}

#map = affine_map<(d0, d1) -> (0, 0)>
#map1 = affine_map<(d0, d1) -> (0)>
module attributes {stable_mosaic.version = 14 : i64} {
  func.func @body(%arg0: i32, %arg1: i32, %arg2: memref<4096x256xf32, #tpu.memory_space<hbm>>, %arg3: memref<20480xi32, #tpu.memory_space<hbm>>, %arg4: memref<20480x256xf32, #tpu.memory_space<hbm>>, %arg5: memref<640xi32, #tpu.memory_space<vmem>>, %arg6: memref<128x256xf32, #tpu.memory_space<vmem>>, %arg7: memref<128x256xf32, #tpu.memory_space<vmem>>, %arg8: memref<128x256xf32, #tpu.memory_space<vmem>>, %arg9: memref<!tpu.dma_semaphore, #tpu.memory_space<semaphore_mem>>, %arg10: memref<!tpu.dma_semaphore, #tpu.memory_space<semaphore_mem>>, %arg11: memref<!tpu.dma_semaphore, #tpu.memory_space<semaphore_mem>>, %arg12: memref<!tpu.dma_semaphore, #tpu.memory_space<semaphore_mem>>, %arg13: memref<!tpu.dma_semaphore, #tpu.memory_space<semaphore_mem>>, %arg14: memref<!tpu.dma_semaphore, #tpu.memory_space<semaphore_mem>>) attributes {dimension_semantics = [#tpu.dimension_semantics<core_parallel>, #tpu.dimension_semantics<subcore_parallel>], iteration_bounds = array<i64: 2, 16>, scalar_prefetch = 0 : i64, scratch_operands = 10 : i64, tpu.core_type = #tpu.core_type<sc_vector_subcore>, window_params = [{transform_indices = #map}, {transform_indices = #map1}, {transform_indices = #map}]} {
    %mul3A = arith.constant 2 : i32
    %mul3A_0 = arith.muli %arg1, %mul3A : i32
    %add3A = arith.addi %mul3A_0, %arg0 : i32
    %mul3A_1 = arith.constant 128 : i32
    %mul3A_2 = arith.muli %add3A, %mul3A_1 : i32
    %add3A_3 = arith.constant 0 : i32
    %add3A_4 = arith.addi %add3A_3, %mul3A_2 : i32
    "tpu.region"() ({
      %run_scoped3A = tpu.sem_alloc : memref<!tpu.dma_semaphore, #tpu.memory_space<semaphore_mem>>
      %dma_start3A_121 = arith.constant 0 : i32
      %dma_start3A_122 = tpu.memref_slice %arg5[%dma_start3A_121] : memref<640xi32, #tpu.memory_space<vmem>> -> memref<128xi32, #tpu.memory_space<vmem>>
      %dma_start3A_123 = tpu.memref_slice %arg3[%add3A_4] : memref<20480xi32, #tpu.memory_space<hbm>> -> memref<128xi32, #tpu.memory_space<hbm>>
      %dma_start3A_124 = arith.constant 0 : i32
      %dma_start3A_125 = tpu.memref_slice %arg5[%dma_start3A_124] : memref<640xi32, #tpu.memory_space<vmem>> -> memref<128xi32, #tpu.memory_space<vmem>>
      %dma_start3A_126 = tpu.memref_slice %arg3[%add3A_4] : memref<20480xi32, #tpu.memory_space<hbm>> -> memref<128xi32, #tpu.memory_space<hbm>>
      tpu.enqueue_dma source(%dma_start3A_126 : memref<128xi32, #tpu.memory_space<hbm>>) target(%dma_start3A_125 : memref<128xi32, #tpu.memory_space<vmem>>) target_semaphore(%run_scoped3A : memref<!tpu.dma_semaphore, #tpu.memory_space<semaphore_mem>>)
      %dma_wait3A_127 = arith.constant 0 : i32
      %dma_wait3A_128 = tpu.memref_slice %arg5[%dma_wait3A_127] : memref<640xi32, #tpu.memory_space<vmem>> -> memref<128xi32, #tpu.memory_space<vmem>>
      %dma_wait3A_129 = tpu.memref_slice %arg3[%add3A_4] : memref<20480xi32, #tpu.memory_space<hbm>> -> memref<128xi32, #tpu.memory_space<hbm>>
      %dma_wait3A_130 = arith.constant 0 : i32
      %dma_wait3A_131 = tpu.memref_slice %arg5[%dma_wait3A_130] : memref<640xi32, #tpu.memory_space<vmem>> -> memref<128xi32, #tpu.memory_space<vmem>>
      %dma_wait3A_132 = tpu.memref_slice %arg3[%add3A_4] : memref<20480xi32, #tpu.memory_space<hbm>> -> memref<128xi32, #tpu.memory_space<hbm>>
      tpu.wait_dma2 semaphore(%run_scoped3A : memref<!tpu.dma_semaphore, #tpu.memory_space<semaphore_mem>>) src(%dma_wait3A_132 : memref<128xi32, #tpu.memory_space<hbm>>) dst(%dma_wait3A_131 : memref<128xi32, #tpu.memory_space<vmem>>)
      tpu.yield
    }) : () -> ()
    %add3A_5 = arith.constant 4096 : i32
    %add3A_6 = arith.addi %add3A_5, %mul3A_2 : i32
    "tpu.region"() ({
      %run_scoped3A = tpu.sem_alloc : memref<!tpu.dma_semaphore, #tpu.memory_space<semaphore_mem>>
      %dma_start3A_121 = arith.constant 128 : i32
      %dma_start3A_122 = tpu.memref_slice %arg5[%dma_start3A_121] : memref<640xi32, #tpu.memory_space<vmem>> -> memref<128xi32, #tpu.memory_space<vmem>>
      %dma_start3A_123 = tpu.memref_slice %arg3[%add3A_6] : memref<20480xi32, #tpu.memory_space<hbm>> -> memref<128xi32, #tpu.memory_space<hbm>>
      %dma_start3A_124 = arith.constant 128 : i32
      %dma_start3A_125 = tpu.memref_slice %arg5[%dma_start3A_124] : memref<640xi32, #tpu.memory_space<vmem>> -> memref<128xi32, #tpu.memory_space<vmem>>
      %dma_start3A_126 = tpu.memref_slice %arg3[%add3A_6] : memref<20480xi32, #tpu.memory_space<hbm>> -> memref<128xi32, #tpu.memory_space<hbm>>
      tpu.enqueue_dma source(%dma_start3A_126 : memref<128xi32, #tpu.memory_space<hbm>>) target(%dma_start3A_125 : memref<128xi32, #tpu.memory_space<vmem>>) target_semaphore(%run_scoped3A : memref<!tpu.dma_semaphore, #tpu.memory_space<semaphore_mem>>)
      %dma_wait3A_127 = arith.constant 128 : i32
      %dma_wait3A_128 = tpu.memref_slice %arg5[%dma_wait3A_127] : memref<640xi32, #tpu.memory_space<vmem>> -> memref<128xi32, #tpu.memory_space<vmem>>
      %dma_wait3A_129 = tpu.memref_slice %arg3[%add3A_6] : memref<20480xi32, #tpu.memory_space<hbm>> -> memref<128xi32, #tpu.memory_space<hbm>>
      %dma_wait3A_130 = arith.constant 128 : i32
      %dma_wait3A_131 = tpu.memref_slice %arg5[%dma_wait3A_130] : memref<640xi32, #tpu.memory_space<vmem>> -> memref<128xi32, #tpu.memory_space<vmem>>
      %dma_wait3A_132 = tpu.memref_slice %arg3[%add3A_6] : memref<20480xi32, #tpu.memory_space<hbm>> -> memref<128xi32, #tpu.memory_space<hbm>>
      tpu.wait_dma2 semaphore(%run_scoped3A : memref<!tpu.dma_semaphore, #tpu.memory_space<semaphore_mem>>) src(%dma_wait3A_132 : memref<128xi32, #tpu.memory_space<hbm>>) dst(%dma_wait3A_131 : memref<128xi32, #tpu.memory_space<vmem>>)
      tpu.yield
    }) : () -> ()
    %add3A_7 = arith.constant 8192 : i32
    %add3A_8 = arith.addi %add3A_7, %mul3A_2 : i32
    "tpu.region"() ({
      %run_scoped3A = tpu.sem_alloc : memref<!tpu.dma_semaphore, #tpu.memory_space<semaphore_mem>>
      %dma_start3A_121 = arith.constant 256 : i32
      %dma_start3A_122 = tpu.memref_slice %arg5[%dma_start3A_121] : memref<640xi32, #tpu.memory_space<vmem>> -> memref<128xi32, #tpu.memory_space<vmem>>
      %dma_start3A_123 = tpu.memref_slice %arg3[%add3A_8] : memref<20480xi32, #tpu.memory_space<hbm>> -> memref<128xi32, #tpu.memory_space<hbm>>
      %dma_start3A_124 = arith.constant 256 : i32
      %dma_start3A_125 = tpu.memref_slice %arg5[%dma_start3A_124] : memref<640xi32, #tpu.memory_space<vmem>> -> memref<128xi32, #tpu.memory_space<vmem>>
      %dma_start3A_126 = tpu.memref_slice %arg3[%add3A_8] : memref<20480xi32, #tpu.memory_space<hbm>> -> memref<128xi32, #tpu.memory_space<hbm>>
      tpu.enqueue_dma source(%dma_start3A_126 : memref<128xi32, #tpu.memory_space<hbm>>) target(%dma_start3A_125 : memref<128xi32, #tpu.memory_space<vmem>>) target_semaphore(%run_scoped3A : memref<!tpu.dma_semaphore, #tpu.memory_space<semaphore_mem>>)
      %dma_wait3A_127 = arith.constant 256 : i32
      %dma_wait3A_128 = tpu.memref_slice %arg5[%dma_wait3A_127] : memref<640xi32, #tpu.memory_space<vmem>> -> memref<128xi32, #tpu.memory_space<vmem>>
      %dma_wait3A_129 = tpu.memref_slice %arg3[%add3A_8] : memref<20480xi32, #tpu.memory_space<hbm>> -> memref<128xi32, #tpu.memory_space<hbm>>
      %dma_wait3A_130 = arith.constant 256 : i32
      %dma_wait3A_131 = tpu.memref_slice %arg5[%dma_wait3A_130] : memref<640xi32, #tpu.memory_space<vmem>> -> memref<128xi32, #tpu.memory_space<vmem>>
      %dma_wait3A_132 = tpu.memref_slice %arg3[%add3A_8] : memref<20480xi32, #tpu.memory_space<hbm>> -> memref<128xi32, #tpu.memory_space<hbm>>
      tpu.wait_dma2 semaphore(%run_scoped3A : memref<!tpu.dma_semaphore, #tpu.memory_space<semaphore_mem>>) src(%dma_wait3A_132 : memref<128xi32, #tpu.memory_space<hbm>>) dst(%dma_wait3A_131 : memref<128xi32, #tpu.memory_space<vmem>>)
      tpu.yield
    }) : () -> ()
    %add3A_9 = arith.constant 12288 : i32
    %add3A_10 = arith.addi %add3A_9, %mul3A_2 : i32
    "tpu.region"() ({
      %run_scoped3A = tpu.sem_alloc : memref<!tpu.dma_semaphore, #tpu.memory_space<semaphore_mem>>
      %dma_start3A_121 = arith.constant 384 : i32
      %dma_start3A_122 = tpu.memref_slice %arg5[%dma_start3A_121] : memref<640xi32, #tpu.memory_space<vmem>> -> memref<128xi32, #tpu.memory_space<vmem>>
      %dma_start3A_123 = tpu.memref_slice %arg3[%add3A_10] : memref<20480xi32, #tpu.memory_space<hbm>> -> memref<128xi32, #tpu.memory_space<hbm>>
      %dma_start3A_124 = arith.constant 384 : i32
      %dma_start3A_125 = tpu.memref_slice %arg5[%dma_start3A_124] : memref<640xi32, #tpu.memory_space<vmem>> -> memref<128xi32, #tpu.memory_space<vmem>>
      %dma_start3A_126 = tpu.memref_slice %arg3[%add3A_10] : memref<20480xi32, #tpu.memory_space<hbm>> -> memref<128xi32, #tpu.memory_space<hbm>>
      tpu.enqueue_dma source(%dma_start3A_126 : memref<128xi32, #tpu.memory_space<hbm>>) target(%dma_start3A_125 : memref<128xi32, #tpu.memory_space<vmem>>) target_semaphore(%run_scoped3A : memref<!tpu.dma_semaphore, #tpu.memory_space<semaphore_mem>>)
      %dma_wait3A_127 = arith.constant 384 : i32
      %dma_wait3A_128 = tpu.memref_slice %arg5[%dma_wait3A_127] : memref<640xi32, #tpu.memory_space<vmem>> -> memref<128xi32, #tpu.memory_space<vmem>>
      %dma_wait3A_129 = tpu.memref_slice %arg3[%add3A_10] : memref<20480xi32, #tpu.memory_space<hbm>> -> memref<128xi32, #tpu.memory_space<hbm>>
      %dma_wait3A_130 = arith.constant 384 : i32
      %dma_wait3A_131 = tpu.memref_slice %arg5[%dma_wait3A_130] : memref<640xi32, #tpu.memory_space<vmem>> -> memref<128xi32, #tpu.memory_space<vmem>>
      %dma_wait3A_132 = tpu.memref_slice %arg3[%add3A_10] : memref<20480xi32, #tpu.memory_space<hbm>> -> memref<128xi32, #tpu.memory_space<hbm>>
      tpu.wait_dma2 semaphore(%run_scoped3A : memref<!tpu.dma_semaphore, #tpu.memory_space<semaphore_mem>>) src(%dma_wait3A_132 : memref<128xi32, #tpu.memory_space<hbm>>) dst(%dma_wait3A_131 : memref<128xi32, #tpu.memory_space<vmem>>)
      tpu.yield
    }) : () -> ()
    %add3A_11 = arith.constant 16384 : i32
    %add3A_12 = arith.addi %add3A_11, %mul3A_2 : i32
    "tpu.region"() ({
      %run_scoped3A = tpu.sem_alloc : memref<!tpu.dma_semaphore, #tpu.memory_space<semaphore_mem>>
      %dma_start3A_121 = arith.constant 512 : i32
      %dma_start3A_122 = tpu.memref_slice %arg5[%dma_start3A_121] : memref<640xi32, #tpu.memory_space<vmem>> -> memref<128xi32, #tpu.memory_space<vmem>>
      %dma_start3A_123 = tpu.memref_slice %arg3[%add3A_12] : memref<20480xi32, #tpu.memory_space<hbm>> -> memref<128xi32, #tpu.memory_space<hbm>>
      %dma_start3A_124 = arith.constant 512 : i32
      %dma_start3A_125 = tpu.memref_slice %arg5[%dma_start3A_124] : memref<640xi32, #tpu.memory_space<vmem>> -> memref<128xi32, #tpu.memory_space<vmem>>
      %dma_start3A_126 = tpu.memref_slice %arg3[%add3A_12] : memref<20480xi32, #tpu.memory_space<hbm>> -> memref<128xi32, #tpu.memory_space<hbm>>
      tpu.enqueue_dma source(%dma_start3A_126 : memref<128xi32, #tpu.memory_space<hbm>>) target(%dma_start3A_125 : memref<128xi32, #tpu.memory_space<vmem>>) target_semaphore(%run_scoped3A : memref<!tpu.dma_semaphore, #tpu.memory_space<semaphore_mem>>)
      %dma_wait3A_127 = arith.constant 512 : i32
      %dma_wait3A_128 = tpu.memref_slice %arg5[%dma_wait3A_127] : memref<640xi32, #tpu.memory_space<vmem>> -> memref<128xi32, #tpu.memory_space<vmem>>
      %dma_wait3A_129 = tpu.memref_slice %arg3[%add3A_12] : memref<20480xi32, #tpu.memory_space<hbm>> -> memref<128xi32, #tpu.memory_space<hbm>>
      %dma_wait3A_130 = arith.constant 512 : i32
      %dma_wait3A_131 = tpu.memref_slice %arg5[%dma_wait3A_130] : memref<640xi32, #tpu.memory_space<vmem>> -> memref<128xi32, #tpu.memory_space<vmem>>
      %dma_wait3A_132 = tpu.memref_slice %arg3[%add3A_12] : memref<20480xi32, #tpu.memory_space<hbm>> -> memref<128xi32, #tpu.memory_space<hbm>>
      tpu.wait_dma2 semaphore(%run_scoped3A : memref<!tpu.dma_semaphore, #tpu.memory_space<semaphore_mem>>) src(%dma_wait3A_132 : memref<128xi32, #tpu.memory_space<hbm>>) dst(%dma_wait3A_131 : memref<128xi32, #tpu.memory_space<vmem>>)
      tpu.yield
    }) : () -> ()
    %dma_start3A = arith.constant 0 : i32
    %dma_start3A_13 = tpu.memref_slice %arg5[%dma_start3A] : memref<640xi32, #tpu.memory_space<vmem>> -> memref<128xi32, #tpu.memory_space<vmem>>
    %dma_start3A_14 = arith.constant 0 : i32
    %dma_start3A_15 = arith.constant 0 : i32
    %dma_start3A_16 = tpu.memref_slice %arg2[%dma_start3A_14, %dma_start3A_15] : memref<4096x256xf32, #tpu.memory_space<hbm>> -> memref<4096x256xf32, #tpu.memory_space<hbm>>
    tpu.enqueue_indirect_dma source(%dma_start3A_16 : memref<4096x256xf32, #tpu.memory_space<hbm>>) target(%arg6 : memref<128x256xf32, #tpu.memory_space<vmem>>) offsets(%dma_start3A_13 : memref<128xi32, #tpu.memory_space<vmem>>) semaphore(%arg9 : memref<!tpu.dma_semaphore, #tpu.memory_space<semaphore_mem>>)
    %dma_start3A_17 = arith.constant 128 : i32
    %dma_start3A_18 = tpu.memref_slice %arg5[%dma_start3A_17] : memref<640xi32, #tpu.memory_space<vmem>> -> memref<128xi32, #tpu.memory_space<vmem>>
    %dma_start3A_19 = arith.constant 0 : i32
    %dma_start3A_20 = arith.constant 0 : i32
    %dma_start3A_21 = tpu.memref_slice %arg2[%dma_start3A_19, %dma_start3A_20] : memref<4096x256xf32, #tpu.memory_space<hbm>> -> memref<4096x256xf32, #tpu.memory_space<hbm>>
    tpu.enqueue_indirect_dma source(%dma_start3A_21 : memref<4096x256xf32, #tpu.memory_space<hbm>>) target(%arg7 : memref<128x256xf32, #tpu.memory_space<vmem>>) offsets(%dma_start3A_18 : memref<128xi32, #tpu.memory_space<vmem>>) semaphore(%arg10 : memref<!tpu.dma_semaphore, #tpu.memory_space<semaphore_mem>>)
    %dma_start3A_22 = arith.constant 256 : i32
    %dma_start3A_23 = tpu.memref_slice %arg5[%dma_start3A_22] : memref<640xi32, #tpu.memory_space<vmem>> -> memref<128xi32, #tpu.memory_space<vmem>>
    %dma_start3A_24 = arith.constant 0 : i32
    %dma_start3A_25 = arith.constant 0 : i32
    %dma_start3A_26 = tpu.memref_slice %arg2[%dma_start3A_24, %dma_start3A_25] : memref<4096x256xf32, #tpu.memory_space<hbm>> -> memref<4096x256xf32, #tpu.memory_space<hbm>>
    tpu.enqueue_indirect_dma source(%dma_start3A_26 : memref<4096x256xf32, #tpu.memory_space<hbm>>) target(%arg8 : memref<128x256xf32, #tpu.memory_space<vmem>>) offsets(%dma_start3A_23 : memref<128xi32, #tpu.memory_space<vmem>>) semaphore(%arg11 : memref<!tpu.dma_semaphore, #tpu.memory_space<semaphore_mem>>)
    %dma_wait3A = arith.constant 0 : i32
    %dma_wait3A_27 = tpu.memref_slice %arg5[%dma_wait3A] : memref<640xi32, #tpu.memory_space<vmem>> -> memref<128xi32, #tpu.memory_space<vmem>>
    %dma_wait3A_28 = arith.constant 0 : i32
    %dma_wait3A_29 = arith.constant 0 : i32
    %dma_wait3A_30 = tpu.memref_slice %arg2[%dma_wait3A_28, %dma_wait3A_29] : memref<4096x256xf32, #tpu.memory_space<hbm>> -> memref<4096x256xf32, #tpu.memory_space<hbm>>
    tpu.wait_indirect_dma semaphore(%arg9 : memref<!tpu.dma_semaphore, #tpu.memory_space<semaphore_mem>>) src(%dma_wait3A_30 : memref<4096x256xf32, #tpu.memory_space<hbm>>) dst(%arg6 : memref<128x256xf32, #tpu.memory_space<vmem>>)
    %add3A_31 = arith.constant 0 : i32
    %add3A_32 = arith.addi %add3A_31, %mul3A_2 : i32
    %add3A_33 = arith.constant 0 : i32
    %add3A_34 = arith.addi %add3A_32, %add3A_33 : i32
    %dma_start3A_35 = arith.constant 0 : i32
    %dma_start3A_36 = tpu.memref_slice %arg4[%add3A_34, %dma_start3A_35] : memref<20480x256xf32, #tpu.memory_space<hbm>> -> memref<128x256xf32, #tpu.memory_space<hbm>>
    %dma_start3A_37 = arith.constant 0 : i32
    %dma_start3A_38 = tpu.memref_slice %arg4[%add3A_34, %dma_start3A_37] : memref<20480x256xf32, #tpu.memory_space<hbm>> -> memref<128x256xf32, #tpu.memory_space<hbm>>
    tpu.enqueue_dma source(%arg6 : memref<128x256xf32, #tpu.memory_space<vmem>>) target(%dma_start3A_38 : memref<128x256xf32, #tpu.memory_space<hbm>>) target_semaphore(%arg12 : memref<!tpu.dma_semaphore, #tpu.memory_space<semaphore_mem>>)
    %dma_wait3A_39 = arith.constant 0 : i32
    %dma_wait3A_40 = tpu.memref_slice %arg4[%add3A_34, %dma_wait3A_39] : memref<20480x256xf32, #tpu.memory_space<hbm>> -> memref<128x256xf32, #tpu.memory_space<hbm>>
    %dma_wait3A_41 = arith.constant 0 : i32
    %dma_wait3A_42 = tpu.memref_slice %arg4[%add3A_34, %dma_wait3A_41] : memref<20480x256xf32, #tpu.memory_space<hbm>> -> memref<128x256xf32, #tpu.memory_space<hbm>>
    tpu.wait_dma2 semaphore(%arg12 : memref<!tpu.dma_semaphore, #tpu.memory_space<semaphore_mem>>) src(%arg6 : memref<128x256xf32, #tpu.memory_space<vmem>>) dst(%dma_wait3A_42 : memref<128x256xf32, #tpu.memory_space<hbm>>)
    %dma_start3A_43 = arith.constant 384 : i32
    %dma_start3A_44 = tpu.memref_slice %arg5[%dma_start3A_43] : memref<640xi32, #tpu.memory_space<vmem>> -> memref<128xi32, #tpu.memory_space<vmem>>
    %dma_start3A_45 = arith.constant 0 : i32
    %dma_start3A_46 = arith.constant 0 : i32
    %dma_start3A_47 = tpu.memref_slice %arg2[%dma_start3A_45, %dma_start3A_46] : memref<4096x256xf32, #tpu.memory_space<hbm>> -> memref<4096x256xf32, #tpu.memory_space<hbm>>
    tpu.enqueue_indirect_dma source(%dma_start3A_47 : memref<4096x256xf32, #tpu.memory_space<hbm>>) target(%arg6 : memref<128x256xf32, #tpu.memory_space<vmem>>) offsets(%dma_start3A_44 : memref<128xi32, #tpu.memory_space<vmem>>) semaphore(%arg9 : memref<!tpu.dma_semaphore, #tpu.memory_space<semaphore_mem>>)
    %dma_wait3A_48 = arith.constant 128 : i32
    %dma_wait3A_49 = tpu.memref_slice %arg5[%dma_wait3A_48] : memref<640xi32, #tpu.memory_space<vmem>> -> memref<128xi32, #tpu.memory_space<vmem>>
    %dma_wait3A_50 = arith.constant 0 : i32
    %dma_wait3A_51 = arith.constant 0 : i32
    %dma_wait3A_52 = tpu.memref_slice %arg2[%dma_wait3A_50, %dma_wait3A_51] : memref<4096x256xf32, #tpu.memory_space<hbm>> -> memref<4096x256xf32, #tpu.memory_space<hbm>>
    tpu.wait_indirect_dma semaphore(%arg10 : memref<!tpu.dma_semaphore, #tpu.memory_space<semaphore_mem>>) src(%dma_wait3A_52 : memref<4096x256xf32, #tpu.memory_space<hbm>>) dst(%arg7 : memref<128x256xf32, #tpu.memory_space<vmem>>)
    %add3A_53 = arith.constant 4096 : i32
    %add3A_54 = arith.addi %add3A_53, %mul3A_2 : i32
    %add3A_55 = arith.constant 0 : i32
    %add3A_56 = arith.addi %add3A_54, %add3A_55 : i32
    %dma_start3A_57 = arith.constant 0 : i32
    %dma_start3A_58 = tpu.memref_slice %arg4[%add3A_56, %dma_start3A_57] : memref<20480x256xf32, #tpu.memory_space<hbm>> -> memref<128x256xf32, #tpu.memory_space<hbm>>
    %dma_start3A_59 = arith.constant 0 : i32
    %dma_start3A_60 = tpu.memref_slice %arg4[%add3A_56, %dma_start3A_59] : memref<20480x256xf32, #tpu.memory_space<hbm>> -> memref<128x256xf32, #tpu.memory_space<hbm>>
    tpu.enqueue_dma source(%arg7 : memref<128x256xf32, #tpu.memory_space<vmem>>) target(%dma_start3A_60 : memref<128x256xf32, #tpu.memory_space<hbm>>) target_semaphore(%arg13 : memref<!tpu.dma_semaphore, #tpu.memory_space<semaphore_mem>>)
    %dma_wait3A_61 = arith.constant 0 : i32
    %dma_wait3A_62 = tpu.memref_slice %arg4[%add3A_56, %dma_wait3A_61] : memref<20480x256xf32, #tpu.memory_space<hbm>> -> memref<128x256xf32, #tpu.memory_space<hbm>>
    %dma_wait3A_63 = arith.constant 0 : i32
    %dma_wait3A_64 = tpu.memref_slice %arg4[%add3A_56, %dma_wait3A_63] : memref<20480x256xf32, #tpu.memory_space<hbm>> -> memref<128x256xf32, #tpu.memory_space<hbm>>
    tpu.wait_dma2 semaphore(%arg13 : memref<!tpu.dma_semaphore, #tpu.memory_space<semaphore_mem>>) src(%arg7 : memref<128x256xf32, #tpu.memory_space<vmem>>) dst(%dma_wait3A_64 : memref<128x256xf32, #tpu.memory_space<hbm>>)
    %dma_start3A_65 = arith.constant 512 : i32
    %dma_start3A_66 = tpu.memref_slice %arg5[%dma_start3A_65] : memref<640xi32, #tpu.memory_space<vmem>> -> memref<128xi32, #tpu.memory_space<vmem>>
    %dma_start3A_67 = arith.constant 0 : i32
    %dma_start3A_68 = arith.constant 0 : i32
    %dma_start3A_69 = tpu.memref_slice %arg2[%dma_start3A_67, %dma_start3A_68] : memref<4096x256xf32, #tpu.memory_space<hbm>> -> memref<4096x256xf32, #tpu.memory_space<hbm>>
    tpu.enqueue_indirect_dma source(%dma_start3A_69 : memref<4096x256xf32, #tpu.memory_space<hbm>>) target(%arg7 : memref<128x256xf32, #tpu.memory_space<vmem>>) offsets(%dma_start3A_66 : memref<128xi32, #tpu.memory_space<vmem>>) semaphore(%arg10 : memref<!tpu.dma_semaphore, #tpu.memory_space<semaphore_mem>>)
    %dma_wait3A_70 = arith.constant 256 : i32
    %dma_wait3A_71 = tpu.memref_slice %arg5[%dma_wait3A_70] : memref<640xi32, #tpu.memory_space<vmem>> -> memref<128xi32, #tpu.memory_space<vmem>>
    %dma_wait3A_72 = arith.constant 0 : i32
    %dma_wait3A_73 = arith.constant 0 : i32
    %dma_wait3A_74 = tpu.memref_slice %arg2[%dma_wait3A_72, %dma_wait3A_73] : memref<4096x256xf32, #tpu.memory_space<hbm>> -> memref<4096x256xf32, #tpu.memory_space<hbm>>
    tpu.wait_indirect_dma semaphore(%arg11 : memref<!tpu.dma_semaphore, #tpu.memory_space<semaphore_mem>>) src(%dma_wait3A_74 : memref<4096x256xf32, #tpu.memory_space<hbm>>) dst(%arg8 : memref<128x256xf32, #tpu.memory_space<vmem>>)
    %add3A_75 = arith.constant 8192 : i32
    %add3A_76 = arith.addi %add3A_75, %mul3A_2 : i32
    %add3A_77 = arith.constant 0 : i32
    %add3A_78 = arith.addi %add3A_76, %add3A_77 : i32
    %dma_start3A_79 = arith.constant 0 : i32
    %dma_start3A_80 = tpu.memref_slice %arg4[%add3A_78, %dma_start3A_79] : memref<20480x256xf32, #tpu.memory_space<hbm>> -> memref<128x256xf32, #tpu.memory_space<hbm>>
    %dma_start3A_81 = arith.constant 0 : i32
    %dma_start3A_82 = tpu.memref_slice %arg4[%add3A_78, %dma_start3A_81] : memref<20480x256xf32, #tpu.memory_space<hbm>> -> memref<128x256xf32, #tpu.memory_space<hbm>>
    tpu.enqueue_dma source(%arg8 : memref<128x256xf32, #tpu.memory_space<vmem>>) target(%dma_start3A_82 : memref<128x256xf32, #tpu.memory_space<hbm>>) target_semaphore(%arg14 : memref<!tpu.dma_semaphore, #tpu.memory_space<semaphore_mem>>)
    %dma_wait3A_83 = arith.constant 384 : i32
    %dma_wait3A_84 = tpu.memref_slice %arg5[%dma_wait3A_83] : memref<640xi32, #tpu.memory_space<vmem>> -> memref<128xi32, #tpu.memory_space<vmem>>
    %dma_wait3A_85 = arith.constant 0 : i32
    %dma_wait3A_86 = arith.constant 0 : i32
    %dma_wait3A_87 = tpu.memref_slice %arg2[%dma_wait3A_85, %dma_wait3A_86] : memref<4096x256xf32, #tpu.memory_space<hbm>> -> memref<4096x256xf32, #tpu.memory_space<hbm>>
    tpu.wait_indirect_dma semaphore(%arg9 : memref<!tpu.dma_semaphore, #tpu.memory_space<semaphore_mem>>) src(%dma_wait3A_87 : memref<4096x256xf32, #tpu.memory_space<hbm>>) dst(%arg6 : memref<128x256xf32, #tpu.memory_space<vmem>>)
    %add3A_88 = arith.constant 12288 : i32
    %add3A_89 = arith.addi %add3A_88, %mul3A_2 : i32
    %add3A_90 = arith.constant 0 : i32
    %add3A_91 = arith.addi %add3A_89, %add3A_90 : i32
    %dma_start3A_92 = arith.constant 0 : i32
    %dma_start3A_93 = tpu.memref_slice %arg4[%add3A_91, %dma_start3A_92] : memref<20480x256xf32, #tpu.memory_space<hbm>> -> memref<128x256xf32, #tpu.memory_space<hbm>>
    %dma_start3A_94 = arith.constant 0 : i32
    %dma_start3A_95 = tpu.memref_slice %arg4[%add3A_91, %dma_start3A_94] : memref<20480x256xf32, #tpu.memory_space<hbm>> -> memref<128x256xf32, #tpu.memory_space<hbm>>
    tpu.enqueue_dma source(%arg6 : memref<128x256xf32, #tpu.memory_space<vmem>>) target(%dma_start3A_95 : memref<128x256xf32, #tpu.memory_space<hbm>>) target_semaphore(%arg12 : memref<!tpu.dma_semaphore, #tpu.memory_space<semaphore_mem>>)
    %dma_wait3A_96 = arith.constant 512 : i32
    %dma_wait3A_97 = tpu.memref_slice %arg5[%dma_wait3A_96] : memref<640xi32, #tpu.memory_space<vmem>> -> memref<128xi32, #tpu.memory_space<vmem>>
    %dma_wait3A_98 = arith.constant 0 : i32
    %dma_wait3A_99 = arith.constant 0 : i32
    %dma_wait3A_100 = tpu.memref_slice %arg2[%dma_wait3A_98, %dma_wait3A_99] : memref<4096x256xf32, #tpu.memory_space<hbm>> -> memref<4096x256xf32, #tpu.memory_space<hbm>>
    tpu.wait_indirect_dma semaphore(%arg10 : memref<!tpu.dma_semaphore, #tpu.memory_space<semaphore_mem>>) src(%dma_wait3A_100 : memref<4096x256xf32, #tpu.memory_space<hbm>>) dst(%arg7 : memref<128x256xf32, #tpu.memory_space<vmem>>)
    %add3A_101 = arith.constant 16384 : i32
    %add3A_102 = arith.addi %add3A_101, %mul3A_2 : i32
    %add3A_103 = arith.constant 0 : i32
    %add3A_104 = arith.addi %add3A_102, %add3A_103 : i32
    %dma_start3A_105 = arith.constant 0 : i32
    %dma_start3A_106 = tpu.memref_slice %arg4[%add3A_104, %dma_start3A_105] : memref<20480x256xf32, #tpu.memory_space<hbm>> -> memref<128x256xf32, #tpu.memory_space<hbm>>
    %dma_start3A_107 = arith.constant 0 : i32
    %dma_start3A_108 = tpu.memref_slice %arg4[%add3A_104, %dma_start3A_107] : memref<20480x256xf32, #tpu.memory_space<hbm>> -> memref<128x256xf32, #tpu.memory_space<hbm>>
    tpu.enqueue_dma source(%arg7 : memref<128x256xf32, #tpu.memory_space<vmem>>) target(%dma_start3A_108 : memref<128x256xf32, #tpu.memory_space<hbm>>) target_semaphore(%arg13 : memref<!tpu.dma_semaphore, #tpu.memory_space<semaphore_mem>>)
    %dma_wait3A_109 = arith.constant 0 : i32
    %dma_wait3A_110 = tpu.memref_slice %arg4[%add3A_78, %dma_wait3A_109] : memref<20480x256xf32, #tpu.memory_space<hbm>> -> memref<128x256xf32, #tpu.memory_space<hbm>>
    %dma_wait3A_111 = arith.constant 0 : i32
    %dma_wait3A_112 = tpu.memref_slice %arg4[%add3A_78, %dma_wait3A_111] : memref<20480x256xf32, #tpu.memory_space<hbm>> -> memref<128x256xf32, #tpu.memory_space<hbm>>
    tpu.wait_dma2 semaphore(%arg14 : memref<!tpu.dma_semaphore, #tpu.memory_space<semaphore_mem>>) src(%arg8 : memref<128x256xf32, #tpu.memory_space<vmem>>) dst(%dma_wait3A_112 : memref<128x256xf32, #tpu.memory_space<hbm>>)
    %dma_wait3A_113 = arith.constant 0 : i32
    %dma_wait3A_114 = tpu.memref_slice %arg4[%add3A_91, %dma_wait3A_113] : memref<20480x256xf32, #tpu.memory_space<hbm>> -> memref<128x256xf32, #tpu.memory_space<hbm>>
    %dma_wait3A_115 = arith.constant 0 : i32
    %dma_wait3A_116 = tpu.memref_slice %arg4[%add3A_91, %dma_wait3A_115] : memref<20480x256xf32, #tpu.memory_space<hbm>> -> memref<128x256xf32, #tpu.memory_space<hbm>>
    tpu.wait_dma2 semaphore(%arg12 : memref<!tpu.dma_semaphore, #tpu.memory_space<semaphore_mem>>) src(%arg6 : memref<128x256xf32, #tpu.memory_space<vmem>>) dst(%dma_wait3A_116 : memref<128x256xf32, #tpu.memory_space<hbm>>)
    %dma_wait3A_117 = arith.constant 0 : i32
    %dma_wait3A_118 = tpu.memref_slice %arg4[%add3A_104, %dma_wait3A_117] : memref<20480x256xf32, #tpu.memory_space<hbm>> -> memref<128x256xf32, #tpu.memory_space<hbm>>
    %dma_wait3A_119 = arith.constant 0 : i32
    %dma_wait3A_120 = tpu.memref_slice %arg4[%add3A_104, %dma_wait3A_119] : memref<20480x256xf32, #tpu.memory_space<hbm>> -> memref<128x256xf32, #tpu.memory_space<hbm>>
    tpu.wait_dma2 semaphore(%arg13 : memref<!tpu.dma_semaphore, #tpu.memory_space<semaphore_mem>>) src(%arg7 : memref<128x256xf32, #tpu.memory_space<vmem>>) dst(%dma_wait3A_120 : memref<128x256xf32, #tpu.memory_space<hbm>>)
    return
  }
}

#map = affine_map<(d0, d1) -> (0, 0)>
#map1 = affine_map<(d0, d1) -> (0)>
module attributes {stable_mosaic.version = 14 : i64} {
  func.func @body(%arg0: i32, %arg1: i32, %arg2: memref<4096x256xf32, #tpu.memory_space<hbm>>, %arg3: memref<20480xi32, #tpu.memory_space<hbm>>, %arg4: memref<20480x256xf32, #tpu.memory_space<hbm>>, %arg5: memref<640xi32, #tpu.memory_space<vmem>>, %arg6: memref<128x256xf32, #tpu.memory_space<vmem>>, %arg7: memref<128x256xf32, #tpu.memory_space<vmem>>, %arg8: memref<128x256xf32, #tpu.memory_space<vmem>>, %arg9: memref<!tpu.dma_semaphore, #tpu.memory_space<semaphore_mem>>, %arg10: memref<!tpu.dma_semaphore, #tpu.memory_space<semaphore_mem>>, %arg11: memref<!tpu.dma_semaphore, #tpu.memory_space<semaphore_mem>>, %arg12: memref<!tpu.dma_semaphore, #tpu.memory_space<semaphore_mem>>, %arg13: memref<!tpu.dma_semaphore, #tpu.memory_space<semaphore_mem>>, %arg14: memref<!tpu.dma_semaphore, #tpu.memory_space<semaphore_mem>>) attributes {dimension_semantics = [#tpu.dimension_semantics<core_parallel>, #tpu.dimension_semantics<subcore_parallel>], iteration_bounds = array<i64: 2, 16>, scalar_prefetch = 0 : i64, scratch_operands = 10 : i64, tpu.core_type = #tpu.core_type<sc_vector_subcore>, window_params = [{transform_indices = #map}, {transform_indices = #map1}, {transform_indices = #map}]} {
    %mul3A = arith.constant 2 : i32
    %mul3A_0 = arith.muli %arg1, %mul3A : i32
    %add3A = arith.addi %mul3A_0, %arg0 : i32
    %mul3A_1 = arith.constant 128 : i32
    %mul3A_2 = arith.muli %add3A, %mul3A_1 : i32
    %add3A_3 = arith.constant 0 : i32
    %add3A_4 = arith.addi %add3A_3, %mul3A_2 : i32
    "tpu.region"() ({
      %run_scoped3A = tpu.sem_alloc : memref<!tpu.dma_semaphore, #tpu.memory_space<semaphore_mem>>
      %dma_start3A_121 = arith.constant 0 : i32
      %dma_start3A_122 = tpu.memref_slice %arg5[%dma_start3A_121] : memref<640xi32, #tpu.memory_space<vmem>> -> memref<128xi32, #tpu.memory_space<vmem>>
      %dma_start3A_123 = tpu.memref_slice %arg3[%add3A_4] : memref<20480xi32, #tpu.memory_space<hbm>> -> memref<128xi32, #tpu.memory_space<hbm>>
      %dma_start3A_124 = arith.constant 0 : i32
      %dma_start3A_125 = tpu.memref_slice %arg5[%dma_start3A_124] : memref<640xi32, #tpu.memory_space<vmem>> -> memref<128xi32, #tpu.memory_space<vmem>>
      %dma_start3A_126 = tpu.memref_slice %arg3[%add3A_4] : memref<20480xi32, #tpu.memory_space<hbm>> -> memref<128xi32, #tpu.memory_space<hbm>>
      tpu.enqueue_dma source(%dma_start3A_126 : memref<128xi32, #tpu.memory_space<hbm>>) target(%dma_start3A_125 : memref<128xi32, #tpu.memory_space<vmem>>) target_semaphore(%run_scoped3A : memref<!tpu.dma_semaphore, #tpu.memory_space<semaphore_mem>>)
      %dma_wait3A_127 = arith.constant 0 : i32
      %dma_wait3A_128 = tpu.memref_slice %arg5[%dma_wait3A_127] : memref<640xi32, #tpu.memory_space<vmem>> -> memref<128xi32, #tpu.memory_space<vmem>>
      %dma_wait3A_129 = tpu.memref_slice %arg3[%add3A_4] : memref<20480xi32, #tpu.memory_space<hbm>> -> memref<128xi32, #tpu.memory_space<hbm>>
      %dma_wait3A_130 = arith.constant 0 : i32
      %dma_wait3A_131 = tpu.memref_slice %arg5[%dma_wait3A_130] : memref<640xi32, #tpu.memory_space<vmem>> -> memref<128xi32, #tpu.memory_space<vmem>>
      %dma_wait3A_132 = tpu.memref_slice %arg3[%add3A_4] : memref<20480xi32, #tpu.memory_space<hbm>> -> memref<128xi32, #tpu.memory_space<hbm>>
      tpu.wait_dma2 semaphore(%run_scoped3A : memref<!tpu.dma_semaphore, #tpu.memory_space<semaphore_mem>>) src(%dma_wait3A_132 : memref<128xi32, #tpu.memory_space<hbm>>) dst(%dma_wait3A_131 : memref<128xi32, #tpu.memory_space<vmem>>)
      tpu.yield
    }) : () -> ()
    %add3A_5 = arith.constant 4096 : i32
    %add3A_6 = arith.addi %add3A_5, %mul3A_2 : i32
    "tpu.region"() ({
      %run_scoped3A = tpu.sem_alloc : memref<!tpu.dma_semaphore, #tpu.memory_space<semaphore_mem>>
      %dma_start3A_121 = arith.constant 128 : i32
      %dma_start3A_122 = tpu.memref_slice %arg5[%dma_start3A_121] : memref<640xi32, #tpu.memory_space<vmem>> -> memref<128xi32, #tpu.memory_space<vmem>>
      %dma_start3A_123 = tpu.memref_slice %arg3[%add3A_6] : memref<20480xi32, #tpu.memory_space<hbm>> -> memref<128xi32, #tpu.memory_space<hbm>>
      %dma_start3A_124 = arith.constant 128 : i32
      %dma_start3A_125 = tpu.memref_slice %arg5[%dma_start3A_124] : memref<640xi32, #tpu.memory_space<vmem>> -> memref<128xi32, #tpu.memory_space<vmem>>
      %dma_start3A_126 = tpu.memref_slice %arg3[%add3A_6] : memref<20480xi32, #tpu.memory_space<hbm>> -> memref<128xi32, #tpu.memory_space<hbm>>
      tpu.enqueue_dma source(%dma_start3A_126 : memref<128xi32, #tpu.memory_space<hbm>>) target(%dma_start3A_125 : memref<128xi32, #tpu.memory_space<vmem>>) target_semaphore(%run_scoped3A : memref<!tpu.dma_semaphore, #tpu.memory_space<semaphore_mem>>)
      %dma_wait3A_127 = arith.constant 128 : i32
      %dma_wait3A_128 = tpu.memref_slice %arg5[%dma_wait3A_127] : memref<640xi32, #tpu.memory_space<vmem>> -> memref<128xi32, #tpu.memory_space<vmem>>
      %dma_wait3A_129 = tpu.memref_slice %arg3[%add3A_6] : memref<20480xi32, #tpu.memory_space<hbm>> -> memref<128xi32, #tpu.memory_space<hbm>>
      %dma_wait3A_130 = arith.constant 128 : i32
      %dma_wait3A_131 = tpu.memref_slice %arg5[%dma_wait3A_130] : memref<640xi32, #tpu.memory_space<vmem>> -> memref<128xi32, #tpu.memory_space<vmem>>
      %dma_wait3A_132 = tpu.memref_slice %arg3[%add3A_6] : memref<20480xi32, #tpu.memory_space<hbm>> -> memref<128xi32, #tpu.memory_space<hbm>>
      tpu.wait_dma2 semaphore(%run_scoped3A : memref<!tpu.dma_semaphore, #tpu.memory_space<semaphore_mem>>) src(%dma_wait3A_132 : memref<128xi32, #tpu.memory_space<hbm>>) dst(%dma_wait3A_131 : memref<128xi32, #tpu.memory_space<vmem>>)
      tpu.yield
    }) : () -> ()
    %add3A_7 = arith.constant 8192 : i32
    %add3A_8 = arith.addi %add3A_7, %mul3A_2 : i32
    "tpu.region"() ({
      %run_scoped3A = tpu.sem_alloc : memref<!tpu.dma_semaphore, #tpu.memory_space<semaphore_mem>>
      %dma_start3A_121 = arith.constant 256 : i32
      %dma_start3A_122 = tpu.memref_slice %arg5[%dma_start3A_121] : memref<640xi32, #tpu.memory_space<vmem>> -> memref<128xi32, #tpu.memory_space<vmem>>
      %dma_start3A_123 = tpu.memref_slice %arg3[%add3A_8] : memref<20480xi32, #tpu.memory_space<hbm>> -> memref<128xi32, #tpu.memory_space<hbm>>
      %dma_start3A_124 = arith.constant 256 : i32
      %dma_start3A_125 = tpu.memref_slice %arg5[%dma_start3A_124] : memref<640xi32, #tpu.memory_space<vmem>> -> memref<128xi32, #tpu.memory_space<vmem>>
      %dma_start3A_126 = tpu.memref_slice %arg3[%add3A_8] : memref<20480xi32, #tpu.memory_space<hbm>> -> memref<128xi32, #tpu.memory_space<hbm>>
      tpu.enqueue_dma source(%dma_start3A_126 : memref<128xi32, #tpu.memory_space<hbm>>) target(%dma_start3A_125 : memref<128xi32, #tpu.memory_space<vmem>>) target_semaphore(%run_scoped3A : memref<!tpu.dma_semaphore, #tpu.memory_space<semaphore_mem>>)
      %dma_wait3A_127 = arith.constant 256 : i32
      %dma_wait3A_128 = tpu.memref_slice %arg5[%dma_wait3A_127] : memref<640xi32, #tpu.memory_space<vmem>> -> memref<128xi32, #tpu.memory_space<vmem>>
      %dma_wait3A_129 = tpu.memref_slice %arg3[%add3A_8] : memref<20480xi32, #tpu.memory_space<hbm>> -> memref<128xi32, #tpu.memory_space<hbm>>
      %dma_wait3A_130 = arith.constant 256 : i32
      %dma_wait3A_131 = tpu.memref_slice %arg5[%dma_wait3A_130] : memref<640xi32, #tpu.memory_space<vmem>> -> memref<128xi32, #tpu.memory_space<vmem>>
      %dma_wait3A_132 = tpu.memref_slice %arg3[%add3A_8] : memref<20480xi32, #tpu.memory_space<hbm>> -> memref<128xi32, #tpu.memory_space<hbm>>
      tpu.wait_dma2 semaphore(%run_scoped3A : memref<!tpu.dma_semaphore, #tpu.memory_space<semaphore_mem>>) src(%dma_wait3A_132 : memref<128xi32, #tpu.memory_space<hbm>>) dst(%dma_wait3A_131 : memref<128xi32, #tpu.memory_space<vmem>>)
      tpu.yield
    }) : () -> ()
    %add3A_9 = arith.constant 12288 : i32
    %add3A_10 = arith.addi %add3A_9, %mul3A_2 : i32
    "tpu.region"() ({
      %run_scoped3A = tpu.sem_alloc : memref<!tpu.dma_semaphore, #tpu.memory_space<semaphore_mem>>
      %dma_start3A_121 = arith.constant 384 : i32
      %dma_start3A_122 = tpu.memref_slice %arg5[%dma_start3A_121] : memref<640xi32, #tpu.memory_space<vmem>> -> memref<128xi32, #tpu.memory_space<vmem>>
      %dma_start3A_123 = tpu.memref_slice %arg3[%add3A_10] : memref<20480xi32, #tpu.memory_space<hbm>> -> memref<128xi32, #tpu.memory_space<hbm>>
      %dma_start3A_124 = arith.constant 384 : i32
      %dma_start3A_125 = tpu.memref_slice %arg5[%dma_start3A_124] : memref<640xi32, #tpu.memory_space<vmem>> -> memref<128xi32, #tpu.memory_space<vmem>>
      %dma_start3A_126 = tpu.memref_slice %arg3[%add3A_10] : memref<20480xi32, #tpu.memory_space<hbm>> -> memref<128xi32, #tpu.memory_space<hbm>>
      tpu.enqueue_dma source(%dma_start3A_126 : memref<128xi32, #tpu.memory_space<hbm>>) target(%dma_start3A_125 : memref<128xi32, #tpu.memory_space<vmem>>) target_semaphore(%run_scoped3A : memref<!tpu.dma_semaphore, #tpu.memory_space<semaphore_mem>>)
      %dma_wait3A_127 = arith.constant 384 : i32
      %dma_wait3A_128 = tpu.memref_slice %arg5[%dma_wait3A_127] : memref<640xi32, #tpu.memory_space<vmem>> -> memref<128xi32, #tpu.memory_space<vmem>>
      %dma_wait3A_129 = tpu.memref_slice %arg3[%add3A_10] : memref<20480xi32, #tpu.memory_space<hbm>> -> memref<128xi32, #tpu.memory_space<hbm>>
      %dma_wait3A_130 = arith.constant 384 : i32
      %dma_wait3A_131 = tpu.memref_slice %arg5[%dma_wait3A_130] : memref<640xi32, #tpu.memory_space<vmem>> -> memref<128xi32, #tpu.memory_space<vmem>>
      %dma_wait3A_132 = tpu.memref_slice %arg3[%add3A_10] : memref<20480xi32, #tpu.memory_space<hbm>> -> memref<128xi32, #tpu.memory_space<hbm>>
      tpu.wait_dma2 semaphore(%run_scoped3A : memref<!tpu.dma_semaphore, #tpu.memory_space<semaphore_mem>>) src(%dma_wait3A_132 : memref<128xi32, #tpu.memory_space<hbm>>) dst(%dma_wait3A_131 : memref<128xi32, #tpu.memory_space<vmem>>)
      tpu.yield
    }) : () -> ()
    %add3A_11 = arith.constant 16384 : i32
    %add3A_12 = arith.addi %add3A_11, %mul3A_2 : i32
    "tpu.region"() ({
      %run_scoped3A = tpu.sem_alloc : memref<!tpu.dma_semaphore, #tpu.memory_space<semaphore_mem>>
      %dma_start3A_121 = arith.constant 512 : i32
      %dma_start3A_122 = tpu.memref_slice %arg5[%dma_start3A_121] : memref<640xi32, #tpu.memory_space<vmem>> -> memref<128xi32, #tpu.memory_space<vmem>>
      %dma_start3A_123 = tpu.memref_slice %arg3[%add3A_12] : memref<20480xi32, #tpu.memory_space<hbm>> -> memref<128xi32, #tpu.memory_space<hbm>>
      %dma_start3A_124 = arith.constant 512 : i32
      %dma_start3A_125 = tpu.memref_slice %arg5[%dma_start3A_124] : memref<640xi32, #tpu.memory_space<vmem>> -> memref<128xi32, #tpu.memory_space<vmem>>
      %dma_start3A_126 = tpu.memref_slice %arg3[%add3A_12] : memref<20480xi32, #tpu.memory_space<hbm>> -> memref<128xi32, #tpu.memory_space<hbm>>
      tpu.enqueue_dma source(%dma_start3A_126 : memref<128xi32, #tpu.memory_space<hbm>>) target(%dma_start3A_125 : memref<128xi32, #tpu.memory_space<vmem>>) target_semaphore(%run_scoped3A : memref<!tpu.dma_semaphore, #tpu.memory_space<semaphore_mem>>)
      %dma_wait3A_127 = arith.constant 512 : i32
      %dma_wait3A_128 = tpu.memref_slice %arg5[%dma_wait3A_127] : memref<640xi32, #tpu.memory_space<vmem>> -> memref<128xi32, #tpu.memory_space<vmem>>
      %dma_wait3A_129 = tpu.memref_slice %arg3[%add3A_12] : memref<20480xi32, #tpu.memory_space<hbm>> -> memref<128xi32, #tpu.memory_space<hbm>>
      %dma_wait3A_130 = arith.constant 512 : i32
      %dma_wait3A_131 = tpu.memref_slice %arg5[%dma_wait3A_130] : memref<640xi32, #tpu.memory_space<vmem>> -> memref<128xi32, #tpu.memory_space<vmem>>
      %dma_wait3A_132 = tpu.memref_slice %arg3[%add3A_12] : memref<20480xi32, #tpu.memory_space<hbm>> -> memref<128xi32, #tpu.memory_space<hbm>>
      tpu.wait_dma2 semaphore(%run_scoped3A : memref<!tpu.dma_semaphore, #tpu.memory_space<semaphore_mem>>) src(%dma_wait3A_132 : memref<128xi32, #tpu.memory_space<hbm>>) dst(%dma_wait3A_131 : memref<128xi32, #tpu.memory_space<vmem>>)
      tpu.yield
    }) : () -> ()
    %dma_start3A = arith.constant 0 : i32
    %dma_start3A_13 = tpu.memref_slice %arg5[%dma_start3A] : memref<640xi32, #tpu.memory_space<vmem>> -> memref<128xi32, #tpu.memory_space<vmem>>
    %dma_start3A_14 = arith.constant 0 : i32
    %dma_start3A_15 = arith.constant 0 : i32
    %dma_start3A_16 = tpu.memref_slice %arg2[%dma_start3A_14, %dma_start3A_15] : memref<4096x256xf32, #tpu.memory_space<hbm>> -> memref<4096x256xf32, #tpu.memory_space<hbm>>
    tpu.enqueue_indirect_dma source(%dma_start3A_16 : memref<4096x256xf32, #tpu.memory_space<hbm>>) target(%arg6 : memref<128x256xf32, #tpu.memory_space<vmem>>) offsets(%dma_start3A_13 : memref<128xi32, #tpu.memory_space<vmem>>) semaphore(%arg9 : memref<!tpu.dma_semaphore, #tpu.memory_space<semaphore_mem>>)
    %dma_start3A_17 = arith.constant 128 : i32
    %dma_start3A_18 = tpu.memref_slice %arg5[%dma_start3A_17] : memref<640xi32, #tpu.memory_space<vmem>> -> memref<128xi32, #tpu.memory_space<vmem>>
    %dma_start3A_19 = arith.constant 0 : i32
    %dma_start3A_20 = arith.constant 0 : i32
    %dma_start3A_21 = tpu.memref_slice %arg2[%dma_start3A_19, %dma_start3A_20] : memref<4096x256xf32, #tpu.memory_space<hbm>> -> memref<4096x256xf32, #tpu.memory_space<hbm>>
    tpu.enqueue_indirect_dma source(%dma_start3A_21 : memref<4096x256xf32, #tpu.memory_space<hbm>>) target(%arg7 : memref<128x256xf32, #tpu.memory_space<vmem>>) offsets(%dma_start3A_18 : memref<128xi32, #tpu.memory_space<vmem>>) semaphore(%arg10 : memref<!tpu.dma_semaphore, #tpu.memory_space<semaphore_mem>>)
    %dma_start3A_22 = arith.constant 256 : i32
    %dma_start3A_23 = tpu.memref_slice %arg5[%dma_start3A_22] : memref<640xi32, #tpu.memory_space<vmem>> -> memref<128xi32, #tpu.memory_space<vmem>>
    %dma_start3A_24 = arith.constant 0 : i32
    %dma_start3A_25 = arith.constant 0 : i32
    %dma_start3A_26 = tpu.memref_slice %arg2[%dma_start3A_24, %dma_start3A_25] : memref<4096x256xf32, #tpu.memory_space<hbm>> -> memref<4096x256xf32, #tpu.memory_space<hbm>>
    tpu.enqueue_indirect_dma source(%dma_start3A_26 : memref<4096x256xf32, #tpu.memory_space<hbm>>) target(%arg8 : memref<128x256xf32, #tpu.memory_space<vmem>>) offsets(%dma_start3A_23 : memref<128xi32, #tpu.memory_space<vmem>>) semaphore(%arg11 : memref<!tpu.dma_semaphore, #tpu.memory_space<semaphore_mem>>)
    %dma_wait3A = arith.constant 0 : i32
    %dma_wait3A_27 = tpu.memref_slice %arg5[%dma_wait3A] : memref<640xi32, #tpu.memory_space<vmem>> -> memref<128xi32, #tpu.memory_space<vmem>>
    %dma_wait3A_28 = arith.constant 0 : i32
    %dma_wait3A_29 = arith.constant 0 : i32
    %dma_wait3A_30 = tpu.memref_slice %arg2[%dma_wait3A_28, %dma_wait3A_29] : memref<4096x256xf32, #tpu.memory_space<hbm>> -> memref<4096x256xf32, #tpu.memory_space<hbm>>
    tpu.wait_indirect_dma semaphore(%arg9 : memref<!tpu.dma_semaphore, #tpu.memory_space<semaphore_mem>>) src(%dma_wait3A_30 : memref<4096x256xf32, #tpu.memory_space<hbm>>) dst(%arg6 : memref<128x256xf32, #tpu.memory_space<vmem>>)
    %add3A_31 = arith.constant 0 : i32
    %add3A_32 = arith.addi %add3A_31, %mul3A_2 : i32
    %add3A_33 = arith.constant 0 : i32
    %add3A_34 = arith.addi %add3A_32, %add3A_33 : i32
    %dma_start3A_35 = arith.constant 0 : i32
    %dma_start3A_36 = tpu.memref_slice %arg4[%add3A_34, %dma_start3A_35] : memref<20480x256xf32, #tpu.memory_space<hbm>> -> memref<128x256xf32, #tpu.memory_space<hbm>>
    %dma_start3A_37 = arith.constant 0 : i32
    %dma_start3A_38 = tpu.memref_slice %arg4[%add3A_34, %dma_start3A_37] : memref<20480x256xf32, #tpu.memory_space<hbm>> -> memref<128x256xf32, #tpu.memory_space<hbm>>
    tpu.enqueue_dma source(%arg6 : memref<128x256xf32, #tpu.memory_space<vmem>>) target(%dma_start3A_38 : memref<128x256xf32, #tpu.memory_space<hbm>>) target_semaphore(%arg12 : memref<!tpu.dma_semaphore, #tpu.memory_space<semaphore_mem>>)
    %dma_wait3A_39 = arith.constant 0 : i32
    %dma_wait3A_40 = tpu.memref_slice %arg4[%add3A_34, %dma_wait3A_39] : memref<20480x256xf32, #tpu.memory_space<hbm>> -> memref<128x256xf32, #tpu.memory_space<hbm>>
    %dma_wait3A_41 = arith.constant 0 : i32
    %dma_wait3A_42 = tpu.memref_slice %arg4[%add3A_34, %dma_wait3A_41] : memref<20480x256xf32, #tpu.memory_space<hbm>> -> memref<128x256xf32, #tpu.memory_space<hbm>>
    tpu.wait_dma2 semaphore(%arg12 : memref<!tpu.dma_semaphore, #tpu.memory_space<semaphore_mem>>) src(%arg6 : memref<128x256xf32, #tpu.memory_space<vmem>>) dst(%dma_wait3A_42 : memref<128x256xf32, #tpu.memory_space<hbm>>)
    %dma_start3A_43 = arith.constant 384 : i32
    %dma_start3A_44 = tpu.memref_slice %arg5[%dma_start3A_43] : memref<640xi32, #tpu.memory_space<vmem>> -> memref<128xi32, #tpu.memory_space<vmem>>
    %dma_start3A_45 = arith.constant 0 : i32
    %dma_start3A_46 = arith.constant 0 : i32
    %dma_start3A_47 = tpu.memref_slice %arg2[%dma_start3A_45, %dma_start3A_46] : memref<4096x256xf32, #tpu.memory_space<hbm>> -> memref<4096x256xf32, #tpu.memory_space<hbm>>
    tpu.enqueue_indirect_dma source(%dma_start3A_47 : memref<4096x256xf32, #tpu.memory_space<hbm>>) target(%arg6 : memref<128x256xf32, #tpu.memory_space<vmem>>) offsets(%dma_start3A_44 : memref<128xi32, #tpu.memory_space<vmem>>) semaphore(%arg9 : memref<!tpu.dma_semaphore, #tpu.memory_space<semaphore_mem>>)
    %dma_wait3A_48 = arith.constant 128 : i32
    %dma_wait3A_49 = tpu.memref_slice %arg5[%dma_wait3A_48] : memref<640xi32, #tpu.memory_space<vmem>> -> memref<128xi32, #tpu.memory_space<vmem>>
    %dma_wait3A_50 = arith.constant 0 : i32
    %dma_wait3A_51 = arith.constant 0 : i32
    %dma_wait3A_52 = tpu.memref_slice %arg2[%dma_wait3A_50, %dma_wait3A_51] : memref<4096x256xf32, #tpu.memory_space<hbm>> -> memref<4096x256xf32, #tpu.memory_space<hbm>>
    tpu.wait_indirect_dma semaphore(%arg10 : memref<!tpu.dma_semaphore, #tpu.memory_space<semaphore_mem>>) src(%dma_wait3A_52 : memref<4096x256xf32, #tpu.memory_space<hbm>>) dst(%arg7 : memref<128x256xf32, #tpu.memory_space<vmem>>)
    %add3A_53 = arith.constant 4096 : i32
    %add3A_54 = arith.addi %add3A_53, %mul3A_2 : i32
    %add3A_55 = arith.constant 0 : i32
    %add3A_56 = arith.addi %add3A_54, %add3A_55 : i32
    %dma_start3A_57 = arith.constant 0 : i32
    %dma_start3A_58 = tpu.memref_slice %arg4[%add3A_56, %dma_start3A_57] : memref<20480x256xf32, #tpu.memory_space<hbm>> -> memref<128x256xf32, #tpu.memory_space<hbm>>
    %dma_start3A_59 = arith.constant 0 : i32
    %dma_start3A_60 = tpu.memref_slice %arg4[%add3A_56, %dma_start3A_59] : memref<20480x256xf32, #tpu.memory_space<hbm>> -> memref<128x256xf32, #tpu.memory_space<hbm>>
    tpu.enqueue_dma source(%arg7 : memref<128x256xf32, #tpu.memory_space<vmem>>) target(%dma_start3A_60 : memref<128x256xf32, #tpu.memory_space<hbm>>) target_semaphore(%arg13 : memref<!tpu.dma_semaphore, #tpu.memory_space<semaphore_mem>>)
    %dma_wait3A_61 = arith.constant 0 : i32
    %dma_wait3A_62 = tpu.memref_slice %arg4[%add3A_56, %dma_wait3A_61] : memref<20480x256xf32, #tpu.memory_space<hbm>> -> memref<128x256xf32, #tpu.memory_space<hbm>>
    %dma_wait3A_63 = arith.constant 0 : i32
    %dma_wait3A_64 = tpu.memref_slice %arg4[%add3A_56, %dma_wait3A_63] : memref<20480x256xf32, #tpu.memory_space<hbm>> -> memref<128x256xf32, #tpu.memory_space<hbm>>
    tpu.wait_dma2 semaphore(%arg13 : memref<!tpu.dma_semaphore, #tpu.memory_space<semaphore_mem>>) src(%arg7 : memref<128x256xf32, #tpu.memory_space<vmem>>) dst(%dma_wait3A_64 : memref<128x256xf32, #tpu.memory_space<hbm>>)
    %dma_start3A_65 = arith.constant 512 : i32
    %dma_start3A_66 = tpu.memref_slice %arg5[%dma_start3A_65] : memref<640xi32, #tpu.memory_space<vmem>> -> memref<128xi32, #tpu.memory_space<vmem>>
    %dma_start3A_67 = arith.constant 0 : i32
    %dma_start3A_68 = arith.constant 0 : i32
    %dma_start3A_69 = tpu.memref_slice %arg2[%dma_start3A_67, %dma_start3A_68] : memref<4096x256xf32, #tpu.memory_space<hbm>> -> memref<4096x256xf32, #tpu.memory_space<hbm>>
    tpu.enqueue_indirect_dma source(%dma_start3A_69 : memref<4096x256xf32, #tpu.memory_space<hbm>>) target(%arg7 : memref<128x256xf32, #tpu.memory_space<vmem>>) offsets(%dma_start3A_66 : memref<128xi32, #tpu.memory_space<vmem>>) semaphore(%arg10 : memref<!tpu.dma_semaphore, #tpu.memory_space<semaphore_mem>>)
    %dma_wait3A_70 = arith.constant 256 : i32
    %dma_wait3A_71 = tpu.memref_slice %arg5[%dma_wait3A_70] : memref<640xi32, #tpu.memory_space<vmem>> -> memref<128xi32, #tpu.memory_space<vmem>>
    %dma_wait3A_72 = arith.constant 0 : i32
    %dma_wait3A_73 = arith.constant 0 : i32
    %dma_wait3A_74 = tpu.memref_slice %arg2[%dma_wait3A_72, %dma_wait3A_73] : memref<4096x256xf32, #tpu.memory_space<hbm>> -> memref<4096x256xf32, #tpu.memory_space<hbm>>
    tpu.wait_indirect_dma semaphore(%arg11 : memref<!tpu.dma_semaphore, #tpu.memory_space<semaphore_mem>>) src(%dma_wait3A_74 : memref<4096x256xf32, #tpu.memory_space<hbm>>) dst(%arg8 : memref<128x256xf32, #tpu.memory_space<vmem>>)
    %add3A_75 = arith.constant 8192 : i32
    %add3A_76 = arith.addi %add3A_75, %mul3A_2 : i32
    %add3A_77 = arith.constant 0 : i32
    %add3A_78 = arith.addi %add3A_76, %add3A_77 : i32
    %dma_start3A_79 = arith.constant 0 : i32
    %dma_start3A_80 = tpu.memref_slice %arg4[%add3A_78, %dma_start3A_79] : memref<20480x256xf32, #tpu.memory_space<hbm>> -> memref<128x256xf32, #tpu.memory_space<hbm>>
    %dma_start3A_81 = arith.constant 0 : i32
    %dma_start3A_82 = tpu.memref_slice %arg4[%add3A_78, %dma_start3A_81] : memref<20480x256xf32, #tpu.memory_space<hbm>> -> memref<128x256xf32, #tpu.memory_space<hbm>>
    tpu.enqueue_dma source(%arg8 : memref<128x256xf32, #tpu.memory_space<vmem>>) target(%dma_start3A_82 : memref<128x256xf32, #tpu.memory_space<hbm>>) target_semaphore(%arg14 : memref<!tpu.dma_semaphore, #tpu.memory_space<semaphore_mem>>)
    %dma_wait3A_83 = arith.constant 384 : i32
    %dma_wait3A_84 = tpu.memref_slice %arg5[%dma_wait3A_83] : memref<640xi32, #tpu.memory_space<vmem>> -> memref<128xi32, #tpu.memory_space<vmem>>
    %dma_wait3A_85 = arith.constant 0 : i32
    %dma_wait3A_86 = arith.constant 0 : i32
    %dma_wait3A_87 = tpu.memref_slice %arg2[%dma_wait3A_85, %dma_wait3A_86] : memref<4096x256xf32, #tpu.memory_space<hbm>> -> memref<4096x256xf32, #tpu.memory_space<hbm>>
    tpu.wait_indirect_dma semaphore(%arg9 : memref<!tpu.dma_semaphore, #tpu.memory_space<semaphore_mem>>) src(%dma_wait3A_87 : memref<4096x256xf32, #tpu.memory_space<hbm>>) dst(%arg6 : memref<128x256xf32, #tpu.memory_space<vmem>>)
    %add3A_88 = arith.constant 12288 : i32
    %add3A_89 = arith.addi %add3A_88, %mul3A_2 : i32
    %add3A_90 = arith.constant 0 : i32
    %add3A_91 = arith.addi %add3A_89, %add3A_90 : i32
    %dma_start3A_92 = arith.constant 0 : i32
    %dma_start3A_93 = tpu.memref_slice %arg4[%add3A_91, %dma_start3A_92] : memref<20480x256xf32, #tpu.memory_space<hbm>> -> memref<128x256xf32, #tpu.memory_space<hbm>>
    %dma_start3A_94 = arith.constant 0 : i32
    %dma_start3A_95 = tpu.memref_slice %arg4[%add3A_91, %dma_start3A_94] : memref<20480x256xf32, #tpu.memory_space<hbm>> -> memref<128x256xf32, #tpu.memory_space<hbm>>
    tpu.enqueue_dma source(%arg6 : memref<128x256xf32, #tpu.memory_space<vmem>>) target(%dma_start3A_95 : memref<128x256xf32, #tpu.memory_space<hbm>>) target_semaphore(%arg12 : memref<!tpu.dma_semaphore, #tpu.memory_space<semaphore_mem>>)
    %dma_wait3A_96 = arith.constant 512 : i32
    %dma_wait3A_97 = tpu.memref_slice %arg5[%dma_wait3A_96] : memref<640xi32, #tpu.memory_space<vmem>> -> memref<128xi32, #tpu.memory_space<vmem>>
    %dma_wait3A_98 = arith.constant 0 : i32
    %dma_wait3A_99 = arith.constant 0 : i32
    %dma_wait3A_100 = tpu.memref_slice %arg2[%dma_wait3A_98, %dma_wait3A_99] : memref<4096x256xf32, #tpu.memory_space<hbm>> -> memref<4096x256xf32, #tpu.memory_space<hbm>>
    tpu.wait_indirect_dma semaphore(%arg10 : memref<!tpu.dma_semaphore, #tpu.memory_space<semaphore_mem>>) src(%dma_wait3A_100 : memref<4096x256xf32, #tpu.memory_space<hbm>>) dst(%arg7 : memref<128x256xf32, #tpu.memory_space<vmem>>)
    %add3A_101 = arith.constant 16384 : i32
    %add3A_102 = arith.addi %add3A_101, %mul3A_2 : i32
    %add3A_103 = arith.constant 0 : i32
    %add3A_104 = arith.addi %add3A_102, %add3A_103 : i32
    %dma_start3A_105 = arith.constant 0 : i32
    %dma_start3A_106 = tpu.memref_slice %arg4[%add3A_104, %dma_start3A_105] : memref<20480x256xf32, #tpu.memory_space<hbm>> -> memref<128x256xf32, #tpu.memory_space<hbm>>
    %dma_start3A_107 = arith.constant 0 : i32
    %dma_start3A_108 = tpu.memref_slice %arg4[%add3A_104, %dma_start3A_107] : memref<20480x256xf32, #tpu.memory_space<hbm>> -> memref<128x256xf32, #tpu.memory_space<hbm>>
    tpu.enqueue_dma source(%arg7 : memref<128x256xf32, #tpu.memory_space<vmem>>) target(%dma_start3A_108 : memref<128x256xf32, #tpu.memory_space<hbm>>) target_semaphore(%arg13 : memref<!tpu.dma_semaphore, #tpu.memory_space<semaphore_mem>>)
    %dma_wait3A_109 = arith.constant 0 : i32
    %dma_wait3A_110 = tpu.memref_slice %arg4[%add3A_78, %dma_wait3A_109] : memref<20480x256xf32, #tpu.memory_space<hbm>> -> memref<128x256xf32, #tpu.memory_space<hbm>>
    %dma_wait3A_111 = arith.constant 0 : i32
    %dma_wait3A_112 = tpu.memref_slice %arg4[%add3A_78, %dma_wait3A_111] : memref<20480x256xf32, #tpu.memory_space<hbm>> -> memref<128x256xf32, #tpu.memory_space<hbm>>
    tpu.wait_dma2 semaphore(%arg14 : memref<!tpu.dma_semaphore, #tpu.memory_space<semaphore_mem>>) src(%arg8 : memref<128x256xf32, #tpu.memory_space<vmem>>) dst(%dma_wait3A_112 : memref<128x256xf32, #tpu.memory_space<hbm>>)
    %dma_wait3A_113 = arith.constant 0 : i32
    %dma_wait3A_114 = tpu.memref_slice %arg4[%add3A_91, %dma_wait3A_113] : memref<20480x256xf32, #tpu.memory_space<hbm>> -> memref<128x256xf32, #tpu.memory_space<hbm>>
    %dma_wait3A_115 = arith.constant 0 : i32
    %dma_wait3A_116 = tpu.memref_slice %arg4[%add3A_91, %dma_wait3A_115] : memref<20480x256xf32, #tpu.memory_space<hbm>> -> memref<128x256xf32, #tpu.memory_space<hbm>>
    tpu.wait_dma2 semaphore(%arg12 : memref<!tpu.dma_semaphore, #tpu.memory_space<semaphore_mem>>) src(%arg6 : memref<128x256xf32, #tpu.memory_space<vmem>>) dst(%dma_wait3A_116 : memref<128x256xf32, #tpu.memory_space<hbm>>)
    %dma_wait3A_117 = arith.constant 0 : i32
    %dma_wait3A_118 = tpu.memref_slice %arg4[%add3A_104, %dma_wait3A_117] : memref<20480x256xf32, #tpu.memory_space<hbm>> -> memref<128x256xf32, #tpu.memory_space<hbm>>
    %dma_wait3A_119 = arith.constant 0 : i32
    %dma_wait3A_120 = tpu.memref_slice %arg4[%add3A_104, %dma_wait3A_119] : memref<20480x256xf32, #tpu.memory_space<hbm>> -> memref<128x256xf32, #tpu.memory_space<hbm>>
    tpu.wait_dma2 semaphore(%arg13 : memref<!tpu.dma_semaphore, #tpu.memory_space<semaphore_mem>>) src(%arg7 : memref<128x256xf32, #tpu.memory_space<vmem>>) dst(%dma_wait3A_120 : memref<128x256xf32, #tpu.memory_space<hbm>>)
    return
  }
}

#map = affine_map<(d0, d1) -> (0, 0)>
#map1 = affine_map<(d0, d1) -> (0)>
module attributes {stable_mosaic.version = 14 : i64} {
  func.func @body(%arg0: i32, %arg1: i32, %arg2: memref<4096x256xf32, #tpu.memory_space<hbm>>, %arg3: memref<20480xi32, #tpu.memory_space<hbm>>, %arg4: memref<20480x256xf32, #tpu.memory_space<hbm>>, %arg5: memref<640xi32, #tpu.memory_space<vmem>>, %arg6: memref<128x256xf32, #tpu.memory_space<vmem>>, %arg7: memref<128x256xf32, #tpu.memory_space<vmem>>, %arg8: memref<128x256xf32, #tpu.memory_space<vmem>>, %arg9: memref<!tpu.dma_semaphore, #tpu.memory_space<semaphore_mem>>, %arg10: memref<!tpu.dma_semaphore, #tpu.memory_space<semaphore_mem>>, %arg11: memref<!tpu.dma_semaphore, #tpu.memory_space<semaphore_mem>>, %arg12: memref<!tpu.dma_semaphore, #tpu.memory_space<semaphore_mem>>, %arg13: memref<!tpu.dma_semaphore, #tpu.memory_space<semaphore_mem>>, %arg14: memref<!tpu.dma_semaphore, #tpu.memory_space<semaphore_mem>>) attributes {dimension_semantics = [#tpu.dimension_semantics<core_parallel>, #tpu.dimension_semantics<subcore_parallel>], iteration_bounds = array<i64: 2, 16>, scalar_prefetch = 0 : i64, scratch_operands = 10 : i64, tpu.core_type = #tpu.core_type<sc_vector_subcore>, window_params = [{transform_indices = #map}, {transform_indices = #map1}, {transform_indices = #map}]} {
    %mul3A = arith.constant 2 : i32
    %mul3A_0 = arith.muli %arg1, %mul3A : i32
    %add3A = arith.addi %mul3A_0, %arg0 : i32
    %mul3A_1 = arith.constant 128 : i32
    %mul3A_2 = arith.muli %add3A, %mul3A_1 : i32
    %add3A_3 = arith.constant 0 : i32
    %add3A_4 = arith.addi %add3A_3, %mul3A_2 : i32
    "tpu.region"() ({
      %run_scoped3A = tpu.sem_alloc : memref<!tpu.dma_semaphore, #tpu.memory_space<semaphore_mem>>
      %dma_start3A_121 = arith.constant 0 : i32
      %dma_start3A_122 = tpu.memref_slice %arg5[%dma_start3A_121] : memref<640xi32, #tpu.memory_space<vmem>> -> memref<128xi32, #tpu.memory_space<vmem>>
      %dma_start3A_123 = tpu.memref_slice %arg3[%add3A_4] : memref<20480xi32, #tpu.memory_space<hbm>> -> memref<128xi32, #tpu.memory_space<hbm>>
      %dma_start3A_124 = arith.constant 0 : i32
      %dma_start3A_125 = tpu.memref_slice %arg5[%dma_start3A_124] : memref<640xi32, #tpu.memory_space<vmem>> -> memref<128xi32, #tpu.memory_space<vmem>>
      %dma_start3A_126 = tpu.memref_slice %arg3[%add3A_4] : memref<20480xi32, #tpu.memory_space<hbm>> -> memref<128xi32, #tpu.memory_space<hbm>>
      tpu.enqueue_dma source(%dma_start3A_126 : memref<128xi32, #tpu.memory_space<hbm>>) target(%dma_start3A_125 : memref<128xi32, #tpu.memory_space<vmem>>) target_semaphore(%run_scoped3A : memref<!tpu.dma_semaphore, #tpu.memory_space<semaphore_mem>>)
      %dma_wait3A_127 = arith.constant 0 : i32
      %dma_wait3A_128 = tpu.memref_slice %arg5[%dma_wait3A_127] : memref<640xi32, #tpu.memory_space<vmem>> -> memref<128xi32, #tpu.memory_space<vmem>>
      %dma_wait3A_129 = tpu.memref_slice %arg3[%add3A_4] : memref<20480xi32, #tpu.memory_space<hbm>> -> memref<128xi32, #tpu.memory_space<hbm>>
      %dma_wait3A_130 = arith.constant 0 : i32
      %dma_wait3A_131 = tpu.memref_slice %arg5[%dma_wait3A_130] : memref<640xi32, #tpu.memory_space<vmem>> -> memref<128xi32, #tpu.memory_space<vmem>>
      %dma_wait3A_132 = tpu.memref_slice %arg3[%add3A_4] : memref<20480xi32, #tpu.memory_space<hbm>> -> memref<128xi32, #tpu.memory_space<hbm>>
      tpu.wait_dma2 semaphore(%run_scoped3A : memref<!tpu.dma_semaphore, #tpu.memory_space<semaphore_mem>>) src(%dma_wait3A_132 : memref<128xi32, #tpu.memory_space<hbm>>) dst(%dma_wait3A_131 : memref<128xi32, #tpu.memory_space<vmem>>)
      tpu.yield
    }) : () -> ()
    %add3A_5 = arith.constant 4096 : i32
    %add3A_6 = arith.addi %add3A_5, %mul3A_2 : i32
    "tpu.region"() ({
      %run_scoped3A = tpu.sem_alloc : memref<!tpu.dma_semaphore, #tpu.memory_space<semaphore_mem>>
      %dma_start3A_121 = arith.constant 128 : i32
      %dma_start3A_122 = tpu.memref_slice %arg5[%dma_start3A_121] : memref<640xi32, #tpu.memory_space<vmem>> -> memref<128xi32, #tpu.memory_space<vmem>>
      %dma_start3A_123 = tpu.memref_slice %arg3[%add3A_6] : memref<20480xi32, #tpu.memory_space<hbm>> -> memref<128xi32, #tpu.memory_space<hbm>>
      %dma_start3A_124 = arith.constant 128 : i32
      %dma_start3A_125 = tpu.memref_slice %arg5[%dma_start3A_124] : memref<640xi32, #tpu.memory_space<vmem>> -> memref<128xi32, #tpu.memory_space<vmem>>
      %dma_start3A_126 = tpu.memref_slice %arg3[%add3A_6] : memref<20480xi32, #tpu.memory_space<hbm>> -> memref<128xi32, #tpu.memory_space<hbm>>
      tpu.enqueue_dma source(%dma_start3A_126 : memref<128xi32, #tpu.memory_space<hbm>>) target(%dma_start3A_125 : memref<128xi32, #tpu.memory_space<vmem>>) target_semaphore(%run_scoped3A : memref<!tpu.dma_semaphore, #tpu.memory_space<semaphore_mem>>)
      %dma_wait3A_127 = arith.constant 128 : i32
      %dma_wait3A_128 = tpu.memref_slice %arg5[%dma_wait3A_127] : memref<640xi32, #tpu.memory_space<vmem>> -> memref<128xi32, #tpu.memory_space<vmem>>
      %dma_wait3A_129 = tpu.memref_slice %arg3[%add3A_6] : memref<20480xi32, #tpu.memory_space<hbm>> -> memref<128xi32, #tpu.memory_space<hbm>>
      %dma_wait3A_130 = arith.constant 128 : i32
      %dma_wait3A_131 = tpu.memref_slice %arg5[%dma_wait3A_130] : memref<640xi32, #tpu.memory_space<vmem>> -> memref<128xi32, #tpu.memory_space<vmem>>
      %dma_wait3A_132 = tpu.memref_slice %arg3[%add3A_6] : memref<20480xi32, #tpu.memory_space<hbm>> -> memref<128xi32, #tpu.memory_space<hbm>>
      tpu.wait_dma2 semaphore(%run_scoped3A : memref<!tpu.dma_semaphore, #tpu.memory_space<semaphore_mem>>) src(%dma_wait3A_132 : memref<128xi32, #tpu.memory_space<hbm>>) dst(%dma_wait3A_131 : memref<128xi32, #tpu.memory_space<vmem>>)
      tpu.yield
    }) : () -> ()
    %add3A_7 = arith.constant 8192 : i32
    %add3A_8 = arith.addi %add3A_7, %mul3A_2 : i32
    "tpu.region"() ({
      %run_scoped3A = tpu.sem_alloc : memref<!tpu.dma_semaphore, #tpu.memory_space<semaphore_mem>>
      %dma_start3A_121 = arith.constant 256 : i32
      %dma_start3A_122 = tpu.memref_slice %arg5[%dma_start3A_121] : memref<640xi32, #tpu.memory_space<vmem>> -> memref<128xi32, #tpu.memory_space<vmem>>
      %dma_start3A_123 = tpu.memref_slice %arg3[%add3A_8] : memref<20480xi32, #tpu.memory_space<hbm>> -> memref<128xi32, #tpu.memory_space<hbm>>
      %dma_start3A_124 = arith.constant 256 : i32
      %dma_start3A_125 = tpu.memref_slice %arg5[%dma_start3A_124] : memref<640xi32, #tpu.memory_space<vmem>> -> memref<128xi32, #tpu.memory_space<vmem>>
      %dma_start3A_126 = tpu.memref_slice %arg3[%add3A_8] : memref<20480xi32, #tpu.memory_space<hbm>> -> memref<128xi32, #tpu.memory_space<hbm>>
      tpu.enqueue_dma source(%dma_start3A_126 : memref<128xi32, #tpu.memory_space<hbm>>) target(%dma_start3A_125 : memref<128xi32, #tpu.memory_space<vmem>>) target_semaphore(%run_scoped3A : memref<!tpu.dma_semaphore, #tpu.memory_space<semaphore_mem>>)
      %dma_wait3A_127 = arith.constant 256 : i32
      %dma_wait3A_128 = tpu.memref_slice %arg5[%dma_wait3A_127] : memref<640xi32, #tpu.memory_space<vmem>> -> memref<128xi32, #tpu.memory_space<vmem>>
      %dma_wait3A_129 = tpu.memref_slice %arg3[%add3A_8] : memref<20480xi32, #tpu.memory_space<hbm>> -> memref<128xi32, #tpu.memory_space<hbm>>
      %dma_wait3A_130 = arith.constant 256 : i32
      %dma_wait3A_131 = tpu.memref_slice %arg5[%dma_wait3A_130] : memref<640xi32, #tpu.memory_space<vmem>> -> memref<128xi32, #tpu.memory_space<vmem>>
      %dma_wait3A_132 = tpu.memref_slice %arg3[%add3A_8] : memref<20480xi32, #tpu.memory_space<hbm>> -> memref<128xi32, #tpu.memory_space<hbm>>
      tpu.wait_dma2 semaphore(%run_scoped3A : memref<!tpu.dma_semaphore, #tpu.memory_space<semaphore_mem>>) src(%dma_wait3A_132 : memref<128xi32, #tpu.memory_space<hbm>>) dst(%dma_wait3A_131 : memref<128xi32, #tpu.memory_space<vmem>>)
      tpu.yield
    }) : () -> ()
    %add3A_9 = arith.constant 12288 : i32
    %add3A_10 = arith.addi %add3A_9, %mul3A_2 : i32
    "tpu.region"() ({
      %run_scoped3A = tpu.sem_alloc : memref<!tpu.dma_semaphore, #tpu.memory_space<semaphore_mem>>
      %dma_start3A_121 = arith.constant 384 : i32
      %dma_start3A_122 = tpu.memref_slice %arg5[%dma_start3A_121] : memref<640xi32, #tpu.memory_space<vmem>> -> memref<128xi32, #tpu.memory_space<vmem>>
      %dma_start3A_123 = tpu.memref_slice %arg3[%add3A_10] : memref<20480xi32, #tpu.memory_space<hbm>> -> memref<128xi32, #tpu.memory_space<hbm>>
      %dma_start3A_124 = arith.constant 384 : i32
      %dma_start3A_125 = tpu.memref_slice %arg5[%dma_start3A_124] : memref<640xi32, #tpu.memory_space<vmem>> -> memref<128xi32, #tpu.memory_space<vmem>>
      %dma_start3A_126 = tpu.memref_slice %arg3[%add3A_10] : memref<20480xi32, #tpu.memory_space<hbm>> -> memref<128xi32, #tpu.memory_space<hbm>>
      tpu.enqueue_dma source(%dma_start3A_126 : memref<128xi32, #tpu.memory_space<hbm>>) target(%dma_start3A_125 : memref<128xi32, #tpu.memory_space<vmem>>) target_semaphore(%run_scoped3A : memref<!tpu.dma_semaphore, #tpu.memory_space<semaphore_mem>>)
      %dma_wait3A_127 = arith.constant 384 : i32
      %dma_wait3A_128 = tpu.memref_slice %arg5[%dma_wait3A_127] : memref<640xi32, #tpu.memory_space<vmem>> -> memref<128xi32, #tpu.memory_space<vmem>>
      %dma_wait3A_129 = tpu.memref_slice %arg3[%add3A_10] : memref<20480xi32, #tpu.memory_space<hbm>> -> memref<128xi32, #tpu.memory_space<hbm>>
      %dma_wait3A_130 = arith.constant 384 : i32
      %dma_wait3A_131 = tpu.memref_slice %arg5[%dma_wait3A_130] : memref<640xi32, #tpu.memory_space<vmem>> -> memref<128xi32, #tpu.memory_space<vmem>>
      %dma_wait3A_132 = tpu.memref_slice %arg3[%add3A_10] : memref<20480xi32, #tpu.memory_space<hbm>> -> memref<128xi32, #tpu.memory_space<hbm>>
      tpu.wait_dma2 semaphore(%run_scoped3A : memref<!tpu.dma_semaphore, #tpu.memory_space<semaphore_mem>>) src(%dma_wait3A_132 : memref<128xi32, #tpu.memory_space<hbm>>) dst(%dma_wait3A_131 : memref<128xi32, #tpu.memory_space<vmem>>)
      tpu.yield
    }) : () -> ()
    %add3A_11 = arith.constant 16384 : i32
    %add3A_12 = arith.addi %add3A_11, %mul3A_2 : i32
    "tpu.region"() ({
      %run_scoped3A = tpu.sem_alloc : memref<!tpu.dma_semaphore, #tpu.memory_space<semaphore_mem>>
      %dma_start3A_121 = arith.constant 512 : i32
      %dma_start3A_122 = tpu.memref_slice %arg5[%dma_start3A_121] : memref<640xi32, #tpu.memory_space<vmem>> -> memref<128xi32, #tpu.memory_space<vmem>>
      %dma_start3A_123 = tpu.memref_slice %arg3[%add3A_12] : memref<20480xi32, #tpu.memory_space<hbm>> -> memref<128xi32, #tpu.memory_space<hbm>>
      %dma_start3A_124 = arith.constant 512 : i32
      %dma_start3A_125 = tpu.memref_slice %arg5[%dma_start3A_124] : memref<640xi32, #tpu.memory_space<vmem>> -> memref<128xi32, #tpu.memory_space<vmem>>
      %dma_start3A_126 = tpu.memref_slice %arg3[%add3A_12] : memref<20480xi32, #tpu.memory_space<hbm>> -> memref<128xi32, #tpu.memory_space<hbm>>
      tpu.enqueue_dma source(%dma_start3A_126 : memref<128xi32, #tpu.memory_space<hbm>>) target(%dma_start3A_125 : memref<128xi32, #tpu.memory_space<vmem>>) target_semaphore(%run_scoped3A : memref<!tpu.dma_semaphore, #tpu.memory_space<semaphore_mem>>)
      %dma_wait3A_127 = arith.constant 512 : i32
      %dma_wait3A_128 = tpu.memref_slice %arg5[%dma_wait3A_127] : memref<640xi32, #tpu.memory_space<vmem>> -> memref<128xi32, #tpu.memory_space<vmem>>
      %dma_wait3A_129 = tpu.memref_slice %arg3[%add3A_12] : memref<20480xi32, #tpu.memory_space<hbm>> -> memref<128xi32, #tpu.memory_space<hbm>>
      %dma_wait3A_130 = arith.constant 512 : i32
      %dma_wait3A_131 = tpu.memref_slice %arg5[%dma_wait3A_130] : memref<640xi32, #tpu.memory_space<vmem>> -> memref<128xi32, #tpu.memory_space<vmem>>
      %dma_wait3A_132 = tpu.memref_slice %arg3[%add3A_12] : memref<20480xi32, #tpu.memory_space<hbm>> -> memref<128xi32, #tpu.memory_space<hbm>>
      tpu.wait_dma2 semaphore(%run_scoped3A : memref<!tpu.dma_semaphore, #tpu.memory_space<semaphore_mem>>) src(%dma_wait3A_132 : memref<128xi32, #tpu.memory_space<hbm>>) dst(%dma_wait3A_131 : memref<128xi32, #tpu.memory_space<vmem>>)
      tpu.yield
    }) : () -> ()
    %dma_start3A = arith.constant 0 : i32
    %dma_start3A_13 = tpu.memref_slice %arg5[%dma_start3A] : memref<640xi32, #tpu.memory_space<vmem>> -> memref<128xi32, #tpu.memory_space<vmem>>
    %dma_start3A_14 = arith.constant 0 : i32
    %dma_start3A_15 = arith.constant 0 : i32
    %dma_start3A_16 = tpu.memref_slice %arg2[%dma_start3A_14, %dma_start3A_15] : memref<4096x256xf32, #tpu.memory_space<hbm>> -> memref<4096x256xf32, #tpu.memory_space<hbm>>
    tpu.enqueue_indirect_dma source(%dma_start3A_16 : memref<4096x256xf32, #tpu.memory_space<hbm>>) target(%arg6 : memref<128x256xf32, #tpu.memory_space<vmem>>) offsets(%dma_start3A_13 : memref<128xi32, #tpu.memory_space<vmem>>) semaphore(%arg9 : memref<!tpu.dma_semaphore, #tpu.memory_space<semaphore_mem>>)
    %dma_start3A_17 = arith.constant 128 : i32
    %dma_start3A_18 = tpu.memref_slice %arg5[%dma_start3A_17] : memref<640xi32, #tpu.memory_space<vmem>> -> memref<128xi32, #tpu.memory_space<vmem>>
    %dma_start3A_19 = arith.constant 0 : i32
    %dma_start3A_20 = arith.constant 0 : i32
    %dma_start3A_21 = tpu.memref_slice %arg2[%dma_start3A_19, %dma_start3A_20] : memref<4096x256xf32, #tpu.memory_space<hbm>> -> memref<4096x256xf32, #tpu.memory_space<hbm>>
    tpu.enqueue_indirect_dma source(%dma_start3A_21 : memref<4096x256xf32, #tpu.memory_space<hbm>>) target(%arg7 : memref<128x256xf32, #tpu.memory_space<vmem>>) offsets(%dma_start3A_18 : memref<128xi32, #tpu.memory_space<vmem>>) semaphore(%arg10 : memref<!tpu.dma_semaphore, #tpu.memory_space<semaphore_mem>>)
    %dma_start3A_22 = arith.constant 256 : i32
    %dma_start3A_23 = tpu.memref_slice %arg5[%dma_start3A_22] : memref<640xi32, #tpu.memory_space<vmem>> -> memref<128xi32, #tpu.memory_space<vmem>>
    %dma_start3A_24 = arith.constant 0 : i32
    %dma_start3A_25 = arith.constant 0 : i32
    %dma_start3A_26 = tpu.memref_slice %arg2[%dma_start3A_24, %dma_start3A_25] : memref<4096x256xf32, #tpu.memory_space<hbm>> -> memref<4096x256xf32, #tpu.memory_space<hbm>>
    tpu.enqueue_indirect_dma source(%dma_start3A_26 : memref<4096x256xf32, #tpu.memory_space<hbm>>) target(%arg8 : memref<128x256xf32, #tpu.memory_space<vmem>>) offsets(%dma_start3A_23 : memref<128xi32, #tpu.memory_space<vmem>>) semaphore(%arg11 : memref<!tpu.dma_semaphore, #tpu.memory_space<semaphore_mem>>)
    %dma_wait3A = arith.constant 0 : i32
    %dma_wait3A_27 = tpu.memref_slice %arg5[%dma_wait3A] : memref<640xi32, #tpu.memory_space<vmem>> -> memref<128xi32, #tpu.memory_space<vmem>>
    %dma_wait3A_28 = arith.constant 0 : i32
    %dma_wait3A_29 = arith.constant 0 : i32
    %dma_wait3A_30 = tpu.memref_slice %arg2[%dma_wait3A_28, %dma_wait3A_29] : memref<4096x256xf32, #tpu.memory_space<hbm>> -> memref<4096x256xf32, #tpu.memory_space<hbm>>
    tpu.wait_indirect_dma semaphore(%arg9 : memref<!tpu.dma_semaphore, #tpu.memory_space<semaphore_mem>>) src(%dma_wait3A_30 : memref<4096x256xf32, #tpu.memory_space<hbm>>) dst(%arg6 : memref<128x256xf32, #tpu.memory_space<vmem>>)
    %add3A_31 = arith.constant 0 : i32
    %add3A_32 = arith.addi %add3A_31, %mul3A_2 : i32
    %add3A_33 = arith.constant 0 : i32
    %add3A_34 = arith.addi %add3A_32, %add3A_33 : i32
    %dma_start3A_35 = arith.constant 0 : i32
    %dma_start3A_36 = tpu.memref_slice %arg4[%add3A_34, %dma_start3A_35] : memref<20480x256xf32, #tpu.memory_space<hbm>> -> memref<128x256xf32, #tpu.memory_space<hbm>>
    %dma_start3A_37 = arith.constant 0 : i32
    %dma_start3A_38 = tpu.memref_slice %arg4[%add3A_34, %dma_start3A_37] : memref<20480x256xf32, #tpu.memory_space<hbm>> -> memref<128x256xf32, #tpu.memory_space<hbm>>
    tpu.enqueue_dma source(%arg6 : memref<128x256xf32, #tpu.memory_space<vmem>>) target(%dma_start3A_38 : memref<128x256xf32, #tpu.memory_space<hbm>>) target_semaphore(%arg12 : memref<!tpu.dma_semaphore, #tpu.memory_space<semaphore_mem>>)
    %dma_wait3A_39 = arith.constant 0 : i32
    %dma_wait3A_40 = tpu.memref_slice %arg4[%add3A_34, %dma_wait3A_39] : memref<20480x256xf32, #tpu.memory_space<hbm>> -> memref<128x256xf32, #tpu.memory_space<hbm>>
    %dma_wait3A_41 = arith.constant 0 : i32
    %dma_wait3A_42 = tpu.memref_slice %arg4[%add3A_34, %dma_wait3A_41] : memref<20480x256xf32, #tpu.memory_space<hbm>> -> memref<128x256xf32, #tpu.memory_space<hbm>>
    tpu.wait_dma2 semaphore(%arg12 : memref<!tpu.dma_semaphore, #tpu.memory_space<semaphore_mem>>) src(%arg6 : memref<128x256xf32, #tpu.memory_space<vmem>>) dst(%dma_wait3A_42 : memref<128x256xf32, #tpu.memory_space<hbm>>)
    %dma_start3A_43 = arith.constant 384 : i32
    %dma_start3A_44 = tpu.memref_slice %arg5[%dma_start3A_43] : memref<640xi32, #tpu.memory_space<vmem>> -> memref<128xi32, #tpu.memory_space<vmem>>
    %dma_start3A_45 = arith.constant 0 : i32
    %dma_start3A_46 = arith.constant 0 : i32
    %dma_start3A_47 = tpu.memref_slice %arg2[%dma_start3A_45, %dma_start3A_46] : memref<4096x256xf32, #tpu.memory_space<hbm>> -> memref<4096x256xf32, #tpu.memory_space<hbm>>
    tpu.enqueue_indirect_dma source(%dma_start3A_47 : memref<4096x256xf32, #tpu.memory_space<hbm>>) target(%arg6 : memref<128x256xf32, #tpu.memory_space<vmem>>) offsets(%dma_start3A_44 : memref<128xi32, #tpu.memory_space<vmem>>) semaphore(%arg9 : memref<!tpu.dma_semaphore, #tpu.memory_space<semaphore_mem>>)
    %dma_wait3A_48 = arith.constant 128 : i32
    %dma_wait3A_49 = tpu.memref_slice %arg5[%dma_wait3A_48] : memref<640xi32, #tpu.memory_space<vmem>> -> memref<128xi32, #tpu.memory_space<vmem>>
    %dma_wait3A_50 = arith.constant 0 : i32
    %dma_wait3A_51 = arith.constant 0 : i32
    %dma_wait3A_52 = tpu.memref_slice %arg2[%dma_wait3A_50, %dma_wait3A_51] : memref<4096x256xf32, #tpu.memory_space<hbm>> -> memref<4096x256xf32, #tpu.memory_space<hbm>>
    tpu.wait_indirect_dma semaphore(%arg10 : memref<!tpu.dma_semaphore, #tpu.memory_space<semaphore_mem>>) src(%dma_wait3A_52 : memref<4096x256xf32, #tpu.memory_space<hbm>>) dst(%arg7 : memref<128x256xf32, #tpu.memory_space<vmem>>)
    %add3A_53 = arith.constant 4096 : i32
    %add3A_54 = arith.addi %add3A_53, %mul3A_2 : i32
    %add3A_55 = arith.constant 0 : i32
    %add3A_56 = arith.addi %add3A_54, %add3A_55 : i32
    %dma_start3A_57 = arith.constant 0 : i32
    %dma_start3A_58 = tpu.memref_slice %arg4[%add3A_56, %dma_start3A_57] : memref<20480x256xf32, #tpu.memory_space<hbm>> -> memref<128x256xf32, #tpu.memory_space<hbm>>
    %dma_start3A_59 = arith.constant 0 : i32
    %dma_start3A_60 = tpu.memref_slice %arg4[%add3A_56, %dma_start3A_59] : memref<20480x256xf32, #tpu.memory_space<hbm>> -> memref<128x256xf32, #tpu.memory_space<hbm>>
    tpu.enqueue_dma source(%arg7 : memref<128x256xf32, #tpu.memory_space<vmem>>) target(%dma_start3A_60 : memref<128x256xf32, #tpu.memory_space<hbm>>) target_semaphore(%arg13 : memref<!tpu.dma_semaphore, #tpu.memory_space<semaphore_mem>>)
    %dma_wait3A_61 = arith.constant 0 : i32
    %dma_wait3A_62 = tpu.memref_slice %arg4[%add3A_56, %dma_wait3A_61] : memref<20480x256xf32, #tpu.memory_space<hbm>> -> memref<128x256xf32, #tpu.memory_space<hbm>>
    %dma_wait3A_63 = arith.constant 0 : i32
    %dma_wait3A_64 = tpu.memref_slice %arg4[%add3A_56, %dma_wait3A_63] : memref<20480x256xf32, #tpu.memory_space<hbm>> -> memref<128x256xf32, #tpu.memory_space<hbm>>
    tpu.wait_dma2 semaphore(%arg13 : memref<!tpu.dma_semaphore, #tpu.memory_space<semaphore_mem>>) src(%arg7 : memref<128x256xf32, #tpu.memory_space<vmem>>) dst(%dma_wait3A_64 : memref<128x256xf32, #tpu.memory_space<hbm>>)
    %dma_start3A_65 = arith.constant 512 : i32
    %dma_start3A_66 = tpu.memref_slice %arg5[%dma_start3A_65] : memref<640xi32, #tpu.memory_space<vmem>> -> memref<128xi32, #tpu.memory_space<vmem>>
    %dma_start3A_67 = arith.constant 0 : i32
    %dma_start3A_68 = arith.constant 0 : i32
    %dma_start3A_69 = tpu.memref_slice %arg2[%dma_start3A_67, %dma_start3A_68] : memref<4096x256xf32, #tpu.memory_space<hbm>> -> memref<4096x256xf32, #tpu.memory_space<hbm>>
    tpu.enqueue_indirect_dma source(%dma_start3A_69 : memref<4096x256xf32, #tpu.memory_space<hbm>>) target(%arg7 : memref<128x256xf32, #tpu.memory_space<vmem>>) offsets(%dma_start3A_66 : memref<128xi32, #tpu.memory_space<vmem>>) semaphore(%arg10 : memref<!tpu.dma_semaphore, #tpu.memory_space<semaphore_mem>>)
    %dma_wait3A_70 = arith.constant 256 : i32
    %dma_wait3A_71 = tpu.memref_slice %arg5[%dma_wait3A_70] : memref<640xi32, #tpu.memory_space<vmem>> -> memref<128xi32, #tpu.memory_space<vmem>>
    %dma_wait3A_72 = arith.constant 0 : i32
    %dma_wait3A_73 = arith.constant 0 : i32
    %dma_wait3A_74 = tpu.memref_slice %arg2[%dma_wait3A_72, %dma_wait3A_73] : memref<4096x256xf32, #tpu.memory_space<hbm>> -> memref<4096x256xf32, #tpu.memory_space<hbm>>
    tpu.wait_indirect_dma semaphore(%arg11 : memref<!tpu.dma_semaphore, #tpu.memory_space<semaphore_mem>>) src(%dma_wait3A_74 : memref<4096x256xf32, #tpu.memory_space<hbm>>) dst(%arg8 : memref<128x256xf32, #tpu.memory_space<vmem>>)
    %add3A_75 = arith.constant 8192 : i32
    %add3A_76 = arith.addi %add3A_75, %mul3A_2 : i32
    %add3A_77 = arith.constant 0 : i32
    %add3A_78 = arith.addi %add3A_76, %add3A_77 : i32
    %dma_start3A_79 = arith.constant 0 : i32
    %dma_start3A_80 = tpu.memref_slice %arg4[%add3A_78, %dma_start3A_79] : memref<20480x256xf32, #tpu.memory_space<hbm>> -> memref<128x256xf32, #tpu.memory_space<hbm>>
    %dma_start3A_81 = arith.constant 0 : i32
    %dma_start3A_82 = tpu.memref_slice %arg4[%add3A_78, %dma_start3A_81] : memref<20480x256xf32, #tpu.memory_space<hbm>> -> memref<128x256xf32, #tpu.memory_space<hbm>>
    tpu.enqueue_dma source(%arg8 : memref<128x256xf32, #tpu.memory_space<vmem>>) target(%dma_start3A_82 : memref<128x256xf32, #tpu.memory_space<hbm>>) target_semaphore(%arg14 : memref<!tpu.dma_semaphore, #tpu.memory_space<semaphore_mem>>)
    %dma_wait3A_83 = arith.constant 384 : i32
    %dma_wait3A_84 = tpu.memref_slice %arg5[%dma_wait3A_83] : memref<640xi32, #tpu.memory_space<vmem>> -> memref<128xi32, #tpu.memory_space<vmem>>
    %dma_wait3A_85 = arith.constant 0 : i32
    %dma_wait3A_86 = arith.constant 0 : i32
    %dma_wait3A_87 = tpu.memref_slice %arg2[%dma_wait3A_85, %dma_wait3A_86] : memref<4096x256xf32, #tpu.memory_space<hbm>> -> memref<4096x256xf32, #tpu.memory_space<hbm>>
    tpu.wait_indirect_dma semaphore(%arg9 : memref<!tpu.dma_semaphore, #tpu.memory_space<semaphore_mem>>) src(%dma_wait3A_87 : memref<4096x256xf32, #tpu.memory_space<hbm>>) dst(%arg6 : memref<128x256xf32, #tpu.memory_space<vmem>>)
    %add3A_88 = arith.constant 12288 : i32
    %add3A_89 = arith.addi %add3A_88, %mul3A_2 : i32
    %add3A_90 = arith.constant 0 : i32
    %add3A_91 = arith.addi %add3A_89, %add3A_90 : i32
    %dma_start3A_92 = arith.constant 0 : i32
    %dma_start3A_93 = tpu.memref_slice %arg4[%add3A_91, %dma_start3A_92] : memref<20480x256xf32, #tpu.memory_space<hbm>> -> memref<128x256xf32, #tpu.memory_space<hbm>>
    %dma_start3A_94 = arith.constant 0 : i32
    %dma_start3A_95 = tpu.memref_slice %arg4[%add3A_91, %dma_start3A_94] : memref<20480x256xf32, #tpu.memory_space<hbm>> -> memref<128x256xf32, #tpu.memory_space<hbm>>
    tpu.enqueue_dma source(%arg6 : memref<128x256xf32, #tpu.memory_space<vmem>>) target(%dma_start3A_95 : memref<128x256xf32, #tpu.memory_space<hbm>>) target_semaphore(%arg12 : memref<!tpu.dma_semaphore, #tpu.memory_space<semaphore_mem>>)
    %dma_wait3A_96 = arith.constant 512 : i32
    %dma_wait3A_97 = tpu.memref_slice %arg5[%dma_wait3A_96] : memref<640xi32, #tpu.memory_space<vmem>> -> memref<128xi32, #tpu.memory_space<vmem>>
    %dma_wait3A_98 = arith.constant 0 : i32
    %dma_wait3A_99 = arith.constant 0 : i32
    %dma_wait3A_100 = tpu.memref_slice %arg2[%dma_wait3A_98, %dma_wait3A_99] : memref<4096x256xf32, #tpu.memory_space<hbm>> -> memref<4096x256xf32, #tpu.memory_space<hbm>>
    tpu.wait_indirect_dma semaphore(%arg10 : memref<!tpu.dma_semaphore, #tpu.memory_space<semaphore_mem>>) src(%dma_wait3A_100 : memref<4096x256xf32, #tpu.memory_space<hbm>>) dst(%arg7 : memref<128x256xf32, #tpu.memory_space<vmem>>)
    %add3A_101 = arith.constant 16384 : i32
    %add3A_102 = arith.addi %add3A_101, %mul3A_2 : i32
    %add3A_103 = arith.constant 0 : i32
    %add3A_104 = arith.addi %add3A_102, %add3A_103 : i32
    %dma_start3A_105 = arith.constant 0 : i32
    %dma_start3A_106 = tpu.memref_slice %arg4[%add3A_104, %dma_start3A_105] : memref<20480x256xf32, #tpu.memory_space<hbm>> -> memref<128x256xf32, #tpu.memory_space<hbm>>
    %dma_start3A_107 = arith.constant 0 : i32
    %dma_start3A_108 = tpu.memref_slice %arg4[%add3A_104, %dma_start3A_107] : memref<20480x256xf32, #tpu.memory_space<hbm>> -> memref<128x256xf32, #tpu.memory_space<hbm>>
    tpu.enqueue_dma source(%arg7 : memref<128x256xf32, #tpu.memory_space<vmem>>) target(%dma_start3A_108 : memref<128x256xf32, #tpu.memory_space<hbm>>) target_semaphore(%arg13 : memref<!tpu.dma_semaphore, #tpu.memory_space<semaphore_mem>>)
    %dma_wait3A_109 = arith.constant 0 : i32
    %dma_wait3A_110 = tpu.memref_slice %arg4[%add3A_78, %dma_wait3A_109] : memref<20480x256xf32, #tpu.memory_space<hbm>> -> memref<128x256xf32, #tpu.memory_space<hbm>>
    %dma_wait3A_111 = arith.constant 0 : i32
    %dma_wait3A_112 = tpu.memref_slice %arg4[%add3A_78, %dma_wait3A_111] : memref<20480x256xf32, #tpu.memory_space<hbm>> -> memref<128x256xf32, #tpu.memory_space<hbm>>
    tpu.wait_dma2 semaphore(%arg14 : memref<!tpu.dma_semaphore, #tpu.memory_space<semaphore_mem>>) src(%arg8 : memref<128x256xf32, #tpu.memory_space<vmem>>) dst(%dma_wait3A_112 : memref<128x256xf32, #tpu.memory_space<hbm>>)
    %dma_wait3A_113 = arith.constant 0 : i32
    %dma_wait3A_114 = tpu.memref_slice %arg4[%add3A_91, %dma_wait3A_113] : memref<20480x256xf32, #tpu.memory_space<hbm>> -> memref<128x256xf32, #tpu.memory_space<hbm>>
    %dma_wait3A_115 = arith.constant 0 : i32
    %dma_wait3A_116 = tpu.memref_slice %arg4[%add3A_91, %dma_wait3A_115] : memref<20480x256xf32, #tpu.memory_space<hbm>> -> memref<128x256xf32, #tpu.memory_space<hbm>>
    tpu.wait_dma2 semaphore(%arg12 : memref<!tpu.dma_semaphore, #tpu.memory_space<semaphore_mem>>) src(%arg6 : memref<128x256xf32, #tpu.memory_space<vmem>>) dst(%dma_wait3A_116 : memref<128x256xf32, #tpu.memory_space<hbm>>)
    %dma_wait3A_117 = arith.constant 0 : i32
    %dma_wait3A_118 = tpu.memref_slice %arg4[%add3A_104, %dma_wait3A_117] : memref<20480x256xf32, #tpu.memory_space<hbm>> -> memref<128x256xf32, #tpu.memory_space<hbm>>
    %dma_wait3A_119 = arith.constant 0 : i32
    %dma_wait3A_120 = tpu.memref_slice %arg4[%add3A_104, %dma_wait3A_119] : memref<20480x256xf32, #tpu.memory_space<hbm>> -> memref<128x256xf32, #tpu.memory_space<hbm>>
    tpu.wait_dma2 semaphore(%arg13 : memref<!tpu.dma_semaphore, #tpu.memory_space<semaphore_mem>>) src(%arg7 : memref<128x256xf32, #tpu.memory_space<vmem>>) dst(%dma_wait3A_120 : memref<128x256xf32, #tpu.memory_space<hbm>>)
    return
  }
}

module attributes {stable_mosaic.version = 14 : i64} {
  func.func @_fin_body(%arg0: i32, %arg1: memref<512x256xf32, #tpu.memory_space<vmem>>, %arg2: memref<512x256xf32, #tpu.memory_space<vmem>>, %arg3: memref<16x256xf32, #tpu.memory_space<vmem>>, %arg4: memref<16x256xf32, #tpu.memory_space<vmem>>, %arg5: memref<1x256xf32, #tpu.memory_space<vmem>>, %arg6: memref<1x256xf32, #tpu.memory_space<vmem>>, %arg7: memref<512x256xf32, #tpu.memory_space<vmem>>) attributes {dimension_semantics = [#tpu.dimension_semantics<arbitrary>], iteration_bounds = array<i64: 8>, scalar_prefetch = 0 : i64, scratch_operands = 0 : i64, tpu.core_type = #tpu.core_type<tc>, window_params = [{transform_indices = @transform_0, window_bounds = array<i64: 512, 256>}, {transform_indices = @transform_1, window_bounds = array<i64: 512, 256>}, {pipeline_mode = #tpu.pipeline_mode<synchronous>, transform_indices = @transform_2, window_bounds = array<i64: 16, 256>}, {pipeline_mode = #tpu.pipeline_mode<synchronous>, transform_indices = @transform_3, window_bounds = array<i64: 16, 256>}, {pipeline_mode = #tpu.pipeline_mode<synchronous>, transform_indices = @transform_4, window_bounds = array<i64: 1, 256>}, {pipeline_mode = #tpu.pipeline_mode<synchronous>, transform_indices = @transform_5, window_bounds = array<i64: 1, 256>}, {transform_indices = @transform_6, window_bounds = array<i64: 512, 256>}]} {
    %get3A = arith.constant 0 : index
    %get3A_0 = arith.constant 0 : index
    %get3A_1 = vector.load %arg3[%get3A, %get3A_0] : memref<16x256xf32, #tpu.memory_space<vmem>>, vector<16x256xf32>
    %reduce_sum3A = arith.constant dense<0.000000e+00> : vector<256xf32>
    %reduce_sum3A_2 = vector.multi_reduction <add>, %get3A_1, %reduce_sum3A [0] : vector<16x256xf32> to vector<256xf32>
    %broadcast_in_dim3A = vector.shape_cast %reduce_sum3A_2 : vector<256xf32> to vector<1x256xf32>
    %get3A_3 = arith.constant 0 : index
    %get3A_4 = arith.constant 0 : index
    %get3A_5 = vector.load %arg4[%get3A_3, %get3A_4] : memref<16x256xf32, #tpu.memory_space<vmem>>, vector<16x256xf32>
    %reduce_sum3A_6 = arith.constant dense<0.000000e+00> : vector<256xf32>
    %reduce_sum3A_7 = vector.multi_reduction <add>, %get3A_5, %reduce_sum3A_6 [0] : vector<16x256xf32> to vector<256xf32>
    %broadcast_in_dim3A_8 = vector.shape_cast %reduce_sum3A_7 : vector<256xf32> to vector<1x256xf32>
    %mul3A = arith.constant 2.44140629E-5 : f32
    %mul3A_9 = vector.broadcast %mul3A : f32 to vector<1x256xf32>
    %mul3A_10 = arith.mulf %broadcast_in_dim3A, %mul3A_9 : vector<1x256xf32>
    %mul3A_11 = arith.constant 2.44140629E-5 : f32
    %mul3A_12 = vector.broadcast %mul3A_11 : f32 to vector<1x256xf32>
    %mul3A_13 = arith.mulf %broadcast_in_dim3A_8, %mul3A_12 : vector<1x256xf32>
    %mul3A_14 = arith.mulf %mul3A_10, %mul3A_10 : vector<1x256xf32>
    %sub3A = arith.subf %mul3A_13, %mul3A_14 : vector<1x256xf32>
    %add3A = arith.constant 9.99999974E-6 : f32
    %add3A_15 = vector.broadcast %add3A : f32 to vector<1x256xf32>
    %add3A_16 = arith.addf %sub3A, %add3A_15 : vector<1x256xf32>
    %rsqrt3A = math.rsqrt %add3A_16 : vector<1x256xf32>
    %get3A_17 = arith.constant 0 : index
    %get3A_18 = arith.constant 0 : index
    %get3A_19 = vector.load %arg5[%get3A_17, %get3A_18] : memref<1x256xf32, #tpu.memory_space<vmem>>, vector<1x256xf32>
    %mul3A_20 = arith.mulf %get3A_19, %rsqrt3A : vector<1x256xf32>
    %get3A_21 = arith.constant 0 : index
    %get3A_22 = arith.constant 0 : index
    %get3A_23 = vector.load %arg6[%get3A_21, %get3A_22] : memref<1x256xf32, #tpu.memory_space<vmem>>, vector<1x256xf32>
    %mul3A_24 = arith.mulf %mul3A_10, %mul3A_20 : vector<1x256xf32>
    %sub3A_25 = arith.subf %get3A_23, %mul3A_24 : vector<1x256xf32>
    %ge3A = arith.constant 0.000000e+00 : f32
    %ge3A_26 = vector.broadcast %ge3A : f32 to vector<1x256xf32>
    %ge3A_27 = arith.cmpf oge, %get3A_19, %ge3A_26 : vector<1x256xf32>
    %get3A_28 = arith.constant 0 : index
    %get3A_29 = arith.constant 0 : index
    %get3A_30 = vector.load %arg1[%get3A_28, %get3A_29] : memref<512x256xf32, #tpu.memory_space<vmem>>, vector<512x256xf32>
    %get3A_31 = arith.constant 0 : index
    %get3A_32 = arith.constant 0 : index
    %get3A_33 = vector.load %arg2[%get3A_31, %get3A_32] : memref<512x256xf32, #tpu.memory_space<vmem>>, vector<512x256xf32>
    %broadcast_in_dim3A_34 = vector.shape_cast %ge3A_27 : vector<1x256xi1> to vector<1x256xi1>
    %broadcast_in_dim3A_35 = vector.broadcast %broadcast_in_dim3A_34 : vector<1x256xi1> to vector<512x256xi1>
    %select_n3A = arith.select %broadcast_in_dim3A_35, %get3A_30, %get3A_33 : vector<512x256xi1>, vector<512x256xf32>
    %mul3A_36 = vector.broadcast %mul3A_20 : vector<1x256xf32> to vector<512x256xf32>
    %mul3A_37 = arith.mulf %select_n3A, %mul3A_36 : vector<512x256xf32>
    %add3A_38 = vector.broadcast %sub3A_25 : vector<1x256xf32> to vector<512x256xf32>
    %add3A_39 = arith.addf %mul3A_37, %add3A_38 : vector<512x256xf32>
    %ge3A_40 = arith.constant 0.000000e+00 : f32
    %ge3A_41 = vector.broadcast %ge3A_40 : f32 to vector<512x256xf32>
    %ge3A_42 = arith.cmpf oge, %add3A_39, %ge3A_41 : vector<512x256xf32>
    %mul3A_43 = arith.constant 2.000000e-01 : f32
    %mul3A_44 = vector.broadcast %mul3A_43 : f32 to vector<512x256xf32>
    %mul3A_45 = arith.mulf %mul3A_44, %add3A_39 : vector<512x256xf32>
    %select_n3A_46 = arith.select %ge3A_42, %add3A_39, %mul3A_45 : vector<512x256xi1>, vector<512x256xf32>
    %swap3A = arith.constant 0 : index
    %swap3A_47 = arith.constant 0 : index
    %swap3A_48 = vector.load %arg7[%swap3A, %swap3A_47] : memref<512x256xf32, #tpu.memory_space<vmem>>, vector<512x256xf32>
    tpu.vector_store %arg7[%swap3A, %swap3A_47], %select_n3A_46 {strides = array<i32>} : memref<512x256xf32, #tpu.memory_space<vmem>>, vector<512x256xf32>,
    return
  }
  func.func @transform_0(%arg0: i32) -> (i32, i32) {
    %c0_i32 = arith.constant 0 : i32
    %c0_i32_0 = arith.constant 0 : i32
    return %arg0, %c0_i32 : i32, i32
  }
  func.func @transform_1(%arg0: i32) -> (i32, i32) {
    %c0_i32 = arith.constant 0 : i32
    %c0_i32_0 = arith.constant 0 : i32
    return %arg0, %c0_i32 : i32, i32
  }
  func.func @transform_2(%arg0: i32) -> (i32, i32) {
    %c0_i32 = arith.constant 0 : i32
    %c0_i32_0 = arith.constant 0 : i32
    %c0_i32_1 = arith.constant 0 : i32
    return %c0_i32, %c0_i32_0 : i32, i32
  }
  func.func @transform_3(%arg0: i32) -> (i32, i32) {
    %c0_i32 = arith.constant 0 : i32
    %c0_i32_0 = arith.constant 0 : i32
    %c0_i32_1 = arith.constant 0 : i32
    return %c0_i32, %c0_i32_0 : i32, i32
  }
  func.func @transform_4(%arg0: i32) -> (i32, i32) {
    %c0_i32 = arith.constant 0 : i32
    %c0_i32_0 = arith.constant 0 : i32
    %c0_i32_1 = arith.constant 0 : i32
    return %c0_i32, %c0_i32_0 : i32, i32
  }
  func.func @transform_5(%arg0: i32) -> (i32, i32) {
    %c0_i32 = arith.constant 0 : i32
    %c0_i32_0 = arith.constant 0 : i32
    %c0_i32_1 = arith.constant 0 : i32
    return %c0_i32, %c0_i32_0 : i32, i32
  }
  func.func @transform_6(%arg0: i32) -> (i32, i32) {
    %c0_i32 = arith.constant 0 : i32
    %c0_i32_0 = arith.constant 0 : i32
    return %arg0, %c0_i32 : i32, i32
  }
}

module attributes {stable_mosaic.version = 14 : i64} {
  func.func @_conv_body(%arg0: i32, %arg1: memref<5x512x256xf32, #tpu.memory_space<vmem>>, %arg2: memref<512x256xf32, #tpu.memory_space<vmem>>, %arg3: memref<512x256xf32, #tpu.memory_space<vmem>>, %arg4: memref<256x256xf32, #tpu.memory_space<vmem>>, %arg5: memref<512x256xf32, #tpu.memory_space<vmem>>, %arg6: memref<512x256xf32, #tpu.memory_space<vmem>>, %arg7: memref<1x1x256xf32, #tpu.memory_space<vmem>>, %arg8: memref<1x1x256xf32, #tpu.memory_space<vmem>>) attributes {dimension_semantics = [#tpu.dimension_semantics<arbitrary>], iteration_bounds = array<i64: 8>, scalar_prefetch = 0 : i64, scratch_operands = 0 : i64, tpu.core_type = #tpu.core_type<tc>, window_params = [{transform_indices = @transform_0, window_bounds = array<i64: 5, 512, 256>}, {transform_indices = @transform_1, window_bounds = array<i64: 512, 256>}, {transform_indices = @transform_2, window_bounds = array<i64: 512, 256>}, {transform_indices = @transform_3, window_bounds = array<i64: 256, 256>}, {transform_indices = @transform_4, window_bounds = array<i64: 512, 256>}, {transform_indices = @transform_5, window_bounds = array<i64: 512, 256>}, {transform_indices = @transform_6, window_bounds = array<i64: 1, 1, 256>}, {transform_indices = @transform_7, window_bounds = array<i64: 1, 1, 256>}]} {
    %get3A = arith.constant 0 : index
    %get3A_0 = arith.constant 0 : index
    %get3A_1 = vector.load %arg2[%get3A, %get3A_0] : memref<512x256xf32, #tpu.memory_space<vmem>>, vector<512x256xf32>
    %get3A_2 = arith.constant 0 : index
    %get3A_3 = arith.constant 0 : index
    %get3A_4 = vector.load %arg3[%get3A_2, %get3A_3] : memref<512x256xf32, #tpu.memory_space<vmem>>, vector<512x256xf32>
    %get3A_5 = arith.constant 0 : index
    %get3A_6 = arith.constant 0 : index
    %get3A_7 = vector.load %arg4[%get3A_5, %get3A_6] : memref<256x256xf32, #tpu.memory_space<vmem>>, vector<256x256xf32>
    %get3A_8 = arith.constant 0 : index
    %get3A_9 = arith.constant 0 : index
    %get3A_10 = arith.constant 0 : index
    %get3A_11 = vector.load %arg1[%get3A_8, %get3A_9, %get3A_10] : memref<5x512x256xf32, #tpu.memory_space<vmem>>, vector<1x512x256xf32>
    %get3A_12 = vector.shape_cast %get3A_11 : vector<1x512x256xf32> to vector<512x256xf32>
    %sub3A = arith.subf %get3A_12, %get3A_1 : vector<512x256xf32>
    %dot_general3A = arith.constant dense<0.000000e+00> : vector<512x256xf32>
    %dot_general3A_13 = tpu.matmul %sub3A, %get3A_7, %dot_general3A {dimension_numbers = #tpu.dot_dimension_numbers<[1], [1], [0], [0], [0, 0, 1, 0], [], []>, transpose_lhs_hint = false} : vector<512x256xf32>, vector<256x256xf32>, vector<512x256xf32> -> vector<512x256xf32>
    %add3A = arith.addf %dot_general3A_13, %get3A_4 : vector<512x256xf32>
    %mul3A = arith.mulf %add3A, %add3A : vector<512x256xf32>
    %get3A_14 = arith.constant 1 : index
    %get3A_15 = arith.constant 0 : index
    %get3A_16 = arith.constant 0 : index
    %get3A_17 = vector.load %arg1[%get3A_14, %get3A_15, %get3A_16] : memref<5x512x256xf32, #tpu.memory_space<vmem>>, vector<1x512x256xf32>
    %get3A_18 = vector.shape_cast %get3A_17 : vector<1x512x256xf32> to vector<512x256xf32>
    %sub3A_19 = arith.subf %get3A_18, %get3A_1 : vector<512x256xf32>
    %dot_general3A_20 = arith.constant dense<0.000000e+00> : vector<512x256xf32>
    %dot_general3A_21 = tpu.matmul %sub3A_19, %get3A_7, %dot_general3A_20 {dimension_numbers = #tpu.dot_dimension_numbers<[1], [1], [0], [0], [0, 0, 1, 0], [], []>, transpose_lhs_hint = false} : vector<512x256xf32>, vector<256x256xf32>, vector<512x256xf32> -> vector<512x256xf32>
    %add3A_22 = arith.addf %dot_general3A_21, %get3A_4 : vector<512x256xf32>
    %max3A = arith.maximumf %add3A, %add3A_22 : vector<512x256xf32>
    %min3A = arith.minimumf %add3A, %add3A_22 : vector<512x256xf32>
    %add3A_23 = arith.addf %add3A, %add3A_22 : vector<512x256xf32>
    %mul3A_24 = arith.mulf %add3A_22, %add3A_22 : vector<512x256xf32>
    %add3A_25 = arith.addf %mul3A, %mul3A_24 : vector<512x256xf32>
    %get3A_26 = arith.constant 2 : index
    %get3A_27 = arith.constant 0 : index
    %get3A_28 = arith.constant 0 : index
    %get3A_29 = vector.load %arg1[%get3A_26, %get3A_27, %get3A_28] : memref<5x512x256xf32, #tpu.memory_space<vmem>>, vector<1x512x256xf32>
    %get3A_30 = vector.shape_cast %get3A_29 : vector<1x512x256xf32> to vector<512x256xf32>
    %sub3A_31 = arith.subf %get3A_30, %get3A_1 : vector<512x256xf32>
    %dot_general3A_32 = arith.constant dense<0.000000e+00> : vector<512x256xf32>
    %dot_general3A_33 = tpu.matmul %sub3A_31, %get3A_7, %dot_general3A_32 {dimension_numbers = #tpu.dot_dimension_numbers<[1], [1], [0], [0], [0, 0, 1, 0], [], []>, transpose_lhs_hint = false} : vector<512x256xf32>, vector<256x256xf32>, vector<512x256xf32> -> vector<512x256xf32>
    %add3A_34 = arith.addf %dot_general3A_33, %get3A_4 : vector<512x256xf32>
    %max3A_35 = arith.maximumf %max3A, %add3A_34 : vector<512x256xf32>
    %min3A_36 = arith.minimumf %min3A, %add3A_34 : vector<512x256xf32>
    %add3A_37 = arith.addf %add3A_23, %add3A_34 : vector<512x256xf32>
    %mul3A_38 = arith.mulf %add3A_34, %add3A_34 : vector<512x256xf32>
    %add3A_39 = arith.addf %add3A_25, %mul3A_38 : vector<512x256xf32>
    %get3A_40 = arith.constant 3 : index
    %get3A_41 = arith.constant 0 : index
    %get3A_42 = arith.constant 0 : index
    %get3A_43 = vector.load %arg1[%get3A_40, %get3A_41, %get3A_42] : memref<5x512x256xf32, #tpu.memory_space<vmem>>, vector<1x512x256xf32>
    %get3A_44 = vector.shape_cast %get3A_43 : vector<1x512x256xf32> to vector<512x256xf32>
    %sub3A_45 = arith.subf %get3A_44, %get3A_1 : vector<512x256xf32>
    %dot_general3A_46 = arith.constant dense<0.000000e+00> : vector<512x256xf32>
    %dot_general3A_47 = tpu.matmul %sub3A_45, %get3A_7, %dot_general3A_46 {dimension_numbers = #tpu.dot_dimension_numbers<[1], [1], [0], [0], [0, 0, 1, 0], [], []>, transpose_lhs_hint = false} : vector<512x256xf32>, vector<256x256xf32>, vector<512x256xf32> -> vector<512x256xf32>
    %add3A_48 = arith.addf %dot_general3A_47, %get3A_4 : vector<512x256xf32>
    %max3A_49 = arith.maximumf %max3A_35, %add3A_48 : vector<512x256xf32>
    %min3A_50 = arith.minimumf %min3A_36, %add3A_48 : vector<512x256xf32>
    %add3A_51 = arith.addf %add3A_37, %add3A_48 : vector<512x256xf32>
    %mul3A_52 = arith.mulf %add3A_48, %add3A_48 : vector<512x256xf32>
    %add3A_53 = arith.addf %add3A_39, %mul3A_52 : vector<512x256xf32>
    %get3A_54 = arith.constant 4 : index
    %get3A_55 = arith.constant 0 : index
    %get3A_56 = arith.constant 0 : index
    %get3A_57 = vector.load %arg1[%get3A_54, %get3A_55, %get3A_56] : memref<5x512x256xf32, #tpu.memory_space<vmem>>, vector<1x512x256xf32>
    %get3A_58 = vector.shape_cast %get3A_57 : vector<1x512x256xf32> to vector<512x256xf32>
    %sub3A_59 = arith.subf %get3A_58, %get3A_1 : vector<512x256xf32>
    %dot_general3A_60 = arith.constant dense<0.000000e+00> : vector<512x256xf32>
    %dot_general3A_61 = tpu.matmul %sub3A_59, %get3A_7, %dot_general3A_60 {dimension_numbers = #tpu.dot_dimension_numbers<[1], [1], [0], [0], [0, 0, 1, 0], [], []>, transpose_lhs_hint = false} : vector<512x256xf32>, vector<256x256xf32>, vector<512x256xf32> -> vector<512x256xf32>
    %add3A_62 = arith.addf %dot_general3A_61, %get3A_4 : vector<512x256xf32>
    %max3A_63 = arith.maximumf %max3A_49, %add3A_62 : vector<512x256xf32>
    %min3A_64 = arith.minimumf %min3A_50, %add3A_62 : vector<512x256xf32>
    %add3A_65 = arith.addf %add3A_51, %add3A_62 : vector<512x256xf32>
    %mul3A_66 = arith.mulf %add3A_62, %add3A_62 : vector<512x256xf32>
    %add3A_67 = arith.addf %add3A_53, %mul3A_66 : vector<512x256xf32>
    %swap3A = arith.constant 0 : index
    %swap3A_68 = arith.constant 0 : index
    %swap3A_69 = vector.load %arg5[%swap3A, %swap3A_68] : memref<512x256xf32, #tpu.memory_space<vmem>>, vector<512x256xf32>
    tpu.vector_store %arg5[%swap3A, %swap3A_68], %max3A_63 {strides = array<i32>} : memref<512x256xf32, #tpu.memory_space<vmem>>, vector<512x256xf32>,
    %swap3A_70 = arith.constant 0 : index
    %swap3A_71 = arith.constant 0 : index
    %swap3A_72 = vector.load %arg6[%swap3A_70, %swap3A_71] : memref<512x256xf32, #tpu.memory_space<vmem>>, vector<512x256xf32>
    tpu.vector_store %arg6[%swap3A_70, %swap3A_71], %min3A_64 {strides = array<i32>} : memref<512x256xf32, #tpu.memory_space<vmem>>, vector<512x256xf32>,
    %reduce_sum3A = arith.constant dense<0.000000e+00> : vector<256xf32>
    %reduce_sum3A_73 = vector.multi_reduction <add>, %add3A_65, %reduce_sum3A [0] : vector<512x256xf32> to vector<256xf32>
    %broadcast_in_dim3A = vector.shape_cast %reduce_sum3A_73 : vector<256xf32> to vector<1x256xf32>
    %swap3A_74 = arith.constant 0 : index
    %swap3A_75 = arith.constant 0 : index
    %swap3A_76 = arith.constant 0 : index
    %swap3A_77 = vector.load %arg7[%swap3A_74, %swap3A_75, %swap3A_76] : memref<1x1x256xf32, #tpu.memory_space<vmem>>, vector<1x1x256xf32>
    %swap3A_78 = vector.shape_cast %swap3A_77 : vector<1x1x256xf32> to vector<1x256xf32>
    %swap3A_79 = vector.shape_cast %broadcast_in_dim3A : vector<1x256xf32> to vector<1x1x256xf32>
    tpu.vector_store %arg7[%swap3A_74, %swap3A_75, %swap3A_76], %swap3A_79 {strides = array<i32>} : memref<1x1x256xf32, #tpu.memory_space<vmem>>, vector<1x1x256xf32>,
    %reduce_sum3A_80 = arith.constant dense<0.000000e+00> : vector<256xf32>
    %reduce_sum3A_81 = vector.multi_reduction <add>, %add3A_67, %reduce_sum3A_80 [0] : vector<512x256xf32> to vector<256xf32>
    %broadcast_in_dim3A_82 = vector.shape_cast %reduce_sum3A_81 : vector<256xf32> to vector<1x256xf32>
    %swap3A_83 = arith.constant 0 : index
    %swap3A_84 = arith.constant 0 : index
    %swap3A_85 = arith.constant 0 : index
    %swap3A_86 = vector.load %arg8[%swap3A_83, %swap3A_84, %swap3A_85] : memref<1x1x256xf32, #tpu.memory_space<vmem>>, vector<1x1x256xf32>
    %swap3A_87 = vector.shape_cast %swap3A_86 : vector<1x1x256xf32> to vector<1x256xf32>
    %swap3A_88 = vector.shape_cast %broadcast_in_dim3A_82 : vector<1x256xf32> to vector<1x1x256xf32>
    tpu.vector_store %arg8[%swap3A_83, %swap3A_84, %swap3A_85], %swap3A_88 {strides = array<i32>} : memref<1x1x256xf32, #tpu.memory_space<vmem>>, vector<1x1x256xf32>,
    return
  }
  func.func @transform_0(%arg0: i32) -> (i32, i32, i32) {
    %c0_i32 = arith.constant 0 : i32
    %c0_i32_0 = arith.constant 0 : i32
    %c0_i32_1 = arith.constant 0 : i32
    return %c0_i32, %arg0, %c0_i32_0 : i32, i32, i32
  }
  func.func @transform_1(%arg0: i32) -> (i32, i32) {
    %c0_i32 = arith.constant 0 : i32
    %c0_i32_0 = arith.constant 0 : i32
    return %arg0, %c0_i32 : i32, i32
  }
  func.func @transform_2(%arg0: i32) -> (i32, i32) {
    %c0_i32 = arith.constant 0 : i32
    %c0_i32_0 = arith.constant 0 : i32
    return %arg0, %c0_i32 : i32, i32
  }
  func.func @transform_3(%arg0: i32) -> (i32, i32) {
    %c0_i32 = arith.constant 0 : i32
    %c0_i32_0 = arith.constant 0 : i32
    %c0_i32_1 = arith.constant 0 : i32
    return %c0_i32, %c0_i32_0 : i32, i32
  }
  func.func @transform_4(%arg0: i32) -> (i32, i32) {
    %c0_i32 = arith.constant 0 : i32
    %c0_i32_0 = arith.constant 0 : i32
    return %arg0, %c0_i32 : i32, i32
  }
  func.func @transform_5(%arg0: i32) -> (i32, i32) {
    %c0_i32 = arith.constant 0 : i32
    %c0_i32_0 = arith.constant 0 : i32
    return %arg0, %c0_i32 : i32, i32
  }
  func.func @transform_6(%arg0: i32) -> (i32, i32, i32) {
    %c0_i32 = arith.constant 0 : i32
    %c0_i32_0 = arith.constant 0 : i32
    %c0_i32_1 = arith.constant 0 : i32
    return %arg0, %c0_i32, %c0_i32_0 : i32, i32, i32
  }
  func.func @transform_7(%arg0: i32) -> (i32, i32, i32) {
    %c0_i32 = arith.constant 0 : i32
    %c0_i32_0 = arith.constant 0 : i32
    %c0_i32_1 = arith.constant 0 : i32
    return %arg0, %c0_i32, %c0_i32_0 : i32, i32, i32
  }
}

module attributes {stable_mosaic.version = 14 : i64} {
  func.func @_prep_body(%arg0: i32, %arg1: i32, %arg2: memref<1x2048x256xf32, #tpu.memory_space<vmem>>, %arg3: memref<256x256xf32, #tpu.memory_space<vmem>>, %arg4: memref<5x1x1x512xi32, #tpu.memory_space<vmem>>, %arg5: memref<1x512x256xf32, #tpu.memory_space<vmem>>) attributes {dimension_semantics = [#tpu.dimension_semantics<arbitrary>, #tpu.dimension_semantics<arbitrary>], iteration_bounds = array<i64: 2, 4>, scalar_prefetch = 0 : i64, scratch_operands = 0 : i64, tpu.core_type = #tpu.core_type<tc>, window_params = [{transform_indices = @transform_0, window_bounds = array<i64: 1, 2048, 256>}, {transform_indices = @transform_1, window_bounds = array<i64: 256, 256>}, {transform_indices = @transform_2, window_bounds = array<i64: 5, 1, 1, 512>}, {transform_indices = @transform_3, window_bounds = array<i64: 1, 512, 256>}]} {
    %get3A = arith.constant 0 : index
    %get3A_0 = arith.constant 0 : index
    %get3A_1 = arith.constant 0 : index
    %get3A_2 = vector.load %arg2[%get3A, %get3A_0, %get3A_1] : memref<1x2048x256xf32, #tpu.memory_space<vmem>>, vector<1x2048x256xf32>
    %get3A_3 = vector.shape_cast %get3A_2 : vector<1x2048x256xf32> to vector<2048x256xf32>
    %mul3A = arith.constant 512 : i32
    %mul3A_4 = arith.muli %arg1, %mul3A : i32
    %get3A_5 = arith.constant 0 : index
    %get3A_6 = arith.index_cast %mul3A_4 : i32 to index
    %get3A_7 = arith.constant 0 : index
    %get3A_8 = vector.load %arg2[%get3A_5, %get3A_6, %get3A_7] : memref<1x2048x256xf32, #tpu.memory_space<vmem>>, vector<1x512x256xf32>
    %get3A_9 = vector.shape_cast %get3A_8 : vector<1x512x256xf32> to vector<512x256xf32>
    %mul3A_10 = arith.mulf %get3A_3, %get3A_3 : vector<2048x256xf32>
    %reduce_sum3A = arith.constant dense<0.000000e+00> : vector<2048xf32>
    %reduce_sum3A_11 = vector.multi_reduction <add>, %mul3A_10, %reduce_sum3A [1] : vector<2048x256xf32> to vector<2048xf32>
    %reshape3A = vector.shape_cast %reduce_sum3A_11 : vector<2048xf32> to vector<1x2048xf32>
    %mul3A_12 = arith.mulf %get3A_9, %get3A_9 : vector<512x256xf32>
    %reduce_sum3A_13 = arith.constant dense<0.000000e+00> : vector<512xf32>
    %reduce_sum3A_14 = vector.multi_reduction <add>, %mul3A_12, %reduce_sum3A_13 [1] : vector<512x256xf32> to vector<512xf32>
    %broadcast_in_dim3A = vector.shape_cast %reduce_sum3A_14 : vector<512xf32> to vector<512x1xf32>
    %dot_general3A = arith.constant dense<0.000000e+00> : vector<512x2048xf32>
    %dot_general3A_15 = tpu.matmul %get3A_9, %get3A_3, %dot_general3A {dimension_numbers = #tpu.dot_dimension_numbers<[1], [1], [0], [0], [0, 0, 1, 0], [], []>, transpose_lhs_hint = false} : vector<512x256xf32>, vector<2048x256xf32>, vector<512x2048xf32> -> vector<512x2048xf32>
    %add3A = vector.broadcast %broadcast_in_dim3A : vector<512x1xf32> to vector<512x2048xf32>
    %add3A_16 = vector.broadcast %reshape3A : vector<1x2048xf32> to vector<512x2048xf32>
    %add3A_17 = arith.addf %add3A, %add3A_16 : vector<512x2048xf32>
    %mul3A_18 = arith.constant 2.000000e+00 : f32
    %mul3A_19 = vector.broadcast %mul3A_18 : f32 to vector<512x2048xf32>
    %mul3A_20 = arith.mulf %mul3A_19, %dot_general3A_15 : vector<512x2048xf32>
    %sub3A = arith.subf %add3A_17, %mul3A_20 : vector<512x2048xf32>
    %neg3A = arith.constant 0.000000e+00 : f32
    %neg3A_21 = vector.broadcast %neg3A : f32 to vector<512x2048xf32>
    %neg3A_22 = arith.subf %neg3A_21, %sub3A : vector<512x2048xf32>
    %iota3A = tpu.iota {dimensions = array<i32: 1>} : vector<512x2048xi32>
    %convert_element_type3A = arith.sitofp %iota3A : vector<512x2048xi32> to vector<512x2048xf32>
    %mul3A_23 = arith.constant 2048 : i32
    %mul3A_24 = arith.muli %arg0, %mul3A_23 : i32
    %reduce_max3A = arith.constant dense<0xFF800000> : vector<512xf32>
    %reduce_max3A_25 = vector.multi_reduction <maximumf>, %neg3A_22, %reduce_max3A [1] : vector<512x2048xf32> to vector<512xf32>
    %broadcast_in_dim3A_26 = vector.shape_cast %reduce_max3A_25 : vector<512xf32> to vector<512x1xf32>
    %eq3A = vector.broadcast %broadcast_in_dim3A_26 : vector<512x1xf32> to vector<512x2048xf32>
    %eq3A_27 = arith.cmpf oeq, %neg3A_22, %eq3A : vector<512x2048xf32>
    %jit3A = arith.constant 2.048000e+03 : f32
    %broadcast_in_dim3A_28 = vector.broadcast %jit3A : f32 to vector<512x2048xf32>
    %select_n3A = arith.select %eq3A_27, %convert_element_type3A, %broadcast_in_dim3A_28 : vector<512x2048xi1>, vector<512x2048xf32>
    %reduce_min3A = arith.constant dense<0x7F800000> : vector<512xf32>
    %reduce_min3A_29 = vector.multi_reduction <minimumf>, %select_n3A, %reduce_min3A [1] : vector<512x2048xf32> to vector<512xf32>
    %convert_element_type3A_30 = arith.fptosi %reduce_min3A_29 : vector<512xf32> to vector<512xi32>
    %add3A_31 = vector.broadcast %mul3A_24 : i32 to vector<512xi32>
    %add3A_32 = arith.addi %convert_element_type3A_30, %add3A_31 : vector<512xi32>
    %swap3A = arith.constant 0 : index
    %swap3A_33 = arith.constant 0 : index
    %swap3A_34 = arith.constant 0 : index
    %swap3A_35 = arith.constant 0 : index
    %swap3A_36 = vector.load %arg4[%swap3A, %swap3A_33, %swap3A_34, %swap3A_35] : memref<5x1x1x512xi32, #tpu.memory_space<vmem>>, vector<1x1x1x512xi32>
    %swap3A_37 = vector.shape_cast %swap3A_36 : vector<1x1x1x512xi32> to vector<512xi32>
    %swap3A_38 = vector.shape_cast %add3A_32 : vector<512xi32> to vector<1x1x1x512xi32>
    tpu.vector_store %arg4[%swap3A, %swap3A_33, %swap3A_34, %swap3A_35], %swap3A_38 {strides = array<i32>} : memref<5x1x1x512xi32, #tpu.memory_space<vmem>>, vector<1x1x1x512xi32>,
    %broadcast_in_dim3A_39 = vector.shape_cast %reduce_min3A_29 : vector<512xf32> to vector<512x1xf32>
    %eq3A_40 = vector.broadcast %broadcast_in_dim3A_39 : vector<512x1xf32> to vector<512x2048xf32>
    %eq3A_41 = arith.cmpf oeq, %convert_element_type3A, %eq3A_40 : vector<512x2048xf32>
    %jit3A_42 = arith.constant 0xFF800000 : f32
    %broadcast_in_dim3A_43 = vector.broadcast %jit3A_42 : f32 to vector<512x2048xf32>
    %select_n3A_44 = arith.select %eq3A_41, %broadcast_in_dim3A_43, %neg3A_22 : vector<512x2048xi1>, vector<512x2048xf32>
    %reduce_max3A_45 = arith.constant dense<0xFF800000> : vector<512xf32>
    %reduce_max3A_46 = vector.multi_reduction <maximumf>, %select_n3A_44, %reduce_max3A_45 [1] : vector<512x2048xf32> to vector<512xf32>
    %broadcast_in_dim3A_47 = vector.shape_cast %reduce_max3A_46 : vector<512xf32> to vector<512x1xf32>
    %eq3A_48 = vector.broadcast %broadcast_in_dim3A_47 : vector<512x1xf32> to vector<512x2048xf32>
    %eq3A_49 = arith.cmpf oeq, %select_n3A_44, %eq3A_48 : vector<512x2048xf32>
    %jit3A_50 = arith.constant 2.048000e+03 : f32
    %broadcast_in_dim3A_51 = vector.broadcast %jit3A_50 : f32 to vector<512x2048xf32>
    %select_n3A_52 = arith.select %eq3A_49, %convert_element_type3A, %broadcast_in_dim3A_51 : vector<512x2048xi1>, vector<512x2048xf32>
    %reduce_min3A_53 = arith.constant dense<0x7F800000> : vector<512xf32>
    %reduce_min3A_54 = vector.multi_reduction <minimumf>, %select_n3A_52, %reduce_min3A_53 [1] : vector<512x2048xf32> to vector<512xf32>
    %convert_element_type3A_55 = arith.fptosi %reduce_min3A_54 : vector<512xf32> to vector<512xi32>
    %add3A_56 = vector.broadcast %mul3A_24 : i32 to vector<512xi32>
    %add3A_57 = arith.addi %convert_element_type3A_55, %add3A_56 : vector<512xi32>
    %swap3A_58 = arith.constant 1 : index
    %swap3A_59 = arith.constant 0 : index
    %swap3A_60 = arith.constant 0 : index
    %swap3A_61 = arith.constant 0 : index
    %swap3A_62 = vector.load %arg4[%swap3A_58, %swap3A_59, %swap3A_60, %swap3A_61] : memref<5x1x1x512xi32, #tpu.memory_space<vmem>>, vector<1x1x1x512xi32>
    %swap3A_63 = vector.shape_cast %swap3A_62 : vector<1x1x1x512xi32> to vector<512xi32>
    %swap3A_64 = vector.shape_cast %add3A_57 : vector<512xi32> to vector<1x1x1x512xi32>
    tpu.vector_store %arg4[%swap3A_58, %swap3A_59, %swap3A_60, %swap3A_61], %swap3A_64 {strides = array<i32>} : memref<5x1x1x512xi32, #tpu.memory_space<vmem>>, vector<1x1x1x512xi32>,
    %broadcast_in_dim3A_65 = vector.shape_cast %reduce_min3A_54 : vector<512xf32> to vector<512x1xf32>
    %eq3A_66 = vector.broadcast %broadcast_in_dim3A_65 : vector<512x1xf32> to vector<512x2048xf32>
    %eq3A_67 = arith.cmpf oeq, %convert_element_type3A, %eq3A_66 : vector<512x2048xf32>
    %jit3A_68 = arith.constant 0xFF800000 : f32
    %broadcast_in_dim3A_69 = vector.broadcast %jit3A_68 : f32 to vector<512x2048xf32>
    %select_n3A_70 = arith.select %eq3A_67, %broadcast_in_dim3A_69, %select_n3A_44 : vector<512x2048xi1>, vector<512x2048xf32>
    %reduce_max3A_71 = arith.constant dense<0xFF800000> : vector<512xf32>
    %reduce_max3A_72 = vector.multi_reduction <maximumf>, %select_n3A_70, %reduce_max3A_71 [1] : vector<512x2048xf32> to vector<512xf32>
    %broadcast_in_dim3A_73 = vector.shape_cast %reduce_max3A_72 : vector<512xf32> to vector<512x1xf32>
    %eq3A_74 = vector.broadcast %broadcast_in_dim3A_73 : vector<512x1xf32> to vector<512x2048xf32>
    %eq3A_75 = arith.cmpf oeq, %select_n3A_70, %eq3A_74 : vector<512x2048xf32>
    %jit3A_76 = arith.constant 2.048000e+03 : f32
    %broadcast_in_dim3A_77 = vector.broadcast %jit3A_76 : f32 to vector<512x2048xf32>
    %select_n3A_78 = arith.select %eq3A_75, %convert_element_type3A, %broadcast_in_dim3A_77 : vector<512x2048xi1>, vector<512x2048xf32>
    %reduce_min3A_79 = arith.constant dense<0x7F800000> : vector<512xf32>
    %reduce_min3A_80 = vector.multi_reduction <minimumf>, %select_n3A_78, %reduce_min3A_79 [1] : vector<512x2048xf32> to vector<512xf32>
    %convert_element_type3A_81 = arith.fptosi %reduce_min3A_80 : vector<512xf32> to vector<512xi32>
    %add3A_82 = vector.broadcast %mul3A_24 : i32 to vector<512xi32>
    %add3A_83 = arith.addi %convert_element_type3A_81, %add3A_82 : vector<512xi32>
    %swap3A_84 = arith.constant 2 : index
    %swap3A_85 = arith.constant 0 : index
    %swap3A_86 = arith.constant 0 : index
    %swap3A_87 = arith.constant 0 : index
    %swap3A_88 = vector.load %arg4[%swap3A_84, %swap3A_85, %swap3A_86, %swap3A_87] : memref<5x1x1x512xi32, #tpu.memory_space<vmem>>, vector<1x1x1x512xi32>
    %swap3A_89 = vector.shape_cast %swap3A_88 : vector<1x1x1x512xi32> to vector<512xi32>
    %swap3A_90 = vector.shape_cast %add3A_83 : vector<512xi32> to vector<1x1x1x512xi32>
    tpu.vector_store %arg4[%swap3A_84, %swap3A_85, %swap3A_86, %swap3A_87], %swap3A_90 {strides = array<i32>} : memref<5x1x1x512xi32, #tpu.memory_space<vmem>>, vector<1x1x1x512xi32>,
    %broadcast_in_dim3A_91 = vector.shape_cast %reduce_min3A_80 : vector<512xf32> to vector<512x1xf32>
    %eq3A_92 = vector.broadcast %broadcast_in_dim3A_91 : vector<512x1xf32> to vector<512x2048xf32>
    %eq3A_93 = arith.cmpf oeq, %convert_element_type3A, %eq3A_92 : vector<512x2048xf32>
    %jit3A_94 = arith.constant 0xFF800000 : f32
    %broadcast_in_dim3A_95 = vector.broadcast %jit3A_94 : f32 to vector<512x2048xf32>
    %select_n3A_96 = arith.select %eq3A_93, %broadcast_in_dim3A_95, %select_n3A_70 : vector<512x2048xi1>, vector<512x2048xf32>
    %reduce_max3A_97 = arith.constant dense<0xFF800000> : vector<512xf32>
    %reduce_max3A_98 = vector.multi_reduction <maximumf>, %select_n3A_96, %reduce_max3A_97 [1] : vector<512x2048xf32> to vector<512xf32>
    %broadcast_in_dim3A_99 = vector.shape_cast %reduce_max3A_98 : vector<512xf32> to vector<512x1xf32>
    %eq3A_100 = vector.broadcast %broadcast_in_dim3A_99 : vector<512x1xf32> to vector<512x2048xf32>
    %eq3A_101 = arith.cmpf oeq, %select_n3A_96, %eq3A_100 : vector<512x2048xf32>
    %jit3A_102 = arith.constant 2.048000e+03 : f32
    %broadcast_in_dim3A_103 = vector.broadcast %jit3A_102 : f32 to vector<512x2048xf32>
    %select_n3A_104 = arith.select %eq3A_101, %convert_element_type3A, %broadcast_in_dim3A_103 : vector<512x2048xi1>, vector<512x2048xf32>
    %reduce_min3A_105 = arith.constant dense<0x7F800000> : vector<512xf32>
    %reduce_min3A_106 = vector.multi_reduction <minimumf>, %select_n3A_104, %reduce_min3A_105 [1] : vector<512x2048xf32> to vector<512xf32>
    %convert_element_type3A_107 = arith.fptosi %reduce_min3A_106 : vector<512xf32> to vector<512xi32>
    %add3A_108 = vector.broadcast %mul3A_24 : i32 to vector<512xi32>
    %add3A_109 = arith.addi %convert_element_type3A_107, %add3A_108 : vector<512xi32>
    %swap3A_110 = arith.constant 3 : index
    %swap3A_111 = arith.constant 0 : index
    %swap3A_112 = arith.constant 0 : index
    %swap3A_113 = arith.constant 0 : index
    %swap3A_114 = vector.load %arg4[%swap3A_110, %swap3A_111, %swap3A_112, %swap3A_113] : memref<5x1x1x512xi32, #tpu.memory_space<vmem>>, vector<1x1x1x512xi32>
    %swap3A_115 = vector.shape_cast %swap3A_114 : vector<1x1x1x512xi32> to vector<512xi32>
    %swap3A_116 = vector.shape_cast %add3A_109 : vector<512xi32> to vector<1x1x1x512xi32>
    tpu.vector_store %arg4[%swap3A_110, %swap3A_111, %swap3A_112, %swap3A_113], %swap3A_116 {strides = array<i32>} : memref<5x1x1x512xi32, #tpu.memory_space<vmem>>, vector<1x1x1x512xi32>,
    %broadcast_in_dim3A_117 = vector.shape_cast %reduce_min3A_106 : vector<512xf32> to vector<512x1xf32>
    %eq3A_118 = vector.broadcast %broadcast_in_dim3A_117 : vector<512x1xf32> to vector<512x2048xf32>
    %eq3A_119 = arith.cmpf oeq, %convert_element_type3A, %eq3A_118 : vector<512x2048xf32>
    %jit3A_120 = arith.constant 0xFF800000 : f32
    %broadcast_in_dim3A_121 = vector.broadcast %jit3A_120 : f32 to vector<512x2048xf32>
    %select_n3A_122 = arith.select %eq3A_119, %broadcast_in_dim3A_121, %select_n3A_96 : vector<512x2048xi1>, vector<512x2048xf32>
    %reduce_max3A_123 = arith.constant dense<0xFF800000> : vector<512xf32>
    %reduce_max3A_124 = vector.multi_reduction <maximumf>, %select_n3A_122, %reduce_max3A_123 [1] : vector<512x2048xf32> to vector<512xf32>
    %broadcast_in_dim3A_125 = vector.shape_cast %reduce_max3A_124 : vector<512xf32> to vector<512x1xf32>
    %eq3A_126 = vector.broadcast %broadcast_in_dim3A_125 : vector<512x1xf32> to vector<512x2048xf32>
    %eq3A_127 = arith.cmpf oeq, %select_n3A_122, %eq3A_126 : vector<512x2048xf32>
    %jit3A_128 = arith.constant 2.048000e+03 : f32
    %broadcast_in_dim3A_129 = vector.broadcast %jit3A_128 : f32 to vector<512x2048xf32>
    %select_n3A_130 = arith.select %eq3A_127, %convert_element_type3A, %broadcast_in_dim3A_129 : vector<512x2048xi1>, vector<512x2048xf32>
    %reduce_min3A_131 = arith.constant dense<0x7F800000> : vector<512xf32>
    %reduce_min3A_132 = vector.multi_reduction <minimumf>, %select_n3A_130, %reduce_min3A_131 [1] : vector<512x2048xf32> to vector<512xf32>
    %convert_element_type3A_133 = arith.fptosi %reduce_min3A_132 : vector<512xf32> to vector<512xi32>
    %add3A_134 = vector.broadcast %mul3A_24 : i32 to vector<512xi32>
    %add3A_135 = arith.addi %convert_element_type3A_133, %add3A_134 : vector<512xi32>
    %swap3A_136 = arith.constant 4 : index
    %swap3A_137 = arith.constant 0 : index
    %swap3A_138 = arith.constant 0 : index
    %swap3A_139 = arith.constant 0 : index
    %swap3A_140 = vector.load %arg4[%swap3A_136, %swap3A_137, %swap3A_138, %swap3A_139] : memref<5x1x1x512xi32, #tpu.memory_space<vmem>>, vector<1x1x1x512xi32>
    %swap3A_141 = vector.shape_cast %swap3A_140 : vector<1x1x1x512xi32> to vector<512xi32>
    %swap3A_142 = vector.shape_cast %add3A_135 : vector<512xi32> to vector<1x1x1x512xi32>
    tpu.vector_store %arg4[%swap3A_136, %swap3A_137, %swap3A_138, %swap3A_139], %swap3A_142 {strides = array<i32>} : memref<5x1x1x512xi32, #tpu.memory_space<vmem>>, vector<1x1x1x512xi32>,
    %get3A_143 = arith.constant 0 : index
    %get3A_144 = arith.constant 0 : index
    %get3A_145 = vector.load %arg3[%get3A_143, %get3A_144] : memref<256x256xf32, #tpu.memory_space<vmem>>, vector<256x256xf32>
    %dot_general3A_146 = arith.constant dense<0.000000e+00> : vector<512x256xf32>
    %dot_general3A_147 = tpu.matmul %get3A_9, %get3A_145, %dot_general3A_146 {dimension_numbers = #tpu.dot_dimension_numbers<[1], [1], [0], [0], [0, 0, 1, 0], [], []>, transpose_lhs_hint = false} : vector<512x256xf32>, vector<256x256xf32>, vector<512x256xf32> -> vector<512x256xf32>
    %swap3A_148 = arith.constant 0 : index
    %swap3A_149 = arith.constant 0 : index
    %swap3A_150 = arith.constant 0 : index
    %swap3A_151 = vector.load %arg5[%swap3A_148, %swap3A_149, %swap3A_150] : memref<1x512x256xf32, #tpu.memory_space<vmem>>, vector<1x512x256xf32>
    %swap3A_152 = vector.shape_cast %swap3A_151 : vector<1x512x256xf32> to vector<512x256xf32>
    %swap3A_153 = vector.shape_cast %dot_general3A_147 : vector<512x256xf32> to vector<1x512x256xf32>
    tpu.vector_store %arg5[%swap3A_148, %swap3A_149, %swap3A_150], %swap3A_153 {strides = array<i32>} : memref<1x512x256xf32, #tpu.memory_space<vmem>>, vector<1x512x256xf32>,
    return
  }
  func.func @transform_0(%arg0: i32, %arg1: i32) -> (i32, i32, i32) {
    %c0_i32 = arith.constant 0 : i32
    %c0_i32_0 = arith.constant 0 : i32
    %c0_i32_1 = arith.constant 0 : i32
    return %arg0, %c0_i32, %c0_i32_0 : i32, i32, i32
  }
  func.func @transform_1(%arg0: i32, %arg1: i32) -> (i32, i32) {
    %c0_i32 = arith.constant 0 : i32
    %c1_i32 = arith.constant 1 : i32
    %c0_i32_0 = arith.constant 0 : i32
    return %c0_i32, %c1_i32 : i32, i32
  }
  func.func @transform_2(%arg0: i32, %arg1: i32) -> (i32, i32, i32, i32) {
    %c0_i32 = arith.constant 0 : i32
    %c0_i32_0 = arith.constant 0 : i32
    %c0_i32_1 = arith.constant 0 : i32
    return %c0_i32, %arg0, %c0_i32_0, %arg1 : i32, i32, i32, i32
  }
  func.func @transform_3(%arg0: i32, %arg1: i32) -> (i32, i32, i32) {
    %c0_i32 = arith.constant 0 : i32
    %c0_i32_0 = arith.constant 0 : i32
    return %arg0, %arg1, %c0_i32 : i32, i32, i32
  }
}

module attributes {stable_mosaic.version = 14 : i64} {
  func.func @_prep_body(%arg0: i32, %arg1: i32, %arg2: memref<1x2048x256xf32, #tpu.memory_space<vmem>>, %arg3: memref<512x256xf32, #tpu.memory_space<vmem>>, %arg4: memref<5x1x1x512xi32, #tpu.memory_space<vmem>>, %arg5: memref<1x512x512xf32, #tpu.memory_space<vmem>>) attributes {dimension_semantics = [#tpu.dimension_semantics<arbitrary>, #tpu.dimension_semantics<arbitrary>], iteration_bounds = array<i64: 2, 4>, scalar_prefetch = 0 : i64, scratch_operands = 0 : i64, tpu.core_type = #tpu.core_type<tc>, window_params = [{transform_indices = @transform_0, window_bounds = array<i64: 1, 2048, 256>}, {transform_indices = @transform_1, window_bounds = array<i64: 512, 256>}, {transform_indices = @transform_2, window_bounds = array<i64: 5, 1, 1, 512>}, {transform_indices = @transform_3, window_bounds = array<i64: 1, 512, 512>}]} {
    %get3A = arith.constant 0 : index
    %get3A_0 = arith.constant 0 : index
    %get3A_1 = arith.constant 0 : index
    %get3A_2 = vector.load %arg2[%get3A, %get3A_0, %get3A_1] : memref<1x2048x256xf32, #tpu.memory_space<vmem>>, vector<1x2048x256xf32>
    %get3A_3 = vector.shape_cast %get3A_2 : vector<1x2048x256xf32> to vector<2048x256xf32>
    %mul3A = arith.constant 512 : i32
    %mul3A_4 = arith.muli %arg1, %mul3A : i32
    %get3A_5 = arith.constant 0 : index
    %get3A_6 = arith.index_cast %mul3A_4 : i32 to index
    %get3A_7 = arith.constant 0 : index
    %get3A_8 = vector.load %arg2[%get3A_5, %get3A_6, %get3A_7] : memref<1x2048x256xf32, #tpu.memory_space<vmem>>, vector<1x512x256xf32>
    %get3A_9 = vector.shape_cast %get3A_8 : vector<1x512x256xf32> to vector<512x256xf32>
    %mul3A_10 = arith.mulf %get3A_3, %get3A_3 : vector<2048x256xf32>
    %reduce_sum3A = arith.constant dense<0.000000e+00> : vector<2048xf32>
    %reduce_sum3A_11 = vector.multi_reduction <add>, %mul3A_10, %reduce_sum3A [1] : vector<2048x256xf32> to vector<2048xf32>
    %reshape3A = vector.shape_cast %reduce_sum3A_11 : vector<2048xf32> to vector<1x2048xf32>
    %mul3A_12 = arith.mulf %get3A_9, %get3A_9 : vector<512x256xf32>
    %reduce_sum3A_13 = arith.constant dense<0.000000e+00> : vector<512xf32>
    %reduce_sum3A_14 = vector.multi_reduction <add>, %mul3A_12, %reduce_sum3A_13 [1] : vector<512x256xf32> to vector<512xf32>
    %broadcast_in_dim3A = vector.shape_cast %reduce_sum3A_14 : vector<512xf32> to vector<512x1xf32>
    %dot_general3A = arith.constant dense<0.000000e+00> : vector<512x2048xf32>
    %dot_general3A_15 = tpu.matmul %get3A_9, %get3A_3, %dot_general3A {dimension_numbers = #tpu.dot_dimension_numbers<[1], [1], [0], [0], [0, 0, 1, 0], [], []>, transpose_lhs_hint = false} : vector<512x256xf32>, vector<2048x256xf32>, vector<512x2048xf32> -> vector<512x2048xf32>
    %add3A = vector.broadcast %broadcast_in_dim3A : vector<512x1xf32> to vector<512x2048xf32>
    %add3A_16 = vector.broadcast %reshape3A : vector<1x2048xf32> to vector<512x2048xf32>
    %add3A_17 = arith.addf %add3A, %add3A_16 : vector<512x2048xf32>
    %mul3A_18 = arith.constant 2.000000e+00 : f32
    %mul3A_19 = vector.broadcast %mul3A_18 : f32 to vector<512x2048xf32>
    %mul3A_20 = arith.mulf %mul3A_19, %dot_general3A_15 : vector<512x2048xf32>
    %sub3A = arith.subf %add3A_17, %mul3A_20 : vector<512x2048xf32>
    %neg3A = arith.constant 0.000000e+00 : f32
    %neg3A_21 = vector.broadcast %neg3A : f32 to vector<512x2048xf32>
    %neg3A_22 = arith.subf %neg3A_21, %sub3A : vector<512x2048xf32>
    %iota3A = tpu.iota {dimensions = array<i32: 1>} : vector<512x2048xi32>
    %convert_element_type3A = arith.sitofp %iota3A : vector<512x2048xi32> to vector<512x2048xf32>
    %mul3A_23 = arith.constant 2048 : i32
    %mul3A_24 = arith.muli %arg0, %mul3A_23 : i32
    %reduce_max3A = arith.constant dense<0xFF800000> : vector<512xf32>
    %reduce_max3A_25 = vector.multi_reduction <maximumf>, %neg3A_22, %reduce_max3A [1] : vector<512x2048xf32> to vector<512xf32>
    %broadcast_in_dim3A_26 = vector.shape_cast %reduce_max3A_25 : vector<512xf32> to vector<512x1xf32>
    %eq3A = vector.broadcast %broadcast_in_dim3A_26 : vector<512x1xf32> to vector<512x2048xf32>
    %eq3A_27 = arith.cmpf oeq, %neg3A_22, %eq3A : vector<512x2048xf32>
    %jit3A = arith.constant 2.048000e+03 : f32
    %broadcast_in_dim3A_28 = vector.broadcast %jit3A : f32 to vector<512x2048xf32>
    %select_n3A = arith.select %eq3A_27, %convert_element_type3A, %broadcast_in_dim3A_28 : vector<512x2048xi1>, vector<512x2048xf32>
    %reduce_min3A = arith.constant dense<0x7F800000> : vector<512xf32>
    %reduce_min3A_29 = vector.multi_reduction <minimumf>, %select_n3A, %reduce_min3A [1] : vector<512x2048xf32> to vector<512xf32>
    %convert_element_type3A_30 = arith.fptosi %reduce_min3A_29 : vector<512xf32> to vector<512xi32>
    %add3A_31 = vector.broadcast %mul3A_24 : i32 to vector<512xi32>
    %add3A_32 = arith.addi %convert_element_type3A_30, %add3A_31 : vector<512xi32>
    %swap3A = arith.constant 0 : index
    %swap3A_33 = arith.constant 0 : index
    %swap3A_34 = arith.constant 0 : index
    %swap3A_35 = arith.constant 0 : index
    %swap3A_36 = vector.load %arg4[%swap3A, %swap3A_33, %swap3A_34, %swap3A_35] : memref<5x1x1x512xi32, #tpu.memory_space<vmem>>, vector<1x1x1x512xi32>
    %swap3A_37 = vector.shape_cast %swap3A_36 : vector<1x1x1x512xi32> to vector<512xi32>
    %swap3A_38 = vector.shape_cast %add3A_32 : vector<512xi32> to vector<1x1x1x512xi32>
    tpu.vector_store %arg4[%swap3A, %swap3A_33, %swap3A_34, %swap3A_35], %swap3A_38 {strides = array<i32>} : memref<5x1x1x512xi32, #tpu.memory_space<vmem>>, vector<1x1x1x512xi32>,
    %broadcast_in_dim3A_39 = vector.shape_cast %reduce_min3A_29 : vector<512xf32> to vector<512x1xf32>
    %eq3A_40 = vector.broadcast %broadcast_in_dim3A_39 : vector<512x1xf32> to vector<512x2048xf32>
    %eq3A_41 = arith.cmpf oeq, %convert_element_type3A, %eq3A_40 : vector<512x2048xf32>
    %jit3A_42 = arith.constant 0xFF800000 : f32
    %broadcast_in_dim3A_43 = vector.broadcast %jit3A_42 : f32 to vector<512x2048xf32>
    %select_n3A_44 = arith.select %eq3A_41, %broadcast_in_dim3A_43, %neg3A_22 : vector<512x2048xi1>, vector<512x2048xf32>
    %reduce_max3A_45 = arith.constant dense<0xFF800000> : vector<512xf32>
    %reduce_max3A_46 = vector.multi_reduction <maximumf>, %select_n3A_44, %reduce_max3A_45 [1] : vector<512x2048xf32> to vector<512xf32>
    %broadcast_in_dim3A_47 = vector.shape_cast %reduce_max3A_46 : vector<512xf32> to vector<512x1xf32>
    %eq3A_48 = vector.broadcast %broadcast_in_dim3A_47 : vector<512x1xf32> to vector<512x2048xf32>
    %eq3A_49 = arith.cmpf oeq, %select_n3A_44, %eq3A_48 : vector<512x2048xf32>
    %jit3A_50 = arith.constant 2.048000e+03 : f32
    %broadcast_in_dim3A_51 = vector.broadcast %jit3A_50 : f32 to vector<512x2048xf32>
    %select_n3A_52 = arith.select %eq3A_49, %convert_element_type3A, %broadcast_in_dim3A_51 : vector<512x2048xi1>, vector<512x2048xf32>
    %reduce_min3A_53 = arith.constant dense<0x7F800000> : vector<512xf32>
    %reduce_min3A_54 = vector.multi_reduction <minimumf>, %select_n3A_52, %reduce_min3A_53 [1] : vector<512x2048xf32> to vector<512xf32>
    %convert_element_type3A_55 = arith.fptosi %reduce_min3A_54 : vector<512xf32> to vector<512xi32>
    %add3A_56 = vector.broadcast %mul3A_24 : i32 to vector<512xi32>
    %add3A_57 = arith.addi %convert_element_type3A_55, %add3A_56 : vector<512xi32>
    %swap3A_58 = arith.constant 1 : index
    %swap3A_59 = arith.constant 0 : index
    %swap3A_60 = arith.constant 0 : index
    %swap3A_61 = arith.constant 0 : index
    %swap3A_62 = vector.load %arg4[%swap3A_58, %swap3A_59, %swap3A_60, %swap3A_61] : memref<5x1x1x512xi32, #tpu.memory_space<vmem>>, vector<1x1x1x512xi32>
    %swap3A_63 = vector.shape_cast %swap3A_62 : vector<1x1x1x512xi32> to vector<512xi32>
    %swap3A_64 = vector.shape_cast %add3A_57 : vector<512xi32> to vector<1x1x1x512xi32>
    tpu.vector_store %arg4[%swap3A_58, %swap3A_59, %swap3A_60, %swap3A_61], %swap3A_64 {strides = array<i32>} : memref<5x1x1x512xi32, #tpu.memory_space<vmem>>, vector<1x1x1x512xi32>,
    %broadcast_in_dim3A_65 = vector.shape_cast %reduce_min3A_54 : vector<512xf32> to vector<512x1xf32>
    %eq3A_66 = vector.broadcast %broadcast_in_dim3A_65 : vector<512x1xf32> to vector<512x2048xf32>
    %eq3A_67 = arith.cmpf oeq, %convert_element_type3A, %eq3A_66 : vector<512x2048xf32>
    %jit3A_68 = arith.constant 0xFF800000 : f32
    %broadcast_in_dim3A_69 = vector.broadcast %jit3A_68 : f32 to vector<512x2048xf32>
    %select_n3A_70 = arith.select %eq3A_67, %broadcast_in_dim3A_69, %select_n3A_44 : vector<512x2048xi1>, vector<512x2048xf32>
    %reduce_max3A_71 = arith.constant dense<0xFF800000> : vector<512xf32>
    %reduce_max3A_72 = vector.multi_reduction <maximumf>, %select_n3A_70, %reduce_max3A_71 [1] : vector<512x2048xf32> to vector<512xf32>
    %broadcast_in_dim3A_73 = vector.shape_cast %reduce_max3A_72 : vector<512xf32> to vector<512x1xf32>
    %eq3A_74 = vector.broadcast %broadcast_in_dim3A_73 : vector<512x1xf32> to vector<512x2048xf32>
    %eq3A_75 = arith.cmpf oeq, %select_n3A_70, %eq3A_74 : vector<512x2048xf32>
    %jit3A_76 = arith.constant 2.048000e+03 : f32
    %broadcast_in_dim3A_77 = vector.broadcast %jit3A_76 : f32 to vector<512x2048xf32>
    %select_n3A_78 = arith.select %eq3A_75, %convert_element_type3A, %broadcast_in_dim3A_77 : vector<512x2048xi1>, vector<512x2048xf32>
    %reduce_min3A_79 = arith.constant dense<0x7F800000> : vector<512xf32>
    %reduce_min3A_80 = vector.multi_reduction <minimumf>, %select_n3A_78, %reduce_min3A_79 [1] : vector<512x2048xf32> to vector<512xf32>
    %convert_element_type3A_81 = arith.fptosi %reduce_min3A_80 : vector<512xf32> to vector<512xi32>
    %add3A_82 = vector.broadcast %mul3A_24 : i32 to vector<512xi32>
    %add3A_83 = arith.addi %convert_element_type3A_81, %add3A_82 : vector<512xi32>
    %swap3A_84 = arith.constant 2 : index
    %swap3A_85 = arith.constant 0 : index
    %swap3A_86 = arith.constant 0 : index
    %swap3A_87 = arith.constant 0 : index
    %swap3A_88 = vector.load %arg4[%swap3A_84, %swap3A_85, %swap3A_86, %swap3A_87] : memref<5x1x1x512xi32, #tpu.memory_space<vmem>>, vector<1x1x1x512xi32>
    %swap3A_89 = vector.shape_cast %swap3A_88 : vector<1x1x1x512xi32> to vector<512xi32>
    %swap3A_90 = vector.shape_cast %add3A_83 : vector<512xi32> to vector<1x1x1x512xi32>
    tpu.vector_store %arg4[%swap3A_84, %swap3A_85, %swap3A_86, %swap3A_87], %swap3A_90 {strides = array<i32>} : memref<5x1x1x512xi32, #tpu.memory_space<vmem>>, vector<1x1x1x512xi32>,
    %broadcast_in_dim3A_91 = vector.shape_cast %reduce_min3A_80 : vector<512xf32> to vector<512x1xf32>
    %eq3A_92 = vector.broadcast %broadcast_in_dim3A_91 : vector<512x1xf32> to vector<512x2048xf32>
    %eq3A_93 = arith.cmpf oeq, %convert_element_type3A, %eq3A_92 : vector<512x2048xf32>
    %jit3A_94 = arith.constant 0xFF800000 : f32
    %broadcast_in_dim3A_95 = vector.broadcast %jit3A_94 : f32 to vector<512x2048xf32>
    %select_n3A_96 = arith.select %eq3A_93, %broadcast_in_dim3A_95, %select_n3A_70 : vector<512x2048xi1>, vector<512x2048xf32>
    %reduce_max3A_97 = arith.constant dense<0xFF800000> : vector<512xf32>
    %reduce_max3A_98 = vector.multi_reduction <maximumf>, %select_n3A_96, %reduce_max3A_97 [1] : vector<512x2048xf32> to vector<512xf32>
    %broadcast_in_dim3A_99 = vector.shape_cast %reduce_max3A_98 : vector<512xf32> to vector<512x1xf32>
    %eq3A_100 = vector.broadcast %broadcast_in_dim3A_99 : vector<512x1xf32> to vector<512x2048xf32>
    %eq3A_101 = arith.cmpf oeq, %select_n3A_96, %eq3A_100 : vector<512x2048xf32>
    %jit3A_102 = arith.constant 2.048000e+03 : f32
    %broadcast_in_dim3A_103 = vector.broadcast %jit3A_102 : f32 to vector<512x2048xf32>
    %select_n3A_104 = arith.select %eq3A_101, %convert_element_type3A, %broadcast_in_dim3A_103 : vector<512x2048xi1>, vector<512x2048xf32>
    %reduce_min3A_105 = arith.constant dense<0x7F800000> : vector<512xf32>
    %reduce_min3A_106 = vector.multi_reduction <minimumf>, %select_n3A_104, %reduce_min3A_105 [1] : vector<512x2048xf32> to vector<512xf32>
    %convert_element_type3A_107 = arith.fptosi %reduce_min3A_106 : vector<512xf32> to vector<512xi32>
    %add3A_108 = vector.broadcast %mul3A_24 : i32 to vector<512xi32>
    %add3A_109 = arith.addi %convert_element_type3A_107, %add3A_108 : vector<512xi32>
    %swap3A_110 = arith.constant 3 : index
    %swap3A_111 = arith.constant 0 : index
    %swap3A_112 = arith.constant 0 : index
    %swap3A_113 = arith.constant 0 : index
    %swap3A_114 = vector.load %arg4[%swap3A_110, %swap3A_111, %swap3A_112, %swap3A_113] : memref<5x1x1x512xi32, #tpu.memory_space<vmem>>, vector<1x1x1x512xi32>
    %swap3A_115 = vector.shape_cast %swap3A_114 : vector<1x1x1x512xi32> to vector<512xi32>
    %swap3A_116 = vector.shape_cast %add3A_109 : vector<512xi32> to vector<1x1x1x512xi32>
    tpu.vector_store %arg4[%swap3A_110, %swap3A_111, %swap3A_112, %swap3A_113], %swap3A_116 {strides = array<i32>} : memref<5x1x1x512xi32, #tpu.memory_space<vmem>>, vector<1x1x1x512xi32>,
    %broadcast_in_dim3A_117 = vector.shape_cast %reduce_min3A_106 : vector<512xf32> to vector<512x1xf32>
    %eq3A_118 = vector.broadcast %broadcast_in_dim3A_117 : vector<512x1xf32> to vector<512x2048xf32>
    %eq3A_119 = arith.cmpf oeq, %convert_element_type3A, %eq3A_118 : vector<512x2048xf32>
    %jit3A_120 = arith.constant 0xFF800000 : f32
    %broadcast_in_dim3A_121 = vector.broadcast %jit3A_120 : f32 to vector<512x2048xf32>
    %select_n3A_122 = arith.select %eq3A_119, %broadcast_in_dim3A_121, %select_n3A_96 : vector<512x2048xi1>, vector<512x2048xf32>
    %reduce_max3A_123 = arith.constant dense<0xFF800000> : vector<512xf32>
    %reduce_max3A_124 = vector.multi_reduction <maximumf>, %select_n3A_122, %reduce_max3A_123 [1] : vector<512x2048xf32> to vector<512xf32>
    %broadcast_in_dim3A_125 = vector.shape_cast %reduce_max3A_124 : vector<512xf32> to vector<512x1xf32>
    %eq3A_126 = vector.broadcast %broadcast_in_dim3A_125 : vector<512x1xf32> to vector<512x2048xf32>
    %eq3A_127 = arith.cmpf oeq, %select_n3A_122, %eq3A_126 : vector<512x2048xf32>
    %jit3A_128 = arith.constant 2.048000e+03 : f32
    %broadcast_in_dim3A_129 = vector.broadcast %jit3A_128 : f32 to vector<512x2048xf32>
    %select_n3A_130 = arith.select %eq3A_127, %convert_element_type3A, %broadcast_in_dim3A_129 : vector<512x2048xi1>, vector<512x2048xf32>
    %reduce_min3A_131 = arith.constant dense<0x7F800000> : vector<512xf32>
    %reduce_min3A_132 = vector.multi_reduction <minimumf>, %select_n3A_130, %reduce_min3A_131 [1] : vector<512x2048xf32> to vector<512xf32>
    %convert_element_type3A_133 = arith.fptosi %reduce_min3A_132 : vector<512xf32> to vector<512xi32>
    %add3A_134 = vector.broadcast %mul3A_24 : i32 to vector<512xi32>
    %add3A_135 = arith.addi %convert_element_type3A_133, %add3A_134 : vector<512xi32>
    %swap3A_136 = arith.constant 4 : index
    %swap3A_137 = arith.constant 0 : index
    %swap3A_138 = arith.constant 0 : index
    %swap3A_139 = arith.constant 0 : index
    %swap3A_140 = vector.load %arg4[%swap3A_136, %swap3A_137, %swap3A_138, %swap3A_139] : memref<5x1x1x512xi32, #tpu.memory_space<vmem>>, vector<1x1x1x512xi32>
    %swap3A_141 = vector.shape_cast %swap3A_140 : vector<1x1x1x512xi32> to vector<512xi32>
    %swap3A_142 = vector.shape_cast %add3A_135 : vector<512xi32> to vector<1x1x1x512xi32>
    tpu.vector_store %arg4[%swap3A_136, %swap3A_137, %swap3A_138, %swap3A_139], %swap3A_142 {strides = array<i32>} : memref<5x1x1x512xi32, #tpu.memory_space<vmem>>, vector<1x1x1x512xi32>,
    %get3A_143 = arith.constant 0 : index
    %get3A_144 = arith.constant 0 : index
    %get3A_145 = vector.load %arg3[%get3A_143, %get3A_144] : memref<512x256xf32, #tpu.memory_space<vmem>>, vector<512x256xf32>
    %dot_general3A_146 = arith.constant dense<0.000000e+00> : vector<512x512xf32>
    %dot_general3A_147 = tpu.matmul %get3A_9, %get3A_145, %dot_general3A_146 {dimension_numbers = #tpu.dot_dimension_numbers<[1], [1], [0], [0], [0, 0, 1, 0], [], []>, transpose_lhs_hint = false} : vector<512x256xf32>, vector<512x256xf32>, vector<512x512xf32> -> vector<512x512xf32>
    %swap3A_148 = arith.constant 0 : index
    %swap3A_149 = arith.constant 0 : index
    %swap3A_150 = arith.constant 0 : index
    %swap3A_151 = vector.load %arg5[%swap3A_148, %swap3A_149, %swap3A_150] : memref<1x512x512xf32, #tpu.memory_space<vmem>>, vector<1x512x512xf32>
    %swap3A_152 = vector.shape_cast %swap3A_151 : vector<1x512x512xf32> to vector<512x512xf32>
    %swap3A_153 = vector.shape_cast %dot_general3A_147 : vector<512x512xf32> to vector<1x512x512xf32>
    tpu.vector_store %arg5[%swap3A_148, %swap3A_149, %swap3A_150], %swap3A_153 {strides = array<i32>} : memref<1x512x512xf32, #tpu.memory_space<vmem>>, vector<1x512x512xf32>,
    return
  }
  func.func @transform_0(%arg0: i32, %arg1: i32) -> (i32, i32, i32) {
    %c0_i32 = arith.constant 0 : i32
    %c0_i32_0 = arith.constant 0 : i32
    %c0_i32_1 = arith.constant 0 : i32
    return %arg0, %c0_i32, %c0_i32_0 : i32, i32, i32
  }
  func.func @transform_1(%arg0: i32, %arg1: i32) -> (i32, i32) {
    %c0_i32 = arith.constant 0 : i32
    %c1_i32 = arith.constant 1 : i32
    %c0_i32_0 = arith.constant 0 : i32
    return %c0_i32, %c1_i32 : i32, i32
  }
  func.func @transform_2(%arg0: i32, %arg1: i32) -> (i32, i32, i32, i32) {
    %c0_i32 = arith.constant 0 : i32
    %c0_i32_0 = arith.constant 0 : i32
    %c0_i32_1 = arith.constant 0 : i32
    return %c0_i32, %arg0, %c0_i32_0, %arg1 : i32, i32, i32, i32
  }
  func.func @transform_3(%arg0: i32, %arg1: i32) -> (i32, i32, i32) {
    %c0_i32 = arith.constant 0 : i32
    %c0_i32_0 = arith.constant 0 : i32
    return %arg0, %arg1, %c0_i32 : i32, i32, i32
  }
}

module attributes {stable_mosaic.version = 14 : i64} {
  func.func @_conv_body(%arg0: i32, %arg1: memref<5x512x256xf32, #tpu.memory_space<vmem>>, %arg2: memref<512x256xf32, #tpu.memory_space<vmem>>, %arg3: memref<512x512xf32, #tpu.memory_space<vmem>>, %arg4: memref<512x256xf32, #tpu.memory_space<vmem>>, %arg5: memref<512x512xf32, #tpu.memory_space<vmem>>, %arg6: memref<512x512xf32, #tpu.memory_space<vmem>>, %arg7: memref<1x1x512xf32, #tpu.memory_space<vmem>>, %arg8: memref<1x1x512xf32, #tpu.memory_space<vmem>>) attributes {dimension_semantics = [#tpu.dimension_semantics<arbitrary>], iteration_bounds = array<i64: 8>, scalar_prefetch = 0 : i64, scratch_operands = 0 : i64, tpu.core_type = #tpu.core_type<tc>, window_params = [{transform_indices = @transform_0, window_bounds = array<i64: 5, 512, 256>}, {transform_indices = @transform_1, window_bounds = array<i64: 512, 256>}, {transform_indices = @transform_2, window_bounds = array<i64: 512, 512>}, {transform_indices = @transform_3, window_bounds = array<i64: 512, 256>}, {transform_indices = @transform_4, window_bounds = array<i64: 512, 512>}, {transform_indices = @transform_5, window_bounds = array<i64: 512, 512>}, {transform_indices = @transform_6, window_bounds = array<i64: 1, 1, 512>}, {transform_indices = @transform_7, window_bounds = array<i64: 1, 1, 512>}]} {
    %get3A = arith.constant 0 : index
    %get3A_0 = arith.constant 0 : index
    %get3A_1 = vector.load %arg2[%get3A, %get3A_0] : memref<512x256xf32, #tpu.memory_space<vmem>>, vector<512x256xf32>
    %get3A_2 = arith.constant 0 : index
    %get3A_3 = arith.constant 0 : index
    %get3A_4 = vector.load %arg3[%get3A_2, %get3A_3] : memref<512x512xf32, #tpu.memory_space<vmem>>, vector<512x512xf32>
    %get3A_5 = arith.constant 0 : index
    %get3A_6 = arith.constant 0 : index
    %get3A_7 = vector.load %arg4[%get3A_5, %get3A_6] : memref<512x256xf32, #tpu.memory_space<vmem>>, vector<512x256xf32>
    %get3A_8 = arith.constant 0 : index
    %get3A_9 = arith.constant 0 : index
    %get3A_10 = arith.constant 0 : index
    %get3A_11 = vector.load %arg1[%get3A_8, %get3A_9, %get3A_10] : memref<5x512x256xf32, #tpu.memory_space<vmem>>, vector<1x512x256xf32>
    %get3A_12 = vector.shape_cast %get3A_11 : vector<1x512x256xf32> to vector<512x256xf32>
    %sub3A = arith.subf %get3A_12, %get3A_1 : vector<512x256xf32>
    %dot_general3A = arith.constant dense<0.000000e+00> : vector<512x512xf32>
    %dot_general3A_13 = tpu.matmul %sub3A, %get3A_7, %dot_general3A {dimension_numbers = #tpu.dot_dimension_numbers<[1], [1], [0], [0], [0, 0, 1, 0], [], []>, transpose_lhs_hint = false} : vector<512x256xf32>, vector<512x256xf32>, vector<512x512xf32> -> vector<512x512xf32>
    %add3A = arith.addf %dot_general3A_13, %get3A_4 : vector<512x512xf32>
    %mul3A = arith.mulf %add3A, %add3A : vector<512x512xf32>
    %get3A_14 = arith.constant 1 : index
    %get3A_15 = arith.constant 0 : index
    %get3A_16 = arith.constant 0 : index
    %get3A_17 = vector.load %arg1[%get3A_14, %get3A_15, %get3A_16] : memref<5x512x256xf32, #tpu.memory_space<vmem>>, vector<1x512x256xf32>
    %get3A_18 = vector.shape_cast %get3A_17 : vector<1x512x256xf32> to vector<512x256xf32>
    %sub3A_19 = arith.subf %get3A_18, %get3A_1 : vector<512x256xf32>
    %dot_general3A_20 = arith.constant dense<0.000000e+00> : vector<512x512xf32>
    %dot_general3A_21 = tpu.matmul %sub3A_19, %get3A_7, %dot_general3A_20 {dimension_numbers = #tpu.dot_dimension_numbers<[1], [1], [0], [0], [0, 0, 1, 0], [], []>, transpose_lhs_hint = false} : vector<512x256xf32>, vector<512x256xf32>, vector<512x512xf32> -> vector<512x512xf32>
    %add3A_22 = arith.addf %dot_general3A_21, %get3A_4 : vector<512x512xf32>
    %max3A = arith.maximumf %add3A, %add3A_22 : vector<512x512xf32>
    %min3A = arith.minimumf %add3A, %add3A_22 : vector<512x512xf32>
    %add3A_23 = arith.addf %add3A, %add3A_22 : vector<512x512xf32>
    %mul3A_24 = arith.mulf %add3A_22, %add3A_22 : vector<512x512xf32>
    %add3A_25 = arith.addf %mul3A, %mul3A_24 : vector<512x512xf32>
    %get3A_26 = arith.constant 2 : index
    %get3A_27 = arith.constant 0 : index
    %get3A_28 = arith.constant 0 : index
    %get3A_29 = vector.load %arg1[%get3A_26, %get3A_27, %get3A_28] : memref<5x512x256xf32, #tpu.memory_space<vmem>>, vector<1x512x256xf32>
    %get3A_30 = vector.shape_cast %get3A_29 : vector<1x512x256xf32> to vector<512x256xf32>
    %sub3A_31 = arith.subf %get3A_30, %get3A_1 : vector<512x256xf32>
    %dot_general3A_32 = arith.constant dense<0.000000e+00> : vector<512x512xf32>
    %dot_general3A_33 = tpu.matmul %sub3A_31, %get3A_7, %dot_general3A_32 {dimension_numbers = #tpu.dot_dimension_numbers<[1], [1], [0], [0], [0, 0, 1, 0], [], []>, transpose_lhs_hint = false} : vector<512x256xf32>, vector<512x256xf32>, vector<512x512xf32> -> vector<512x512xf32>
    %add3A_34 = arith.addf %dot_general3A_33, %get3A_4 : vector<512x512xf32>
    %max3A_35 = arith.maximumf %max3A, %add3A_34 : vector<512x512xf32>
    %min3A_36 = arith.minimumf %min3A, %add3A_34 : vector<512x512xf32>
    %add3A_37 = arith.addf %add3A_23, %add3A_34 : vector<512x512xf32>
    %mul3A_38 = arith.mulf %add3A_34, %add3A_34 : vector<512x512xf32>
    %add3A_39 = arith.addf %add3A_25, %mul3A_38 : vector<512x512xf32>
    %get3A_40 = arith.constant 3 : index
    %get3A_41 = arith.constant 0 : index
    %get3A_42 = arith.constant 0 : index
    %get3A_43 = vector.load %arg1[%get3A_40, %get3A_41, %get3A_42] : memref<5x512x256xf32, #tpu.memory_space<vmem>>, vector<1x512x256xf32>
    %get3A_44 = vector.shape_cast %get3A_43 : vector<1x512x256xf32> to vector<512x256xf32>
    %sub3A_45 = arith.subf %get3A_44, %get3A_1 : vector<512x256xf32>
    %dot_general3A_46 = arith.constant dense<0.000000e+00> : vector<512x512xf32>
    %dot_general3A_47 = tpu.matmul %sub3A_45, %get3A_7, %dot_general3A_46 {dimension_numbers = #tpu.dot_dimension_numbers<[1], [1], [0], [0], [0, 0, 1, 0], [], []>, transpose_lhs_hint = false} : vector<512x256xf32>, vector<512x256xf32>, vector<512x512xf32> -> vector<512x512xf32>
    %add3A_48 = arith.addf %dot_general3A_47, %get3A_4 : vector<512x512xf32>
    %max3A_49 = arith.maximumf %max3A_35, %add3A_48 : vector<512x512xf32>
    %min3A_50 = arith.minimumf %min3A_36, %add3A_48 : vector<512x512xf32>
    %add3A_51 = arith.addf %add3A_37, %add3A_48 : vector<512x512xf32>
    %mul3A_52 = arith.mulf %add3A_48, %add3A_48 : vector<512x512xf32>
    %add3A_53 = arith.addf %add3A_39, %mul3A_52 : vector<512x512xf32>
    %get3A_54 = arith.constant 4 : index
    %get3A_55 = arith.constant 0 : index
    %get3A_56 = arith.constant 0 : index
    %get3A_57 = vector.load %arg1[%get3A_54, %get3A_55, %get3A_56] : memref<5x512x256xf32, #tpu.memory_space<vmem>>, vector<1x512x256xf32>
    %get3A_58 = vector.shape_cast %get3A_57 : vector<1x512x256xf32> to vector<512x256xf32>
    %sub3A_59 = arith.subf %get3A_58, %get3A_1 : vector<512x256xf32>
    %dot_general3A_60 = arith.constant dense<0.000000e+00> : vector<512x512xf32>
    %dot_general3A_61 = tpu.matmul %sub3A_59, %get3A_7, %dot_general3A_60 {dimension_numbers = #tpu.dot_dimension_numbers<[1], [1], [0], [0], [0, 0, 1, 0], [], []>, transpose_lhs_hint = false} : vector<512x256xf32>, vector<512x256xf32>, vector<512x512xf32> -> vector<512x512xf32>
    %add3A_62 = arith.addf %dot_general3A_61, %get3A_4 : vector<512x512xf32>
    %max3A_63 = arith.maximumf %max3A_49, %add3A_62 : vector<512x512xf32>
    %min3A_64 = arith.minimumf %min3A_50, %add3A_62 : vector<512x512xf32>
    %add3A_65 = arith.addf %add3A_51, %add3A_62 : vector<512x512xf32>
    %mul3A_66 = arith.mulf %add3A_62, %add3A_62 : vector<512x512xf32>
    %add3A_67 = arith.addf %add3A_53, %mul3A_66 : vector<512x512xf32>
    %swap3A = arith.constant 0 : index
    %swap3A_68 = arith.constant 0 : index
    %swap3A_69 = vector.load %arg5[%swap3A, %swap3A_68] : memref<512x512xf32, #tpu.memory_space<vmem>>, vector<512x512xf32>
    tpu.vector_store %arg5[%swap3A, %swap3A_68], %max3A_63 {strides = array<i32>} : memref<512x512xf32, #tpu.memory_space<vmem>>, vector<512x512xf32>,
    %swap3A_70 = arith.constant 0 : index
    %swap3A_71 = arith.constant 0 : index
    %swap3A_72 = vector.load %arg6[%swap3A_70, %swap3A_71] : memref<512x512xf32, #tpu.memory_space<vmem>>, vector<512x512xf32>
    tpu.vector_store %arg6[%swap3A_70, %swap3A_71], %min3A_64 {strides = array<i32>} : memref<512x512xf32, #tpu.memory_space<vmem>>, vector<512x512xf32>,
    %reduce_sum3A = arith.constant dense<0.000000e+00> : vector<512xf32>
    %reduce_sum3A_73 = vector.multi_reduction <add>, %add3A_65, %reduce_sum3A [0] : vector<512x512xf32> to vector<512xf32>
    %broadcast_in_dim3A = vector.shape_cast %reduce_sum3A_73 : vector<512xf32> to vector<1x512xf32>
    %swap3A_74 = arith.constant 0 : index
    %swap3A_75 = arith.constant 0 : index
    %swap3A_76 = arith.constant 0 : index
    %swap3A_77 = vector.load %arg7[%swap3A_74, %swap3A_75, %swap3A_76] : memref<1x1x512xf32, #tpu.memory_space<vmem>>, vector<1x1x512xf32>
    %swap3A_78 = vector.shape_cast %swap3A_77 : vector<1x1x512xf32> to vector<1x512xf32>
    %swap3A_79 = vector.shape_cast %broadcast_in_dim3A : vector<1x512xf32> to vector<1x1x512xf32>
    tpu.vector_store %arg7[%swap3A_74, %swap3A_75, %swap3A_76], %swap3A_79 {strides = array<i32>} : memref<1x1x512xf32, #tpu.memory_space<vmem>>, vector<1x1x512xf32>,
    %reduce_sum3A_80 = arith.constant dense<0.000000e+00> : vector<512xf32>
    %reduce_sum3A_81 = vector.multi_reduction <add>, %add3A_67, %reduce_sum3A_80 [0] : vector<512x512xf32> to vector<512xf32>
    %broadcast_in_dim3A_82 = vector.shape_cast %reduce_sum3A_81 : vector<512xf32> to vector<1x512xf32>
    %swap3A_83 = arith.constant 0 : index
    %swap3A_84 = arith.constant 0 : index
    %swap3A_85 = arith.constant 0 : index
    %swap3A_86 = vector.load %arg8[%swap3A_83, %swap3A_84, %swap3A_85] : memref<1x1x512xf32, #tpu.memory_space<vmem>>, vector<1x1x512xf32>
    %swap3A_87 = vector.shape_cast %swap3A_86 : vector<1x1x512xf32> to vector<1x512xf32>
    %swap3A_88 = vector.shape_cast %broadcast_in_dim3A_82 : vector<1x512xf32> to vector<1x1x512xf32>
    tpu.vector_store %arg8[%swap3A_83, %swap3A_84, %swap3A_85], %swap3A_88 {strides = array<i32>} : memref<1x1x512xf32, #tpu.memory_space<vmem>>, vector<1x1x512xf32>,
    return
  }
  func.func @transform_0(%arg0: i32) -> (i32, i32, i32) {
    %c0_i32 = arith.constant 0 : i32
    %c0_i32_0 = arith.constant 0 : i32
    %c0_i32_1 = arith.constant 0 : i32
    return %c0_i32, %arg0, %c0_i32_0 : i32, i32, i32
  }
  func.func @transform_1(%arg0: i32) -> (i32, i32) {
    %c0_i32 = arith.constant 0 : i32
    %c0_i32_0 = arith.constant 0 : i32
    return %arg0, %c0_i32 : i32, i32
  }
  func.func @transform_2(%arg0: i32) -> (i32, i32) {
    %c0_i32 = arith.constant 0 : i32
    %c0_i32_0 = arith.constant 0 : i32
    return %arg0, %c0_i32 : i32, i32
  }
  func.func @transform_3(%arg0: i32) -> (i32, i32) {
    %c0_i32 = arith.constant 0 : i32
    %c0_i32_0 = arith.constant 0 : i32
    %c0_i32_1 = arith.constant 0 : i32
    return %c0_i32, %c0_i32_0 : i32, i32
  }
  func.func @transform_4(%arg0: i32) -> (i32, i32) {
    %c0_i32 = arith.constant 0 : i32
    %c0_i32_0 = arith.constant 0 : i32
    return %arg0, %c0_i32 : i32, i32
  }
  func.func @transform_5(%arg0: i32) -> (i32, i32) {
    %c0_i32 = arith.constant 0 : i32
    %c0_i32_0 = arith.constant 0 : i32
    return %arg0, %c0_i32 : i32, i32
  }
  func.func @transform_6(%arg0: i32) -> (i32, i32, i32) {
    %c0_i32 = arith.constant 0 : i32
    %c0_i32_0 = arith.constant 0 : i32
    %c0_i32_1 = arith.constant 0 : i32
    return %arg0, %c0_i32, %c0_i32_0 : i32, i32, i32
  }
  func.func @transform_7(%arg0: i32) -> (i32, i32, i32) {
    %c0_i32 = arith.constant 0 : i32
    %c0_i32_0 = arith.constant 0 : i32
    %c0_i32_1 = arith.constant 0 : i32
    return %arg0, %c0_i32, %c0_i32_0 : i32, i32, i32
  }
}

module attributes {stable_mosaic.version = 14 : i64} {
  func.func @_fin_body(%arg0: i32, %arg1: memref<512x512xf32, #tpu.memory_space<vmem>>, %arg2: memref<512x512xf32, #tpu.memory_space<vmem>>, %arg3: memref<16x512xf32, #tpu.memory_space<vmem>>, %arg4: memref<16x512xf32, #tpu.memory_space<vmem>>, %arg5: memref<1x512xf32, #tpu.memory_space<vmem>>, %arg6: memref<1x512xf32, #tpu.memory_space<vmem>>, %arg7: memref<512x512xf32, #tpu.memory_space<vmem>>) attributes {dimension_semantics = [#tpu.dimension_semantics<arbitrary>], iteration_bounds = array<i64: 8>, scalar_prefetch = 0 : i64, scratch_operands = 0 : i64, tpu.core_type = #tpu.core_type<tc>, window_params = [{transform_indices = @transform_0, window_bounds = array<i64: 512, 512>}, {transform_indices = @transform_1, window_bounds = array<i64: 512, 512>}, {pipeline_mode = #tpu.pipeline_mode<synchronous>, transform_indices = @transform_2, window_bounds = array<i64: 16, 512>}, {pipeline_mode = #tpu.pipeline_mode<synchronous>, transform_indices = @transform_3, window_bounds = array<i64: 16, 512>}, {pipeline_mode = #tpu.pipeline_mode<synchronous>, transform_indices = @transform_4, window_bounds = array<i64: 1, 512>}, {pipeline_mode = #tpu.pipeline_mode<synchronous>, transform_indices = @transform_5, window_bounds = array<i64: 1, 512>}, {transform_indices = @transform_6, window_bounds = array<i64: 512, 512>}]} {
    %get3A = arith.constant 0 : index
    %get3A_0 = arith.constant 0 : index
    %get3A_1 = vector.load %arg3[%get3A, %get3A_0] : memref<16x512xf32, #tpu.memory_space<vmem>>, vector<16x512xf32>
    %reduce_sum3A = arith.constant dense<0.000000e+00> : vector<512xf32>
    %reduce_sum3A_2 = vector.multi_reduction <add>, %get3A_1, %reduce_sum3A [0] : vector<16x512xf32> to vector<512xf32>
    %broadcast_in_dim3A = vector.shape_cast %reduce_sum3A_2 : vector<512xf32> to vector<1x512xf32>
    %get3A_3 = arith.constant 0 : index
    %get3A_4 = arith.constant 0 : index
    %get3A_5 = vector.load %arg4[%get3A_3, %get3A_4] : memref<16x512xf32, #tpu.memory_space<vmem>>, vector<16x512xf32>
    %reduce_sum3A_6 = arith.constant dense<0.000000e+00> : vector<512xf32>
    %reduce_sum3A_7 = vector.multi_reduction <add>, %get3A_5, %reduce_sum3A_6 [0] : vector<16x512xf32> to vector<512xf32>
    %broadcast_in_dim3A_8 = vector.shape_cast %reduce_sum3A_7 : vector<512xf32> to vector<1x512xf32>
    %mul3A = arith.constant 2.44140629E-5 : f32
    %mul3A_9 = vector.broadcast %mul3A : f32 to vector<1x512xf32>
    %mul3A_10 = arith.mulf %broadcast_in_dim3A, %mul3A_9 : vector<1x512xf32>
    %mul3A_11 = arith.constant 2.44140629E-5 : f32
    %mul3A_12 = vector.broadcast %mul3A_11 : f32 to vector<1x512xf32>
    %mul3A_13 = arith.mulf %broadcast_in_dim3A_8, %mul3A_12 : vector<1x512xf32>
    %mul3A_14 = arith.mulf %mul3A_10, %mul3A_10 : vector<1x512xf32>
    %sub3A = arith.subf %mul3A_13, %mul3A_14 : vector<1x512xf32>
    %add3A = arith.constant 9.99999974E-6 : f32
    %add3A_15 = vector.broadcast %add3A : f32 to vector<1x512xf32>
    %add3A_16 = arith.addf %sub3A, %add3A_15 : vector<1x512xf32>
    %rsqrt3A = math.rsqrt %add3A_16 : vector<1x512xf32>
    %get3A_17 = arith.constant 0 : index
    %get3A_18 = arith.constant 0 : index
    %get3A_19 = vector.load %arg5[%get3A_17, %get3A_18] : memref<1x512xf32, #tpu.memory_space<vmem>>, vector<1x512xf32>
    %mul3A_20 = arith.mulf %get3A_19, %rsqrt3A : vector<1x512xf32>
    %get3A_21 = arith.constant 0 : index
    %get3A_22 = arith.constant 0 : index
    %get3A_23 = vector.load %arg6[%get3A_21, %get3A_22] : memref<1x512xf32, #tpu.memory_space<vmem>>, vector<1x512xf32>
    %mul3A_24 = arith.mulf %mul3A_10, %mul3A_20 : vector<1x512xf32>
    %sub3A_25 = arith.subf %get3A_23, %mul3A_24 : vector<1x512xf32>
    %ge3A = arith.constant 0.000000e+00 : f32
    %ge3A_26 = vector.broadcast %ge3A : f32 to vector<1x512xf32>
    %ge3A_27 = arith.cmpf oge, %get3A_19, %ge3A_26 : vector<1x512xf32>
    %get3A_28 = arith.constant 0 : index
    %get3A_29 = arith.constant 0 : index
    %get3A_30 = vector.load %arg1[%get3A_28, %get3A_29] : memref<512x512xf32, #tpu.memory_space<vmem>>, vector<512x512xf32>
    %get3A_31 = arith.constant 0 : index
    %get3A_32 = arith.constant 0 : index
    %get3A_33 = vector.load %arg2[%get3A_31, %get3A_32] : memref<512x512xf32, #tpu.memory_space<vmem>>, vector<512x512xf32>
    %broadcast_in_dim3A_34 = vector.shape_cast %ge3A_27 : vector<1x512xi1> to vector<1x512xi1>
    %broadcast_in_dim3A_35 = vector.broadcast %broadcast_in_dim3A_34 : vector<1x512xi1> to vector<512x512xi1>
    %select_n3A = arith.select %broadcast_in_dim3A_35, %get3A_30, %get3A_33 : vector<512x512xi1>, vector<512x512xf32>
    %mul3A_36 = vector.broadcast %mul3A_20 : vector<1x512xf32> to vector<512x512xf32>
    %mul3A_37 = arith.mulf %select_n3A, %mul3A_36 : vector<512x512xf32>
    %add3A_38 = vector.broadcast %sub3A_25 : vector<1x512xf32> to vector<512x512xf32>
    %add3A_39 = arith.addf %mul3A_37, %add3A_38 : vector<512x512xf32>
    %ge3A_40 = arith.constant 0.000000e+00 : f32
    %ge3A_41 = vector.broadcast %ge3A_40 : f32 to vector<512x512xf32>
    %ge3A_42 = arith.cmpf oge, %add3A_39, %ge3A_41 : vector<512x512xf32>
    %mul3A_43 = arith.constant 2.000000e-01 : f32
    %mul3A_44 = vector.broadcast %mul3A_43 : f32 to vector<512x512xf32>
    %mul3A_45 = arith.mulf %mul3A_44, %add3A_39 : vector<512x512xf32>
    %select_n3A_46 = arith.select %ge3A_42, %add3A_39, %mul3A_45 : vector<512x512xi1>, vector<512x512xf32>
    %swap3A = arith.constant 0 : index
    %swap3A_47 = arith.constant 0 : index
    %swap3A_48 = vector.load %arg7[%swap3A, %swap3A_47] : memref<512x512xf32, #tpu.memory_space<vmem>>, vector<512x512xf32>
    tpu.vector_store %arg7[%swap3A, %swap3A_47], %select_n3A_46 {strides = array<i32>} : memref<512x512xf32, #tpu.memory_space<vmem>>, vector<512x512xf32>,
    return
  }
  func.func @transform_0(%arg0: i32) -> (i32, i32) {
    %c0_i32 = arith.constant 0 : i32
    %c0_i32_0 = arith.constant 0 : i32
    return %arg0, %c0_i32 : i32, i32
  }
  func.func @transform_1(%arg0: i32) -> (i32, i32) {
    %c0_i32 = arith.constant 0 : i32
    %c0_i32_0 = arith.constant 0 : i32
    return %arg0, %c0_i32 : i32, i32
  }
  func.func @transform_2(%arg0: i32) -> (i32, i32) {
    %c0_i32 = arith.constant 0 : i32
    %c0_i32_0 = arith.constant 0 : i32
    %c0_i32_1 = arith.constant 0 : i32
    return %c0_i32, %c0_i32_0 : i32, i32
  }
  func.func @transform_3(%arg0: i32) -> (i32, i32) {
    %c0_i32 = arith.constant 0 : i32
    %c0_i32_0 = arith.constant 0 : i32
    %c0_i32_1 = arith.constant 0 : i32
    return %c0_i32, %c0_i32_0 : i32, i32
  }
  func.func @transform_4(%arg0: i32) -> (i32, i32) {
    %c0_i32 = arith.constant 0 : i32
    %c0_i32_0 = arith.constant 0 : i32
    %c0_i32_1 = arith.constant 0 : i32
    return %c0_i32, %c0_i32_0 : i32, i32
  }
  func.func @transform_5(%arg0: i32) -> (i32, i32) {
    %c0_i32 = arith.constant 0 : i32
    %c0_i32_0 = arith.constant 0 : i32
    %c0_i32_1 = arith.constant 0 : i32
    return %c0_i32, %c0_i32_0 : i32, i32
  }
  func.func @transform_6(%arg0: i32) -> (i32, i32) {
    %c0_i32 = arith.constant 0 : i32
    %c0_i32_0 = arith.constant 0 : i32
    return %arg0, %c0_i32 : i32, i32
  }
}

</mosaic_0001>

<sc_bundles>
// kernel: kernel.18.cloned.1.call-start
scs
__scs_entry_jumppad:
0x0: {  	(pc) =	sbr.rel $0x88, $3  }
0x1: {  	(tag) =	ssettag $0x0;
	lr =	simm.s32 $0x1  }
0x2: {  	[smem:$0x3F9A] =	sst lr;
	_ =	strace $0xD0000000  }
0x3: {  	_ = 	snop  }
0x4: {  	_ = 	snop  }
0x5: {  	_ = 	snop  }
0x6: {  	_ = 	snop  }
0x7: {  	_ = 	snop  }
__scs_overlays_trampoline_lowered:
0x8: {  	[smem:$0x3FA9] =	sst s0  }
0x9: {  	[smem:$0x3FAA] =	sst s1  }
0xa: {  	[smem:$0x3FAB] =	sst s2  }
0xb: {  	[smem:$0x3FAC] =	sst s3  }
0xc: {  	[smem:$0x3FAD] =	sst s4  }
0xd: {  	[smem:$0x3FAE] =	sst s5  }
0xe: {  	[smem:$0x3FAF] =	sst s6  }
0xf: {  	[smem:$0x3FB0] =	sst s7  }
0x10: {  	[smem:$0x3FB1] =	sst s8  }
0x11: {  	[smem:$0x3FB2] =	sst s9;
	s0 =	simm.s32 @!p0 $0x0  }
0x12: {  	s1 =	sld [smem:$0x3F98];
	s0 =	simm.s32 @p0 $0x1  }
0x13: {  	[smem:$0x3FB3] =	sst s0;
	s0 =	simm.s32 @!p1 $0x0  }
0x14: {  	s2 =	sld [smem:$0x3F97];
	s0 =	simm.s32 @p1 $0x1  }
0x15: {  	[smem:$0x3FB4] =	sst s0;
	s0 =	simm.s32 @!p2 $0x0  }
0x16: {  	s3 =	sld [smem:$0x3FDB];
	s0 =	simm.s32 @p2 $0x1  }
0x17: {  	s4 =	simm.s32 $0x1BF5;
	[smem:$0x3FB6] =	sst s0  }
0x18: {  	s0 =	sld [smem:$0x3F99];
	_ =	swait.ge [sflag:s4], $0x0  }
0x19: {  	s7 =	sld [smem:$0x3F9A]  }
0x1a: {  	s8 =	sadd.s32 $0xFFFFE003, lr  }
0x1b: {  	s9 =	sadd.s32 $0xFFFFFEF7, lr;
	s5 =	simm.s32 $0xFFFFFFFF;
	p2 =	slt.u32 s8, $0xFFFFF086  }
0x1c: {  	p1 =	slt.u32 s9, $0xF7A;
	s5 =	simm.s32 @!p2 $0x0  }
0x1d: {  	s5 =	simm.s32 @p1 $0x1;
	p0 =	seq.s32 s7, s2  }
0x1e: {  	s7 =	smul.u32 @!p0 $0xF7A, s2;
	p2 =	seq.s32 @!p0 s5, $0x0  }
0x1f: {  	s9 =	smul.u32 $0xF7A, s1;
	s8 =	simm.s32 @!p0 $0x1BF5;
	p2 =	por !p2, p0  }
0x20: {  	[sflag:s8] =	ssyncset.s32 @!p0 $0xFFFFF086;
	s6 =	sadd.s32 @!p0 s3, s7;
	s7 =	simm.s32 @!p0 $0x108  }
0x21: {  	s3 =	sadd.s32 s3, s9;
	s6 =	sadd.s32 @!p0 $0x88, s6;
	s7 =	simm.s32 @p2 $0x1082  }
0x22: {  	[simem:s7], [sflag:s8] =	dma.local @!p0 [hbm:s6], $0xF7A  }
0x23: {  	s9 =	sor.u32 $0xD0000000, s2;
	s6 =	simm.s32 $0x108;
	_ =	swait.ge @!p0 [sflag:s8], $0x0  }
0x24: {  	s3 =	sadd.s32 $0x88, s3;
	s6 =	simm.s32 @!p1 $0x1082;
	[sflag:s4] =	ssyncset.s32 $0xFFFFF086  }
0x25: {  	[simem:s6], [sflag:s4] =	dma.local [hbm:s3], $0xF7A  }
0x26: {  	[smem:$0x3F9A] =	sst s1;
	(tag) =	ssettag s2;
	_ =	strace s9  }
0x27: {  	s1 =	sld [smem:$0x3FAA]  }
0x28: {  	s2 =	sld [smem:$0x3FAB]  }
0x29: {  	s4 =	sld [smem:$0x3FAD]  }
0x2a: {  	p0 =	seq.s32 s5, $0x0;
	s5 =	sld [smem:$0x3FAE]  }
0x2b: {  	s6 =	sld [smem:$0x3FAF]  }
0x2c: {  	s7 =	sld [smem:$0x3FB0]  }
0x2d: {  	s3 =	simm.s32 $0x108;
	s8 =	sld [smem:$0x3FB1]  }
0x2e: {  	s3 =	simm.s32 @!p0 $0x1082;
	s9 =	sld [smem:$0x3FB2]  }
0x2f: {  	lr =	sadd.s32 s0, s3;
	s0 =	sld [smem:$0x3FA9]  }
0x30: {  	s3 =	sld [smem:$0x3FAC]  }
0x31: {  	[smem:$0x3FB5] =	sst s10  }
0x32: {  	s10 =	sld [smem:$0x3FB3];
	_ =	sdelay $0x3  }
0x33: {  	p0 =	seq.s32 s10, $0x1;
	s10 =	sld [smem:$0x3FB5];
	_ =	sdelay $0x3  }
0x34: {  	[smem:$0x3FB5] =	sst s10  }
0x35: {  	s10 =	sld [smem:$0x3FB4];
	_ =	sdelay $0x3  }
0x36: {  	p1 =	seq.s32 s10, $0x1;
	s10 =	sld [smem:$0x3FB5];
	_ =	sdelay $0x3  }
0x37: {  	[smem:$0x3FB5] =	sst s10  }
0x38: {  	s10 =	sld [smem:$0x3FB6]  }
0x39: {  	_ = 	snop;
	(pc) =	sbr.ind lr, $3  }
0x3a: {  	_ = 	snop  }
0x3b: {  	_ = 	snop  }
0x3c: {  	p2 =	seq.s32 s10, $0x1;
	s10 =	sld [smem:$0x3FB5]  }
0x3d: {  	_ =	shalt  }
0x3e: {  	_ =	shalt  }
0x3f: {  	_ =	shalt  }
0x40: {  	_ =	shalt  }
0x41: {  	_ =	shalt  }
0x42: {  	_ =	shalt  }
0x43: {  	_ =	shalt  }
0x44: {  	_ =	shalt  }
0x45: {  	_ =	shalt  }
0x46: {  	_ =	shalt  }
0x47: {  	_ =	shalt  }
0x48: {  	_ =	shalt  }
0x49: {  	_ =	shalt  }
0x4a: {  	_ =	shalt  }
0x4b: {  	_ =	shalt  }
0x4c: {  	_ =	shalt  }
0x4d: {  	_ =	shalt  }
0x4e: {  	_ =	shalt  }
0x4f: {  	_ =	shalt  }
0x50: {  	_ =	shalt  }
0x51: {  	_ =	shalt  }
0x52: {  	_ =	shalt  }
0x53: {  	_ =	shalt  }
0x54: {  	_ =	shalt  }
0x55: {  	_ =	shalt  }
0x56: {  	_ =	shalt  }
0x57: {  	_ =	shalt  }
0x58: {  	_ =	shalt  }
0x59: {  	_ =	shalt  }
0x5a: {  	_ =	shalt  }
0x5b: {  	_ =	shalt  }
0x5c: {  	_ =	shalt  }
0x5d: {  	_ =	shalt  }
0x5e: {  	_ =	shalt  }
0x5f: {  	_ =	shalt  }
0x60: {  	_ =	shalt  }
0x61: {  	_ =	shalt  }
0x62: {  	_ =	shalt  }
0x63: {  	_ =	shalt  }
0x64: {  	_ =	shalt  }
0x65: {  	_ =	shalt  }
0x66: {  	_ =	shalt  }
0x67: {  	_ =	shalt  }
0x68: {  	_ =	shalt  }
0x69: {  	_ =	shalt  }
0x6a: {  	_ =	shalt  }
0x6b: {  	_ =	shalt  }
0x6c: {  	_ =	shalt  }
0x6d: {  	_ =	shalt  }
0x6e: {  	_ =	shalt  }
0x6f: {  	_ =	shalt  }
0x70: {  	_ =	shalt  }
0x71: {  	_ =	shalt  }
0x72: {  	_ =	shalt  }
0x73: {  	_ =	shalt  }
0x74: {  	_ =	shalt  }
0x75: {  	_ =	shalt  }
0x76: {  	_ =	shalt  }
0x77: {  	_ =	shalt  }
0x78: {  	_ =	shalt  }
0x79: {  	_ =	shalt  }
0x7a: {  	_ =	shalt  }
0x7b: {  	_ =	shalt  }
0x7c: {  	_ =	shalt  }
0x7d: {  	_ =	shalt  }
0x7e: {  	_ =	shalt  }
0x7f: {  	_ =	shalt  }
0x80: {  	_ =	shalt  }
0x81: {  	_ =	shalt  }
0x82: {  	_ =	shalt  }
0x83: {  	_ =	shalt  }
0x84: {  	_ =	shalt  }
0x85: {  	_ =	shalt  }
0x86: {  	_ =	shalt  }
0x87: {  	_ =	shalt  }
.Lfunc_end0:
.L_simem_size_0:
called_computation_lowered:
.L_overlay_start_0:
0x88: {  	s2 =	sld [smem:$0x3FD9]  }
0x89: {  	s3 =	sld [smem:$0x3FFE];
	_ =	sdelay $0x1  }
0x8a: {  	s1 =	srdreg.scid  }
0x8b: {  	s0 =	sand.u32 $0x1, s1  }
0x8c: {  	s17 =	sshll.u32 s0, $0xA;
	s2 =	sadd.s32 s3, s2  }
0x8d: {  	s2 =	sadd.s32 s2, s17  }
0x8e: {  	[smem:$0x3FC1] =	sst s2  }
0x8f: {  	_ = 	snop  }
0x90: {  	(tm) =	ssettm $0x1  }
0x91: {  	s18 =	sld [smem:$0x3FFB];
	_ =	sdelay $0x3  }
0x92: {  	_ =	strace s18  }
0x93: {  	s2 =	sld [smem:$0x3FFC];
	_ =	sdelay $0x3  }
0x94: {  	_ =	strace s2  }
0x95: {  	s2 =	sld [smem:$0x3FFD];
	_ =	sdelay $0x3  }
0x96: {  	_ =	strace s2  }
0x97: {  	_ =	strace $0x8FFFFFFF  }
0x98: {  	s19 =	sld [smem:$0x3FDB];
	_ =	sdelay $0x1  }
0x99: {  	s20 =	simm.s32 $_scs_section_size  }
0x9a: {  	s4 =	simm.s32 $_size__tile_overlayer_lowered;
	s5 =	simm.s32 $_tile_overlayer_lowered  }
0x9b: {  	s6 =	simm.s32 $0x1BFF;
	s21 =	sshll.u32 s5, $0x1;
	s3 =	sadd.s32 s20, s19  }
0x9c: {  	s22 =	simm.s32 $0x0;
	s4 =	sshll.u32 s4, $0x1;
	s5 =	sadd.s32 s21, s3  }
0x9d: {  	[timem:s22], [sflag:s6] =	dma.local [hbm:s5], s4  }
0x9e: {  	_ =	swait.ge [sflag:s6], s4  }
0x9f: {  	s4 =	ssub.s32 $0x0, s4;
	[sflag:s6] =	ssyncset.done $0x0  }
0xa0: {  	[sflag:s6] =	ssyncadd.s32 s4;
	_ =	sdelay $0x1  }
0xa1: {  	s23 =	simm.s32 $0x1B8B  }
0xa2: {  	_ =	swait.ge [sflag:s23], $0x1  }
0xa3: {  	[sflag:s23] =	ssyncset.done $0x0  }
0xa4: {  	[sflag:s23] =	ssyncadd.s32 $0xFFFFFFFF  }
0xa5: {  	s4 =	sld [smem:$0x0]  }
0xa6: {  	s5 =	sand.u32 $0xFFFFFFFE, s1  }
0xa7: {  	p0 =	sne.s32 s1, s5  }
0xa8: {  	s5 =	sshll.u32 @p0 s5, $0xE  }
0xa9: {  	s5 =	sadd.s32 @p0 $0x11B8D, s5;
	s6 =	sshll.u32 @p0 s4, $0x11  }
0xaa: {  	s5 =	sor.u32 @p0 s6, s5  }
0xab: {  	[sflag:s5] =	ssyncadd.remote.s32 @p0 $0x1;
	_ =	sdelay $0x1  }
0xac: {  	s5 =	simm.s32 @p0 $0x1B8D  }
0xad: {  	_ =	swait.eq @p0 [sflag:s5], $0x1  }
0xae: {  	[sflag:s5] =	ssyncadd.s32 @p0 $0xFFFFFFFF  }
0xaf: {  	s6 =	sshll.u32 @!p0 s1, $0xE  }
0xb0: {  	s6 =	sor.u32 @!p0 $0x4000, s6;
	s5 =	simm.s32 @!p0 $0x1B8D  }
0xb1: {  	s4 =	sshll.u32 @!p0 s4, $0x11;
	s6 =	sadd.s32 @!p0 $0x11B8D, s6;
	_ =	swait.eq @!p0 [sflag:s5], $0x1  }
0xb2: {  	s4 =	sor.u32 @!p0 s4, s6;
	[sflag:s5] =	ssyncadd.s32 @!p0 $0xFFFFFFFF  }
0xb3: {  	s25 =	simm.s32 $0x1B8E;
	s24 =	sld [smem:$0x3FFE];
	[sflag:s4] =	ssyncadd.remote.s32 @!p0 $0x1  }
0xb4: {  	s26 =	simm.s32 $execute0_lowered;
	[smem:$0x3FD2] =	sst s25  }
0xb5: {  	s5 =	sshll.u32 s26, $0x1;
	_ =	strace $0x80000049;
	[dreg:$0x1] =	wrdreg $0xFFFFFFFF  }
0xb6: {  	s28 =	simm.s32 $_size_execute0_lowered;
	s3 =	sadd.s32 s3, s5;
	[dreg:$0x0] =	wrdreg $0x0  }
0xb7: {  	s5 =	sshll.u32 s28, $0x1;
	[dreg:$0x2] =	wrdreg s3  }
0xb8: {  	[dreg:$0x3] =	wrdreg s5  }
0xb9: {  	[dreg:$0x4] =	wrdreg $0xC0  }
0xba: {  	_ =	task [dreg:s22], $0x5FFFF  }
0xbb: {  	[dreg:$0x1] =	wrdreg $0xFFFFFFFF  }
0xbc: {  	[dreg:$0x0] =	wrdreg $0x60  }
0xbd: {  	[dreg:$0x2] =	wrdreg s24  }
0xbe: {  	[dreg:$0x3] =	wrdreg $0x9  }
0xbf: {  	_ =	task.clear_ibuf [dreg:s22], $0x4FFFF;
	_ =	strace $0x90000049  }
0xc0: {  	s29 =	simm.s32 $0x9;
	_ =	strace $0x8000004B  }
0xc1: {  	_ =	swait.ge [sflag:s29], $0x1  }
0xc2: {  	[sflag:s29] =	ssyncadd.s32 $0xFFFFFFFF  }
0xc3: {  	_ =	strace $0x9000004B  }
0xc4: {  	_ =	sfence  }
0xc5: {  	s30 =	sld [smem:$0x0];
	_ =	sdelay $0x2  }
0xc6: {  	s31 =	sshll.u32 s1, $0xD;
	s1 =	sshrl.u32 s1, $0x2  }
0xc7: {  	s4 =	sand.u32 $0x4000, s31;
	s1 =	sadd.s32 s1, s30  }
0xc8: {  	s0 =	sor.u32 s4, s0;
	s1 =	sshll.u32 s1, $0x11  }
0xc9: {  	s0 =	sor.u32 s1, s0  }
0xca: {  	s0 =	sadd.s32 $0x8F2B, s0  }
0xcb: {  	[sflag:s0] =	ssyncadd.remote.s32 $0x1  }
0xcc: {  	_ =	sfence.sel $0xFFFF  }
0xcd: {  	[dreg:$0x0] =	wrdreg $0xFFFFFFFF;
	(pc) =	sbr.abs _section_cstart, $3  }
0xce: {  	[dreg:$0x1] =	wrdreg $0xFFFFFFFF  }
0xcf: {  	_ =	task.clear_ibuf [dreg:s22], $0x2FFFF;
	_ =	strace $0x9FFFFFFF  }
0xd0: {  	(tm) =	ssettm $0x7FFFFFFF  }
0xd1: {  	_ =	shalt  }
tec
execute0_lowered:
.L_overlay_start_1:
0x0: {  	(tag) =	ssettag $0x1  }
0x1: {  	s0 =	rddreg [dreg:$0x0]  }
0x2: {  	s1 =	srdreg.scid;
	s2 =	simm.s32 $0x0;
	s3 =	stileid.u32  }
0x3: {  	s12 =	simm.s32 $0x10A80;
	s13 =	simm.s32 $0x11280;
	s14 =	simm.s32 $0x11A80  }
0x4: {  	s15 =	simm.s32 $0x12280;
	s28 =	simm.s32 $0x3280;
	s29 =	simm.s32 $0x3A80  }
0x5: {  	s30 =	simm.s32 $0x4280;
	s31 =	simm.s32 $0x4A80;
	[smem:$0x7FF] =	sst s2  }
0x6: {  	s1 =	sand.u32 $0x1, s1;
	_ =	strace $0x8000004A;
	[dreg:$0x10] =	wrdreg s12  }
0x7: {  	s3 =	sshll.u32 s3, $0x8;
	s4 =	sshll.u32 s1, $0x7;
	[dreg:$0x11] =	wrdreg s13  }
0x8: {  	s16 =	sadd.s32 $0xC6800, s0;
	[dreg:$0x12] =	wrdreg s14;
	s3 =	sor.u32 s4, s3  }
0x9: {  	s7 =	sadd.s32 $0xC7200, s0;
	[dreg:$0x13] =	wrdreg s15;
	s5 =	sshrl.u32 s3, $0x3  }
0xa: {  	s6 =	sor.u32 $0x1000, s3;
	s18 =	sor.u32 $0x2000, s3;
	s9 =	sor.u32 $0x3000, s3  }
0xb: {  	s11 =	sor.u32 $0x4000, s3;
	s3 =	sshll.u32 s3, $0x5;
	s5 =	sadd.s32 s16, s5  }
0xc: {  	s8 =	sshrl.u32 s6, $0x3;
	s19 =	sshrl.u32 s18, $0x3;
	s21 =	sshrl.u32 s11, $0x3  }
0xd: {  	s3 =	sadd.s32 s7, s3;
	s22 =	sshll.u32 s6, $0x5;
	[dreg:$0x2] =	wrdreg s5  }
0xe: {  	s6 =	sshll.u32 s11, $0x5;
	s11 =	simm.s32 $0x200;
	[dreg:$0x7] =	wrdreg s3  }
0xf: {  	s24 =	sshll.u32 s18, $0x5;
	s18 =	simm.s32 $0x13A80;
	[dreg:$0xf] =	wrdreg s11  }
0x10: {  	s1 =	ssub.s32 $0x2, s1;
	s17 =	sadd.s32 s16, s8;
	[dreg:$0x16] =	wrdreg s18  }
0x11: {  	s10 =	sshrl.u32 s9, $0x3;
	s5 =	sadd.s32 s16, s19;
	[dreg:$0x3] =	wrdreg s17  }
0x12: {  	s13 =	simm.s32 $0x1;
	s20 =	sadd.s32 s16, s10;
	[dreg:$0x4] =	wrdreg s5  }
0x13: {  	s14 =	simm.s32 $0x4;
	s4 =	sadd.s32 s16, s21;
	[dreg:$0x5] =	wrdreg s20  }
0x14: {  	s15 =	simm.s32 $0x2;
	s23 =	sadd.s32 s7, s22;
	[dreg:$0x6] =	wrdreg s4  }
0x15: {  	s12 =	simm.s32 $0x9280;
	s25 =	sadd.s32 s7, s24;
	[dreg:$0x8] =	wrdreg s23  }
0x16: {  	s26 =	sshll.u32 s9, $0x5;
	s8 =	simm.s32 $0x100;
	[dreg:$0x9] =	wrdreg s25  }
0x17: {  	s9 =	sshrl.u32 s1, $0x1;
	s10 =	simm.s32 $0x180;
	[dreg:$0xd] =	wrdreg s8  }
0x18: {  	s3 =	sadd.s32 $0x5E00, s0;
	s16 =	simm.s32 $0x12A80;
	[dreg:$0xe] =	wrdreg s10  }
0x19: {  	s1 =	ssub.s32 s1, s9;
	s19 =	simm.s32 $0x14280;
	[dreg:$0x14] =	wrdreg s16  }
0x1a: {  	s21 =	simm.s32 $0x15280;
	s22 =	simm.s32 $0x15A80;
	[dreg:$0x17] =	wrdreg s19  }
0x1b: {  	s24 =	simm.s32 $0x16A80;
	s9 =	simm.s32 $0x7280;
	[dreg:$0x19] =	wrdreg s21  }
0x1c: {  	s18 =	simm.s32 $0xA280;
	s5 =	sadd.s32 s7, s26;
	[dreg:$0x1a] =	wrdreg s22  }
0x1d: {  	s4 =	sadd.s32 s7, s6;
	s7 =	simm.s32 $0x80;
	[dreg:$0x1c] =	wrdreg s24  }
0x1e: {  	s17 =	simm.s32 $0x13280;
	s20 =	simm.s32 $0x14A80;
	[dreg:$0xa] =	wrdreg s5  }
0x1f: {  	s23 =	simm.s32 $0x16280;
	s25 =	simm.s32 $0x17280;
	[dreg:$0xb] =	wrdreg s4  }
0x20: {  	s26 =	simm.s32 $0x17A80;
	s16 =	simm.s32 $0x5;
	[dreg:$0xc] =	wrdreg s7  }
0x21: {  	s22 =	simm.s32 $0x280;
	s21 =	simm.s32 $0xA80;
	[dreg:$0x15] =	wrdreg s17  }
0x22: {  	s24 =	simm.s32 $0x1A80;
	s6 =	simm.s32 $0x5280;
	[dreg:$0x18] =	wrdreg s20  }
0x23: {  	s8 =	simm.s32 $0x6A80;
	s10 =	simm.s32 $0x7A80;
	[dreg:$0x1b] =	wrdreg s23  }
0x24: {  	v2 =	vlaneseq.u32;
	s4 =	smax.u32 s1, $0x1;
	s5 =	simm.s32 $0x7;
	[dreg:$0x1d] =	wrdreg s25  }
0x25: {  	vm0 =	vmmov $0xffff;
	v1 =	vshrl.u32 v2, $0x3;
	[dreg:$0x1e] =	wrdreg s26;
	s23 =	simm.s32 $0x1280;
	s25 =	simm.s32 $0x2280  }
0x26: {  	v0 =	vand.u32 $0x7, v2;
	v2 =	vor.u32 $0x8, v2;
	v1 =	vmul.u32 $0x8, v1;
	s26 =	simm.s32 $0x2A80;
	s7 =	simm.s32 $0x6280;
	s17 =	simm.s32 $0x9A80  }
.LBB2_1:
0x27: {  	s19 =	rddreg [dreg:$0x2]  }
0x28: {  	[tilespmem:s2], [sflag:$0x7] =	stream.linear.gather [hbm4b:s19+s2], $0x80, $0x38;
	[tilespmem:$0x18280] =	vst v63  }
0x29: {  	_ =	swait.ge [sflag:s5], $0x80  }
0x2a: {  	s0 =	rddreg [dreg:$0x3];
	[sflag:s5] =	ssyncset.done $0x0  }
0x2b: {  	s20 =	rddreg [dreg:$0xc];
	[sflag:s5] =	ssyncadd.s32 $0xFFFFFF80  }
0x2c: {  	[tilespmem:s20], [sflag:$0x7] =	stream.linear.gather [hbm4b:s0+s2], $0x80, $0x38;
	[tilespmem:$0x18280] =	vst v63  }
0x2d: {  	_ =	swait.ge [sflag:s5], $0x80  }
0x2e: {  	s1 =	rddreg [dreg:$0x4];
	[sflag:s5] =	ssyncset.done $0x0  }
0x2f: {  	s11 =	rddreg [dreg:$0xd];
	[sflag:s5] =	ssyncadd.s32 $0xFFFFFF80  }
0x30: {  	[tilespmem:s11], [sflag:$0x7] =	stream.linear.gather [hbm4b:s1+s2], $0x80, $0x38;
	[tilespmem:$0x18280] =	vst v63  }
0x31: {  	_ =	swait.ge [sflag:s5], $0x80  }
0x32: {  	s20 =	rddreg [dreg:$0x5];
	[sflag:s5] =	ssyncset.done $0x0  }
0x33: {  	s0 =	rddreg [dreg:$0xe];
	[sflag:s5] =	ssyncadd.s32 $0xFFFFFF80  }
0x34: {  	[tilespmem:s0], [sflag:$0x7] =	stream.linear.gather [hbm4b:s20+s2], $0x80, $0x38;
	[tilespmem:$0x18280] =	vst v63  }
0x35: {  	_ =	swait.ge [sflag:s5], $0x80  }
0x36: {  	s1 =	rddreg [dreg:$0x6];
	[sflag:s5] =	ssyncset.done $0x0  }
0x37: {  	s11 =	rddreg [dreg:$0xf];
	[sflag:s5] =	ssyncadd.s32 $0xFFFFFF80  }
0x38: {  	[tilespmem:s11], [sflag:$0x7] =	stream.linear.gather [hbm4b:s1+s2], $0x80, $0x38;
	[tilespmem:$0x18280] =	vst v63  }
0x39: {  	_ =	swait.ge [sflag:s5], $0x80  }
0x3a: {  	[sflag:s5] =	ssyncset.done $0x0  }
0x3b: {  	[sflag:s5] =	ssyncadd.s32 $0xFFFFFF80  }
0x3c: {  	v3 =	vld [tilespmem:$0x0];
	_ =	sdelay $0x4  }
0x3d: {  	v4 =	vshll.u32 v3, $0x1  }
0x3e: {  	v3 =	vand.u32 $0x7, v3;
	v4 =	vand.u32 $0xFFFFFFF0, v4  }
0x3f: {  	v3 =	vor.u32 v3, v4  }
0x40: {  	v4 =	vperm.xlane v3, v0;
	_ =	sdelay $0x1  }
0x41: {  	v3 =	vperm.xlane v3, v2;
	v4 =	vadd.s32 v1, v4;
	_ =	sdelay $0x1  }
0x42: {  	v3 =	vadd.s32 v1, v3;
	_ =	sdelay $0x2  }
0x43: {  	[tilespmem:s22], [sflag:$0x1] =	stream.indirect_vreg.gather [hbm4b:s3+s2], $0x80, v4, vm0, $0xb8;
	[tilespmem:$0x18280] =	vst v63  }
0x44: {  	_ = 	snop  }
0x45: {  	[tilespmem:s21], [sflag:$0x1] =	stream.indirect_vreg.gather [hbm4b:s3+s2], $0x80, v3, vm0, $0xb8;
	[tilespmem:$0x18280] =	vst v63  }
0x46: {  	v3 =	vld [tilespmem:$0x10];
	_ =	sdelay $0x4  }
0x47: {  	v25 =	vshll.u32 v3, $0x1  }
0x48: {  	v3 =	vand.u32 $0x7, v3;
	v4 =	vand.u32 $0xFFFFFFF0, v25  }
0x49: {  	v3 =	vor.u32 v3, v4  }
0x4a: {  	v4 =	vperm.xlane v3, v0;
	_ =	sdelay $0x1  }
0x4b: {  	v3 =	vperm.xlane v3, v2;
	v4 =	vadd.s32 v1, v4;
	_ =	sdelay $0x1  }
0x4c: {  	v3 =	vadd.s32 v1, v3;
	_ =	sdelay $0x2  }
0x4d: {  	[tilespmem:s23], [sflag:$0x1] =	stream.indirect_vreg.gather [hbm4b:s3+s2], $0x80, v4, vm0, $0xb8;
	[tilespmem:$0x18280] =	vst v63  }
0x4e: {  	_ = 	snop  }
0x4f: {  	[tilespmem:s24], [sflag:$0x1] =	stream.indirect_vreg.gather [hbm4b:s3+s2], $0x80, v3, vm0, $0xb8;
	[tilespmem:$0x18280] =	vst v63  }
0x50: {  	v3 =	vld [tilespmem:$0x20];
	_ =	sdelay $0x4  }
0x51: {  	v26 =	vshll.u32 v3, $0x1  }
0x52: {  	v3 =	vand.u32 $0x7, v3;
	v4 =	vand.u32 $0xFFFFFFF0, v26  }
0x53: {  	v3 =	vor.u32 v3, v4  }
0x54: {  	v4 =	vperm.xlane v3, v0;
	_ =	sdelay $0x1  }
0x55: {  	v3 =	vperm.xlane v3, v2;
	v4 =	vadd.s32 v1, v4;
	_ =	sdelay $0x1  }
0x56: {  	v3 =	vadd.s32 v1, v3;
	_ =	sdelay $0x2  }
0x57: {  	[tilespmem:s25], [sflag:$0x1] =	stream.indirect_vreg.gather [hbm4b:s3+s2], $0x80, v4, vm0, $0xb8;
	[tilespmem:$0x18280] =	vst v63  }
0x58: {  	_ = 	snop  }
0x59: {  	[tilespmem:s26], [sflag:$0x1] =	stream.indirect_vreg.gather [hbm4b:s3+s2], $0x80, v3, vm0, $0xb8;
	[tilespmem:$0x18280] =	vst v63  }
0x5a: {  	v3 =	vld [tilespmem:$0x30];
	_ =	sdelay $0x4  }
0x5b: {  	v27 =	vshll.u32 v3, $0x1  }
0x5c: {  	v3 =	vand.u32 $0x7, v3;
	v4 =	vand.u32 $0xFFFFFFF0, v27  }
0x5d: {  	v3 =	vor.u32 v3, v4  }
0x5e: {  	v4 =	vperm.xlane v3, v0;
	_ =	sdelay $0x1  }
0x5f: {  	v3 =	vperm.xlane v3, v2;
	v4 =	vadd.s32 v1, v4;
	_ =	sdelay $0x1  }
0x60: {  	v3 =	vadd.s32 v1, v3;
	_ =	sdelay $0x2  }
0x61: {  	[tilespmem:s28], [sflag:$0x1] =	stream.indirect_vreg.gather [hbm4b:s3+s2], $0x80, v4, vm0, $0xb8;
	[tilespmem:$0x18280] =	vst v63  }
0x62: {  	_ = 	snop  }
0x63: {  	[tilespmem:s29], [sflag:$0x1] =	stream.indirect_vreg.gather [hbm4b:s3+s2], $0x80, v3, vm0, $0xb8;
	[tilespmem:$0x18280] =	vst v63  }
0x64: {  	v3 =	vld [tilespmem:$0x40];
	_ =	sdelay $0x4  }
0x65: {  	v28 =	vshll.u32 v3, $0x1  }
0x66: {  	v3 =	vand.u32 $0x7, v3;
	v4 =	vand.u32 $0xFFFFFFF0, v28  }
0x67: {  	v3 =	vor.u32 v3, v4  }
0x68: {  	v4 =	vperm.xlane v3, v0;
	_ =	sdelay $0x1  }
0x69: {  	v3 =	vperm.xlane v3, v2;
	v4 =	vadd.s32 v1, v4;
	_ =	sdelay $0x1  }
0x6a: {  	v3 =	vadd.s32 v1, v3;
	_ =	sdelay $0x2  }
0x6b: {  	[tilespmem:s30], [sflag:$0x1] =	stream.indirect_vreg.gather [hbm4b:s3+s2], $0x80, v4, vm0, $0xb8;
	[tilespmem:$0x18280] =	vst v63  }
0x6c: {  	_ = 	snop  }
0x6d: {  	[tilespmem:s31], [sflag:$0x1] =	stream.indirect_vreg.gather [hbm4b:s3+s2], $0x80, v3, vm0, $0xb8;
	[tilespmem:$0x18280] =	vst v63  }
0x6e: {  	v3 =	vld [tilespmem:$0x50];
	_ =	sdelay $0x4  }
0x6f: {  	v29 =	vshll.u32 v3, $0x1  }
0x70: {  	v3 =	vand.u32 $0x7, v3;
	v4 =	vand.u32 $0xFFFFFFF0, v29  }
0x71: {  	v3 =	vor.u32 v3, v4  }
0x72: {  	v4 =	vperm.xlane v3, v0;
	_ =	sdelay $0x1  }
0x73: {  	v3 =	vperm.xlane v3, v2;
	v4 =	vadd.s32 v1, v4;
	_ =	sdelay $0x1  }
0x74: {  	v3 =	vadd.s32 v1, v3;
	_ =	sdelay $0x2  }
0x75: {  	[tilespmem:s6], [sflag:$0x1] =	stream.indirect_vreg.gather [hbm4b:s3+s2], $0x80, v4, vm0, $0xb8;
	[tilespmem:$0x18280] =	vst v63  }
0x76: {  	s1 =	simm.s32 $0x5A80  }
0x77: {  	[tilespmem:s1], [sflag:$0x1] =	stream.indirect_vreg.gather [hbm4b:s3+s2], $0x80, v3, vm0, $0xb8;
	[tilespmem:$0x18280] =	vst v63  }
0x78: {  	v3 =	vld [tilespmem:$0x60];
	_ =	sdelay $0x4  }
0x79: {  	v30 =	vshll.u32 v3, $0x1  }
0x7a: {  	v3 =	vand.u32 $0x7, v3;
	v4 =	vand.u32 $0xFFFFFFF0, v30  }
0x7b: {  	v3 =	vor.u32 v3, v4  }
0x7c: {  	v4 =	vperm.xlane v3, v0;
	_ =	sdelay $0x1  }
0x7d: {  	v3 =	vperm.xlane v3, v2;
	v4 =	vadd.s32 v1, v4;
	_ =	sdelay $0x1  }
0x7e: {  	v3 =	vadd.s32 v1, v3;
	_ =	sdelay $0x2  }
0x7f: {  	[tilespmem:s7], [sflag:$0x1] =	stream.indirect_vreg.gather [hbm4b:s3+s2], $0x80, v4, vm0, $0xb8;
	[tilespmem:$0x18280] =	vst v63  }
0x80: {  	_ = 	snop  }
0x81: {  	[tilespmem:s8], [sflag:$0x1] =	stream.indirect_vreg.gather [hbm4b:s3+s2], $0x80, v3, vm0, $0xb8;
	[tilespmem:$0x18280] =	vst v63  }
0x82: {  	v3 =	vld [tilespmem:$0x70];
	_ =	sdelay $0x4  }
0x83: {  	v31 =	vshll.u32 v3, $0x1  }
0x84: {  	v3 =	vand.u32 $0x7, v3;
	v4 =	vand.u32 $0xFFFFFFF0, v31  }
0x85: {  	v3 =	vor.u32 v3, v4  }
0x86: {  	v4 =	vperm.xlane v3, v0;
	_ =	sdelay $0x1  }
0x87: {  	v3 =	vperm.xlane v3, v2;
	v4 =	vadd.s32 v1, v4;
	_ =	sdelay $0x1  }
0x88: {  	v3 =	vadd.s32 v1, v3;
	_ =	sdelay $0x2  }
0x89: {  	[tilespmem:s9], [sflag:$0x1] =	stream.indirect_vreg.gather [hbm4b:s3+s2], $0x80, v4, vm0, $0xb8;
	[tilespmem:$0x18280] =	vst v63  }
0x8a: {  	_ = 	snop  }
0x8b: {  	[tilespmem:s10], [sflag:$0x1] =	stream.indirect_vreg.gather [hbm4b:s3+s2], $0x80, v3, vm0, $0xb8;
	[tilespmem:$0x18280] =	vst v63  }
0x8c: {  	v3 =	vld [tilespmem:$0x80];
	_ =	sdelay $0x4  }
0x8d: {  	v32 =	vshll.u32 v3, $0x1  }
0x8e: {  	v3 =	vand.u32 $0x7, v3;
	v4 =	vand.u32 $0xFFFFFFF0, v32  }
0x8f: {  	v3 =	vor.u32 v3, v4  }
0x90: {  	v4 =	vperm.xlane v3, v0;
	_ =	sdelay $0x1  }
0x91: {  	v3 =	vperm.xlane v3, v2;
	v4 =	vadd.s32 v1, v4;
	_ =	sdelay $0x1  }
0x92: {  	v3 =	vadd.s32 v1, v3;
	_ =	sdelay $0x1  }
0x93: {  	s0 =	simm.s32 $0x8280  }
0x94: {  	[tilespmem:s0], [sflag:$0x2] =	stream.indirect_vreg.gather [hbm4b:s3+s2], $0x80, v4, vm0, $0xb8;
	[tilespmem:$0x18280] =	vst v63  }
0x95: {  	s11 =	simm.s32 $0x8A80  }
0x96: {  	[tilespmem:s11], [sflag:$0x2] =	stream.indirect_vreg.gather [hbm4b:s3+s2], $0x80, v3, vm0, $0xb8;
	[tilespmem:$0x18280] =	vst v63  }
0x97: {  	v3 =	vld [tilespmem:$0x90];
	_ =	sdelay $0x4  }
0x98: {  	v33 =	vshll.u32 v3, $0x1  }
0x99: {  	v3 =	vand.u32 $0x7, v3;
	v4 =	vand.u32 $0xFFFFFFF0, v33  }
0x9a: {  	v3 =	vor.u32 v3, v4  }
0x9b: {  	v4 =	vperm.xlane v3, v0;
	_ =	sdelay $0x1  }
0x9c: {  	v3 =	vperm.xlane v3, v2;
	v4 =	vadd.s32 v1, v4;
	_ =	sdelay $0x1  }
0x9d: {  	v3 =	vadd.s32 v1, v3;
	_ =	sdelay $0x2  }
0x9e: {  	[tilespmem:s12], [sflag:$0x2] =	stream.indirect_vreg.gather [hbm4b:s3+s2], $0x80, v4, vm0, $0xb8;
	[tilespmem:$0x18280] =	vst v63  }
0x9f: {  	_ = 	snop  }
0xa0: {  	[tilespmem:s17], [sflag:$0x2] =	stream.indirect_vreg.gather [hbm4b:s3+s2], $0x80, v3, vm0, $0xb8;
	[tilespmem:$0x18280] =	vst v63  }
0xa1: {  	v3 =	vld [tilespmem:$0xA0];
	_ =	sdelay $0x4  }
0xa2: {  	v34 =	vshll.u32 v3, $0x1  }
0xa3: {  	v3 =	vand.u32 $0x7, v3;
	v4 =	vand.u32 $0xFFFFFFF0, v34  }
0xa4: {  	v3 =	vor.u32 v3, v4  }
0xa5: {  	v4 =	vperm.xlane v3, v0;
	_ =	sdelay $0x1  }
0xa6: {  	v3 =	vperm.xlane v3, v2;
	v4 =	vadd.s32 v1, v4;
	_ =	sdelay $0x1  }
0xa7: {  	v3 =	vadd.s32 v1, v3;
	_ =	sdelay $0x2  }
0xa8: {  	[tilespmem:s18], [sflag:$0x2] =	stream.indirect_vreg.gather [hbm4b:s3+s2], $0x80, v4, vm0, $0xb8;
	[tilespmem:$0x18280] =	vst v63  }
0xa9: {  	s19 =	simm.s32 $0xAA80  }
0xaa: {  	[tilespmem:s19], [sflag:$0x2] =	stream.indirect_vreg.gather [hbm4b:s3+s2], $0x80, v3, vm0, $0xb8;
	[tilespmem:$0x18280] =	vst v63  }
0xab: {  	v3 =	vld [tilespmem:$0xB0];
	_ =	sdelay $0x4  }
0xac: {  	v35 =	vshll.u32 v3, $0x1  }
0xad: {  	v3 =	vand.u32 $0x7, v3;
	v4 =	vand.u32 $0xFFFFFFF0, v35  }
0xae: {  	v3 =	vor.u32 v3, v4  }
0xaf: {  	v4 =	vperm.xlane v3, v0;
	_ =	sdelay $0x1  }
0xb0: {  	v3 =	vperm.xlane v3, v2;
	v4 =	vadd.s32 v1, v4;
	_ =	sdelay $0x1  }
0xb1: {  	v3 =	vadd.s32 v1, v3;
	_ =	sdelay $0x1  }
0xb2: {  	s20 =	simm.s32 $0xB280  }
0xb3: {  	[tilespmem:s20], [sflag:$0x2] =	stream.indirect_vreg.gather [hbm4b:s3+s2], $0x80, v4, vm0, $0xb8;
	[tilespmem:$0x18280] =	vst v63  }
0xb4: {  	s19 =	simm.s32 $0xBA80  }
0xb5: {  	[tilespmem:s19], [sflag:$0x2] =	stream.indirect_vreg.gather [hbm4b:s3+s2], $0x80, v3, vm0, $0xb8;
	[tilespmem:$0x18280] =	vst v63  }
0xb6: {  	v3 =	vld [tilespmem:$0xC0];
	_ =	sdelay $0x4  }
0xb7: {  	v36 =	vshll.u32 v3, $0x1  }
0xb8: {  	v3 =	vand.u32 $0x7, v3;
	v4 =	vand.u32 $0xFFFFFFF0, v36  }
0xb9: {  	v3 =	vor.u32 v3, v4  }
0xba: {  	v4 =	vperm.xlane v3, v0;
	_ =	sdelay $0x1  }
0xbb: {  	v3 =	vperm.xlane v3, v2;
	v4 =	vadd.s32 v1, v4;
	_ =	sdelay $0x1  }
0xbc: {  	v3 =	vadd.s32 v1, v3;
	_ =	sdelay $0x1  }
0xbd: {  	s20 =	simm.s32 $0xC280  }
0xbe: {  	[tilespmem:s20], [sflag:$0x2] =	stream.indirect_vreg.gather [hbm4b:s3+s2], $0x80, v4, vm0, $0xb8;
	[tilespmem:$0x18280] =	vst v63  }
0xbf: {  	s19 =	simm.s32 $0xCA80  }
0xc0: {  	[tilespmem:s19], [sflag:$0x2] =	stream.indirect_vreg.gather [hbm4b:s3+s2], $0x80, v3, vm0, $0xb8;
	[tilespmem:$0x18280] =	vst v63  }
0xc1: {  	v3 =	vld [tilespmem:$0xD0];
	_ =	sdelay $0x4  }
0xc2: {  	v37 =	vshll.u32 v3, $0x1  }
0xc3: {  	v3 =	vand.u32 $0x7, v3;
	v4 =	vand.u32 $0xFFFFFFF0, v37  }
0xc4: {  	v3 =	vor.u32 v3, v4  }
0xc5: {  	v4 =	vperm.xlane v3, v0;
	_ =	sdelay $0x1  }
0xc6: {  	v3 =	vperm.xlane v3, v2;
	v4 =	vadd.s32 v1, v4;
	_ =	sdelay $0x1  }
0xc7: {  	v3 =	vadd.s32 v1, v3;
	_ =	sdelay $0x1  }
0xc8: {  	s20 =	simm.s32 $0xD280  }
0xc9: {  	[tilespmem:s20], [sflag:$0x2] =	stream.indirect_vreg.gather [hbm4b:s3+s2], $0x80, v4, vm0, $0xb8;
	[tilespmem:$0x18280] =	vst v63  }
0xca: {  	s19 =	simm.s32 $0xDA80  }
0xcb: {  	[tilespmem:s19], [sflag:$0x2] =	stream.indirect_vreg.gather [hbm4b:s3+s2], $0x80, v3, vm0, $0xb8;
	[tilespmem:$0x18280] =	vst v63  }
0xcc: {  	v3 =	vld [tilespmem:$0xE0];
	_ =	sdelay $0x4  }
0xcd: {  	v38 =	vshll.u32 v3, $0x1  }
0xce: {  	v3 =	vand.u32 $0x7, v3;
	v4 =	vand.u32 $0xFFFFFFF0, v38  }
0xcf: {  	v3 =	vor.u32 v3, v4  }
0xd0: {  	v4 =	vperm.xlane v3, v0;
	_ =	sdelay $0x1  }
0xd1: {  	v3 =	vperm.xlane v3, v2;
	v4 =	vadd.s32 v1, v4;
	_ =	sdelay $0x1  }
0xd2: {  	v3 =	vadd.s32 v1, v3;
	_ =	sdelay $0x1  }
0xd3: {  	s20 =	simm.s32 $0xE280  }
0xd4: {  	[tilespmem:s20], [sflag:$0x2] =	stream.indirect_vreg.gather [hbm4b:s3+s2], $0x80, v4, vm0, $0xb8;
	[tilespmem:$0x18280] =	vst v63  }
0xd5: {  	s19 =	simm.s32 $0xEA80  }
0xd6: {  	[tilespmem:s19], [sflag:$0x2] =	stream.indirect_vreg.gather [hbm4b:s3+s2], $0x80, v3, vm0, $0xb8;
	[tilespmem:$0x18280] =	vst v63  }
0xd7: {  	v3 =	vld [tilespmem:$0xF0];
	_ =	sdelay $0x4  }
0xd8: {  	v39 =	vshll.u32 v3, $0x1  }
0xd9: {  	v3 =	vand.u32 $0x7, v3;
	v4 =	vand.u32 $0xFFFFFFF0, v39  }
0xda: {  	v3 =	vor.u32 v3, v4  }
0xdb: {  	v4 =	vperm.xlane v3, v0;
	_ =	sdelay $0x1  }
0xdc: {  	v3 =	vperm.xlane v3, v2;
	v4 =	vadd.s32 v1, v4;
	_ =	sdelay $0x1  }
0xdd: {  	v3 =	vadd.s32 v1, v3;
	_ =	sdelay $0x1  }
0xde: {  	s20 =	simm.s32 $0xF280  }
0xdf: {  	[tilespmem:s20], [sflag:$0x2] =	stream.indirect_vreg.gather [hbm4b:s3+s2], $0x80, v4, vm0, $0xb8;
	[tilespmem:$0x18280] =	vst v63  }
0xe0: {  	s19 =	simm.s32 $0xFA80  }
0xe1: {  	[tilespmem:s19], [sflag:$0x2] =	stream.indirect_vreg.gather [hbm4b:s3+s2], $0x80, v3, vm0, $0xb8;
	[tilespmem:$0x18280] =	vst v63  }
0xe2: {  	v3 =	vld [tilespmem:$0x100];
	_ =	sdelay $0x4  }
0xe3: {  	v40 =	vshll.u32 v3, $0x1  }
0xe4: {  	v3 =	vand.u32 $0x7, v3;
	v4 =	vand.u32 $0xFFFFFFF0, v40  }
0xe5: {  	v3 =	vor.u32 v3, v4  }
0xe6: {  	v4 =	vperm.xlane v3, v0;
	_ =	sdelay $0x1  }
0xe7: {  	v3 =	vperm.xlane v3, v2;
	v4 =	vadd.s32 v1, v4;
	_ =	sdelay $0x1  }
0xe8: {  	v3 =	vadd.s32 v1, v3;
	_ =	sdelay $0x1  }
0xe9: {  	s11 =	simm.s32 $0x10280  }
0xea: {  	[tilespmem:s11], [sflag:$0x3] =	stream.indirect_vreg.gather [hbm4b:s3+s2], $0x80, v4, vm0, $0xb8;
	[tilespmem:$0x18280] =	vst v63  }
0xeb: {  	s20 =	rddreg [dreg:$0x10]  }
0xec: {  	[tilespmem:s20], [sflag:$0x3] =	stream.indirect_vreg.gather [hbm4b:s3+s2], $0x80, v3, vm0, $0xb8;
	[tilespmem:$0x18280] =	vst v63  }
0xed: {  	v3 =	vld [tilespmem:$0x110];
	_ =	sdelay $0x4  }
0xee: {  	v41 =	vshll.u32 v3, $0x1  }
0xef: {  	v3 =	vand.u32 $0x7, v3;
	v4 =	vand.u32 $0xFFFFFFF0, v41  }
0xf0: {  	v3 =	vor.u32 v3, v4  }
0xf1: {  	v4 =	vperm.xlane v3, v0;
	_ =	sdelay $0x1  }
0xf2: {  	v3 =	vperm.xlane v3, v2;
	v4 =	vadd.s32 v1, v4;
	_ =	sdelay $0x1  }
0xf3: {  	v3 =	vadd.s32 v1, v3;
	_ =	sdelay $0x1  }
0xf4: {  	s19 =	rddreg [dreg:$0x11]  }
0xf5: {  	[tilespmem:s19], [sflag:$0x3] =	stream.indirect_vreg.gather [hbm4b:s3+s2], $0x80, v4, vm0, $0xb8;
	[tilespmem:$0x18280] =	vst v63  }
0xf6: {  	s20 =	rddreg [dreg:$0x12]  }
0xf7: {  	[tilespmem:s20], [sflag:$0x3] =	stream.indirect_vreg.gather [hbm4b:s3+s2], $0x80, v3, vm0, $0xb8;
	[tilespmem:$0x18280] =	vst v63  }
0xf8: {  	v3 =	vld [tilespmem:$0x120];
	_ =	sdelay $0x4  }
0xf9: {  	v42 =	vshll.u32 v3, $0x1  }
0xfa: {  	v3 =	vand.u32 $0x7, v3;
	v4 =	vand.u32 $0xFFFFFFF0, v42  }
0xfb: {  	v3 =	vor.u32 v3, v4  }
0xfc: {  	v4 =	vperm.xlane v3, v0;
	_ =	sdelay $0x1  }
0xfd: {  	v3 =	vperm.xlane v3, v2;
	v4 =	vadd.s32 v1, v4;
	_ =	sdelay $0x1  }
0xfe: {  	v3 =	vadd.s32 v1, v3;
	_ =	sdelay $0x1  }
0xff: {  	s19 =	rddreg [dreg:$0x13]  }
0x100: {  	[tilespmem:s19], [sflag:$0x3] =	stream.indirect_vreg.gather [hbm4b:s3+s2], $0x80, v4, vm0, $0xb8;
	[tilespmem:$0x18280] =	vst v63  }
0x101: {  	s20 =	rddreg [dreg:$0x14]  }
0x102: {  	[tilespmem:s20], [sflag:$0x3] =	stream.indirect_vreg.gather [hbm4b:s3+s2], $0x80, v3, vm0, $0xb8;
	[tilespmem:$0x18280] =	vst v63  }
0x103: {  	v3 =	vld [tilespmem:$0x130];
	_ =	sdelay $0x4  }
0x104: {  	v43 =	vshll.u32 v3, $0x1  }
0x105: {  	v3 =	vand.u32 $0x7, v3;
	v4 =	vand.u32 $0xFFFFFFF0, v43  }
0x106: {  	v3 =	vor.u32 v3, v4  }
0x107: {  	v4 =	vperm.xlane v3, v0;
	_ =	sdelay $0x1  }
0x108: {  	v3 =	vperm.xlane v3, v2;
	v4 =	vadd.s32 v1, v4;
	_ =	sdelay $0x1  }
0x109: {  	v3 =	vadd.s32 v1, v3;
	_ =	sdelay $0x1  }
0x10a: {  	s19 =	rddreg [dreg:$0x15]  }
0x10b: {  	[tilespmem:s19], [sflag:$0x3] =	stream.indirect_vreg.gather [hbm4b:s3+s2], $0x80, v4, vm0, $0xb8;
	[tilespmem:$0x18280] =	vst v63  }
0x10c: {  	s20 =	rddreg [dreg:$0x16]  }
0x10d: {  	[tilespmem:s20], [sflag:$0x3] =	stream.indirect_vreg.gather [hbm4b:s3+s2], $0x80, v3, vm0, $0xb8;
	[tilespmem:$0x18280] =	vst v63  }
0x10e: {  	v3 =	vld [tilespmem:$0x140];
	_ =	sdelay $0x4  }
0x10f: {  	v44 =	vshll.u32 v3, $0x1  }
0x110: {  	v3 =	vand.u32 $0x7, v3;
	v4 =	vand.u32 $0xFFFFFFF0, v44  }
0x111: {  	v3 =	vor.u32 v3, v4  }
0x112: {  	v4 =	vperm.xlane v3, v0;
	_ =	sdelay $0x1  }
0x113: {  	v3 =	vperm.xlane v3, v2;
	v4 =	vadd.s32 v1, v4;
	_ =	sdelay $0x1  }
0x114: {  	v3 =	vadd.s32 v1, v3;
	_ =	sdelay $0x1  }
0x115: {  	s19 =	rddreg [dreg:$0x17]  }
0x116: {  	[tilespmem:s19], [sflag:$0x3] =	stream.indirect_vreg.gather [hbm4b:s3+s2], $0x80, v4, vm0, $0xb8;
	[tilespmem:$0x18280] =	vst v63  }
0x117: {  	s20 =	rddreg [dreg:$0x18]  }
0x118: {  	[tilespmem:s20], [sflag:$0x3] =	stream.indirect_vreg.gather [hbm4b:s3+s2], $0x80, v3, vm0, $0xb8;
	[tilespmem:$0x18280] =	vst v63  }
0x119: {  	v3 =	vld [tilespmem:$0x150];
	_ =	sdelay $0x4  }
0x11a: {  	v45 =	vshll.u32 v3, $0x1  }
0x11b: {  	v3 =	vand.u32 $0x7, v3;
	v4 =	vand.u32 $0xFFFFFFF0, v45  }
0x11c: {  	v3 =	vor.u32 v3, v4  }
0x11d: {  	v4 =	vperm.xlane v3, v0;
	_ =	sdelay $0x1  }
0x11e: {  	v3 =	vperm.xlane v3, v2;
	v4 =	vadd.s32 v1, v4;
	_ =	sdelay $0x1  }
0x11f: {  	v3 =	vadd.s32 v1, v3;
	_ =	sdelay $0x1  }
0x120: {  	s19 =	rddreg [dreg:$0x19]  }
0x121: {  	[tilespmem:s19], [sflag:$0x3] =	stream.indirect_vreg.gather [hbm4b:s3+s2], $0x80, v4, vm0, $0xb8;
	[tilespmem:$0x18280] =	vst v63  }
0x122: {  	s20 =	rddreg [dreg:$0x1a]  }
0x123: {  	[tilespmem:s20], [sflag:$0x3] =	stream.indirect_vreg.gather [hbm4b:s3+s2], $0x80, v3, vm0, $0xb8;
	[tilespmem:$0x18280] =	vst v63  }
0x124: {  	v3 =	vld [tilespmem:$0x160];
	_ =	sdelay $0x4  }
0x125: {  	v46 =	vshll.u32 v3, $0x1  }
0x126: {  	v3 =	vand.u32 $0x7, v3;
	v4 =	vand.u32 $0xFFFFFFF0, v46  }
0x127: {  	v3 =	vor.u32 v3, v4  }
0x128: {  	v4 =	vperm.xlane v3, v0;
	_ =	sdelay $0x1  }
0x129: {  	v3 =	vperm.xlane v3, v2;
	v4 =	vadd.s32 v1, v4;
	_ =	sdelay $0x1  }
0x12a: {  	v3 =	vadd.s32 v1, v3;
	_ =	sdelay $0x1  }
0x12b: {  	s19 =	rddreg [dreg:$0x1b]  }
0x12c: {  	[tilespmem:s19], [sflag:$0x3] =	stream.indirect_vreg.gather [hbm4b:s3+s2], $0x80, v4, vm0, $0xb8;
	[tilespmem:$0x18280] =	vst v63  }
0x12d: {  	s20 =	rddreg [dreg:$0x1c]  }
0x12e: {  	[tilespmem:s20], [sflag:$0x3] =	stream.indirect_vreg.gather [hbm4b:s3+s2], $0x80, v3, vm0, $0xb8;
	[tilespmem:$0x18280] =	vst v63  }
0x12f: {  	v3 =	vld [tilespmem:$0x170];
	_ =	sdelay $0x4  }
0x130: {  	v47 =	vshll.u32 v3, $0x1  }
0x131: {  	v3 =	vand.u32 $0x7, v3;
	v4 =	vand.u32 $0xFFFFFFF0, v47  }
0x132: {  	v3 =	vor.u32 v3, v4  }
0x133: {  	v4 =	vperm.xlane v3, v0;
	_ =	sdelay $0x1  }
0x134: {  	v3 =	vperm.xlane v3, v2;
	v4 =	vadd.s32 v1, v4;
	_ =	sdelay $0x1  }
0x135: {  	v3 =	vadd.s32 v1, v3;
	_ =	sdelay $0x1  }
0x136: {  	s19 =	rddreg [dreg:$0x1d]  }
0x137: {  	[tilespmem:s19], [sflag:$0x3] =	stream.indirect_vreg.gather [hbm4b:s3+s2], $0x80, v4, vm0, $0xb8;
	[tilespmem:$0x18280] =	vst v63  }
0x138: {  	s20 =	rddreg [dreg:$0x1e]  }
0x139: {  	[tilespmem:s20], [sflag:$0x3] =	stream.indirect_vreg.gather [hbm4b:s3+s2], $0x80, v3, vm0, $0xb8;
	[tilespmem:$0x18280] =	vst v63  }
0x13a: {  	_ =	swait.ge [sflag:s13], $0x8000  }
0x13b: {  	[sflag:s13] =	ssyncset.done $0x0  }
0x13c: {  	s20 =	rddreg [dreg:$0x7];
	[sflag:s13] =	ssyncadd.s32 $0xFFFF8000  }
0x13d: {  	[hbm4b:s20+s2] =	stream.linear.scatter [tilespmem:s22], [sflag:$0x4], $0x8000, $0x38;
	[tilespmem:$0x18280] =	vst v63  }
0x13e: {  	_ =	swait.ge [sflag:s14], $0x8000  }
0x13f: {  	[sflag:s14] =	ssyncset.done $0x0  }
0x140: {  	[sflag:s14] =	ssyncadd.s32 $0xFFFF8000  }
0x141: {  	v3 =	vld [tilespmem:$0x180];
	_ =	sdelay $0x4  }
0x142: {  	v48 =	vshll.u32 v3, $0x1  }
0x143: {  	v3 =	vand.u32 $0x7, v3;
	v4 =	vand.u32 $0xFFFFFFF0, v48  }
0x144: {  	v3 =	vor.u32 v3, v4  }
0x145: {  	v4 =	vperm.xlane v3, v0;
	_ =	sdelay $0x1  }
0x146: {  	v3 =	vperm.xlane v3, v2;
	v4 =	vadd.s32 v1, v4;
	_ =	sdelay $0x1  }
0x147: {  	v3 =	vadd.s32 v1, v3;
	_ =	sdelay $0x2  }
0x148: {  	[tilespmem:s22], [sflag:$0x1] =	stream.indirect_vreg.gather [hbm4b:s3+s2], $0x80, v4, vm0, $0xb8;
	[tilespmem:$0x18280] =	vst v63  }
0x149: {  	_ = 	snop  }
0x14a: {  	[tilespmem:s21], [sflag:$0x1] =	stream.indirect_vreg.gather [hbm4b:s3+s2], $0x80, v3, vm0, $0xb8;
	[tilespmem:$0x18280] =	vst v63  }
0x14b: {  	v3 =	vld [tilespmem:$0x190];
	_ =	sdelay $0x4  }
0x14c: {  	v49 =	vshll.u32 v3, $0x1  }
0x14d: {  	v3 =	vand.u32 $0x7, v3;
	v4 =	vand.u32 $0xFFFFFFF0, v49  }
0x14e: {  	v3 =	vor.u32 v3, v4  }
0x14f: {  	v4 =	vperm.xlane v3, v0;
	_ =	sdelay $0x1  }
0x150: {  	v3 =	vperm.xlane v3, v2;
	v4 =	vadd.s32 v1, v4;
	_ =	sdelay $0x1  }
0x151: {  	v3 =	vadd.s32 v1, v3;
	_ =	sdelay $0x2  }
0x152: {  	[tilespmem:s23], [sflag:$0x1] =	stream.indirect_vreg.gather [hbm4b:s3+s2], $0x80, v4, vm0, $0xb8;
	[tilespmem:$0x18280] =	vst v63  }
0x153: {  	_ = 	snop  }
0x154: {  	[tilespmem:s24], [sflag:$0x1] =	stream.indirect_vreg.gather [hbm4b:s3+s2], $0x80, v3, vm0, $0xb8;
	[tilespmem:$0x18280] =	vst v63  }
0x155: {  	v3 =	vld [tilespmem:$0x1A0];
	_ =	sdelay $0x4  }
0x156: {  	v50 =	vshll.u32 v3, $0x1  }
0x157: {  	v3 =	vand.u32 $0x7, v3;
	v4 =	vand.u32 $0xFFFFFFF0, v50  }
0x158: {  	v3 =	vor.u32 v3, v4  }
0x159: {  	v4 =	vperm.xlane v3, v0;
	_ =	sdelay $0x1  }
0x15a: {  	v3 =	vperm.xlane v3, v2;
	v4 =	vadd.s32 v1, v4;
	_ =	sdelay $0x1  }
0x15b: {  	v3 =	vadd.s32 v1, v3;
	_ =	sdelay $0x2  }
0x15c: {  	[tilespmem:s25], [sflag:$0x1] =	stream.indirect_vreg.gather [hbm4b:s3+s2], $0x80, v4, vm0, $0xb8;
	[tilespmem:$0x18280] =	vst v63  }
0x15d: {  	_ = 	snop  }
0x15e: {  	[tilespmem:s26], [sflag:$0x1] =	stream.indirect_vreg.gather [hbm4b:s3+s2], $0x80, v3, vm0, $0xb8;
	[tilespmem:$0x18280] =	vst v63  }
0x15f: {  	v3 =	vld [tilespmem:$0x1B0];
	_ =	sdelay $0x4  }
0x160: {  	v51 =	vshll.u32 v3, $0x1  }
0x161: {  	v3 =	vand.u32 $0x7, v3;
	v4 =	vand.u32 $0xFFFFFFF0, v51  }
0x162: {  	v3 =	vor.u32 v3, v4  }
0x163: {  	v4 =	vperm.xlane v3, v0;
	_ =	sdelay $0x1  }
0x164: {  	v3 =	vperm.xlane v3, v2;
	v4 =	vadd.s32 v1, v4;
	_ =	sdelay $0x1  }
0x165: {  	v3 =	vadd.s32 v1, v3;
	_ =	sdelay $0x2  }
0x166: {  	[tilespmem:s28], [sflag:$0x1] =	stream.indirect_vreg.gather [hbm4b:s3+s2], $0x80, v4, vm0, $0xb8;
	[tilespmem:$0x18280] =	vst v63  }
0x167: {  	_ = 	snop  }
0x168: {  	[tilespmem:s29], [sflag:$0x1] =	stream.indirect_vreg.gather [hbm4b:s3+s2], $0x80, v3, vm0, $0xb8;
	[tilespmem:$0x18280] =	vst v63  }
0x169: {  	v3 =	vld [tilespmem:$0x1C0];
	_ =	sdelay $0x4  }
0x16a: {  	v52 =	vshll.u32 v3, $0x1  }
0x16b: {  	v3 =	vand.u32 $0x7, v3;
	v4 =	vand.u32 $0xFFFFFFF0, v52  }
0x16c: {  	v3 =	vor.u32 v3, v4  }
0x16d: {  	v4 =	vperm.xlane v3, v0;
	_ =	sdelay $0x1  }
0x16e: {  	v3 =	vperm.xlane v3, v2;
	v4 =	vadd.s32 v1, v4;
	_ =	sdelay $0x1  }
0x16f: {  	v3 =	vadd.s32 v1, v3;
	_ =	sdelay $0x2  }
0x170: {  	[tilespmem:s30], [sflag:$0x1] =	stream.indirect_vreg.gather [hbm4b:s3+s2], $0x80, v4, vm0, $0xb8;
	[tilespmem:$0x18280] =	vst v63  }
0x171: {  	_ = 	snop  }
0x172: {  	[tilespmem:s31], [sflag:$0x1] =	stream.indirect_vreg.gather [hbm4b:s3+s2], $0x80, v3, vm0, $0xb8;
	[tilespmem:$0x18280] =	vst v63  }
0x173: {  	v3 =	vld [tilespmem:$0x1D0];
	_ =	sdelay $0x4  }
0x174: {  	v53 =	vshll.u32 v3, $0x1  }
0x175: {  	v3 =	vand.u32 $0x7, v3;
	v4 =	vand.u32 $0xFFFFFFF0, v53  }
0x176: {  	v3 =	vor.u32 v3, v4  }
0x177: {  	v4 =	vperm.xlane v3, v0;
	_ =	sdelay $0x1  }
0x178: {  	v3 =	vperm.xlane v3, v2;
	v4 =	vadd.s32 v1, v4;
	_ =	sdelay $0x1  }
0x179: {  	v3 =	vadd.s32 v1, v3;
	_ =	sdelay $0x2  }
0x17a: {  	[tilespmem:s6], [sflag:$0x1] =	stream.indirect_vreg.gather [hbm4b:s3+s2], $0x80, v4, vm0, $0xb8;
	[tilespmem:$0x18280] =	vst v63  }
0x17b: {  	_ = 	snop  }
0x17c: {  	[tilespmem:s1], [sflag:$0x1] =	stream.indirect_vreg.gather [hbm4b:s3+s2], $0x80, v3, vm0, $0xb8;
	[tilespmem:$0x18280] =	vst v63  }
0x17d: {  	v3 =	vld [tilespmem:$0x1E0];
	_ =	sdelay $0x4  }
0x17e: {  	v54 =	vshll.u32 v3, $0x1  }
0x17f: {  	v3 =	vand.u32 $0x7, v3;
	v4 =	vand.u32 $0xFFFFFFF0, v54  }
0x180: {  	v3 =	vor.u32 v3, v4  }
0x181: {  	v4 =	vperm.xlane v3, v0;
	_ =	sdelay $0x1  }
0x182: {  	v3 =	vperm.xlane v3, v2;
	v4 =	vadd.s32 v1, v4;
	_ =	sdelay $0x1  }
0x183: {  	v3 =	vadd.s32 v1, v3;
	_ =	sdelay $0x2  }
0x184: {  	[tilespmem:s7], [sflag:$0x1] =	stream.indirect_vreg.gather [hbm4b:s3+s2], $0x80, v4, vm0, $0xb8;
	[tilespmem:$0x18280] =	vst v63  }
0x185: {  	_ = 	snop  }
0x186: {  	[tilespmem:s8], [sflag:$0x1] =	stream.indirect_vreg.gather [hbm4b:s3+s2], $0x80, v3, vm0, $0xb8;
	[tilespmem:$0x18280] =	vst v63  }
0x187: {  	v3 =	vld [tilespmem:$0x1F0];
	_ =	sdelay $0x4  }
0x188: {  	v55 =	vshll.u32 v3, $0x1  }
0x189: {  	v3 =	vand.u32 $0x7, v3;
	v4 =	vand.u32 $0xFFFFFFF0, v55  }
0x18a: {  	v3 =	vor.u32 v3, v4  }
0x18b: {  	v4 =	vperm.xlane v3, v0;
	_ =	sdelay $0x1  }
0x18c: {  	v3 =	vperm.xlane v3, v2;
	v4 =	vadd.s32 v1, v4;
	_ =	sdelay $0x1  }
0x18d: {  	v3 =	vadd.s32 v1, v3;
	_ =	sdelay $0x2  }
0x18e: {  	[tilespmem:s9], [sflag:$0x1] =	stream.indirect_vreg.gather [hbm4b:s3+s2], $0x80, v4, vm0, $0xb8;
	[tilespmem:$0x18280] =	vst v63  }
0x18f: {  	_ = 	snop  }
0x190: {  	[tilespmem:s10], [sflag:$0x1] =	stream.indirect_vreg.gather [hbm4b:s3+s2], $0x80, v3, vm0, $0xb8;
	[tilespmem:$0x18280] =	vst v63  }
0x191: {  	_ =	swait.ge [sflag:s15], $0x8000  }
0x192: {  	[sflag:s15] =	ssyncset.done $0x0  }
0x193: {  	s1 =	rddreg [dreg:$0x8];
	[sflag:s15] =	ssyncadd.s32 $0xFFFF8000  }
0x194: {  	[hbm4b:s1+s2] =	stream.linear.scatter [tilespmem:s0], [sflag:$0x5], $0x8000, $0x38;
	[tilespmem:$0x18280] =	vst v63  }
0x195: {  	_ =	swait.ge [sflag:s16], $0x8000  }
0x196: {  	[sflag:s16] =	ssyncset.done $0x0  }
0x197: {  	[sflag:s16] =	ssyncadd.s32 $0xFFFF8000  }
0x198: {  	v3 =	vld [tilespmem:$0x200];
	_ =	sdelay $0x4  }
0x199: {  	v56 =	vshll.u32 v3, $0x1  }
0x19a: {  	v3 =	vand.u32 $0x7, v3;
	v4 =	vand.u32 $0xFFFFFFF0, v56  }
0x19b: {  	v3 =	vor.u32 v3, v4  }
0x19c: {  	v4 =	vperm.xlane v3, v0;
	_ =	sdelay $0x1  }
0x19d: {  	v3 =	vperm.xlane v3, v2;
	v4 =	vadd.s32 v1, v4;
	_ =	sdelay $0x1  }
0x19e: {  	v3 =	vadd.s32 v1, v3;
	_ =	sdelay $0x2  }
0x19f: {  	[tilespmem:s0], [sflag:$0x2] =	stream.indirect_vreg.gather [hbm4b:s3+s2], $0x80, v4, vm0, $0xb8;
	[tilespmem:$0x18280] =	vst v63  }
0x1a0: {  	s19 =	simm.s32 $0x8A80  }
0x1a1: {  	[tilespmem:s19], [sflag:$0x2] =	stream.indirect_vreg.gather [hbm4b:s3+s2], $0x80, v3, vm0, $0xb8;
	[tilespmem:$0x18280] =	vst v63  }
0x1a2: {  	v3 =	vld [tilespmem:$0x210];
	_ =	sdelay $0x4  }
0x1a3: {  	v57 =	vshll.u32 v3, $0x1  }
0x1a4: {  	v3 =	vand.u32 $0x7, v3;
	v4 =	vand.u32 $0xFFFFFFF0, v57  }
0x1a5: {  	v3 =	vor.u32 v3, v4  }
0x1a6: {  	v4 =	vperm.xlane v3, v0;
	_ =	sdelay $0x1  }
0x1a7: {  	v3 =	vperm.xlane v3, v2;
	v4 =	vadd.s32 v1, v4;
	_ =	sdelay $0x1  }
0x1a8: {  	v3 =	vadd.s32 v1, v3;
	_ =	sdelay $0x2  }
0x1a9: {  	[tilespmem:s12], [sflag:$0x2] =	stream.indirect_vreg.gather [hbm4b:s3+s2], $0x80, v4, vm0, $0xb8;
	[tilespmem:$0x18280] =	vst v63  }
0x1aa: {  	_ = 	snop  }
0x1ab: {  	[tilespmem:s17], [sflag:$0x2] =	stream.indirect_vreg.gather [hbm4b:s3+s2], $0x80, v3, vm0, $0xb8;
	[tilespmem:$0x18280] =	vst v63  }
0x1ac: {  	v3 =	vld [tilespmem:$0x220];
	_ =	sdelay $0x4  }
0x1ad: {  	v58 =	vshll.u32 v3, $0x1  }
0x1ae: {  	v3 =	vand.u32 $0x7, v3;
	v4 =	vand.u32 $0xFFFFFFF0, v58  }
0x1af: {  	v3 =	vor.u32 v3, v4  }
0x1b0: {  	v4 =	vperm.xlane v3, v0;
	_ =	sdelay $0x1  }
0x1b1: {  	v3 =	vperm.xlane v3, v2;
	v4 =	vadd.s32 v1, v4;
	_ =	sdelay $0x1  }
0x1b2: {  	v3 =	vadd.s32 v1, v3;
	_ =	sdelay $0x2  }
0x1b3: {  	[tilespmem:s18], [sflag:$0x2] =	stream.indirect_vreg.gather [hbm4b:s3+s2], $0x80, v4, vm0, $0xb8;
	[tilespmem:$0x18280] =	vst v63  }
0x1b4: {  	s20 =	simm.s32 $0xAA80  }
0x1b5: {  	[tilespmem:s20], [sflag:$0x2] =	stream.indirect_vreg.gather [hbm4b:s3+s2], $0x80, v3, vm0, $0xb8;
	[tilespmem:$0x18280] =	vst v63  }
0x1b6: {  	v3 =	vld [tilespmem:$0x230];
	_ =	sdelay $0x4  }
0x1b7: {  	v59 =	vshll.u32 v3, $0x1  }
0x1b8: {  	v3 =	vand.u32 $0x7, v3;
	v4 =	vand.u32 $0xFFFFFFF0, v59  }
0x1b9: {  	v3 =	vor.u32 v3, v4  }
0x1ba: {  	v4 =	vperm.xlane v3, v0;
	_ =	sdelay $0x1  }
0x1bb: {  	v3 =	vperm.xlane v3, v2;
	v4 =	vadd.s32 v1, v4;
	_ =	sdelay $0x1  }
0x1bc: {  	v3 =	vadd.s32 v1, v3;
	_ =	sdelay $0x1  }
0x1bd: {  	s19 =	simm.s32 $0xB280  }
0x1be: {  	[tilespmem:s19], [sflag:$0x2] =	stream.indirect_vreg.gather [hbm4b:s3+s2], $0x80, v4, vm0, $0xb8;
	[tilespmem:$0x18280] =	vst v63  }
0x1bf: {  	s20 =	simm.s32 $0xBA80  }
0x1c0: {  	[tilespmem:s20], [sflag:$0x2] =	stream.indirect_vreg.gather [hbm4b:s3+s2], $0x80, v3, vm0, $0xb8;
	[tilespmem:$0x18280] =	vst v63  }
0x1c1: {  	v3 =	vld [tilespmem:$0x240];
	_ =	sdelay $0x4  }
0x1c2: {  	v60 =	vshll.u32 v3, $0x1  }
0x1c3: {  	v3 =	vand.u32 $0x7, v3;
	v4 =	vand.u32 $0xFFFFFFF0, v60  }
0x1c4: {  	v3 =	vor.u32 v3, v4  }
0x1c5: {  	v4 =	vperm.xlane v3, v0;
	_ =	sdelay $0x1  }
0x1c6: {  	v3 =	vperm.xlane v3, v2;
	v4 =	vadd.s32 v1, v4;
	_ =	sdelay $0x1  }
0x1c7: {  	v3 =	vadd.s32 v1, v3;
	_ =	sdelay $0x1  }
0x1c8: {  	s19 =	simm.s32 $0xC280  }
0x1c9: {  	[tilespmem:s19], [sflag:$0x2] =	stream.indirect_vreg.gather [hbm4b:s3+s2], $0x80, v4, vm0, $0xb8;
	[tilespmem:$0x18280] =	vst v63  }
0x1ca: {  	s20 =	simm.s32 $0xCA80  }
0x1cb: {  	[tilespmem:s20], [sflag:$0x2] =	stream.indirect_vreg.gather [hbm4b:s3+s2], $0x80, v3, vm0, $0xb8;
	[tilespmem:$0x18280] =	vst v63  }
0x1cc: {  	v3 =	vld [tilespmem:$0x250];
	_ =	sdelay $0x4  }
0x1cd: {  	v61 =	vshll.u32 v3, $0x1  }
0x1ce: {  	v3 =	vand.u32 $0x7, v3;
	v4 =	vand.u32 $0xFFFFFFF0, v61  }
0x1cf: {  	v3 =	vor.u32 v3, v4  }
0x1d0: {  	v4 =	vperm.xlane v3, v0;
	_ =	sdelay $0x1  }
0x1d1: {  	v3 =	vperm.xlane v3, v2;
	v4 =	vadd.s32 v1, v4;
	_ =	sdelay $0x1  }
0x1d2: {  	v3 =	vadd.s32 v1, v3;
	_ =	sdelay $0x1  }
0x1d3: {  	s19 =	simm.s32 $0xD280  }
0x1d4: {  	[tilespmem:s19], [sflag:$0x2] =	stream.indirect_vreg.gather [hbm4b:s3+s2], $0x80, v4, vm0, $0xb8;
	[tilespmem:$0x18280] =	vst v63  }
0x1d5: {  	s20 =	simm.s32 $0xDA80  }
0x1d6: {  	[tilespmem:s20], [sflag:$0x2] =	stream.indirect_vreg.gather [hbm4b:s3+s2], $0x80, v3, vm0, $0xb8;
	[tilespmem:$0x18280] =	vst v63  }
0x1d7: {  	v3 =	vld [tilespmem:$0x260];
	_ =	sdelay $0x4  }
0x1d8: {  	v62 =	vshll.u32 v3, $0x1  }
0x1d9: {  	v3 =	vand.u32 $0x7, v3;
	v4 =	vand.u32 $0xFFFFFFF0, v62  }
0x1da: {  	v3 =	vor.u32 v3, v4  }
0x1db: {  	v4 =	vperm.xlane v3, v0;
	_ =	sdelay $0x1  }
0x1dc: {  	v3 =	vperm.xlane v3, v2;
	v4 =	vadd.s32 v1, v4;
	_ =	sdelay $0x1  }
0x1dd: {  	v3 =	vadd.s32 v1, v3;
	_ =	sdelay $0x1  }
0x1de: {  	s19 =	simm.s32 $0xE280  }
0x1df: {  	[tilespmem:s19], [sflag:$0x2] =	stream.indirect_vreg.gather [hbm4b:s3+s2], $0x80, v4, vm0, $0xb8;
	[tilespmem:$0x18280] =	vst v63  }
0x1e0: {  	s20 =	simm.s32 $0xEA80  }
0x1e1: {  	[tilespmem:s20], [sflag:$0x2] =	stream.indirect_vreg.gather [hbm4b:s3+s2], $0x80, v3, vm0, $0xb8;
	[tilespmem:$0x18280] =	vst v63  }
0x1e2: {  	v3 =	vld [tilespmem:$0x270];
	_ =	sdelay $0x4  }
0x1e3: {  	v63 =	vshll.u32 v3, $0x1  }
0x1e4: {  	v3 =	vand.u32 $0x7, v3;
	v4 =	vand.u32 $0xFFFFFFF0, v63  }
0x1e5: {  	v3 =	vor.u32 v3, v4  }
0x1e6: {  	v4 =	vperm.xlane v3, v0;
	_ =	sdelay $0x1  }
0x1e7: {  	v3 =	vperm.xlane v3, v2;
	v4 =	vadd.s32 v1, v4;
	_ =	sdelay $0x1  }
0x1e8: {  	v3 =	vadd.s32 v1, v3;
	_ =	sdelay $0x1  }
0x1e9: {  	s19 =	simm.s32 $0xF280  }
0x1ea: {  	[tilespmem:s19], [sflag:$0x2] =	stream.indirect_vreg.gather [hbm4b:s3+s2], $0x80, v4, vm0, $0xb8;
	[tilespmem:$0x18280] =	vst v63  }
0x1eb: {  	s20 =	simm.s32 $0xFA80;
	s19 =	simm.s32 $0x3  }
0x1ec: {  	[tilespmem:s20], [sflag:$0x2] =	stream.indirect_vreg.gather [hbm4b:s3+s2], $0x80, v3, vm0, $0xb8;
	[tilespmem:$0x18280] =	vst v63  }
0x1ed: {  	_ =	swait.ge [sflag:s19], $0x8000  }
0x1ee: {  	[sflag:s19] =	ssyncset.done $0x0  }
0x1ef: {  	s20 =	rddreg [dreg:$0x9];
	[sflag:s19] =	ssyncadd.s32 $0xFFFF8000  }
0x1f0: {  	[hbm4b:s20+s2] =	stream.linear.scatter [tilespmem:s11], [sflag:$0x6], $0x8000, $0x38;
	[tilespmem:$0x18280] =	vst v63  }
0x1f1: {  	_ =	swait.ge [sflag:s13], $0x8000  }
0x1f2: {  	[sflag:s13] =	ssyncset.done $0x0  }
0x1f3: {  	s1 =	rddreg [dreg:$0xa];
	[sflag:s13] =	ssyncadd.s32 $0xFFFF8000  }
0x1f4: {  	[hbm4b:s1+s2] =	stream.linear.scatter [tilespmem:s22], [sflag:$0x4], $0x8000, $0x38;
	[tilespmem:$0x18280] =	vst v63  }
0x1f5: {  	_ =	swait.ge [sflag:s15], $0x8000  }
0x1f6: {  	[sflag:s15] =	ssyncset.done $0x0  }
0x1f7: {  	s20 =	simm.s32 $0x6;
	s11 =	rddreg [dreg:$0xb];
	[sflag:s15] =	ssyncadd.s32 $0xFFFF8000  }
0x1f8: {  	[hbm4b:s11+s2] =	stream.linear.scatter [tilespmem:s0], [sflag:$0x5], $0x8000, $0x38;
	[tilespmem:$0x18280] =	vst v63  }
0x1f9: {  	_ =	swait.ge [sflag:s20], $0x8000  }
0x1fa: {  	[sflag:s20] =	ssyncset.done $0x0  }
0x1fb: {  	[sflag:s20] =	ssyncadd.s32 $0xFFFF8000  }
0x1fc: {  	p0 =	sne.s32 s4, $0x1;
	_ =	swait.ge [sflag:s14], $0x8000  }
.Ltmp0:
0x1fd: {  	[sflag:s14] =	ssyncset.done $0x0;
	(pc) =	sbr.rel @p0 .LBB2_1-.Ltmp0, $4  }
0x1fe: {  	[sflag:s14] =	ssyncadd.s32 $0xFFFF8000  }
0x1ff: {  	_ =	swait.ge [sflag:s16], $0x8000  }
0x200: {  	[sflag:s16] =	ssyncset.done $0x0  }
0x201: {  	s4 =	sadd.s32 $0xFFFFFFFF, s4;
	[sflag:s16] =	ssyncadd.s32 $0xFFFF8000  }
0x202: {  	_ =	sfence.sel $0x180000  }
0x203: {  	[bflag:$0x0] =	sbarrier.arrive $0xFFFF  }
0x204: {  	_ =	strace $0x9000004A  }
0x205: {  	s0 =	stileid.u32;
	[bflag:$0x2] =	sbarrier.arrive $0xFFFF  }
0x206: {  	p0 =	sne.s32 s0, $0x0;
	s0 =	rddreg [dreg:$0x1]  }
0x207: {  	s0 =	sadd.s32 @!p0 $0x100000, s0  }
0x208: {  	[sflag:s0] =	ssyncadd.tile.s32 @!p0 $0x1;
	_ =	shalt  }
.Lfunc_end2:
_tile_overlayer_lowered:
.L_overlay_start_2:
0x209: {  	(tag) =	ssettag $0x2  }
0x20a: {  	s0 =	rddreg [dreg:$0x0];
	s2 =	stileid.u32  }
0x20b: {  	s1 =	rddreg [dreg:$0x1];
	p0 =	sne.s32 s2, $0x0  }
0x20c: {  	s3 =	rddreg [dreg:$0x2];
	[bflag:$0x3] =	sbarrier.arrive $0xFFFF;
	s2 =	simm.s32 @!p0 $0x1C07  }
0x20d: {  	[timem:s3], [sflag:s2] =	dma.local @!p0 [hbm:s0], s1  }
0x20e: {  	s0 =	simm.s32 @!p0 $0x7  }
0x20f: {  	_ =	swait.ge @!p0 [sflag:s0], s1  }
0x210: {  	s1 =	ssub.s32 @!p0 $0x0, s1;
	[sflag:s0] =	ssyncset.done @!p0 $0x0  }
0x211: {  	[sflag:s0] =	ssyncadd.s32 @!p0 s1  }
0x212: {  	[bflag:$0x3] =	sbarrier.arrive $0xFFFF  }
0x213: {  	_ =	shalt  }

// kernel: kernel.21.cloned.1.call-start
scs
__scs_entry_jumppad:
0x0: {  	(pc) =	sbr.rel $0x88, $3  }
0x1: {  	(tag) =	ssettag $0x0;
	lr =	simm.s32 $0x1  }
0x2: {  	[smem:$0x3F9A] =	sst lr;
	_ =	strace $0xD0000000  }
0x3: {  	_ = 	snop  }
0x4: {  	_ = 	snop  }
0x5: {  	_ = 	snop  }
0x6: {  	_ = 	snop  }
0x7: {  	_ = 	snop  }
__scs_overlays_trampoline_lowered:
0x8: {  	[smem:$0x3FA9] =	sst s0  }
0x9: {  	[smem:$0x3FAA] =	sst s1  }
0xa: {  	[smem:$0x3FAB] =	sst s2  }
0xb: {  	[smem:$0x3FAC] =	sst s3  }
0xc: {  	[smem:$0x3FAD] =	sst s4  }
0xd: {  	[smem:$0x3FAE] =	sst s5  }
0xe: {  	[smem:$0x3FAF] =	sst s6  }
0xf: {  	[smem:$0x3FB0] =	sst s7  }
0x10: {  	[smem:$0x3FB1] =	sst s8  }
0x11: {  	[smem:$0x3FB2] =	sst s9;
	s0 =	simm.s32 @!p0 $0x0  }
0x12: {  	s1 =	sld [smem:$0x3F98];
	s0 =	simm.s32 @p0 $0x1  }
0x13: {  	[smem:$0x3FB3] =	sst s0;
	s0 =	simm.s32 @!p1 $0x0  }
0x14: {  	s2 =	sld [smem:$0x3F97];
	s0 =	simm.s32 @p1 $0x1  }
0x15: {  	[smem:$0x3FB4] =	sst s0;
	s0 =	simm.s32 @!p2 $0x0  }
0x16: {  	s3 =	sld [smem:$0x3FDB];
	s0 =	simm.s32 @p2 $0x1  }
0x17: {  	s4 =	simm.s32 $0x1BF5;
	[smem:$0x3FB6] =	sst s0  }
0x18: {  	s0 =	sld [smem:$0x3F99];
	_ =	swait.ge [sflag:s4], $0x0  }
0x19: {  	s7 =	sld [smem:$0x3F9A]  }
0x1a: {  	s8 =	sadd.s32 $0xFFFFE003, lr  }
0x1b: {  	s9 =	sadd.s32 $0xFFFFFEF7, lr;
	s5 =	simm.s32 $0xFFFFFFFF;
	p2 =	slt.u32 s8, $0xFFFFF086  }
0x1c: {  	p1 =	slt.u32 s9, $0xF7A;
	s5 =	simm.s32 @!p2 $0x0  }
0x1d: {  	s5 =	simm.s32 @p1 $0x1;
	p0 =	seq.s32 s7, s2  }
0x1e: {  	s7 =	smul.u32 @!p0 $0xF7A, s2;
	p2 =	seq.s32 @!p0 s5, $0x0  }
0x1f: {  	s9 =	smul.u32 $0xF7A, s1;
	s8 =	simm.s32 @!p0 $0x1BF5;
	p2 =	por !p2, p0  }
0x20: {  	[sflag:s8] =	ssyncset.s32 @!p0 $0xFFFFF086;
	s6 =	sadd.s32 @!p0 s3, s7;
	s7 =	simm.s32 @!p0 $0x108  }
0x21: {  	s3 =	sadd.s32 s3, s9;
	s6 =	sadd.s32 @!p0 $0x88, s6;
	s7 =	simm.s32 @p2 $0x1082  }
0x22: {  	[simem:s7], [sflag:s8] =	dma.local @!p0 [hbm:s6], $0xF7A  }
0x23: {  	s9 =	sor.u32 $0xD0000000, s2;
	s6 =	simm.s32 $0x108;
	_ =	swait.ge @!p0 [sflag:s8], $0x0  }
0x24: {  	s3 =	sadd.s32 $0x88, s3;
	s6 =	simm.s32 @!p1 $0x1082;
	[sflag:s4] =	ssyncset.s32 $0xFFFFF086  }
0x25: {  	[simem:s6], [sflag:s4] =	dma.local [hbm:s3], $0xF7A  }
0x26: {  	[smem:$0x3F9A] =	sst s1;
	(tag) =	ssettag s2;
	_ =	strace s9  }
0x27: {  	s1 =	sld [smem:$0x3FAA]  }
0x28: {  	s2 =	sld [smem:$0x3FAB]  }
0x29: {  	s4 =	sld [smem:$0x3FAD]  }
0x2a: {  	p0 =	seq.s32 s5, $0x0;
	s5 =	sld [smem:$0x3FAE]  }
0x2b: {  	s6 =	sld [smem:$0x3FAF]  }
0x2c: {  	s7 =	sld [smem:$0x3FB0]  }
0x2d: {  	s3 =	simm.s32 $0x108;
	s8 =	sld [smem:$0x3FB1]  }
0x2e: {  	s3 =	simm.s32 @!p0 $0x1082;
	s9 =	sld [smem:$0x3FB2]  }
0x2f: {  	lr =	sadd.s32 s0, s3;
	s0 =	sld [smem:$0x3FA9]  }
0x30: {  	s3 =	sld [smem:$0x3FAC]  }
0x31: {  	[smem:$0x3FB5] =	sst s10  }
0x32: {  	s10 =	sld [smem:$0x3FB3];
	_ =	sdelay $0x3  }
0x33: {  	p0 =	seq.s32 s10, $0x1;
	s10 =	sld [smem:$0x3FB5];
	_ =	sdelay $0x3  }
0x34: {  	[smem:$0x3FB5] =	sst s10  }
0x35: {  	s10 =	sld [smem:$0x3FB4];
	_ =	sdelay $0x3  }
0x36: {  	p1 =	seq.s32 s10, $0x1;
	s10 =	sld [smem:$0x3FB5];
	_ =	sdelay $0x3  }
0x37: {  	[smem:$0x3FB5] =	sst s10  }
0x38: {  	s10 =	sld [smem:$0x3FB6]  }
0x39: {  	_ = 	snop;
	(pc) =	sbr.ind lr, $3  }
0x3a: {  	_ = 	snop  }
0x3b: {  	_ = 	snop  }
0x3c: {  	p2 =	seq.s32 s10, $0x1;
	s10 =	sld [smem:$0x3FB5]  }
0x3d: {  	_ =	shalt  }
0x3e: {  	_ =	shalt  }
0x3f: {  	_ =	shalt  }
0x40: {  	_ =	shalt  }
0x41: {  	_ =	shalt  }
0x42: {  	_ =	shalt  }
0x43: {  	_ =	shalt  }
0x44: {  	_ =	shalt  }
0x45: {  	_ =	shalt  }
0x46: {  	_ =	shalt  }
0x47: {  	_ =	shalt  }
0x48: {  	_ =	shalt  }
0x49: {  	_ =	shalt  }
0x4a: {  	_ =	shalt  }
0x4b: {  	_ =	shalt  }
0x4c: {  	_ =	shalt  }
0x4d: {  	_ =	shalt  }
0x4e: {  	_ =	shalt  }
0x4f: {  	_ =	shalt  }
0x50: {  	_ =	shalt  }
0x51: {  	_ =	shalt  }
0x52: {  	_ =	shalt  }
0x53: {  	_ =	shalt  }
0x54: {  	_ =	shalt  }
0x55: {  	_ =	shalt  }
0x56: {  	_ =	shalt  }
0x57: {  	_ =	shalt  }
0x58: {  	_ =	shalt  }
0x59: {  	_ =	shalt  }
0x5a: {  	_ =	shalt  }
0x5b: {  	_ =	shalt  }
0x5c: {  	_ =	shalt  }
0x5d: {  	_ =	shalt  }
0x5e: {  	_ =	shalt  }
0x5f: {  	_ =	shalt  }
0x60: {  	_ =	shalt  }
0x61: {  	_ =	shalt  }
0x62: {  	_ =	shalt  }
0x63: {  	_ =	shalt  }
0x64: {  	_ =	shalt  }
0x65: {  	_ =	shalt  }
0x66: {  	_ =	shalt  }
0x67: {  	_ =	shalt  }
0x68: {  	_ =	shalt  }
0x69: {  	_ =	shalt  }
0x6a: {  	_ =	shalt  }
0x6b: {  	_ =	shalt  }
0x6c: {  	_ =	shalt  }
0x6d: {  	_ =	shalt  }
0x6e: {  	_ =	shalt  }
0x6f: {  	_ =	shalt  }
0x70: {  	_ =	shalt  }
0x71: {  	_ =	shalt  }
0x72: {  	_ =	shalt  }
0x73: {  	_ =	shalt  }
0x74: {  	_ =	shalt  }
0x75: {  	_ =	shalt  }
0x76: {  	_ =	shalt  }
0x77: {  	_ =	shalt  }
0x78: {  	_ =	shalt  }
0x79: {  	_ =	shalt  }
0x7a: {  	_ =	shalt  }
0x7b: {  	_ =	shalt  }
0x7c: {  	_ =	shalt  }
0x7d: {  	_ =	shalt  }
0x7e: {  	_ =	shalt  }
0x7f: {  	_ =	shalt  }
0x80: {  	_ =	shalt  }
0x81: {  	_ =	shalt  }
0x82: {  	_ =	shalt  }
0x83: {  	_ =	shalt  }
0x84: {  	_ =	shalt  }
0x85: {  	_ =	shalt  }
0x86: {  	_ =	shalt  }
0x87: {  	_ =	shalt  }
.Lfunc_end0:
.L_simem_size_0:
called_computation.1_lowered:
.L_overlay_start_0:
0x88: {  	s2 =	sld [smem:$0x3FD9]  }
0x89: {  	s3 =	sld [smem:$0x3FFE];
	_ =	sdelay $0x1  }
0x8a: {  	s1 =	srdreg.scid  }
0x8b: {  	s0 =	sand.u32 $0x1, s1  }
0x8c: {  	s17 =	sshll.u32 s0, $0xA;
	s2 =	sadd.s32 s3, s2  }
0x8d: {  	s2 =	sadd.s32 s2, s17  }
0x8e: {  	[smem:$0x3FC1] =	sst s2  }
0x8f: {  	_ = 	snop  }
0x90: {  	s2 =	sld [smem:$0x3FD0];
	(tm) =	ssettm $0x1  }
0x91: {  	s18 =	sld [smem:$0x3FFB];
	_ =	sdelay $0x3  }
0x92: {  	_ =	strace s18  }
0x93: {  	s3 =	sld [smem:$0x3FFC];
	_ =	sdelay $0x3  }
0x94: {  	_ =	strace s3  }
0x95: {  	s3 =	sld [smem:$0x3FFD];
	_ =	sdelay $0x3  }
0x96: {  	_ =	strace s3  }
0x97: {  	_ =	strace $0x8FFFFFFF  }
0x98: {  	s19 =	sld [smem:$0x3FDB];
	_ =	sdelay $0x1  }
0x99: {  	s4 =	simm.s32 $_scs_section_size  }
0x9a: {  	s5 =	simm.s32 $_size__tile_overlayer_lowered;
	s6 =	simm.s32 $_tile_overlayer_lowered  }
0x9b: {  	s22 =	simm.s32 $0x1BFF;
	s21 =	sshll.u32 s6, $0x1;
	s3 =	sadd.s32 s4, s19  }
0x9c: {  	s7 =	simm.s32 $0x0;
	s20 =	sshll.u32 s5, $0x1;
	s5 =	sadd.s32 s21, s3  }
0x9d: {  	[timem:s7], [sflag:s22] =	dma.local [hbm:s5], s20  }
0x9e: {  	_ =	swait.ge [sflag:s22], s20  }
0x9f: {  	s4 =	ssub.s32 $0x0, s20;
	[sflag:s22] =	ssyncset.done $0x0  }
0xa0: {  	[sflag:s22] =	ssyncadd.s32 s4;
	_ =	sdelay $0x1  }
0xa1: {  	s23 =	simm.s32 $0x1B8B  }
0xa2: {  	_ =	swait.ge [sflag:s23], $0x1  }
0xa3: {  	[sflag:s23] =	ssyncset.done $0x0  }
0xa4: {  	s25 =	simm.s32 $0x1B8E;
	s24 =	sld [smem:$0x3FFE];
	[sflag:s23] =	ssyncadd.s32 $0xFFFFFFFF  }
0xa5: {  	s26 =	simm.s32 $execute0_lowered;
	[smem:$0x3FD2] =	sst s25  }
0xa6: {  	s5 =	sshll.u32 s26, $0x1;
	_ =	strace $0x80000046;
	[dreg:$0x1] =	wrdreg $0xFFFFFFFF  }
0xa7: {  	s28 =	simm.s32 $_size_execute0_lowered;
	s3 =	sadd.s32 s3, s5;
	[dreg:$0x0] =	wrdreg $0x0  }
0xa8: {  	s5 =	sshll.u32 s28, $0x1;
	[dreg:$0x2] =	wrdreg s3  }
0xa9: {  	[dreg:$0x3] =	wrdreg s5  }
0xaa: {  	[dreg:$0x4] =	wrdreg $0xC0  }
0xab: {  	_ =	task [dreg:s7], $0x5FFFF  }
0xac: {  	[dreg:$0x1] =	wrdreg $0xFFFFFFFF  }
0xad: {  	[dreg:$0x0] =	wrdreg $0x60  }
0xae: {  	[dreg:$0x2] =	wrdreg s2  }
0xaf: {  	[dreg:$0x3] =	wrdreg s24  }
0xb0: {  	[dreg:$0x4] =	wrdreg $0xA  }
0xb1: {  	_ =	task.clear_ibuf [dreg:s7], $0x5FFFF;
	_ =	strace $0x90000046  }
0xb2: {  	s29 =	simm.s32 $0xA;
	_ =	strace $0x80000048  }
0xb3: {  	_ =	swait.ge [sflag:s29], $0x1  }
0xb4: {  	[sflag:s29] =	ssyncadd.s32 $0xFFFFFFFF  }
0xb5: {  	_ =	strace $0x90000048  }
0xb6: {  	_ =	sfence  }
0xb7: {  	s30 =	sld [smem:$0x0];
	_ =	sdelay $0x2  }
0xb8: {  	s31 =	sshll.u32 s1, $0xD;
	s1 =	sshrl.u32 s1, $0x2  }
0xb9: {  	s3 =	sand.u32 $0x4000, s31;
	s1 =	sadd.s32 s1, s30  }
0xba: {  	s0 =	sor.u32 s3, s0;
	s1 =	sshll.u32 s1, $0x11  }
0xbb: {  	s0 =	sor.u32 s1, s0  }
0xbc: {  	s0 =	sadd.s32 $0x8F2B, s0  }
0xbd: {  	[sflag:s0] =	ssyncadd.remote.s32 $0x1  }
0xbe: {  	_ =	sfence.sel $0xFFFF  }
0xbf: {  	[dreg:$0x0] =	wrdreg $0xFFFFFFFF;
	(pc) =	sbr.abs _section_cstart, $3  }
0xc0: {  	[dreg:$0x1] =	wrdreg $0xFFFFFFFF  }
0xc1: {  	_ =	task.clear_ibuf [dreg:s7], $0x2FFFF;
	_ =	strace $0x9FFFFFFF  }
0xc2: {  	(tm) =	ssettm $0x7FFFFFFF  }
0xc3: {  	_ =	shalt  }
tec
execute0_lowered:
.L_overlay_start_1:
0x0: {  	(tag) =	ssettag $0x1  }
0x1: {  	s1 =	rddreg [dreg:$0x0]  }
0x2: {  	s0 =	rddreg [dreg:$0x1];
	s2 =	srdreg.scid;
	s3 =	simm.s32 $0x0  }
0x3: {  	s4 =	stileid.u32;
	s12 =	simm.s32 $0x10A80;
	s13 =	simm.s32 $0x11280  }
0x4: {  	s14 =	simm.s32 $0x11A80;
	s15 =	simm.s32 $0x12280;
	s28 =	simm.s32 $0x3280  }
0x5: {  	s29 =	simm.s32 $0x3A80;
	s30 =	simm.s32 $0x4280;
	s31 =	simm.s32 $0x4A80  }
0x6: {  	s2 =	sand.u32 $0x1, s2;
	[smem:$0x7FF] =	sst s3;
	s4 =	sshll.u32 s4, $0x8  }
0x7: {  	s16 =	sadd.s32 $0x25E00, s0;
	_ =	strace $0x80000047;
	[dreg:$0x11] =	wrdreg s12  }
0x8: {  	s0 =	sadd.s32 $0x26800, s0;
	s5 =	sshll.u32 s2, $0x7;
	[dreg:$0x12] =	wrdreg s13  }
0x9: {  	s2 =	ssub.s32 $0x2, s2;
	[dreg:$0x13] =	wrdreg s14;
	s4 =	sor.u32 s5, s4  }
0xa: {  	[dreg:$0x14] =	wrdreg s15;
	s6 =	sshrl.u32 s4, $0x3;
	s7 =	sor.u32 $0x1000, s4  }
0xb: {  	s18 =	sor.u32 $0x2000, s4;
	s9 =	sor.u32 $0x3000, s4;
	s11 =	sor.u32 $0x4000, s4  }
0xc: {  	s4 =	sshll.u32 s4, $0x5;
	s6 =	sadd.s32 s16, s6;
	s8 =	sshrl.u32 s7, $0x3  }
0xd: {  	s19 =	sshrl.u32 s18, $0x3;
	s4 =	sadd.s32 s0, s4;
	[dreg:$0x3] =	wrdreg s6  }
0xe: {  	s22 =	sshll.u32 s7, $0x5;
	s7 =	simm.s32 $0x80;
	[dreg:$0x8] =	wrdreg s4  }
0xf: {  	s24 =	sshll.u32 s18, $0x5;
	s18 =	simm.s32 $0x13A80;
	[dreg:$0xd] =	wrdreg s7  }
0x10: {  	s13 =	simm.s32 $0x1;
	s17 =	sadd.s32 s16, s8;
	[dreg:$0x17] =	wrdreg s18  }
0x11: {  	s10 =	sshrl.u32 s9, $0x3;
	s6 =	sadd.s32 s16, s19;
	[dreg:$0x4] =	wrdreg s17  }
0x12: {  	s21 =	sshrl.u32 s11, $0x3;
	s20 =	sadd.s32 s16, s10;
	[dreg:$0x5] =	wrdreg s6  }
0x13: {  	s14 =	simm.s32 $0x4;
	s5 =	sadd.s32 s16, s21;
	[dreg:$0x6] =	wrdreg s20  }
0x14: {  	s15 =	simm.s32 $0x2;
	s23 =	sadd.s32 s0, s22;
	[dreg:$0x7] =	wrdreg s5  }
0x15: {  	s12 =	simm.s32 $0x9280;
	s25 =	sadd.s32 s0, s24;
	[dreg:$0x9] =	wrdreg s23  }
0x16: {  	s26 =	sshll.u32 s9, $0x5;
	s8 =	simm.s32 $0x100;
	[dreg:$0xa] =	wrdreg s25  }
0x17: {  	s9 =	sshrl.u32 s2, $0x1;
	s10 =	simm.s32 $0x180;
	[dreg:$0xe] =	wrdreg s8  }
0x18: {  	s2 =	ssub.s32 s2, s9;
	s16 =	simm.s32 $0x12A80;
	[dreg:$0xf] =	wrdreg s10  }
0x19: {  	s19 =	simm.s32 $0x14280;
	s21 =	simm.s32 $0x15280;
	[dreg:$0x15] =	wrdreg s16  }
0x1a: {  	s22 =	simm.s32 $0x15A80;
	s24 =	simm.s32 $0x16A80;
	[dreg:$0x18] =	wrdreg s19  }
0x1b: {  	s7 =	simm.s32 $0x6280;
	s9 =	simm.s32 $0x7280;
	[dreg:$0x1a] =	wrdreg s21  }
0x1c: {  	s18 =	simm.s32 $0xA280;
	s5 =	sadd.s32 s0, s26;
	[dreg:$0x1b] =	wrdreg s22  }
0x1d: {  	s6 =	sshll.u32 s11, $0x5;
	s11 =	simm.s32 $0x200;
	[dreg:$0x1d] =	wrdreg s24  }
0x1e: {  	s4 =	smax.u32 s2, $0x1;
	s17 =	simm.s32 $0x13280;
	[dreg:$0xb] =	wrdreg s5  }
0x1f: {  	s20 =	simm.s32 $0x14A80;
	s23 =	simm.s32 $0x16280;
	[dreg:$0x10] =	wrdreg s11  }
0x20: {  	s25 =	simm.s32 $0x17280;
	s26 =	simm.s32 $0x17A80;
	[dreg:$0x16] =	wrdreg s17  }
0x21: {  	s16 =	simm.s32 $0x5;
	s22 =	simm.s32 $0x280;
	[dreg:$0x19] =	wrdreg s20  }
0x22: {  	s21 =	simm.s32 $0xA80;
	s24 =	simm.s32 $0x1A80;
	[dreg:$0x1c] =	wrdreg s23  }
0x23: {  	s8 =	simm.s32 $0x6A80;
	s10 =	simm.s32 $0x7A80;
	[dreg:$0x1e] =	wrdreg s25  }
0x24: {  	v2 =	vlaneseq.u32;
	s0 =	sadd.s32 s0, s6;
	s5 =	simm.s32 $0x7;
	[dreg:$0x1f] =	wrdreg s26  }
0x25: {  	vm0 =	vmmov $0xffff;
	v1 =	vshrl.u32 v2, $0x3;
	s23 =	simm.s32 $0x1280;
	s25 =	simm.s32 $0x2280;
	s26 =	simm.s32 $0x2A80  }
0x26: {  	v0 =	vand.u32 $0x7, v2;
	v2 =	vor.u32 $0x8, v2;
	v1 =	vmul.u32 $0x8, v1;
	s6 =	simm.s32 $0x5280;
	s17 =	simm.s32 $0x9A80;
	[dreg:$0xc] =	wrdreg s0  }
.LBB2_1:
0x27: {  	s19 =	rddreg [dreg:$0x3]  }
0x28: {  	[tilespmem:s3], [sflag:$0x7] =	stream.linear.gather [hbm4b:s19+s3], $0x80, $0x38;
	[tilespmem:$0x18280] =	vst v63  }
0x29: {  	_ =	swait.ge [sflag:s5], $0x80  }
0x2a: {  	s0 =	rddreg [dreg:$0x4];
	[sflag:s5] =	ssyncset.done $0x0  }
0x2b: {  	s20 =	rddreg [dreg:$0xd];
	[sflag:s5] =	ssyncadd.s32 $0xFFFFFF80  }
0x2c: {  	[tilespmem:s20], [sflag:$0x7] =	stream.linear.gather [hbm4b:s0+s3], $0x80, $0x38;
	[tilespmem:$0x18280] =	vst v63  }
0x2d: {  	_ =	swait.ge [sflag:s5], $0x80  }
0x2e: {  	s2 =	rddreg [dreg:$0x5];
	[sflag:s5] =	ssyncset.done $0x0  }
0x2f: {  	s11 =	rddreg [dreg:$0xe];
	[sflag:s5] =	ssyncadd.s32 $0xFFFFFF80  }
0x30: {  	[tilespmem:s11], [sflag:$0x7] =	stream.linear.gather [hbm4b:s2+s3], $0x80, $0x38;
	[tilespmem:$0x18280] =	vst v63  }
0x31: {  	_ =	swait.ge [sflag:s5], $0x80  }
0x32: {  	s20 =	rddreg [dreg:$0x6];
	[sflag:s5] =	ssyncset.done $0x0  }
0x33: {  	s0 =	rddreg [dreg:$0xf];
	[sflag:s5] =	ssyncadd.s32 $0xFFFFFF80  }
0x34: {  	[tilespmem:s0], [sflag:$0x7] =	stream.linear.gather [hbm4b:s20+s3], $0x80, $0x38;
	[tilespmem:$0x18280] =	vst v63  }
0x35: {  	_ =	swait.ge [sflag:s5], $0x80  }
0x36: {  	s2 =	rddreg [dreg:$0x7];
	[sflag:s5] =	ssyncset.done $0x0  }
0x37: {  	s11 =	rddreg [dreg:$0x10];
	[sflag:s5] =	ssyncadd.s32 $0xFFFFFF80  }
0x38: {  	[tilespmem:s11], [sflag:$0x7] =	stream.linear.gather [hbm4b:s2+s3], $0x80, $0x38;
	[tilespmem:$0x18280] =	vst v63  }
0x39: {  	_ =	swait.ge [sflag:s5], $0x80  }
0x3a: {  	[sflag:s5] =	ssyncset.done $0x0  }
0x3b: {  	[sflag:s5] =	ssyncadd.s32 $0xFFFFFF80  }
0x3c: {  	v3 =	vld [tilespmem:$0x0];
	_ =	sdelay $0x4  }
0x3d: {  	v4 =	vshll.u32 v3, $0x1  }
0x3e: {  	v3 =	vand.u32 $0x7, v3;
	v4 =	vand.u32 $0xFFFFFFF0, v4  }
0x3f: {  	v3 =	vor.u32 v3, v4  }
0x40: {  	v4 =	vperm.xlane v3, v0;
	_ =	sdelay $0x1  }
0x41: {  	v3 =	vperm.xlane v3, v2;
	v4 =	vadd.s32 v1, v4;
	_ =	sdelay $0x1  }
0x42: {  	v3 =	vadd.s32 v1, v3;
	_ =	sdelay $0x2  }
0x43: {  	[tilespmem:s22], [sflag:$0x1] =	stream.indirect_vreg.gather [hbm4b:s1+s3], $0x80, v4, vm0, $0xb8;
	[tilespmem:$0x18280] =	vst v63  }
0x44: {  	_ = 	snop  }
0x45: {  	[tilespmem:s21], [sflag:$0x1] =	stream.indirect_vreg.gather [hbm4b:s1+s3], $0x80, v3, vm0, $0xb8;
	[tilespmem:$0x18280] =	vst v63  }
0x46: {  	v3 =	vld [tilespmem:$0x10];
	_ =	sdelay $0x4  }
0x47: {  	v25 =	vshll.u32 v3, $0x1  }
0x48: {  	v3 =	vand.u32 $0x7, v3;
	v4 =	vand.u32 $0xFFFFFFF0, v25  }
0x49: {  	v3 =	vor.u32 v3, v4  }
0x4a: {  	v4 =	vperm.xlane v3, v0;
	_ =	sdelay $0x1  }
0x4b: {  	v3 =	vperm.xlane v3, v2;
	v4 =	vadd.s32 v1, v4;
	_ =	sdelay $0x1  }
0x4c: {  	v3 =	vadd.s32 v1, v3;
	_ =	sdelay $0x2  }
0x4d: {  	[tilespmem:s23], [sflag:$0x1] =	stream.indirect_vreg.gather [hbm4b:s1+s3], $0x80, v4, vm0, $0xb8;
	[tilespmem:$0x18280] =	vst v63  }
0x4e: {  	_ = 	snop  }
0x4f: {  	[tilespmem:s24], [sflag:$0x1] =	stream.indirect_vreg.gather [hbm4b:s1+s3], $0x80, v3, vm0, $0xb8;
	[tilespmem:$0x18280] =	vst v63  }
0x50: {  	v3 =	vld [tilespmem:$0x20];
	_ =	sdelay $0x4  }
0x51: {  	v26 =	vshll.u32 v3, $0x1  }
0x52: {  	v3 =	vand.u32 $0x7, v3;
	v4 =	vand.u32 $0xFFFFFFF0, v26  }
0x53: {  	v3 =	vor.u32 v3, v4  }
0x54: {  	v4 =	vperm.xlane v3, v0;
	_ =	sdelay $0x1  }
0x55: {  	v3 =	vperm.xlane v3, v2;
	v4 =	vadd.s32 v1, v4;
	_ =	sdelay $0x1  }
0x56: {  	v3 =	vadd.s32 v1, v3;
	_ =	sdelay $0x2  }
0x57: {  	[tilespmem:s25], [sflag:$0x1] =	stream.indirect_vreg.gather [hbm4b:s1+s3], $0x80, v4, vm0, $0xb8;
	[tilespmem:$0x18280] =	vst v63  }
0x58: {  	_ = 	snop  }
0x59: {  	[tilespmem:s26], [sflag:$0x1] =	stream.indirect_vreg.gather [hbm4b:s1+s3], $0x80, v3, vm0, $0xb8;
	[tilespmem:$0x18280] =	vst v63  }
0x5a: {  	v3 =	vld [tilespmem:$0x30];
	_ =	sdelay $0x4  }
0x5b: {  	v27 =	vshll.u32 v3, $0x1  }
0x5c: {  	v3 =	vand.u32 $0x7, v3;
	v4 =	vand.u32 $0xFFFFFFF0, v27  }
0x5d: {  	v3 =	vor.u32 v3, v4  }
0x5e: {  	v4 =	vperm.xlane v3, v0;
	_ =	sdelay $0x1  }
0x5f: {  	v3 =	vperm.xlane v3, v2;
	v4 =	vadd.s32 v1, v4;
	_ =	sdelay $0x1  }
0x60: {  	v3 =	vadd.s32 v1, v3;
	_ =	sdelay $0x2  }
0x61: {  	[tilespmem:s28], [sflag:$0x1] =	stream.indirect_vreg.gather [hbm4b:s1+s3], $0x80, v4, vm0, $0xb8;
	[tilespmem:$0x18280] =	vst v63  }
0x62: {  	_ = 	snop  }
0x63: {  	[tilespmem:s29], [sflag:$0x1] =	stream.indirect_vreg.gather [hbm4b:s1+s3], $0x80, v3, vm0, $0xb8;
	[tilespmem:$0x18280] =	vst v63  }
0x64: {  	v3 =	vld [tilespmem:$0x40];
	_ =	sdelay $0x4  }
0x65: {  	v28 =	vshll.u32 v3, $0x1  }
0x66: {  	v3 =	vand.u32 $0x7, v3;
	v4 =	vand.u32 $0xFFFFFFF0, v28  }
0x67: {  	v3 =	vor.u32 v3, v4  }
0x68: {  	v4 =	vperm.xlane v3, v0;
	_ =	sdelay $0x1  }
0x69: {  	v3 =	vperm.xlane v3, v2;
	v4 =	vadd.s32 v1, v4;
	_ =	sdelay $0x1  }
0x6a: {  	v3 =	vadd.s32 v1, v3;
	_ =	sdelay $0x2  }
0x6b: {  	[tilespmem:s30], [sflag:$0x1] =	stream.indirect_vreg.gather [hbm4b:s1+s3], $0x80, v4, vm0, $0xb8;
	[tilespmem:$0x18280] =	vst v63  }
0x6c: {  	_ = 	snop  }
0x6d: {  	[tilespmem:s31], [sflag:$0x1] =	stream.indirect_vreg.gather [hbm4b:s1+s3], $0x80, v3, vm0, $0xb8;
	[tilespmem:$0x18280] =	vst v63  }
0x6e: {  	v3 =	vld [tilespmem:$0x50];
	_ =	sdelay $0x4  }
0x6f: {  	v29 =	vshll.u32 v3, $0x1  }
0x70: {  	v3 =	vand.u32 $0x7, v3;
	v4 =	vand.u32 $0xFFFFFFF0, v29  }
0x71: {  	v3 =	vor.u32 v3, v4  }
0x72: {  	v4 =	vperm.xlane v3, v0;
	_ =	sdelay $0x1  }
0x73: {  	v3 =	vperm.xlane v3, v2;
	v4 =	vadd.s32 v1, v4;
	_ =	sdelay $0x1  }
0x74: {  	v3 =	vadd.s32 v1, v3;
	_ =	sdelay $0x2  }
0x75: {  	[tilespmem:s6], [sflag:$0x1] =	stream.indirect_vreg.gather [hbm4b:s1+s3], $0x80, v4, vm0, $0xb8;
	[tilespmem:$0x18280] =	vst v63  }
0x76: {  	s2 =	simm.s32 $0x5A80  }
0x77: {  	[tilespmem:s2], [sflag:$0x1] =	stream.indirect_vreg.gather [hbm4b:s1+s3], $0x80, v3, vm0, $0xb8;
	[tilespmem:$0x18280] =	vst v63  }
0x78: {  	v3 =	vld [tilespmem:$0x60];
	_ =	sdelay $0x4  }
0x79: {  	v30 =	vshll.u32 v3, $0x1  }
0x7a: {  	v3 =	vand.u32 $0x7, v3;
	v4 =	vand.u32 $0xFFFFFFF0, v30  }
0x7b: {  	v3 =	vor.u32 v3, v4  }
0x7c: {  	v4 =	vperm.xlane v3, v0;
	_ =	sdelay $0x1  }
0x7d: {  	v3 =	vperm.xlane v3, v2;
	v4 =	vadd.s32 v1, v4;
	_ =	sdelay $0x1  }
0x7e: {  	v3 =	vadd.s32 v1, v3;
	_ =	sdelay $0x2  }
0x7f: {  	[tilespmem:s7], [sflag:$0x1] =	stream.indirect_vreg.gather [hbm4b:s1+s3], $0x80, v4, vm0, $0xb8;
	[tilespmem:$0x18280] =	vst v63  }
0x80: {  	_ = 	snop  }
0x81: {  	[tilespmem:s8], [sflag:$0x1] =	stream.indirect_vreg.gather [hbm4b:s1+s3], $0x80, v3, vm0, $0xb8;
	[tilespmem:$0x18280] =	vst v63  }
0x82: {  	v3 =	vld [tilespmem:$0x70];
	_ =	sdelay $0x4  }
0x83: {  	v31 =	vshll.u32 v3, $0x1  }
0x84: {  	v3 =	vand.u32 $0x7, v3;
	v4 =	vand.u32 $0xFFFFFFF0, v31  }
0x85: {  	v3 =	vor.u32 v3, v4  }
0x86: {  	v4 =	vperm.xlane v3, v0;
	_ =	sdelay $0x1  }
0x87: {  	v3 =	vperm.xlane v3, v2;
	v4 =	vadd.s32 v1, v4;
	_ =	sdelay $0x1  }
0x88: {  	v3 =	vadd.s32 v1, v3;
	_ =	sdelay $0x2  }
0x89: {  	[tilespmem:s9], [sflag:$0x1] =	stream.indirect_vreg.gather [hbm4b:s1+s3], $0x80, v4, vm0, $0xb8;
	[tilespmem:$0x18280] =	vst v63  }
0x8a: {  	_ = 	snop  }
0x8b: {  	[tilespmem:s10], [sflag:$0x1] =	stream.indirect_vreg.gather [hbm4b:s1+s3], $0x80, v3, vm0, $0xb8;
	[tilespmem:$0x18280] =	vst v63  }
0x8c: {  	v3 =	vld [tilespmem:$0x80];
	_ =	sdelay $0x4  }
0x8d: {  	v32 =	vshll.u32 v3, $0x1  }
0x8e: {  	v3 =	vand.u32 $0x7, v3;
	v4 =	vand.u32 $0xFFFFFFF0, v32  }
0x8f: {  	v3 =	vor.u32 v3, v4  }
0x90: {  	v4 =	vperm.xlane v3, v0;
	_ =	sdelay $0x1  }
0x91: {  	v3 =	vperm.xlane v3, v2;
	v4 =	vadd.s32 v1, v4;
	_ =	sdelay $0x1  }
0x92: {  	v3 =	vadd.s32 v1, v3;
	_ =	sdelay $0x1  }
0x93: {  	s0 =	simm.s32 $0x8280  }
0x94: {  	[tilespmem:s0], [sflag:$0x2] =	stream.indirect_vreg.gather [hbm4b:s1+s3], $0x80, v4, vm0, $0xb8;
	[tilespmem:$0x18280] =	vst v63  }
0x95: {  	s11 =	simm.s32 $0x8A80  }
0x96: {  	[tilespmem:s11], [sflag:$0x2] =	stream.indirect_vreg.gather [hbm4b:s1+s3], $0x80, v3, vm0, $0xb8;
	[tilespmem:$0x18280] =	vst v63  }
0x97: {  	v3 =	vld [tilespmem:$0x90];
	_ =	sdelay $0x4  }
0x98: {  	v33 =	vshll.u32 v3, $0x1  }
0x99: {  	v3 =	vand.u32 $0x7, v3;
	v4 =	vand.u32 $0xFFFFFFF0, v33  }
0x9a: {  	v3 =	vor.u32 v3, v4  }
0x9b: {  	v4 =	vperm.xlane v3, v0;
	_ =	sdelay $0x1  }
0x9c: {  	v3 =	vperm.xlane v3, v2;
	v4 =	vadd.s32 v1, v4;
	_ =	sdelay $0x1  }
0x9d: {  	v3 =	vadd.s32 v1, v3;
	_ =	sdelay $0x2  }
0x9e: {  	[tilespmem:s12], [sflag:$0x2] =	stream.indirect_vreg.gather [hbm4b:s1+s3], $0x80, v4, vm0, $0xb8;
	[tilespmem:$0x18280] =	vst v63  }
0x9f: {  	_ = 	snop  }
0xa0: {  	[tilespmem:s17], [sflag:$0x2] =	stream.indirect_vreg.gather [hbm4b:s1+s3], $0x80, v3, vm0, $0xb8;
	[tilespmem:$0x18280] =	vst v63  }
0xa1: {  	v3 =	vld [tilespmem:$0xA0];
	_ =	sdelay $0x4  }
0xa2: {  	v34 =	vshll.u32 v3, $0x1  }
0xa3: {  	v3 =	vand.u32 $0x7, v3;
	v4 =	vand.u32 $0xFFFFFFF0, v34  }
0xa4: {  	v3 =	vor.u32 v3, v4  }
0xa5: {  	v4 =	vperm.xlane v3, v0;
	_ =	sdelay $0x1  }
0xa6: {  	v3 =	vperm.xlane v3, v2;
	v4 =	vadd.s32 v1, v4;
	_ =	sdelay $0x1  }
0xa7: {  	v3 =	vadd.s32 v1, v3;
	_ =	sdelay $0x2  }
0xa8: {  	[tilespmem:s18], [sflag:$0x2] =	stream.indirect_vreg.gather [hbm4b:s1+s3], $0x80, v4, vm0, $0xb8;
	[tilespmem:$0x18280] =	vst v63  }
0xa9: {  	s19 =	simm.s32 $0xAA80  }
0xaa: {  	[tilespmem:s19], [sflag:$0x2] =	stream.indirect_vreg.gather [hbm4b:s1+s3], $0x80, v3, vm0, $0xb8;
	[tilespmem:$0x18280] =	vst v63  }
0xab: {  	v3 =	vld [tilespmem:$0xB0];
	_ =	sdelay $0x4  }
0xac: {  	v35 =	vshll.u32 v3, $0x1  }
0xad: {  	v3 =	vand.u32 $0x7, v3;
	v4 =	vand.u32 $0xFFFFFFF0, v35  }
0xae: {  	v3 =	vor.u32 v3, v4  }
0xaf: {  	v4 =	vperm.xlane v3, v0;
	_ =	sdelay $0x1  }
0xb0: {  	v3 =	vperm.xlane v3, v2;
	v4 =	vadd.s32 v1, v4;
	_ =	sdelay $0x1  }
0xb1: {  	v3 =	vadd.s32 v1, v3;
	_ =	sdelay $0x1  }
0xb2: {  	s20 =	simm.s32 $0xB280  }
0xb3: {  	[tilespmem:s20], [sflag:$0x2] =	stream.indirect_vreg.gather [hbm4b:s1+s3], $0x80, v4, vm0, $0xb8;
	[tilespmem:$0x18280] =	vst v63  }
0xb4: {  	s19 =	simm.s32 $0xBA80  }
0xb5: {  	[tilespmem:s19], [sflag:$0x2] =	stream.indirect_vreg.gather [hbm4b:s1+s3], $0x80, v3, vm0, $0xb8;
	[tilespmem:$0x18280] =	vst v63  }
0xb6: {  	v3 =	vld [tilespmem:$0xC0];
	_ =	sdelay $0x4  }
0xb7: {  	v36 =	vshll.u32 v3, $0x1  }
0xb8: {  	v3 =	vand.u32 $0x7, v3;
	v4 =	vand.u32 $0xFFFFFFF0, v36  }
0xb9: {  	v3 =	vor.u32 v3, v4  }
0xba: {  	v4 =	vperm.xlane v3, v0;
	_ =	sdelay $0x1  }
0xbb: {  	v3 =	vperm.xlane v3, v2;
	v4 =	vadd.s32 v1, v4;
	_ =	sdelay $0x1  }
0xbc: {  	v3 =	vadd.s32 v1, v3;
	_ =	sdelay $0x1  }
0xbd: {  	s20 =	simm.s32 $0xC280  }
0xbe: {  	[tilespmem:s20], [sflag:$0x2] =	stream.indirect_vreg.gather [hbm4b:s1+s3], $0x80, v4, vm0, $0xb8;
	[tilespmem:$0x18280] =	vst v63  }
0xbf: {  	s19 =	simm.s32 $0xCA80  }
0xc0: {  	[tilespmem:s19], [sflag:$0x2] =	stream.indirect_vreg.gather [hbm4b:s1+s3], $0x80, v3, vm0, $0xb8;
	[tilespmem:$0x18280] =	vst v63  }
0xc1: {  	v3 =	vld [tilespmem:$0xD0];
	_ =	sdelay $0x4  }
0xc2: {  	v37 =	vshll.u32 v3, $0x1  }
0xc3: {  	v3 =	vand.u32 $0x7, v3;
	v4 =	vand.u32 $0xFFFFFFF0, v37  }
0xc4: {  	v3 =	vor.u32 v3, v4  }
0xc5: {  	v4 =	vperm.xlane v3, v0;
	_ =	sdelay $0x1  }
0xc6: {  	v3 =	vperm.xlane v3, v2;
	v4 =	vadd.s32 v1, v4;
	_ =	sdelay $0x1  }
0xc7: {  	v3 =	vadd.s32 v1, v3;
	_ =	sdelay $0x1  }
0xc8: {  	s20 =	simm.s32 $0xD280  }
0xc9: {  	[tilespmem:s20], [sflag:$0x2] =	stream.indirect_vreg.gather [hbm4b:s1+s3], $0x80, v4, vm0, $0xb8;
	[tilespmem:$0x18280] =	vst v63  }
0xca: {  	s19 =	simm.s32 $0xDA80  }
0xcb: {  	[tilespmem:s19], [sflag:$0x2] =	stream.indirect_vreg.gather [hbm4b:s1+s3], $0x80, v3, vm0, $0xb8;
	[tilespmem:$0x18280] =	vst v63  }
0xcc: {  	v3 =	vld [tilespmem:$0xE0];
	_ =	sdelay $0x4  }
0xcd: {  	v38 =	vshll.u32 v3, $0x1  }
0xce: {  	v3 =	vand.u32 $0x7, v3;
	v4 =	vand.u32 $0xFFFFFFF0, v38  }
0xcf: {  	v3 =	vor.u32 v3, v4  }
0xd0: {  	v4 =	vperm.xlane v3, v0;
	_ =	sdelay $0x1  }
0xd1: {  	v3 =	vperm.xlane v3, v2;
	v4 =	vadd.s32 v1, v4;
	_ =	sdelay $0x1  }
0xd2: {  	v3 =	vadd.s32 v1, v3;
	_ =	sdelay $0x1  }
0xd3: {  	s20 =	simm.s32 $0xE280  }
0xd4: {  	[tilespmem:s20], [sflag:$0x2] =	stream.indirect_vreg.gather [hbm4b:s1+s3], $0x80, v4, vm0, $0xb8;
	[tilespmem:$0x18280] =	vst v63  }
0xd5: {  	s19 =	simm.s32 $0xEA80  }
0xd6: {  	[tilespmem:s19], [sflag:$0x2] =	stream.indirect_vreg.gather [hbm4b:s1+s3], $0x80, v3, vm0, $0xb8;
	[tilespmem:$0x18280] =	vst v63  }
0xd7: {  	v3 =	vld [tilespmem:$0xF0];
	_ =	sdelay $0x4  }
0xd8: {  	v39 =	vshll.u32 v3, $0x1  }
0xd9: {  	v3 =	vand.u32 $0x7, v3;
	v4 =	vand.u32 $0xFFFFFFF0, v39  }
0xda: {  	v3 =	vor.u32 v3, v4  }
0xdb: {  	v4 =	vperm.xlane v3, v0;
	_ =	sdelay $0x1  }
0xdc: {  	v3 =	vperm.xlane v3, v2;
	v4 =	vadd.s32 v1, v4;
	_ =	sdelay $0x1  }
0xdd: {  	v3 =	vadd.s32 v1, v3;
	_ =	sdelay $0x1  }
0xde: {  	s20 =	simm.s32 $0xF280  }
0xdf: {  	[tilespmem:s20], [sflag:$0x2] =	stream.indirect_vreg.gather [hbm4b:s1+s3], $0x80, v4, vm0, $0xb8;
	[tilespmem:$0x18280] =	vst v63  }
0xe0: {  	s19 =	simm.s32 $0xFA80  }
0xe1: {  	[tilespmem:s19], [sflag:$0x2] =	stream.indirect_vreg.gather [hbm4b:s1+s3], $0x80, v3, vm0, $0xb8;
	[tilespmem:$0x18280] =	vst v63  }
0xe2: {  	v3 =	vld [tilespmem:$0x100];
	_ =	sdelay $0x4  }
0xe3: {  	v40 =	vshll.u32 v3, $0x1  }
0xe4: {  	v3 =	vand.u32 $0x7, v3;
	v4 =	vand.u32 $0xFFFFFFF0, v40  }
0xe5: {  	v3 =	vor.u32 v3, v4  }
0xe6: {  	v4 =	vperm.xlane v3, v0;
	_ =	sdelay $0x1  }
0xe7: {  	v3 =	vperm.xlane v3, v2;
	v4 =	vadd.s32 v1, v4;
	_ =	sdelay $0x1  }
0xe8: {  	v3 =	vadd.s32 v1, v3;
	_ =	sdelay $0x1  }
0xe9: {  	s11 =	simm.s32 $0x10280  }
0xea: {  	[tilespmem:s11], [sflag:$0x3] =	stream.indirect_vreg.gather [hbm4b:s1+s3], $0x80, v4, vm0, $0xb8;
	[tilespmem:$0x18280] =	vst v63  }
0xeb: {  	s20 =	rddreg [dreg:$0x11]  }
0xec: {  	[tilespmem:s20], [sflag:$0x3] =	stream.indirect_vreg.gather [hbm4b:s1+s3], $0x80, v3, vm0, $0xb8;
	[tilespmem:$0x18280] =	vst v63  }
0xed: {  	v3 =	vld [tilespmem:$0x110];
	_ =	sdelay $0x4  }
0xee: {  	v41 =	vshll.u32 v3, $0x1  }
0xef: {  	v3 =	vand.u32 $0x7, v3;
	v4 =	vand.u32 $0xFFFFFFF0, v41  }
0xf0: {  	v3 =	vor.u32 v3, v4  }
0xf1: {  	v4 =	vperm.xlane v3, v0;
	_ =	sdelay $0x1  }
0xf2: {  	v3 =	vperm.xlane v3, v2;
	v4 =	vadd.s32 v1, v4;
	_ =	sdelay $0x1  }
0xf3: {  	v3 =	vadd.s32 v1, v3;
	_ =	sdelay $0x1  }
0xf4: {  	s19 =	rddreg [dreg:$0x12]  }
0xf5: {  	[tilespmem:s19], [sflag:$0x3] =	stream.indirect_vreg.gather [hbm4b:s1+s3], $0x80, v4, vm0, $0xb8;
	[tilespmem:$0x18280] =	vst v63  }
0xf6: {  	s20 =	rddreg [dreg:$0x13]  }
0xf7: {  	[tilespmem:s20], [sflag:$0x3] =	stream.indirect_vreg.gather [hbm4b:s1+s3], $0x80, v3, vm0, $0xb8;
	[tilespmem:$0x18280] =	vst v63  }
0xf8: {  	v3 =	vld [tilespmem:$0x120];
	_ =	sdelay $0x4  }
0xf9: {  	v42 =	vshll.u32 v3, $0x1  }
0xfa: {  	v3 =	vand.u32 $0x7, v3;
	v4 =	vand.u32 $0xFFFFFFF0, v42  }
0xfb: {  	v3 =	vor.u32 v3, v4  }
0xfc: {  	v4 =	vperm.xlane v3, v0;
	_ =	sdelay $0x1  }
0xfd: {  	v3 =	vperm.xlane v3, v2;
	v4 =	vadd.s32 v1, v4;
	_ =	sdelay $0x1  }
0xfe: {  	v3 =	vadd.s32 v1, v3;
	_ =	sdelay $0x1  }
0xff: {  	s19 =	rddreg [dreg:$0x14]  }
0x100: {  	[tilespmem:s19], [sflag:$0x3] =	stream.indirect_vreg.gather [hbm4b:s1+s3], $0x80, v4, vm0, $0xb8;
	[tilespmem:$0x18280] =	vst v63  }
0x101: {  	s20 =	rddreg [dreg:$0x15]  }
0x102: {  	[tilespmem:s20], [sflag:$0x3] =	stream.indirect_vreg.gather [hbm4b:s1+s3], $0x80, v3, vm0, $0xb8;
	[tilespmem:$0x18280] =	vst v63  }
0x103: {  	v3 =	vld [tilespmem:$0x130];
	_ =	sdelay $0x4  }
0x104: {  	v43 =	vshll.u32 v3, $0x1  }
0x105: {  	v3 =	vand.u32 $0x7, v3;
	v4 =	vand.u32 $0xFFFFFFF0, v43  }
0x106: {  	v3 =	vor.u32 v3, v4  }
0x107: {  	v4 =	vperm.xlane v3, v0;
	_ =	sdelay $0x1  }
0x108: {  	v3 =	vperm.xlane v3, v2;
	v4 =	vadd.s32 v1, v4;
	_ =	sdelay $0x1  }
0x109: {  	v3 =	vadd.s32 v1, v3;
	_ =	sdelay $0x1  }
0x10a: {  	s19 =	rddreg [dreg:$0x16]  }
0x10b: {  	[tilespmem:s19], [sflag:$0x3] =	stream.indirect_vreg.gather [hbm4b:s1+s3], $0x80, v4, vm0, $0xb8;
	[tilespmem:$0x18280] =	vst v63  }
0x10c: {  	s20 =	rddreg [dreg:$0x17]  }
0x10d: {  	[tilespmem:s20], [sflag:$0x3] =	stream.indirect_vreg.gather [hbm4b:s1+s3], $0x80, v3, vm0, $0xb8;
	[tilespmem:$0x18280] =	vst v63  }
0x10e: {  	v3 =	vld [tilespmem:$0x140];
	_ =	sdelay $0x4  }
0x10f: {  	v44 =	vshll.u32 v3, $0x1  }
0x110: {  	v3 =	vand.u32 $0x7, v3;
	v4 =	vand.u32 $0xFFFFFFF0, v44  }
0x111: {  	v3 =	vor.u32 v3, v4  }
0x112: {  	v4 =	vperm.xlane v3, v0;
	_ =	sdelay $0x1  }
0x113: {  	v3 =	vperm.xlane v3, v2;
	v4 =	vadd.s32 v1, v4;
	_ =	sdelay $0x1  }
0x114: {  	v3 =	vadd.s32 v1, v3;
	_ =	sdelay $0x1  }
0x115: {  	s19 =	rddreg [dreg:$0x18]  }
0x116: {  	[tilespmem:s19], [sflag:$0x3] =	stream.indirect_vreg.gather [hbm4b:s1+s3], $0x80, v4, vm0, $0xb8;
	[tilespmem:$0x18280] =	vst v63  }
0x117: {  	s20 =	rddreg [dreg:$0x19]  }
0x118: {  	[tilespmem:s20], [sflag:$0x3] =	stream.indirect_vreg.gather [hbm4b:s1+s3], $0x80, v3, vm0, $0xb8;
	[tilespmem:$0x18280] =	vst v63  }
0x119: {  	v3 =	vld [tilespmem:$0x150];
	_ =	sdelay $0x4  }
0x11a: {  	v45 =	vshll.u32 v3, $0x1  }
0x11b: {  	v3 =	vand.u32 $0x7, v3;
	v4 =	vand.u32 $0xFFFFFFF0, v45  }
0x11c: {  	v3 =	vor.u32 v3, v4  }
0x11d: {  	v4 =	vperm.xlane v3, v0;
	_ =	sdelay $0x1  }
0x11e: {  	v3 =	vperm.xlane v3, v2;
	v4 =	vadd.s32 v1, v4;
	_ =	sdelay $0x1  }
0x11f: {  	v3 =	vadd.s32 v1, v3;
	_ =	sdelay $0x1  }
0x120: {  	s19 =	rddreg [dreg:$0x1a]  }
0x121: {  	[tilespmem:s19], [sflag:$0x3] =	stream.indirect_vreg.gather [hbm4b:s1+s3], $0x80, v4, vm0, $0xb8;
	[tilespmem:$0x18280] =	vst v63  }
0x122: {  	s20 =	rddreg [dreg:$0x1b]  }
0x123: {  	[tilespmem:s20], [sflag:$0x3] =	stream.indirect_vreg.gather [hbm4b:s1+s3], $0x80, v3, vm0, $0xb8;
	[tilespmem:$0x18280] =	vst v63  }
0x124: {  	v3 =	vld [tilespmem:$0x160];
	_ =	sdelay $0x4  }
0x125: {  	v46 =	vshll.u32 v3, $0x1  }
0x126: {  	v3 =	vand.u32 $0x7, v3;
	v4 =	vand.u32 $0xFFFFFFF0, v46  }
0x127: {  	v3 =	vor.u32 v3, v4  }
0x128: {  	v4 =	vperm.xlane v3, v0;
	_ =	sdelay $0x1  }
0x129: {  	v3 =	vperm.xlane v3, v2;
	v4 =	vadd.s32 v1, v4;
	_ =	sdelay $0x1  }
0x12a: {  	v3 =	vadd.s32 v1, v3;
	_ =	sdelay $0x1  }
0x12b: {  	s19 =	rddreg [dreg:$0x1c]  }
0x12c: {  	[tilespmem:s19], [sflag:$0x3] =	stream.indirect_vreg.gather [hbm4b:s1+s3], $0x80, v4, vm0, $0xb8;
	[tilespmem:$0x18280] =	vst v63  }
0x12d: {  	s20 =	rddreg [dreg:$0x1d]  }
0x12e: {  	[tilespmem:s20], [sflag:$0x3] =	stream.indirect_vreg.gather [hbm4b:s1+s3], $0x80, v3, vm0, $0xb8;
	[tilespmem:$0x18280] =	vst v63  }
0x12f: {  	v3 =	vld [tilespmem:$0x170];
	_ =	sdelay $0x4  }
0x130: {  	v47 =	vshll.u32 v3, $0x1  }
0x131: {  	v3 =	vand.u32 $0x7, v3;
	v4 =	vand.u32 $0xFFFFFFF0, v47  }
0x132: {  	v3 =	vor.u32 v3, v4  }
0x133: {  	v4 =	vperm.xlane v3, v0;
	_ =	sdelay $0x1  }
0x134: {  	v3 =	vperm.xlane v3, v2;
	v4 =	vadd.s32 v1, v4;
	_ =	sdelay $0x1  }
0x135: {  	v3 =	vadd.s32 v1, v3;
	_ =	sdelay $0x1  }
0x136: {  	s19 =	rddreg [dreg:$0x1e]  }
0x137: {  	[tilespmem:s19], [sflag:$0x3] =	stream.indirect_vreg.gather [hbm4b:s1+s3], $0x80, v4, vm0, $0xb8;
	[tilespmem:$0x18280] =	vst v63  }
0x138: {  	s20 =	rddreg [dreg:$0x1f]  }
0x139: {  	[tilespmem:s20], [sflag:$0x3] =	stream.indirect_vreg.gather [hbm4b:s1+s3], $0x80, v3, vm0, $0xb8;
	[tilespmem:$0x18280] =	vst v63  }
0x13a: {  	_ =	swait.ge [sflag:s13], $0x8000  }
0x13b: {  	[sflag:s13] =	ssyncset.done $0x0  }
0x13c: {  	s20 =	rddreg [dreg:$0x8];
	[sflag:s13] =	ssyncadd.s32 $0xFFFF8000  }
0x13d: {  	[hbm4b:s20+s3] =	stream.linear.scatter [tilespmem:s22], [sflag:$0x4], $0x8000, $0x38;
	[tilespmem:$0x18280] =	vst v63  }
0x13e: {  	_ =	swait.ge [sflag:s14], $0x8000  }
0x13f: {  	[sflag:s14] =	ssyncset.done $0x0  }
0x140: {  	[sflag:s14] =	ssyncadd.s32 $0xFFFF8000  }
0x141: {  	v3 =	vld [tilespmem:$0x180];
	_ =	sdelay $0x4  }
0x142: {  	v48 =	vshll.u32 v3, $0x1  }
0x143: {  	v3 =	vand.u32 $0x7, v3;
	v4 =	vand.u32 $0xFFFFFFF0, v48  }
0x144: {  	v3 =	vor.u32 v3, v4  }
0x145: {  	v4 =	vperm.xlane v3, v0;
	_ =	sdelay $0x1  }
0x146: {  	v3 =	vperm.xlane v3, v2;
	v4 =	vadd.s32 v1, v4;
	_ =	sdelay $0x1  }
0x147: {  	v3 =	vadd.s32 v1, v3;
	_ =	sdelay $0x2  }
0x148: {  	[tilespmem:s22], [sflag:$0x1] =	stream.indirect_vreg.gather [hbm4b:s1+s3], $0x80, v4, vm0, $0xb8;
	[tilespmem:$0x18280] =	vst v63  }
0x149: {  	_ = 	snop  }
0x14a: {  	[tilespmem:s21], [sflag:$0x1] =	stream.indirect_vreg.gather [hbm4b:s1+s3], $0x80, v3, vm0, $0xb8;
	[tilespmem:$0x18280] =	vst v63  }
0x14b: {  	v3 =	vld [tilespmem:$0x190];
	_ =	sdelay $0x4  }
0x14c: {  	v49 =	vshll.u32 v3, $0x1  }
0x14d: {  	v3 =	vand.u32 $0x7, v3;
	v4 =	vand.u32 $0xFFFFFFF0, v49  }
0x14e: {  	v3 =	vor.u32 v3, v4  }
0x14f: {  	v4 =	vperm.xlane v3, v0;
	_ =	sdelay $0x1  }
0x150: {  	v3 =	vperm.xlane v3, v2;
	v4 =	vadd.s32 v1, v4;
	_ =	sdelay $0x1  }
0x151: {  	v3 =	vadd.s32 v1, v3;
	_ =	sdelay $0x2  }
0x152: {  	[tilespmem:s23], [sflag:$0x1] =	stream.indirect_vreg.gather [hbm4b:s1+s3], $0x80, v4, vm0, $0xb8;
	[tilespmem:$0x18280] =	vst v63  }
0x153: {  	_ = 	snop  }
0x154: {  	[tilespmem:s24], [sflag:$0x1] =	stream.indirect_vreg.gather [hbm4b:s1+s3], $0x80, v3, vm0, $0xb8;
	[tilespmem:$0x18280] =	vst v63  }
0x155: {  	v3 =	vld [tilespmem:$0x1A0];
	_ =	sdelay $0x4  }
0x156: {  	v50 =	vshll.u32 v3, $0x1  }
0x157: {  	v3 =	vand.u32 $0x7, v3;
	v4 =	vand.u32 $0xFFFFFFF0, v50  }
0x158: {  	v3 =	vor.u32 v3, v4  }
0x159: {  	v4 =	vperm.xlane v3, v0;
	_ =	sdelay $0x1  }
0x15a: {  	v3 =	vperm.xlane v3, v2;
	v4 =	vadd.s32 v1, v4;
	_ =	sdelay $0x1  }
0x15b: {  	v3 =	vadd.s32 v1, v3;
	_ =	sdelay $0x2  }
0x15c: {  	[tilespmem:s25], [sflag:$0x1] =	stream.indirect_vreg.gather [hbm4b:s1+s3], $0x80, v4, vm0, $0xb8;
	[tilespmem:$0x18280] =	vst v63  }
0x15d: {  	_ = 	snop  }
0x15e: {  	[tilespmem:s26], [sflag:$0x1] =	stream.indirect_vreg.gather [hbm4b:s1+s3], $0x80, v3, vm0, $0xb8;
	[tilespmem:$0x18280] =	vst v63  }
0x15f: {  	v3 =	vld [tilespmem:$0x1B0];
	_ =	sdelay $0x4  }
0x160: {  	v51 =	vshll.u32 v3, $0x1  }
0x161: {  	v3 =	vand.u32 $0x7, v3;
	v4 =	vand.u32 $0xFFFFFFF0, v51  }
0x162: {  	v3 =	vor.u32 v3, v4  }
0x163: {  	v4 =	vperm.xlane v3, v0;
	_ =	sdelay $0x1  }
0x164: {  	v3 =	vperm.xlane v3, v2;
	v4 =	vadd.s32 v1, v4;
	_ =	sdelay $0x1  }
0x165: {  	v3 =	vadd.s32 v1, v3;
	_ =	sdelay $0x2  }
0x166: {  	[tilespmem:s28], [sflag:$0x1] =	stream.indirect_vreg.gather [hbm4b:s1+s3], $0x80, v4, vm0, $0xb8;
	[tilespmem:$0x18280] =	vst v63  }
0x167: {  	_ = 	snop  }
0x168: {  	[tilespmem:s29], [sflag:$0x1] =	stream.indirect_vreg.gather [hbm4b:s1+s3], $0x80, v3, vm0, $0xb8;
	[tilespmem:$0x18280] =	vst v63  }
0x169: {  	v3 =	vld [tilespmem:$0x1C0];
	_ =	sdelay $0x4  }
0x16a: {  	v52 =	vshll.u32 v3, $0x1  }
0x16b: {  	v3 =	vand.u32 $0x7, v3;
	v4 =	vand.u32 $0xFFFFFFF0, v52  }
0x16c: {  	v3 =	vor.u32 v3, v4  }
0x16d: {  	v4 =	vperm.xlane v3, v0;
	_ =	sdelay $0x1  }
0x16e: {  	v3 =	vperm.xlane v3, v2;
	v4 =	vadd.s32 v1, v4;
	_ =	sdelay $0x1  }
0x16f: {  	v3 =	vadd.s32 v1, v3;
	_ =	sdelay $0x2  }
0x170: {  	[tilespmem:s30], [sflag:$0x1] =	stream.indirect_vreg.gather [hbm4b:s1+s3], $0x80, v4, vm0, $0xb8;
	[tilespmem:$0x18280] =	vst v63  }
0x171: {  	_ = 	snop  }
0x172: {  	[tilespmem:s31], [sflag:$0x1] =	stream.indirect_vreg.gather [hbm4b:s1+s3], $0x80, v3, vm0, $0xb8;
	[tilespmem:$0x18280] =	vst v63  }
0x173: {  	v3 =	vld [tilespmem:$0x1D0];
	_ =	sdelay $0x4  }
0x174: {  	v53 =	vshll.u32 v3, $0x1  }
0x175: {  	v3 =	vand.u32 $0x7, v3;
	v4 =	vand.u32 $0xFFFFFFF0, v53  }
0x176: {  	v3 =	vor.u32 v3, v4  }
0x177: {  	v4 =	vperm.xlane v3, v0;
	_ =	sdelay $0x1  }
0x178: {  	v3 =	vperm.xlane v3, v2;
	v4 =	vadd.s32 v1, v4;
	_ =	sdelay $0x1  }
0x179: {  	v3 =	vadd.s32 v1, v3;
	_ =	sdelay $0x2  }
0x17a: {  	[tilespmem:s6], [sflag:$0x1] =	stream.indirect_vreg.gather [hbm4b:s1+s3], $0x80, v4, vm0, $0xb8;
	[tilespmem:$0x18280] =	vst v63  }
0x17b: {  	_ = 	snop  }
0x17c: {  	[tilespmem:s2], [sflag:$0x1] =	stream.indirect_vreg.gather [hbm4b:s1+s3], $0x80, v3, vm0, $0xb8;
	[tilespmem:$0x18280] =	vst v63  }
0x17d: {  	v3 =	vld [tilespmem:$0x1E0];
	_ =	sdelay $0x4  }
0x17e: {  	v54 =	vshll.u32 v3, $0x1  }
0x17f: {  	v3 =	vand.u32 $0x7, v3;
	v4 =	vand.u32 $0xFFFFFFF0, v54  }
0x180: {  	v3 =	vor.u32 v3, v4  }
0x181: {  	v4 =	vperm.xlane v3, v0;
	_ =	sdelay $0x1  }
0x182: {  	v3 =	vperm.xlane v3, v2;
	v4 =	vadd.s32 v1, v4;
	_ =	sdelay $0x1  }
0x183: {  	v3 =	vadd.s32 v1, v3;
	_ =	sdelay $0x2  }
0x184: {  	[tilespmem:s7], [sflag:$0x1] =	stream.indirect_vreg.gather [hbm4b:s1+s3], $0x80, v4, vm0, $0xb8;
	[tilespmem:$0x18280] =	vst v63  }
0x185: {  	_ = 	snop  }
0x186: {  	[tilespmem:s8], [sflag:$0x1] =	stream.indirect_vreg.gather [hbm4b:s1+s3], $0x80, v3, vm0, $0xb8;
	[tilespmem:$0x18280] =	vst v63  }
0x187: {  	v3 =	vld [tilespmem:$0x1F0];
	_ =	sdelay $0x4  }
0x188: {  	v55 =	vshll.u32 v3, $0x1  }
0x189: {  	v3 =	vand.u32 $0x7, v3;
	v4 =	vand.u32 $0xFFFFFFF0, v55  }
0x18a: {  	v3 =	vor.u32 v3, v4  }
0x18b: {  	v4 =	vperm.xlane v3, v0;
	_ =	sdelay $0x1  }
0x18c: {  	v3 =	vperm.xlane v3, v2;
	v4 =	vadd.s32 v1, v4;
	_ =	sdelay $0x1  }
0x18d: {  	v3 =	vadd.s32 v1, v3;
	_ =	sdelay $0x2  }
0x18e: {  	[tilespmem:s9], [sflag:$0x1] =	stream.indirect_vreg.gather [hbm4b:s1+s3], $0x80, v4, vm0, $0xb8;
	[tilespmem:$0x18280] =	vst v63  }
0x18f: {  	_ = 	snop  }
0x190: {  	[tilespmem:s10], [sflag:$0x1] =	stream.indirect_vreg.gather [hbm4b:s1+s3], $0x80, v3, vm0, $0xb8;
	[tilespmem:$0x18280] =	vst v63  }
0x191: {  	_ =	swait.ge [sflag:s15], $0x8000  }
0x192: {  	[sflag:s15] =	ssyncset.done $0x0  }
0x193: {  	s2 =	rddreg [dreg:$0x9];
	[sflag:s15] =	ssyncadd.s32 $0xFFFF8000  }
0x194: {  	[hbm4b:s2+s3] =	stream.linear.scatter [tilespmem:s0], [sflag:$0x5], $0x8000, $0x38;
	[tilespmem:$0x18280] =	vst v63  }
0x195: {  	_ =	swait.ge [sflag:s16], $0x8000  }
0x196: {  	[sflag:s16] =	ssyncset.done $0x0  }
0x197: {  	[sflag:s16] =	ssyncadd.s32 $0xFFFF8000  }
0x198: {  	v3 =	vld [tilespmem:$0x200];
	_ =	sdelay $0x4  }
0x199: {  	v56 =	vshll.u32 v3, $0x1  }
0x19a: {  	v3 =	vand.u32 $0x7, v3;
	v4 =	vand.u32 $0xFFFFFFF0, v56  }
0x19b: {  	v3 =	vor.u32 v3, v4  }
0x19c: {  	v4 =	vperm.xlane v3, v0;
	_ =	sdelay $0x1  }
0x19d: {  	v3 =	vperm.xlane v3, v2;
	v4 =	vadd.s32 v1, v4;
	_ =	sdelay $0x1  }
0x19e: {  	v3 =	vadd.s32 v1, v3;
	_ =	sdelay $0x2  }
0x19f: {  	[tilespmem:s0], [sflag:$0x2] =	stream.indirect_vreg.gather [hbm4b:s1+s3], $0x80, v4, vm0, $0xb8;
	[tilespmem:$0x18280] =	vst v63  }
0x1a0: {  	s19 =	simm.s32 $0x8A80  }
0x1a1: {  	[tilespmem:s19], [sflag:$0x2] =	stream.indirect_vreg.gather [hbm4b:s1+s3], $0x80, v3, vm0, $0xb8;
	[tilespmem:$0x18280] =	vst v63  }
0x1a2: {  	v3 =	vld [tilespmem:$0x210];
	_ =	sdelay $0x4  }
0x1a3: {  	v57 =	vshll.u32 v3, $0x1  }
0x1a4: {  	v3 =	vand.u32 $0x7, v3;
	v4 =	vand.u32 $0xFFFFFFF0, v57  }
0x1a5: {  	v3 =	vor.u32 v3, v4  }
0x1a6: {  	v4 =	vperm.xlane v3, v0;
	_ =	sdelay $0x1  }
0x1a7: {  	v3 =	vperm.xlane v3, v2;
	v4 =	vadd.s32 v1, v4;
	_ =	sdelay $0x1  }
0x1a8: {  	v3 =	vadd.s32 v1, v3;
	_ =	sdelay $0x2  }
0x1a9: {  	[tilespmem:s12], [sflag:$0x2] =	stream.indirect_vreg.gather [hbm4b:s1+s3], $0x80, v4, vm0, $0xb8;
	[tilespmem:$0x18280] =	vst v63  }
0x1aa: {  	_ = 	snop  }
0x1ab: {  	[tilespmem:s17], [sflag:$0x2] =	stream.indirect_vreg.gather [hbm4b:s1+s3], $0x80, v3, vm0, $0xb8;
	[tilespmem:$0x18280] =	vst v63  }
0x1ac: {  	v3 =	vld [tilespmem:$0x220];
	_ =	sdelay $0x4  }
0x1ad: {  	v58 =	vshll.u32 v3, $0x1  }
0x1ae: {  	v3 =	vand.u32 $0x7, v3;
	v4 =	vand.u32 $0xFFFFFFF0, v58  }
0x1af: {  	v3 =	vor.u32 v3, v4  }
0x1b0: {  	v4 =	vperm.xlane v3, v0;
	_ =	sdelay $0x1  }
0x1b1: {  	v3 =	vperm.xlane v3, v2;
	v4 =	vadd.s32 v1, v4;
	_ =	sdelay $0x1  }
0x1b2: {  	v3 =	vadd.s32 v1, v3;
	_ =	sdelay $0x2  }
0x1b3: {  	[tilespmem:s18], [sflag:$0x2] =	stream.indirect_vreg.gather [hbm4b:s1+s3], $0x80, v4, vm0, $0xb8;
	[tilespmem:$0x18280] =	vst v63  }
0x1b4: {  	s20 =	simm.s32 $0xAA80  }
0x1b5: {  	[tilespmem:s20], [sflag:$0x2] =	stream.indirect_vreg.gather [hbm4b:s1+s3], $0x80, v3, vm0, $0xb8;
	[tilespmem:$0x18280] =	vst v63  }
0x1b6: {  	v3 =	vld [tilespmem:$0x230];
	_ =	sdelay $0x4  }
0x1b7: {  	v59 =	vshll.u32 v3, $0x1  }
0x1b8: {  	v3 =	vand.u32 $0x7, v3;
	v4 =	vand.u32 $0xFFFFFFF0, v59  }
0x1b9: {  	v3 =	vor.u32 v3, v4  }
0x1ba: {  	v4 =	vperm.xlane v3, v0;
	_ =	sdelay $0x1  }
0x1bb: {  	v3 =	vperm.xlane v3, v2;
	v4 =	vadd.s32 v1, v4;
	_ =	sdelay $0x1  }
0x1bc: {  	v3 =	vadd.s32 v1, v3;
	_ =	sdelay $0x1  }
0x1bd: {  	s19 =	simm.s32 $0xB280  }
0x1be: {  	[tilespmem:s19], [sflag:$0x2] =	stream.indirect_vreg.gather [hbm4b:s1+s3], $0x80, v4, vm0, $0xb8;
	[tilespmem:$0x18280] =	vst v63  }
0x1bf: {  	s20 =	simm.s32 $0xBA80  }
0x1c0: {  	[tilespmem:s20], [sflag:$0x2] =	stream.indirect_vreg.gather [hbm4b:s1+s3], $0x80, v3, vm0, $0xb8;
	[tilespmem:$0x18280] =	vst v63  }
0x1c1: {  	v3 =	vld [tilespmem:$0x240];
	_ =	sdelay $0x4  }
0x1c2: {  	v60 =	vshll.u32 v3, $0x1  }
0x1c3: {  	v3 =	vand.u32 $0x7, v3;
	v4 =	vand.u32 $0xFFFFFFF0, v60  }
0x1c4: {  	v3 =	vor.u32 v3, v4  }
0x1c5: {  	v4 =	vperm.xlane v3, v0;
	_ =	sdelay $0x1  }
0x1c6: {  	v3 =	vperm.xlane v3, v2;
	v4 =	vadd.s32 v1, v4;
	_ =	sdelay $0x1  }
0x1c7: {  	v3 =	vadd.s32 v1, v3;
	_ =	sdelay $0x1  }
0x1c8: {  	s19 =	simm.s32 $0xC280  }
0x1c9: {  	[tilespmem:s19], [sflag:$0x2] =	stream.indirect_vreg.gather [hbm4b:s1+s3], $0x80, v4, vm0, $0xb8;
	[tilespmem:$0x18280] =	vst v63  }
0x1ca: {  	s20 =	simm.s32 $0xCA80  }
0x1cb: {  	[tilespmem:s20], [sflag:$0x2] =	stream.indirect_vreg.gather [hbm4b:s1+s3], $0x80, v3, vm0, $0xb8;
	[tilespmem:$0x18280] =	vst v63  }
0x1cc: {  	v3 =	vld [tilespmem:$0x250];
	_ =	sdelay $0x4  }
0x1cd: {  	v61 =	vshll.u32 v3, $0x1  }
0x1ce: {  	v3 =	vand.u32 $0x7, v3;
	v4 =	vand.u32 $0xFFFFFFF0, v61  }
0x1cf: {  	v3 =	vor.u32 v3, v4  }
0x1d0: {  	v4 =	vperm.xlane v3, v0;
	_ =	sdelay $0x1  }
0x1d1: {  	v3 =	vperm.xlane v3, v2;
	v4 =	vadd.s32 v1, v4;
	_ =	sdelay $0x1  }
0x1d2: {  	v3 =	vadd.s32 v1, v3;
	_ =	sdelay $0x1  }
0x1d3: {  	s19 =	simm.s32 $0xD280  }
0x1d4: {  	[tilespmem:s19], [sflag:$0x2] =	stream.indirect_vreg.gather [hbm4b:s1+s3], $0x80, v4, vm0, $0xb8;
	[tilespmem:$0x18280] =	vst v63  }
0x1d5: {  	s20 =	simm.s32 $0xDA80  }
0x1d6: {  	[tilespmem:s20], [sflag:$0x2] =	stream.indirect_vreg.gather [hbm4b:s1+s3], $0x80, v3, vm0, $0xb8;
	[tilespmem:$0x18280] =	vst v63  }
0x1d7: {  	v3 =	vld [tilespmem:$0x260];
	_ =	sdelay $0x4  }
0x1d8: {  	v62 =	vshll.u32 v3, $0x1  }
0x1d9: {  	v3 =	vand.u32 $0x7, v3;
	v4 =	vand.u32 $0xFFFFFFF0, v62  }
0x1da: {  	v3 =	vor.u32 v3, v4  }
0x1db: {  	v4 =	vperm.xlane v3, v0;
	_ =	sdelay $0x1  }
0x1dc: {  	v3 =	vperm.xlane v3, v2;
	v4 =	vadd.s32 v1, v4;
	_ =	sdelay $0x1  }
0x1dd: {  	v3 =	vadd.s32 v1, v3;
	_ =	sdelay $0x1  }
0x1de: {  	s19 =	simm.s32 $0xE280  }
0x1df: {  	[tilespmem:s19], [sflag:$0x2] =	stream.indirect_vreg.gather [hbm4b:s1+s3], $0x80, v4, vm0, $0xb8;
	[tilespmem:$0x18280] =	vst v63  }
0x1e0: {  	s20 =	simm.s32 $0xEA80  }
0x1e1: {  	[tilespmem:s20], [sflag:$0x2] =	stream.indirect_vreg.gather [hbm4b:s1+s3], $0x80, v3, vm0, $0xb8;
	[tilespmem:$0x18280] =	vst v63  }
0x1e2: {  	v3 =	vld [tilespmem:$0x270];
	_ =	sdelay $0x4  }
0x1e3: {  	v63 =	vshll.u32 v3, $0x1  }
0x1e4: {  	v3 =	vand.u32 $0x7, v3;
	v4 =	vand.u32 $0xFFFFFFF0, v63  }
0x1e5: {  	v3 =	vor.u32 v3, v4  }
0x1e6: {  	v4 =	vperm.xlane v3, v0;
	_ =	sdelay $0x1  }
0x1e7: {  	v3 =	vperm.xlane v3, v2;
	v4 =	vadd.s32 v1, v4;
	_ =	sdelay $0x1  }
0x1e8: {  	v3 =	vadd.s32 v1, v3;
	_ =	sdelay $0x1  }
0x1e9: {  	s19 =	simm.s32 $0xF280  }
0x1ea: {  	[tilespmem:s19], [sflag:$0x2] =	stream.indirect_vreg.gather [hbm4b:s1+s3], $0x80, v4, vm0, $0xb8;
	[tilespmem:$0x18280] =	vst v63  }
0x1eb: {  	s20 =	simm.s32 $0xFA80;
	s19 =	simm.s32 $0x3  }
0x1ec: {  	[tilespmem:s20], [sflag:$0x2] =	stream.indirect_vreg.gather [hbm4b:s1+s3], $0x80, v3, vm0, $0xb8;
	[tilespmem:$0x18280] =	vst v63  }
0x1ed: {  	_ =	swait.ge [sflag:s19], $0x8000  }
0x1ee: {  	[sflag:s19] =	ssyncset.done $0x0  }
0x1ef: {  	s20 =	rddreg [dreg:$0xa];
	[sflag:s19] =	ssyncadd.s32 $0xFFFF8000  }
0x1f0: {  	[hbm4b:s20+s3] =	stream.linear.scatter [tilespmem:s11], [sflag:$0x6], $0x8000, $0x38;
	[tilespmem:$0x18280] =	vst v63  }
0x1f1: {  	_ =	swait.ge [sflag:s13], $0x8000  }
0x1f2: {  	[sflag:s13] =	ssyncset.done $0x0  }
0x1f3: {  	s2 =	rddreg [dreg:$0xb];
	[sflag:s13] =	ssyncadd.s32 $0xFFFF8000  }
0x1f4: {  	[hbm4b:s2+s3] =	stream.linear.scatter [tilespmem:s22], [sflag:$0x4], $0x8000, $0x38;
	[tilespmem:$0x18280] =	vst v63  }
0x1f5: {  	_ =	swait.ge [sflag:s15], $0x8000  }
0x1f6: {  	[sflag:s15] =	ssyncset.done $0x0  }
0x1f7: {  	s20 =	simm.s32 $0x6;
	s11 =	rddreg [dreg:$0xc];
	[sflag:s15] =	ssyncadd.s32 $0xFFFF8000  }
0x1f8: {  	[hbm4b:s11+s3] =	stream.linear.scatter [tilespmem:s0], [sflag:$0x5], $0x8000, $0x38;
	[tilespmem:$0x18280] =	vst v63  }
0x1f9: {  	_ =	swait.ge [sflag:s20], $0x8000  }
0x1fa: {  	[sflag:s20] =	ssyncset.done $0x0  }
0x1fb: {  	[sflag:s20] =	ssyncadd.s32 $0xFFFF8000  }
0x1fc: {  	p0 =	sne.s32 s4, $0x1;
	_ =	swait.ge [sflag:s14], $0x8000  }
.Ltmp0:
0x1fd: {  	[sflag:s14] =	ssyncset.done $0x0;
	(pc) =	sbr.rel @p0 .LBB2_1-.Ltmp0, $4  }
0x1fe: {  	[sflag:s14] =	ssyncadd.s32 $0xFFFF8000  }
0x1ff: {  	_ =	swait.ge [sflag:s16], $0x8000  }
0x200: {  	[sflag:s16] =	ssyncset.done $0x0  }
0x201: {  	s4 =	sadd.s32 $0xFFFFFFFF, s4;
	[sflag:s16] =	ssyncadd.s32 $0xFFFF8000  }
0x202: {  	_ =	sfence.sel $0x180000  }
0x203: {  	[bflag:$0x0] =	sbarrier.arrive $0xFFFF  }
0x204: {  	_ =	strace $0x90000047  }
0x205: {  	s0 =	stileid.u32;
	[bflag:$0x2] =	sbarrier.arrive $0xFFFF  }
0x206: {  	p0 =	sne.s32 s0, $0x0;
	s0 =	rddreg [dreg:$0x2]  }
0x207: {  	s0 =	sadd.s32 @!p0 $0x100000, s0  }
0x208: {  	[sflag:s0] =	ssyncadd.tile.s32 @!p0 $0x1;
	_ =	shalt  }
.Lfunc_end2:
_tile_overlayer_lowered:
.L_overlay_start_2:
0x209: {  	(tag) =	ssettag $0x2  }
0x20a: {  	s0 =	rddreg [dreg:$0x0];
	s2 =	stileid.u32  }
0x20b: {  	s1 =	rddreg [dreg:$0x1];
	p0 =	sne.s32 s2, $0x0  }
0x20c: {  	s3 =	rddreg [dreg:$0x2];
	[bflag:$0x3] =	sbarrier.arrive $0xFFFF;
	s2 =	simm.s32 @!p0 $0x1C07  }
0x20d: {  	[timem:s3], [sflag:s2] =	dma.local @!p0 [hbm:s0], s1  }
0x20e: {  	s0 =	simm.s32 @!p0 $0x7  }
0x20f: {  	_ =	swait.ge @!p0 [sflag:s0], s1  }
0x210: {  	s1 =	ssub.s32 @!p0 $0x0, s1;
	[sflag:s0] =	ssyncset.done @!p0 $0x0  }
0x211: {  	[sflag:s0] =	ssyncadd.s32 @!p0 s1  }
0x212: {  	[bflag:$0x3] =	sbarrier.arrive $0xFFFF  }
0x213: {  	_ =	shalt  }

// kernel: kernel.24.cloned.1.call-start
scs
__scs_entry_jumppad:
0x0: {  	(pc) =	sbr.rel $0x88, $3  }
0x1: {  	(tag) =	ssettag $0x0;
	lr =	simm.s32 $0x1  }
0x2: {  	[smem:$0x3F9A] =	sst lr;
	_ =	strace $0xD0000000  }
0x3: {  	_ = 	snop  }
0x4: {  	_ = 	snop  }
0x5: {  	_ = 	snop  }
0x6: {  	_ = 	snop  }
0x7: {  	_ = 	snop  }
__scs_overlays_trampoline_lowered:
0x8: {  	[smem:$0x3FA9] =	sst s0  }
0x9: {  	[smem:$0x3FAA] =	sst s1  }
0xa: {  	[smem:$0x3FAB] =	sst s2  }
0xb: {  	[smem:$0x3FAC] =	sst s3  }
0xc: {  	[smem:$0x3FAD] =	sst s4  }
0xd: {  	[smem:$0x3FAE] =	sst s5  }
0xe: {  	[smem:$0x3FAF] =	sst s6  }
0xf: {  	[smem:$0x3FB0] =	sst s7  }
0x10: {  	[smem:$0x3FB1] =	sst s8  }
0x11: {  	[smem:$0x3FB2] =	sst s9;
	s0 =	simm.s32 @!p0 $0x0  }
0x12: {  	s1 =	sld [smem:$0x3F98];
	s0 =	simm.s32 @p0 $0x1  }
0x13: {  	[smem:$0x3FB3] =	sst s0;
	s0 =	simm.s32 @!p1 $0x0  }
0x14: {  	s2 =	sld [smem:$0x3F97];
	s0 =	simm.s32 @p1 $0x1  }
0x15: {  	[smem:$0x3FB4] =	sst s0;
	s0 =	simm.s32 @!p2 $0x0  }
0x16: {  	s3 =	sld [smem:$0x3FDB];
	s0 =	simm.s32 @p2 $0x1  }
0x17: {  	s4 =	simm.s32 $0x1BF5;
	[smem:$0x3FB6] =	sst s0  }
0x18: {  	s0 =	sld [smem:$0x3F99];
	_ =	swait.ge [sflag:s4], $0x0  }
0x19: {  	s7 =	sld [smem:$0x3F9A]  }
0x1a: {  	s8 =	sadd.s32 $0xFFFFE003, lr  }
0x1b: {  	s9 =	sadd.s32 $0xFFFFFEF7, lr;
	s5 =	simm.s32 $0xFFFFFFFF;
	p2 =	slt.u32 s8, $0xFFFFF086  }
0x1c: {  	p1 =	slt.u32 s9, $0xF7A;
	s5 =	simm.s32 @!p2 $0x0  }
0x1d: {  	s5 =	simm.s32 @p1 $0x1;
	p0 =	seq.s32 s7, s2  }
0x1e: {  	s7 =	smul.u32 @!p0 $0xF7A, s2;
	p2 =	seq.s32 @!p0 s5, $0x0  }
0x1f: {  	s9 =	smul.u32 $0xF7A, s1;
	s8 =	simm.s32 @!p0 $0x1BF5;
	p2 =	por !p2, p0  }
0x20: {  	[sflag:s8] =	ssyncset.s32 @!p0 $0xFFFFF086;
	s6 =	sadd.s32 @!p0 s3, s7;
	s7 =	simm.s32 @!p0 $0x108  }
0x21: {  	s3 =	sadd.s32 s3, s9;
	s6 =	sadd.s32 @!p0 $0x88, s6;
	s7 =	simm.s32 @p2 $0x1082  }
0x22: {  	[simem:s7], [sflag:s8] =	dma.local @!p0 [hbm:s6], $0xF7A  }
0x23: {  	s9 =	sor.u32 $0xD0000000, s2;
	s6 =	simm.s32 $0x108;
	_ =	swait.ge @!p0 [sflag:s8], $0x0  }
0x24: {  	s3 =	sadd.s32 $0x88, s3;
	s6 =	simm.s32 @!p1 $0x1082;
	[sflag:s4] =	ssyncset.s32 $0xFFFFF086  }
0x25: {  	[simem:s6], [sflag:s4] =	dma.local [hbm:s3], $0xF7A  }
0x26: {  	[smem:$0x3F9A] =	sst s1;
	(tag) =	ssettag s2;
	_ =	strace s9  }
0x27: {  	s1 =	sld [smem:$0x3FAA]  }
0x28: {  	s2 =	sld [smem:$0x3FAB]  }
0x29: {  	s4 =	sld [smem:$0x3FAD]  }
0x2a: {  	p0 =	seq.s32 s5, $0x0;
	s5 =	sld [smem:$0x3FAE]  }
0x2b: {  	s6 =	sld [smem:$0x3FAF]  }
0x2c: {  	s7 =	sld [smem:$0x3FB0]  }
0x2d: {  	s3 =	simm.s32 $0x108;
	s8 =	sld [smem:$0x3FB1]  }
0x2e: {  	s3 =	simm.s32 @!p0 $0x1082;
	s9 =	sld [smem:$0x3FB2]  }
0x2f: {  	lr =	sadd.s32 s0, s3;
	s0 =	sld [smem:$0x3FA9]  }
0x30: {  	s3 =	sld [smem:$0x3FAC]  }
0x31: {  	[smem:$0x3FB5] =	sst s10  }
0x32: {  	s10 =	sld [smem:$0x3FB3];
	_ =	sdelay $0x3  }
0x33: {  	p0 =	seq.s32 s10, $0x1;
	s10 =	sld [smem:$0x3FB5];
	_ =	sdelay $0x3  }
0x34: {  	[smem:$0x3FB5] =	sst s10  }
0x35: {  	s10 =	sld [smem:$0x3FB4];
	_ =	sdelay $0x3  }
0x36: {  	p1 =	seq.s32 s10, $0x1;
	s10 =	sld [smem:$0x3FB5];
	_ =	sdelay $0x3  }
0x37: {  	[smem:$0x3FB5] =	sst s10  }
0x38: {  	s10 =	sld [smem:$0x3FB6]  }
0x39: {  	_ = 	snop;
	(pc) =	sbr.ind lr, $3  }
0x3a: {  	_ = 	snop  }
0x3b: {  	_ = 	snop  }
0x3c: {  	p2 =	seq.s32 s10, $0x1;
	s10 =	sld [smem:$0x3FB5]  }
0x3d: {  	_ =	shalt  }
0x3e: {  	_ =	shalt  }
0x3f: {  	_ =	shalt  }
0x40: {  	_ =	shalt  }
0x41: {  	_ =	shalt  }
0x42: {  	_ =	shalt  }
0x43: {  	_ =	shalt  }
0x44: {  	_ =	shalt  }
0x45: {  	_ =	shalt  }
0x46: {  	_ =	shalt  }
0x47: {  	_ =	shalt  }
0x48: {  	_ =	shalt  }
0x49: {  	_ =	shalt  }
0x4a: {  	_ =	shalt  }
0x4b: {  	_ =	shalt  }
0x4c: {  	_ =	shalt  }
0x4d: {  	_ =	shalt  }
0x4e: {  	_ =	shalt  }
0x4f: {  	_ =	shalt  }
0x50: {  	_ =	shalt  }
0x51: {  	_ =	shalt  }
0x52: {  	_ =	shalt  }
0x53: {  	_ =	shalt  }
0x54: {  	_ =	shalt  }
0x55: {  	_ =	shalt  }
0x56: {  	_ =	shalt  }
0x57: {  	_ =	shalt  }
0x58: {  	_ =	shalt  }
0x59: {  	_ =	shalt  }
0x5a: {  	_ =	shalt  }
0x5b: {  	_ =	shalt  }
0x5c: {  	_ =	shalt  }
0x5d: {  	_ =	shalt  }
0x5e: {  	_ =	shalt  }
0x5f: {  	_ =	shalt  }
0x60: {  	_ =	shalt  }
0x61: {  	_ =	shalt  }
0x62: {  	_ =	shalt  }
0x63: {  	_ =	shalt  }
0x64: {  	_ =	shalt  }
0x65: {  	_ =	shalt  }
0x66: {  	_ =	shalt  }
0x67: {  	_ =	shalt  }
0x68: {  	_ =	shalt  }
0x69: {  	_ =	shalt  }
0x6a: {  	_ =	shalt  }
0x6b: {  	_ =	shalt  }
0x6c: {  	_ =	shalt  }
0x6d: {  	_ =	shalt  }
0x6e: {  	_ =	shalt  }
0x6f: {  	_ =	shalt  }
0x70: {  	_ =	shalt  }
0x71: {  	_ =	shalt  }
0x72: {  	_ =	shalt  }
0x73: {  	_ =	shalt  }
0x74: {  	_ =	shalt  }
0x75: {  	_ =	shalt  }
0x76: {  	_ =	shalt  }
0x77: {  	_ =	shalt  }
0x78: {  	_ =	shalt  }
0x79: {  	_ =	shalt  }
0x7a: {  	_ =	shalt  }
0x7b: {  	_ =	shalt  }
0x7c: {  	_ =	shalt  }
0x7d: {  	_ =	shalt  }
0x7e: {  	_ =	shalt  }
0x7f: {  	_ =	shalt  }
0x80: {  	_ =	shalt  }
0x81: {  	_ =	shalt  }
0x82: {  	_ =	shalt  }
0x83: {  	_ =	shalt  }
0x84: {  	_ =	shalt  }
0x85: {  	_ =	shalt  }
0x86: {  	_ =	shalt  }
0x87: {  	_ =	shalt  }
.Lfunc_end0:
.L_simem_size_0:
called_computation.2_lowered:
.L_overlay_start_0:
0x88: {  	s2 =	sld [smem:$0x3FD9]  }
0x89: {  	s3 =	sld [smem:$0x3FFE];
	_ =	sdelay $0x1  }
0x8a: {  	s1 =	srdreg.scid  }
0x8b: {  	s0 =	sand.u32 $0x1, s1  }
0x8c: {  	s16 =	sshll.u32 s0, $0xA;
	s2 =	sadd.s32 s3, s2  }
0x8d: {  	s2 =	sadd.s32 s2, s16  }
0x8e: {  	[smem:$0x3FC1] =	sst s2  }
0x8f: {  	_ = 	snop  }
0x90: {  	(tm) =	ssettm $0x1  }
0x91: {  	s17 =	sld [smem:$0x3FFB];
	_ =	sdelay $0x3  }
0x92: {  	_ =	strace s17  }
0x93: {  	s2 =	sld [smem:$0x3FFC];
	_ =	sdelay $0x3  }
0x94: {  	_ =	strace s2  }
0x95: {  	s2 =	sld [smem:$0x3FFD];
	_ =	sdelay $0x3  }
0x96: {  	_ =	strace s2  }
0x97: {  	_ =	strace $0x8FFFFFFF  }
0x98: {  	s18 =	sld [smem:$0x3FDB];
	_ =	sdelay $0x1  }
0x99: {  	s19 =	simm.s32 $_scs_section_size  }
0x9a: {  	s4 =	simm.s32 $_size__tile_overlayer_lowered;
	s5 =	simm.s32 $_tile_overlayer_lowered  }
0x9b: {  	s22 =	simm.s32 $0x1BFF;
	s21 =	sshll.u32 s5, $0x1;
	s2 =	sadd.s32 s19, s18  }
0x9c: {  	s6 =	simm.s32 $0x0;
	s20 =	sshll.u32 s4, $0x1;
	s4 =	sadd.s32 s21, s2  }
0x9d: {  	[timem:s6], [sflag:s22] =	dma.local [hbm:s4], s20  }
0x9e: {  	_ =	swait.ge [sflag:s22], s20  }
0x9f: {  	s3 =	ssub.s32 $0x0, s20;
	[sflag:s22] =	ssyncset.done $0x0  }
0xa0: {  	[sflag:s22] =	ssyncadd.s32 s3;
	_ =	sdelay $0x1  }
0xa1: {  	s23 =	simm.s32 $0x1B8B  }
0xa2: {  	_ =	swait.ge [sflag:s23], $0x1  }
0xa3: {  	[sflag:s23] =	ssyncset.done $0x0  }
0xa4: {  	s25 =	simm.s32 $0x1B8E;
	s24 =	sld [smem:$0x3FFE];
	[sflag:s23] =	ssyncadd.s32 $0xFFFFFFFF  }
0xa5: {  	s26 =	simm.s32 $execute0_lowered;
	[smem:$0x3FD2] =	sst s25  }
0xa6: {  	s4 =	sshll.u32 s26, $0x1;
	_ =	strace $0x8000004C;
	[dreg:$0x1] =	wrdreg $0xFFFFFFFF  }
0xa7: {  	s28 =	simm.s32 $_size_execute0_lowered;
	s2 =	sadd.s32 s2, s4;
	[dreg:$0x0] =	wrdreg $0x0  }
0xa8: {  	s4 =	sshll.u32 s28, $0x1;
	[dreg:$0x2] =	wrdreg s2  }
0xa9: {  	[dreg:$0x3] =	wrdreg s4  }
0xaa: {  	[dreg:$0x4] =	wrdreg $0xC0  }
0xab: {  	_ =	task [dreg:s6], $0x5FFFF  }
0xac: {  	[dreg:$0x1] =	wrdreg $0xFFFFFFFF  }
0xad: {  	[dreg:$0x0] =	wrdreg $0x60  }
0xae: {  	[dreg:$0x2] =	wrdreg s24  }
0xaf: {  	[dreg:$0x3] =	wrdreg $0x9  }
0xb0: {  	_ =	task.clear_ibuf [dreg:s6], $0x4FFFF;
	_ =	strace $0x9000004C  }
0xb1: {  	s29 =	simm.s32 $0x9;
	_ =	strace $0x8000004E  }
0xb2: {  	_ =	swait.ge [sflag:s29], $0x1  }
0xb3: {  	[sflag:s29] =	ssyncadd.s32 $0xFFFFFFFF  }
0xb4: {  	_ =	strace $0x9000004E  }
0xb5: {  	_ =	sfence  }
0xb6: {  	s30 =	sld [smem:$0x0];
	_ =	sdelay $0x2  }
0xb7: {  	s31 =	sshll.u32 s1, $0xD;
	s1 =	sshrl.u32 s1, $0x2  }
0xb8: {  	s3 =	sand.u32 $0x4000, s31;
	s1 =	sadd.s32 s1, s30  }
0xb9: {  	s0 =	sor.u32 s3, s0;
	s1 =	sshll.u32 s1, $0x11  }
0xba: {  	s0 =	sor.u32 s1, s0  }
0xbb: {  	s0 =	sadd.s32 $0x8F2B, s0  }
0xbc: {  	[sflag:s0] =	ssyncadd.remote.s32 $0x1  }
0xbd: {  	_ =	sfence.sel $0xFFFF  }
0xbe: {  	[dreg:$0x0] =	wrdreg $0xFFFFFFFF;
	(pc) =	sbr.abs _section_cstart, $3  }
0xbf: {  	[dreg:$0x1] =	wrdreg $0xFFFFFFFF  }
0xc0: {  	_ =	task.clear_ibuf [dreg:s6], $0x2FFFF;
	_ =	strace $0x9FFFFFFF  }
0xc1: {  	(tm) =	ssettm $0x7FFFFFFF  }
tec
execute0_lowered:
.L_overlay_start_1:
0x0: {  	(tag) =	ssettag $0x1  }
0x1: {  	s0 =	rddreg [dreg:$0x0]  }
0x2: {  	s1 =	srdreg.scid;
	s2 =	simm.s32 $0x0;
	s3 =	stileid.u32  }
0x3: {  	s12 =	simm.s32 $0x10A80;
	s13 =	simm.s32 $0x11280;
	s14 =	simm.s32 $0x11A80  }
0x4: {  	s15 =	simm.s32 $0x12280;
	s28 =	simm.s32 $0x3280;
	s29 =	simm.s32 $0x3A80  }
0x5: {  	s30 =	simm.s32 $0x4280;
	s31 =	simm.s32 $0x4A80;
	[smem:$0x7FF] =	sst s2  }
0x6: {  	s1 =	sand.u32 $0x1, s1;
	_ =	strace $0x8000004D;
	[dreg:$0x10] =	wrdreg s12  }
0x7: {  	s3 =	sshll.u32 s3, $0x8;
	s4 =	sshll.u32 s1, $0x7;
	[dreg:$0x11] =	wrdreg s13  }
0x8: {  	s16 =	sadd.s32 $0x45E00, s0;
	[dreg:$0x12] =	wrdreg s14;
	s3 =	sor.u32 s4, s3  }
0x9: {  	s7 =	sadd.s32 $0x86800, s0;
	[dreg:$0x13] =	wrdreg s15;
	s5 =	sshrl.u32 s3, $0x3  }
0xa: {  	s6 =	sor.u32 $0x1000, s3;
	s18 =	sor.u32 $0x2000, s3;
	s9 =	sor.u32 $0x3000, s3  }
0xb: {  	s11 =	sor.u32 $0x4000, s3;
	s3 =	sshll.u32 s3, $0x5;
	s5 =	sadd.s32 s16, s5  }
0xc: {  	s8 =	sshrl.u32 s6, $0x3;
	s19 =	sshrl.u32 s18, $0x3;
	s21 =	sshrl.u32 s11, $0x3  }
0xd: {  	s3 =	sadd.s32 s7, s3;
	s22 =	sshll.u32 s6, $0x5;
	[dreg:$0x2] =	wrdreg s5  }
0xe: {  	s6 =	sshll.u32 s11, $0x5;
	s11 =	simm.s32 $0x200;
	[dreg:$0x7] =	wrdreg s3  }
0xf: {  	s24 =	sshll.u32 s18, $0x5;
	s18 =	simm.s32 $0x13A80;
	[dreg:$0xf] =	wrdreg s11  }
0x10: {  	s1 =	ssub.s32 $0x2, s1;
	s17 =	sadd.s32 s16, s8;
	[dreg:$0x16] =	wrdreg s18  }
0x11: {  	s10 =	sshrl.u32 s9, $0x3;
	s5 =	sadd.s32 s16, s19;
	[dreg:$0x3] =	wrdreg s17  }
0x12: {  	s13 =	simm.s32 $0x1;
	s20 =	sadd.s32 s16, s10;
	[dreg:$0x4] =	wrdreg s5  }
0x13: {  	s14 =	simm.s32 $0x4;
	s4 =	sadd.s32 s16, s21;
	[dreg:$0x5] =	wrdreg s20  }
0x14: {  	s15 =	simm.s32 $0x2;
	s23 =	sadd.s32 s7, s22;
	[dreg:$0x6] =	wrdreg s4  }
0x15: {  	s12 =	simm.s32 $0x9280;
	s25 =	sadd.s32 s7, s24;
	[dreg:$0x8] =	wrdreg s23  }
0x16: {  	s26 =	sshll.u32 s9, $0x5;
	s8 =	simm.s32 $0x100;
	[dreg:$0x9] =	wrdreg s25  }
0x17: {  	s9 =	sshrl.u32 s1, $0x1;
	s10 =	simm.s32 $0x180;
	[dreg:$0xd] =	wrdreg s8  }
0x18: {  	s3 =	sadd.s32 $0x5E00, s0;
	s16 =	simm.s32 $0x12A80;
	[dreg:$0xe] =	wrdreg s10  }
0x19: {  	s1 =	ssub.s32 s1, s9;
	s19 =	simm.s32 $0x14280;
	[dreg:$0x14] =	wrdreg s16  }
0x1a: {  	s21 =	simm.s32 $0x15280;
	s22 =	simm.s32 $0x15A80;
	[dreg:$0x17] =	wrdreg s19  }
0x1b: {  	s24 =	simm.s32 $0x16A80;
	s9 =	simm.s32 $0x7280;
	[dreg:$0x19] =	wrdreg s21  }
0x1c: {  	s18 =	simm.s32 $0xA280;
	s5 =	sadd.s32 s7, s26;
	[dreg:$0x1a] =	wrdreg s22  }
0x1d: {  	s4 =	sadd.s32 s7, s6;
	s7 =	simm.s32 $0x80;
	[dreg:$0x1c] =	wrdreg s24  }
0x1e: {  	s17 =	simm.s32 $0x13280;
	s20 =	simm.s32 $0x14A80;
	[dreg:$0xa] =	wrdreg s5  }
0x1f: {  	s23 =	simm.s32 $0x16280;
	s25 =	simm.s32 $0x17280;
	[dreg:$0xb] =	wrdreg s4  }
0x20: {  	s26 =	simm.s32 $0x17A80;
	s16 =	simm.s32 $0x5;
	[dreg:$0xc] =	wrdreg s7  }
0x21: {  	s22 =	simm.s32 $0x280;
	s21 =	simm.s32 $0xA80;
	[dreg:$0x15] =	wrdreg s17  }
0x22: {  	s24 =	simm.s32 $0x1A80;
	s6 =	simm.s32 $0x5280;
	[dreg:$0x18] =	wrdreg s20  }
0x23: {  	s8 =	simm.s32 $0x6A80;
	s10 =	simm.s32 $0x7A80;
	[dreg:$0x1b] =	wrdreg s23  }
0x24: {  	v2 =	vlaneseq.u32;
	s4 =	smax.u32 s1, $0x1;
	s5 =	simm.s32 $0x7;
	[dreg:$0x1d] =	wrdreg s25  }
0x25: {  	vm0 =	vmmov $0xffff;
	v1 =	vshrl.u32 v2, $0x3;
	[dreg:$0x1e] =	wrdreg s26;
	s23 =	simm.s32 $0x1280;
	s25 =	simm.s32 $0x2280  }
0x26: {  	v0 =	vand.u32 $0x7, v2;
	v2 =	vor.u32 $0x8, v2;
	v1 =	vmul.u32 $0x8, v1;
	s26 =	simm.s32 $0x2A80;
	s7 =	simm.s32 $0x6280;
	s17 =	simm.s32 $0x9A80  }
.LBB2_1:
0x27: {  	s19 =	rddreg [dreg:$0x2]  }
0x28: {  	[tilespmem:s2], [sflag:$0x7] =	stream.linear.gather [hbm4b:s19+s2], $0x80, $0x38;
	[tilespmem:$0x18280] =	vst v63  }
0x29: {  	_ =	swait.ge [sflag:s5], $0x80  }
0x2a: {  	s0 =	rddreg [dreg:$0x3];
	[sflag:s5] =	ssyncset.done $0x0  }
0x2b: {  	s20 =	rddreg [dreg:$0xc];
	[sflag:s5] =	ssyncadd.s32 $0xFFFFFF80  }
0x2c: {  	[tilespmem:s20], [sflag:$0x7] =	stream.linear.gather [hbm4b:s0+s2], $0x80, $0x38;
	[tilespmem:$0x18280] =	vst v63  }
0x2d: {  	_ =	swait.ge [sflag:s5], $0x80  }
0x2e: {  	s1 =	rddreg [dreg:$0x4];
	[sflag:s5] =	ssyncset.done $0x0  }
0x2f: {  	s11 =	rddreg [dreg:$0xd];
	[sflag:s5] =	ssyncadd.s32 $0xFFFFFF80  }
0x30: {  	[tilespmem:s11], [sflag:$0x7] =	stream.linear.gather [hbm4b:s1+s2], $0x80, $0x38;
	[tilespmem:$0x18280] =	vst v63  }
0x31: {  	_ =	swait.ge [sflag:s5], $0x80  }
0x32: {  	s20 =	rddreg [dreg:$0x5];
	[sflag:s5] =	ssyncset.done $0x0  }
0x33: {  	s0 =	rddreg [dreg:$0xe];
	[sflag:s5] =	ssyncadd.s32 $0xFFFFFF80  }
0x34: {  	[tilespmem:s0], [sflag:$0x7] =	stream.linear.gather [hbm4b:s20+s2], $0x80, $0x38;
	[tilespmem:$0x18280] =	vst v63  }
0x35: {  	_ =	swait.ge [sflag:s5], $0x80  }
0x36: {  	s1 =	rddreg [dreg:$0x6];
	[sflag:s5] =	ssyncset.done $0x0  }
0x37: {  	s11 =	rddreg [dreg:$0xf];
	[sflag:s5] =	ssyncadd.s32 $0xFFFFFF80  }
0x38: {  	[tilespmem:s11], [sflag:$0x7] =	stream.linear.gather [hbm4b:s1+s2], $0x80, $0x38;
	[tilespmem:$0x18280] =	vst v63  }
0x39: {  	_ =	swait.ge [sflag:s5], $0x80  }
0x3a: {  	[sflag:s5] =	ssyncset.done $0x0  }
0x3b: {  	[sflag:s5] =	ssyncadd.s32 $0xFFFFFF80  }
0x3c: {  	v3 =	vld [tilespmem:$0x0];
	_ =	sdelay $0x4  }
0x3d: {  	v4 =	vshll.u32 v3, $0x1  }
0x3e: {  	v3 =	vand.u32 $0x7, v3;
	v4 =	vand.u32 $0xFFFFFFF0, v4  }
0x3f: {  	v3 =	vor.u32 v3, v4  }
0x40: {  	v4 =	vperm.xlane v3, v0;
	_ =	sdelay $0x1  }
0x41: {  	v3 =	vperm.xlane v3, v2;
	v4 =	vadd.s32 v1, v4;
	_ =	sdelay $0x1  }
0x42: {  	v3 =	vadd.s32 v1, v3;
	_ =	sdelay $0x2  }
0x43: {  	[tilespmem:s22], [sflag:$0x1] =	stream.indirect_vreg.gather [hbm4b:s3+s2], $0x80, v4, vm0, $0xb8;
	[tilespmem:$0x18280] =	vst v63  }
0x44: {  	_ = 	snop  }
0x45: {  	[tilespmem:s21], [sflag:$0x1] =	stream.indirect_vreg.gather [hbm4b:s3+s2], $0x80, v3, vm0, $0xb8;
	[tilespmem:$0x18280] =	vst v63  }
0x46: {  	v3 =	vld [tilespmem:$0x10];
	_ =	sdelay $0x4  }
0x47: {  	v25 =	vshll.u32 v3, $0x1  }
0x48: {  	v3 =	vand.u32 $0x7, v3;
	v4 =	vand.u32 $0xFFFFFFF0, v25  }
0x49: {  	v3 =	vor.u32 v3, v4  }
0x4a: {  	v4 =	vperm.xlane v3, v0;
	_ =	sdelay $0x1  }
0x4b: {  	v3 =	vperm.xlane v3, v2;
	v4 =	vadd.s32 v1, v4;
	_ =	sdelay $0x1  }
0x4c: {  	v3 =	vadd.s32 v1, v3;
	_ =	sdelay $0x2  }
0x4d: {  	[tilespmem:s23], [sflag:$0x1] =	stream.indirect_vreg.gather [hbm4b:s3+s2], $0x80, v4, vm0, $0xb8;
	[tilespmem:$0x18280] =	vst v63  }
0x4e: {  	_ = 	snop  }
0x4f: {  	[tilespmem:s24], [sflag:$0x1] =	stream.indirect_vreg.gather [hbm4b:s3+s2], $0x80, v3, vm0, $0xb8;
	[tilespmem:$0x18280] =	vst v63  }
0x50: {  	v3 =	vld [tilespmem:$0x20];
	_ =	sdelay $0x4  }
0x51: {  	v26 =	vshll.u32 v3, $0x1  }
0x52: {  	v3 =	vand.u32 $0x7, v3;
	v4 =	vand.u32 $0xFFFFFFF0, v26  }
0x53: {  	v3 =	vor.u32 v3, v4  }
0x54: {  	v4 =	vperm.xlane v3, v0;
	_ =	sdelay $0x1  }
0x55: {  	v3 =	vperm.xlane v3, v2;
	v4 =	vadd.s32 v1, v4;
	_ =	sdelay $0x1  }
0x56: {  	v3 =	vadd.s32 v1, v3;
	_ =	sdelay $0x2  }
0x57: {  	[tilespmem:s25], [sflag:$0x1] =	stream.indirect_vreg.gather [hbm4b:s3+s2], $0x80, v4, vm0, $0xb8;
	[tilespmem:$0x18280] =	vst v63  }
0x58: {  	_ = 	snop  }
0x59: {  	[tilespmem:s26], [sflag:$0x1] =	stream.indirect_vreg.gather [hbm4b:s3+s2], $0x80, v3, vm0, $0xb8;
	[tilespmem:$0x18280] =	vst v63  }
0x5a: {  	v3 =	vld [tilespmem:$0x30];
	_ =	sdelay $0x4  }
0x5b: {  	v27 =	vshll.u32 v3, $0x1  }
0x5c: {  	v3 =	vand.u32 $0x7, v3;
	v4 =	vand.u32 $0xFFFFFFF0, v27  }
0x5d: {  	v3 =	vor.u32 v3, v4  }
0x5e: {  	v4 =	vperm.xlane v3, v0;
	_ =	sdelay $0x1  }
0x5f: {  	v3 =	vperm.xlane v3, v2;
	v4 =	vadd.s32 v1, v4;
	_ =	sdelay $0x1  }
0x60: {  	v3 =	vadd.s32 v1, v3;
	_ =	sdelay $0x2  }
0x61: {  	[tilespmem:s28], [sflag:$0x1] =	stream.indirect_vreg.gather [hbm4b:s3+s2], $0x80, v4, vm0, $0xb8;
	[tilespmem:$0x18280] =	vst v63  }
0x62: {  	_ = 	snop  }
0x63: {  	[tilespmem:s29], [sflag:$0x1] =	stream.indirect_vreg.gather [hbm4b:s3+s2], $0x80, v3, vm0, $0xb8;
	[tilespmem:$0x18280] =	vst v63  }
0x64: {  	v3 =	vld [tilespmem:$0x40];
	_ =	sdelay $0x4  }
0x65: {  	v28 =	vshll.u32 v3, $0x1  }
0x66: {  	v3 =	vand.u32 $0x7, v3;
	v4 =	vand.u32 $0xFFFFFFF0, v28  }
0x67: {  	v3 =	vor.u32 v3, v4  }
0x68: {  	v4 =	vperm.xlane v3, v0;
	_ =	sdelay $0x1  }
0x69: {  	v3 =	vperm.xlane v3, v2;
	v4 =	vadd.s32 v1, v4;
	_ =	sdelay $0x1  }
0x6a: {  	v3 =	vadd.s32 v1, v3;
	_ =	sdelay $0x2  }
0x6b: {  	[tilespmem:s30], [sflag:$0x1] =	stream.indirect_vreg.gather [hbm4b:s3+s2], $0x80, v4, vm0, $0xb8;
	[tilespmem:$0x18280] =	vst v63  }
0x6c: {  	_ = 	snop  }
0x6d: {  	[tilespmem:s31], [sflag:$0x1] =	stream.indirect_vreg.gather [hbm4b:s3+s2], $0x80, v3, vm0, $0xb8;
	[tilespmem:$0x18280] =	vst v63  }
0x6e: {  	v3 =	vld [tilespmem:$0x50];
	_ =	sdelay $0x4  }
0x6f: {  	v29 =	vshll.u32 v3, $0x1  }
0x70: {  	v3 =	vand.u32 $0x7, v3;
	v4 =	vand.u32 $0xFFFFFFF0, v29  }
0x71: {  	v3 =	vor.u32 v3, v4  }
0x72: {  	v4 =	vperm.xlane v3, v0;
	_ =	sdelay $0x1  }
0x73: {  	v3 =	vperm.xlane v3, v2;
	v4 =	vadd.s32 v1, v4;
	_ =	sdelay $0x1  }
0x74: {  	v3 =	vadd.s32 v1, v3;
	_ =	sdelay $0x2  }
0x75: {  	[tilespmem:s6], [sflag:$0x1] =	stream.indirect_vreg.gather [hbm4b:s3+s2], $0x80, v4, vm0, $0xb8;
	[tilespmem:$0x18280] =	vst v63  }
0x76: {  	s1 =	simm.s32 $0x5A80  }
0x77: {  	[tilespmem:s1], [sflag:$0x1] =	stream.indirect_vreg.gather [hbm4b:s3+s2], $0x80, v3, vm0, $0xb8;
	[tilespmem:$0x18280] =	vst v63  }
0x78: {  	v3 =	vld [tilespmem:$0x60];
	_ =	sdelay $0x4  }
0x79: {  	v30 =	vshll.u32 v3, $0x1  }
0x7a: {  	v3 =	vand.u32 $0x7, v3;
	v4 =	vand.u32 $0xFFFFFFF0, v30  }
0x7b: {  	v3 =	vor.u32 v3, v4  }
0x7c: {  	v4 =	vperm.xlane v3, v0;
	_ =	sdelay $0x1  }
0x7d: {  	v3 =	vperm.xlane v3, v2;
	v4 =	vadd.s32 v1, v4;
	_ =	sdelay $0x1  }
0x7e: {  	v3 =	vadd.s32 v1, v3;
	_ =	sdelay $0x2  }
0x7f: {  	[tilespmem:s7], [sflag:$0x1] =	stream.indirect_vreg.gather [hbm4b:s3+s2], $0x80, v4, vm0, $0xb8;
	[tilespmem:$0x18280] =	vst v63  }
0x80: {  	_ = 	snop  }
0x81: {  	[tilespmem:s8], [sflag:$0x1] =	stream.indirect_vreg.gather [hbm4b:s3+s2], $0x80, v3, vm0, $0xb8;
	[tilespmem:$0x18280] =	vst v63  }
0x82: {  	v3 =	vld [tilespmem:$0x70];
	_ =	sdelay $0x4  }
0x83: {  	v31 =	vshll.u32 v3, $0x1  }
0x84: {  	v3 =	vand.u32 $0x7, v3;
	v4 =	vand.u32 $0xFFFFFFF0, v31  }
0x85: {  	v3 =	vor.u32 v3, v4  }
0x86: {  	v4 =	vperm.xlane v3, v0;
	_ =	sdelay $0x1  }
0x87: {  	v3 =	vperm.xlane v3, v2;
	v4 =	vadd.s32 v1, v4;
	_ =	sdelay $0x1  }
0x88: {  	v3 =	vadd.s32 v1, v3;
	_ =	sdelay $0x2  }
0x89: {  	[tilespmem:s9], [sflag:$0x1] =	stream.indirect_vreg.gather [hbm4b:s3+s2], $0x80, v4, vm0, $0xb8;
	[tilespmem:$0x18280] =	vst v63  }
0x8a: {  	_ = 	snop  }
0x8b: {  	[tilespmem:s10], [sflag:$0x1] =	stream.indirect_vreg.gather [hbm4b:s3+s2], $0x80, v3, vm0, $0xb8;
	[tilespmem:$0x18280] =	vst v63  }
0x8c: {  	v3 =	vld [tilespmem:$0x80];
	_ =	sdelay $0x4  }
0x8d: {  	v32 =	vshll.u32 v3, $0x1  }
0x8e: {  	v3 =	vand.u32 $0x7, v3;
	v4 =	vand.u32 $0xFFFFFFF0, v32  }
0x8f: {  	v3 =	vor.u32 v3, v4  }
0x90: {  	v4 =	vperm.xlane v3, v0;
	_ =	sdelay $0x1  }
0x91: {  	v3 =	vperm.xlane v3, v2;
	v4 =	vadd.s32 v1, v4;
	_ =	sdelay $0x1  }
0x92: {  	v3 =	vadd.s32 v1, v3;
	_ =	sdelay $0x1  }
0x93: {  	s0 =	simm.s32 $0x8280  }
0x94: {  	[tilespmem:s0], [sflag:$0x2] =	stream.indirect_vreg.gather [hbm4b:s3+s2], $0x80, v4, vm0, $0xb8;
	[tilespmem:$0x18280] =	vst v63  }
0x95: {  	s11 =	simm.s32 $0x8A80  }
0x96: {  	[tilespmem:s11], [sflag:$0x2] =	stream.indirect_vreg.gather [hbm4b:s3+s2], $0x80, v3, vm0, $0xb8;
	[tilespmem:$0x18280] =	vst v63  }
0x97: {  	v3 =	vld [tilespmem:$0x90];
	_ =	sdelay $0x4  }
0x98: {  	v33 =	vshll.u32 v3, $0x1  }
0x99: {  	v3 =	vand.u32 $0x7, v3;
	v4 =	vand.u32 $0xFFFFFFF0, v33  }
0x9a: {  	v3 =	vor.u32 v3, v4  }
0x9b: {  	v4 =	vperm.xlane v3, v0;
	_ =	sdelay $0x1  }
0x9c: {  	v3 =	vperm.xlane v3, v2;
	v4 =	vadd.s32 v1, v4;
	_ =	sdelay $0x1  }
0x9d: {  	v3 =	vadd.s32 v1, v3;
	_ =	sdelay $0x2  }
0x9e: {  	[tilespmem:s12], [sflag:$0x2] =	stream.indirect_vreg.gather [hbm4b:s3+s2], $0x80, v4, vm0, $0xb8;
	[tilespmem:$0x18280] =	vst v63  }
0x9f: {  	_ = 	snop  }
0xa0: {  	[tilespmem:s17], [sflag:$0x2] =	stream.indirect_vreg.gather [hbm4b:s3+s2], $0x80, v3, vm0, $0xb8;
	[tilespmem:$0x18280] =	vst v63  }
0xa1: {  	v3 =	vld [tilespmem:$0xA0];
	_ =	sdelay $0x4  }
0xa2: {  	v34 =	vshll.u32 v3, $0x1  }
0xa3: {  	v3 =	vand.u32 $0x7, v3;
	v4 =	vand.u32 $0xFFFFFFF0, v34  }
0xa4: {  	v3 =	vor.u32 v3, v4  }
0xa5: {  	v4 =	vperm.xlane v3, v0;
	_ =	sdelay $0x1  }
0xa6: {  	v3 =	vperm.xlane v3, v2;
	v4 =	vadd.s32 v1, v4;
	_ =	sdelay $0x1  }
0xa7: {  	v3 =	vadd.s32 v1, v3;
	_ =	sdelay $0x2  }
0xa8: {  	[tilespmem:s18], [sflag:$0x2] =	stream.indirect_vreg.gather [hbm4b:s3+s2], $0x80, v4, vm0, $0xb8;
	[tilespmem:$0x18280] =	vst v63  }
0xa9: {  	s19 =	simm.s32 $0xAA80  }
0xaa: {  	[tilespmem:s19], [sflag:$0x2] =	stream.indirect_vreg.gather [hbm4b:s3+s2], $0x80, v3, vm0, $0xb8;
	[tilespmem:$0x18280] =	vst v63  }
0xab: {  	v3 =	vld [tilespmem:$0xB0];
	_ =	sdelay $0x4  }
0xac: {  	v35 =	vshll.u32 v3, $0x1  }
0xad: {  	v3 =	vand.u32 $0x7, v3;
	v4 =	vand.u32 $0xFFFFFFF0, v35  }
0xae: {  	v3 =	vor.u32 v3, v4  }
0xaf: {  	v4 =	vperm.xlane v3, v0;
	_ =	sdelay $0x1  }
0xb0: {  	v3 =	vperm.xlane v3, v2;
	v4 =	vadd.s32 v1, v4;
	_ =	sdelay $0x1  }
0xb1: {  	v3 =	vadd.s32 v1, v3;
	_ =	sdelay $0x1  }
0xb2: {  	s20 =	simm.s32 $0xB280  }
0xb3: {  	[tilespmem:s20], [sflag:$0x2] =	stream.indirect_vreg.gather [hbm4b:s3+s2], $0x80, v4, vm0, $0xb8;
	[tilespmem:$0x18280] =	vst v63  }
0xb4: {  	s19 =	simm.s32 $0xBA80  }
0xb5: {  	[tilespmem:s19], [sflag:$0x2] =	stream.indirect_vreg.gather [hbm4b:s3+s2], $0x80, v3, vm0, $0xb8;
	[tilespmem:$0x18280] =	vst v63  }
0xb6: {  	v3 =	vld [tilespmem:$0xC0];
	_ =	sdelay $0x4  }
0xb7: {  	v36 =	vshll.u32 v3, $0x1  }
0xb8: {  	v3 =	vand.u32 $0x7, v3;
	v4 =	vand.u32 $0xFFFFFFF0, v36  }
0xb9: {  	v3 =	vor.u32 v3, v4  }
0xba: {  	v4 =	vperm.xlane v3, v0;
	_ =	sdelay $0x1  }
0xbb: {  	v3 =	vperm.xlane v3, v2;
	v4 =	vadd.s32 v1, v4;
	_ =	sdelay $0x1  }
0xbc: {  	v3 =	vadd.s32 v1, v3;
	_ =	sdelay $0x1  }
0xbd: {  	s20 =	simm.s32 $0xC280  }
0xbe: {  	[tilespmem:s20], [sflag:$0x2] =	stream.indirect_vreg.gather [hbm4b:s3+s2], $0x80, v4, vm0, $0xb8;
	[tilespmem:$0x18280] =	vst v63  }
0xbf: {  	s19 =	simm.s32 $0xCA80  }
0xc0: {  	[tilespmem:s19], [sflag:$0x2] =	stream.indirect_vreg.gather [hbm4b:s3+s2], $0x80, v3, vm0, $0xb8;
	[tilespmem:$0x18280] =	vst v63  }
0xc1: {  	v3 =	vld [tilespmem:$0xD0];
	_ =	sdelay $0x4  }
0xc2: {  	v37 =	vshll.u32 v3, $0x1  }
0xc3: {  	v3 =	vand.u32 $0x7, v3;
	v4 =	vand.u32 $0xFFFFFFF0, v37  }
0xc4: {  	v3 =	vor.u32 v3, v4  }
0xc5: {  	v4 =	vperm.xlane v3, v0;
	_ =	sdelay $0x1  }
0xc6: {  	v3 =	vperm.xlane v3, v2;
	v4 =	vadd.s32 v1, v4;
	_ =	sdelay $0x1  }
0xc7: {  	v3 =	vadd.s32 v1, v3;
	_ =	sdelay $0x1  }
0xc8: {  	s20 =	simm.s32 $0xD280  }
0xc9: {  	[tilespmem:s20], [sflag:$0x2] =	stream.indirect_vreg.gather [hbm4b:s3+s2], $0x80, v4, vm0, $0xb8;
	[tilespmem:$0x18280] =	vst v63  }
0xca: {  	s19 =	simm.s32 $0xDA80  }
0xcb: {  	[tilespmem:s19], [sflag:$0x2] =	stream.indirect_vreg.gather [hbm4b:s3+s2], $0x80, v3, vm0, $0xb8;
	[tilespmem:$0x18280] =	vst v63  }
0xcc: {  	v3 =	vld [tilespmem:$0xE0];
	_ =	sdelay $0x4  }
0xcd: {  	v38 =	vshll.u32 v3, $0x1  }
0xce: {  	v3 =	vand.u32 $0x7, v3;
	v4 =	vand.u32 $0xFFFFFFF0, v38  }
0xcf: {  	v3 =	vor.u32 v3, v4  }
0xd0: {  	v4 =	vperm.xlane v3, v0;
	_ =	sdelay $0x1  }
0xd1: {  	v3 =	vperm.xlane v3, v2;
	v4 =	vadd.s32 v1, v4;
	_ =	sdelay $0x1  }
0xd2: {  	v3 =	vadd.s32 v1, v3;
	_ =	sdelay $0x1  }
0xd3: {  	s20 =	simm.s32 $0xE280  }
0xd4: {  	[tilespmem:s20], [sflag:$0x2] =	stream.indirect_vreg.gather [hbm4b:s3+s2], $0x80, v4, vm0, $0xb8;
	[tilespmem:$0x18280] =	vst v63  }
0xd5: {  	s19 =	simm.s32 $0xEA80  }
0xd6: {  	[tilespmem:s19], [sflag:$0x2] =	stream.indirect_vreg.gather [hbm4b:s3+s2], $0x80, v3, vm0, $0xb8;
	[tilespmem:$0x18280] =	vst v63  }
0xd7: {  	v3 =	vld [tilespmem:$0xF0];
	_ =	sdelay $0x4  }
0xd8: {  	v39 =	vshll.u32 v3, $0x1  }
0xd9: {  	v3 =	vand.u32 $0x7, v3;
	v4 =	vand.u32 $0xFFFFFFF0, v39  }
0xda: {  	v3 =	vor.u32 v3, v4  }
0xdb: {  	v4 =	vperm.xlane v3, v0;
	_ =	sdelay $0x1  }
0xdc: {  	v3 =	vperm.xlane v3, v2;
	v4 =	vadd.s32 v1, v4;
	_ =	sdelay $0x1  }
0xdd: {  	v3 =	vadd.s32 v1, v3;
	_ =	sdelay $0x1  }
0xde: {  	s20 =	simm.s32 $0xF280  }
0xdf: {  	[tilespmem:s20], [sflag:$0x2] =	stream.indirect_vreg.gather [hbm4b:s3+s2], $0x80, v4, vm0, $0xb8;
	[tilespmem:$0x18280] =	vst v63  }
0xe0: {  	s19 =	simm.s32 $0xFA80  }
0xe1: {  	[tilespmem:s19], [sflag:$0x2] =	stream.indirect_vreg.gather [hbm4b:s3+s2], $0x80, v3, vm0, $0xb8;
	[tilespmem:$0x18280] =	vst v63  }
0xe2: {  	v3 =	vld [tilespmem:$0x100];
	_ =	sdelay $0x4  }
0xe3: {  	v40 =	vshll.u32 v3, $0x1  }
0xe4: {  	v3 =	vand.u32 $0x7, v3;
	v4 =	vand.u32 $0xFFFFFFF0, v40  }
0xe5: {  	v3 =	vor.u32 v3, v4  }
0xe6: {  	v4 =	vperm.xlane v3, v0;
	_ =	sdelay $0x1  }
0xe7: {  	v3 =	vperm.xlane v3, v2;
	v4 =	vadd.s32 v1, v4;
	_ =	sdelay $0x1  }
0xe8: {  	v3 =	vadd.s32 v1, v3;
	_ =	sdelay $0x1  }
0xe9: {  	s11 =	simm.s32 $0x10280  }
0xea: {  	[tilespmem:s11], [sflag:$0x3] =	stream.indirect_vreg.gather [hbm4b:s3+s2], $0x80, v4, vm0, $0xb8;
	[tilespmem:$0x18280] =	vst v63  }
0xeb: {  	s20 =	rddreg [dreg:$0x10]  }
0xec: {  	[tilespmem:s20], [sflag:$0x3] =	stream.indirect_vreg.gather [hbm4b:s3+s2], $0x80, v3, vm0, $0xb8;
	[tilespmem:$0x18280] =	vst v63  }
0xed: {  	v3 =	vld [tilespmem:$0x110];
	_ =	sdelay $0x4  }
0xee: {  	v41 =	vshll.u32 v3, $0x1  }
0xef: {  	v3 =	vand.u32 $0x7, v3;
	v4 =	vand.u32 $0xFFFFFFF0, v41  }
0xf0: {  	v3 =	vor.u32 v3, v4  }
0xf1: {  	v4 =	vperm.xlane v3, v0;
	_ =	sdelay $0x1  }
0xf2: {  	v3 =	vperm.xlane v3, v2;
	v4 =	vadd.s32 v1, v4;
	_ =	sdelay $0x1  }
0xf3: {  	v3 =	vadd.s32 v1, v3;
	_ =	sdelay $0x1  }
0xf4: {  	s19 =	rddreg [dreg:$0x11]  }
0xf5: {  	[tilespmem:s19], [sflag:$0x3] =	stream.indirect_vreg.gather [hbm4b:s3+s2], $0x80, v4, vm0, $0xb8;
	[tilespmem:$0x18280] =	vst v63  }
0xf6: {  	s20 =	rddreg [dreg:$0x12]  }
0xf7: {  	[tilespmem:s20], [sflag:$0x3] =	stream.indirect_vreg.gather [hbm4b:s3+s2], $0x80, v3, vm0, $0xb8;
	[tilespmem:$0x18280] =	vst v63  }
0xf8: {  	v3 =	vld [tilespmem:$0x120];
	_ =	sdelay $0x4  }
0xf9: {  	v42 =	vshll.u32 v3, $0x1  }
0xfa: {  	v3 =	vand.u32 $0x7, v3;
	v4 =	vand.u32 $0xFFFFFFF0, v42  }
0xfb: {  	v3 =	vor.u32 v3, v4  }
0xfc: {  	v4 =	vperm.xlane v3, v0;
	_ =	sdelay $0x1  }
0xfd: {  	v3 =	vperm.xlane v3, v2;
	v4 =	vadd.s32 v1, v4;
	_ =	sdelay $0x1  }
0xfe: {  	v3 =	vadd.s32 v1, v3;
	_ =	sdelay $0x1  }
0xff: {  	s19 =	rddreg [dreg:$0x13]  }
0x100: {  	[tilespmem:s19], [sflag:$0x3] =	stream.indirect_vreg.gather [hbm4b:s3+s2], $0x80, v4, vm0, $0xb8;
	[tilespmem:$0x18280] =	vst v63  }
0x101: {  	s20 =	rddreg [dreg:$0x14]  }
0x102: {  	[tilespmem:s20], [sflag:$0x3] =	stream.indirect_vreg.gather [hbm4b:s3+s2], $0x80, v3, vm0, $0xb8;
	[tilespmem:$0x18280] =	vst v63  }
0x103: {  	v3 =	vld [tilespmem:$0x130];
	_ =	sdelay $0x4  }
0x104: {  	v43 =	vshll.u32 v3, $0x1  }
0x105: {  	v3 =	vand.u32 $0x7, v3;
	v4 =	vand.u32 $0xFFFFFFF0, v43  }
0x106: {  	v3 =	vor.u32 v3, v4  }
0x107: {  	v4 =	vperm.xlane v3, v0;
	_ =	sdelay $0x1  }
0x108: {  	v3 =	vperm.xlane v3, v2;
	v4 =	vadd.s32 v1, v4;
	_ =	sdelay $0x1  }
0x109: {  	v3 =	vadd.s32 v1, v3;
	_ =	sdelay $0x1  }
0x10a: {  	s19 =	rddreg [dreg:$0x15]  }
0x10b: {  	[tilespmem:s19], [sflag:$0x3] =	stream.indirect_vreg.gather [hbm4b:s3+s2], $0x80, v4, vm0, $0xb8;
	[tilespmem:$0x18280] =	vst v63  }
0x10c: {  	s20 =	rddreg [dreg:$0x16]  }
0x10d: {  	[tilespmem:s20], [sflag:$0x3] =	stream.indirect_vreg.gather [hbm4b:s3+s2], $0x80, v3, vm0, $0xb8;
	[tilespmem:$0x18280] =	vst v63  }
0x10e: {  	v3 =	vld [tilespmem:$0x140];
	_ =	sdelay $0x4  }
0x10f: {  	v44 =	vshll.u32 v3, $0x1  }
0x110: {  	v3 =	vand.u32 $0x7, v3;
	v4 =	vand.u32 $0xFFFFFFF0, v44  }
0x111: {  	v3 =	vor.u32 v3, v4  }
0x112: {  	v4 =	vperm.xlane v3, v0;
	_ =	sdelay $0x1  }
0x113: {  	v3 =	vperm.xlane v3, v2;
	v4 =	vadd.s32 v1, v4;
	_ =	sdelay $0x1  }
0x114: {  	v3 =	vadd.s32 v1, v3;
	_ =	sdelay $0x1  }
0x115: {  	s19 =	rddreg [dreg:$0x17]  }
0x116: {  	[tilespmem:s19], [sflag:$0x3] =	stream.indirect_vreg.gather [hbm4b:s3+s2], $0x80, v4, vm0, $0xb8;
	[tilespmem:$0x18280] =	vst v63  }
0x117: {  	s20 =	rddreg [dreg:$0x18]  }
0x118: {  	[tilespmem:s20], [sflag:$0x3] =	stream.indirect_vreg.gather [hbm4b:s3+s2], $0x80, v3, vm0, $0xb8;
	[tilespmem:$0x18280] =	vst v63  }
0x119: {  	v3 =	vld [tilespmem:$0x150];
	_ =	sdelay $0x4  }
0x11a: {  	v45 =	vshll.u32 v3, $0x1  }
0x11b: {  	v3 =	vand.u32 $0x7, v3;
	v4 =	vand.u32 $0xFFFFFFF0, v45  }
0x11c: {  	v3 =	vor.u32 v3, v4  }
0x11d: {  	v4 =	vperm.xlane v3, v0;
	_ =	sdelay $0x1  }
0x11e: {  	v3 =	vperm.xlane v3, v2;
	v4 =	vadd.s32 v1, v4;
	_ =	sdelay $0x1  }
0x11f: {  	v3 =	vadd.s32 v1, v3;
	_ =	sdelay $0x1  }
0x120: {  	s19 =	rddreg [dreg:$0x19]  }
0x121: {  	[tilespmem:s19], [sflag:$0x3] =	stream.indirect_vreg.gather [hbm4b:s3+s2], $0x80, v4, vm0, $0xb8;
	[tilespmem:$0x18280] =	vst v63  }
0x122: {  	s20 =	rddreg [dreg:$0x1a]  }
0x123: {  	[tilespmem:s20], [sflag:$0x3] =	stream.indirect_vreg.gather [hbm4b:s3+s2], $0x80, v3, vm0, $0xb8;
	[tilespmem:$0x18280] =	vst v63  }
0x124: {  	v3 =	vld [tilespmem:$0x160];
	_ =	sdelay $0x4  }
0x125: {  	v46 =	vshll.u32 v3, $0x1  }
0x126: {  	v3 =	vand.u32 $0x7, v3;
	v4 =	vand.u32 $0xFFFFFFF0, v46  }
0x127: {  	v3 =	vor.u32 v3, v4  }
0x128: {  	v4 =	vperm.xlane v3, v0;
	_ =	sdelay $0x1  }
0x129: {  	v3 =	vperm.xlane v3, v2;
	v4 =	vadd.s32 v1, v4;
	_ =	sdelay $0x1  }
0x12a: {  	v3 =	vadd.s32 v1, v3;
	_ =	sdelay $0x1  }
0x12b: {  	s19 =	rddreg [dreg:$0x1b]  }
0x12c: {  	[tilespmem:s19], [sflag:$0x3] =	stream.indirect_vreg.gather [hbm4b:s3+s2], $0x80, v4, vm0, $0xb8;
	[tilespmem:$0x18280] =	vst v63  }
0x12d: {  	s20 =	rddreg [dreg:$0x1c]  }
0x12e: {  	[tilespmem:s20], [sflag:$0x3] =	stream.indirect_vreg.gather [hbm4b:s3+s2], $0x80, v3, vm0, $0xb8;
	[tilespmem:$0x18280] =	vst v63  }
0x12f: {  	v3 =	vld [tilespmem:$0x170];
	_ =	sdelay $0x4  }
0x130: {  	v47 =	vshll.u32 v3, $0x1  }
0x131: {  	v3 =	vand.u32 $0x7, v3;
	v4 =	vand.u32 $0xFFFFFFF0, v47  }
0x132: {  	v3 =	vor.u32 v3, v4  }
0x133: {  	v4 =	vperm.xlane v3, v0;
	_ =	sdelay $0x1  }
0x134: {  	v3 =	vperm.xlane v3, v2;
	v4 =	vadd.s32 v1, v4;
	_ =	sdelay $0x1  }
0x135: {  	v3 =	vadd.s32 v1, v3;
	_ =	sdelay $0x1  }
0x136: {  	s19 =	rddreg [dreg:$0x1d]  }
0x137: {  	[tilespmem:s19], [sflag:$0x3] =	stream.indirect_vreg.gather [hbm4b:s3+s2], $0x80, v4, vm0, $0xb8;
	[tilespmem:$0x18280] =	vst v63  }
0x138: {  	s20 =	rddreg [dreg:$0x1e]  }
0x139: {  	[tilespmem:s20], [sflag:$0x3] =	stream.indirect_vreg.gather [hbm4b:s3+s2], $0x80, v3, vm0, $0xb8;
	[tilespmem:$0x18280] =	vst v63  }
0x13a: {  	_ =	swait.ge [sflag:s13], $0x8000  }
0x13b: {  	[sflag:s13] =	ssyncset.done $0x0  }
0x13c: {  	s20 =	rddreg [dreg:$0x7];
	[sflag:s13] =	ssyncadd.s32 $0xFFFF8000  }
0x13d: {  	[hbm4b:s20+s2] =	stream.linear.scatter [tilespmem:s22], [sflag:$0x4], $0x8000, $0x38;
	[tilespmem:$0x18280] =	vst v63  }
0x13e: {  	_ =	swait.ge [sflag:s14], $0x8000  }
0x13f: {  	[sflag:s14] =	ssyncset.done $0x0  }
0x140: {  	[sflag:s14] =	ssyncadd.s32 $0xFFFF8000  }
0x141: {  	v3 =	vld [tilespmem:$0x180];
	_ =	sdelay $0x4  }
0x142: {  	v48 =	vshll.u32 v3, $0x1  }
0x143: {  	v3 =	vand.u32 $0x7, v3;
	v4 =	vand.u32 $0xFFFFFFF0, v48  }
0x144: {  	v3 =	vor.u32 v3, v4  }
0x145: {  	v4 =	vperm.xlane v3, v0;
	_ =	sdelay $0x1  }
0x146: {  	v3 =	vperm.xlane v3, v2;
	v4 =	vadd.s32 v1, v4;
	_ =	sdelay $0x1  }
0x147: {  	v3 =	vadd.s32 v1, v3;
	_ =	sdelay $0x2  }
0x148: {  	[tilespmem:s22], [sflag:$0x1] =	stream.indirect_vreg.gather [hbm4b:s3+s2], $0x80, v4, vm0, $0xb8;
	[tilespmem:$0x18280] =	vst v63  }
0x149: {  	_ = 	snop  }
0x14a: {  	[tilespmem:s21], [sflag:$0x1] =	stream.indirect_vreg.gather [hbm4b:s3+s2], $0x80, v3, vm0, $0xb8;
	[tilespmem:$0x18280] =	vst v63  }
0x14b: {  	v3 =	vld [tilespmem:$0x190];
	_ =	sdelay $0x4  }
0x14c: {  	v49 =	vshll.u32 v3, $0x1  }
0x14d: {  	v3 =	vand.u32 $0x7, v3;
	v4 =	vand.u32 $0xFFFFFFF0, v49  }
0x14e: {  	v3 =	vor.u32 v3, v4  }
0x14f: {  	v4 =	vperm.xlane v3, v0;
	_ =	sdelay $0x1  }
0x150: {  	v3 =	vperm.xlane v3, v2;
	v4 =	vadd.s32 v1, v4;
	_ =	sdelay $0x1  }
0x151: {  	v3 =	vadd.s32 v1, v3;
	_ =	sdelay $0x2  }
0x152: {  	[tilespmem:s23], [sflag:$0x1] =	stream.indirect_vreg.gather [hbm4b:s3+s2], $0x80, v4, vm0, $0xb8;
	[tilespmem:$0x18280] =	vst v63  }
0x153: {  	_ = 	snop  }
0x154: {  	[tilespmem:s24], [sflag:$0x1] =	stream.indirect_vreg.gather [hbm4b:s3+s2], $0x80, v3, vm0, $0xb8;
	[tilespmem:$0x18280] =	vst v63  }
0x155: {  	v3 =	vld [tilespmem:$0x1A0];
	_ =	sdelay $0x4  }
0x156: {  	v50 =	vshll.u32 v3, $0x1  }
0x157: {  	v3 =	vand.u32 $0x7, v3;
	v4 =	vand.u32 $0xFFFFFFF0, v50  }
0x158: {  	v3 =	vor.u32 v3, v4  }
0x159: {  	v4 =	vperm.xlane v3, v0;
	_ =	sdelay $0x1  }
0x15a: {  	v3 =	vperm.xlane v3, v2;
	v4 =	vadd.s32 v1, v4;
	_ =	sdelay $0x1  }
0x15b: {  	v3 =	vadd.s32 v1, v3;
	_ =	sdelay $0x2  }
0x15c: {  	[tilespmem:s25], [sflag:$0x1] =	stream.indirect_vreg.gather [hbm4b:s3+s2], $0x80, v4, vm0, $0xb8;
	[tilespmem:$0x18280] =	vst v63  }
0x15d: {  	_ = 	snop  }
0x15e: {  	[tilespmem:s26], [sflag:$0x1] =	stream.indirect_vreg.gather [hbm4b:s3+s2], $0x80, v3, vm0, $0xb8;
	[tilespmem:$0x18280] =	vst v63  }
0x15f: {  	v3 =	vld [tilespmem:$0x1B0];
	_ =	sdelay $0x4  }
0x160: {  	v51 =	vshll.u32 v3, $0x1  }
0x161: {  	v3 =	vand.u32 $0x7, v3;
	v4 =	vand.u32 $0xFFFFFFF0, v51  }
0x162: {  	v3 =	vor.u32 v3, v4  }
0x163: {  	v4 =	vperm.xlane v3, v0;
	_ =	sdelay $0x1  }
0x164: {  	v3 =	vperm.xlane v3, v2;
	v4 =	vadd.s32 v1, v4;
	_ =	sdelay $0x1  }
0x165: {  	v3 =	vadd.s32 v1, v3;
	_ =	sdelay $0x2  }
0x166: {  	[tilespmem:s28], [sflag:$0x1] =	stream.indirect_vreg.gather [hbm4b:s3+s2], $0x80, v4, vm0, $0xb8;
	[tilespmem:$0x18280] =	vst v63  }
0x167: {  	_ = 	snop  }
0x168: {  	[tilespmem:s29], [sflag:$0x1] =	stream.indirect_vreg.gather [hbm4b:s3+s2], $0x80, v3, vm0, $0xb8;
	[tilespmem:$0x18280] =	vst v63  }
0x169: {  	v3 =	vld [tilespmem:$0x1C0];
	_ =	sdelay $0x4  }
0x16a: {  	v52 =	vshll.u32 v3, $0x1  }
0x16b: {  	v3 =	vand.u32 $0x7, v3;
	v4 =	vand.u32 $0xFFFFFFF0, v52  }
0x16c: {  	v3 =	vor.u32 v3, v4  }
0x16d: {  	v4 =	vperm.xlane v3, v0;
	_ =	sdelay $0x1  }
0x16e: {  	v3 =	vperm.xlane v3, v2;
	v4 =	vadd.s32 v1, v4;
	_ =	sdelay $0x1  }
0x16f: {  	v3 =	vadd.s32 v1, v3;
	_ =	sdelay $0x2  }
0x170: {  	[tilespmem:s30], [sflag:$0x1] =	stream.indirect_vreg.gather [hbm4b:s3+s2], $0x80, v4, vm0, $0xb8;
	[tilespmem:$0x18280] =	vst v63  }
0x171: {  	_ = 	snop  }
0x172: {  	[tilespmem:s31], [sflag:$0x1] =	stream.indirect_vreg.gather [hbm4b:s3+s2], $0x80, v3, vm0, $0xb8;
	[tilespmem:$0x18280] =	vst v63  }
0x173: {  	v3 =	vld [tilespmem:$0x1D0];
	_ =	sdelay $0x4  }
0x174: {  	v53 =	vshll.u32 v3, $0x1  }
0x175: {  	v3 =	vand.u32 $0x7, v3;
	v4 =	vand.u32 $0xFFFFFFF0, v53  }
0x176: {  	v3 =	vor.u32 v3, v4  }
0x177: {  	v4 =	vperm.xlane v3, v0;
	_ =	sdelay $0x1  }
0x178: {  	v3 =	vperm.xlane v3, v2;
	v4 =	vadd.s32 v1, v4;
	_ =	sdelay $0x1  }
0x179: {  	v3 =	vadd.s32 v1, v3;
	_ =	sdelay $0x2  }
0x17a: {  	[tilespmem:s6], [sflag:$0x1] =	stream.indirect_vreg.gather [hbm4b:s3+s2], $0x80, v4, vm0, $0xb8;
	[tilespmem:$0x18280] =	vst v63  }
0x17b: {  	_ = 	snop  }
0x17c: {  	[tilespmem:s1], [sflag:$0x1] =	stream.indirect_vreg.gather [hbm4b:s3+s2], $0x80, v3, vm0, $0xb8;
	[tilespmem:$0x18280] =	vst v63  }
0x17d: {  	v3 =	vld [tilespmem:$0x1E0];
	_ =	sdelay $0x4  }
0x17e: {  	v54 =	vshll.u32 v3, $0x1  }
0x17f: {  	v3 =	vand.u32 $0x7, v3;
	v4 =	vand.u32 $0xFFFFFFF0, v54  }
0x180: {  	v3 =	vor.u32 v3, v4  }
0x181: {  	v4 =	vperm.xlane v3, v0;
	_ =	sdelay $0x1  }
0x182: {  	v3 =	vperm.xlane v3, v2;
	v4 =	vadd.s32 v1, v4;
	_ =	sdelay $0x1  }
0x183: {  	v3 =	vadd.s32 v1, v3;
	_ =	sdelay $0x2  }
0x184: {  	[tilespmem:s7], [sflag:$0x1] =	stream.indirect_vreg.gather [hbm4b:s3+s2], $0x80, v4, vm0, $0xb8;
	[tilespmem:$0x18280] =	vst v63  }
0x185: {  	_ = 	snop  }
0x186: {  	[tilespmem:s8], [sflag:$0x1] =	stream.indirect_vreg.gather [hbm4b:s3+s2], $0x80, v3, vm0, $0xb8;
	[tilespmem:$0x18280] =	vst v63  }
0x187: {  	v3 =	vld [tilespmem:$0x1F0];
	_ =	sdelay $0x4  }
0x188: {  	v55 =	vshll.u32 v3, $0x1  }
0x189: {  	v3 =	vand.u32 $0x7, v3;
	v4 =	vand.u32 $0xFFFFFFF0, v55  }
0x18a: {  	v3 =	vor.u32 v3, v4  }
0x18b: {  	v4 =	vperm.xlane v3, v0;
	_ =	sdelay $0x1  }
0x18c: {  	v3 =	vperm.xlane v3, v2;
	v4 =	vadd.s32 v1, v4;
	_ =	sdelay $0x1  }
0x18d: {  	v3 =	vadd.s32 v1, v3;
	_ =	sdelay $0x2  }
0x18e: {  	[tilespmem:s9], [sflag:$0x1] =	stream.indirect_vreg.gather [hbm4b:s3+s2], $0x80, v4, vm0, $0xb8;
	[tilespmem:$0x18280] =	vst v63  }
0x18f: {  	_ = 	snop  }
0x190: {  	[tilespmem:s10], [sflag:$0x1] =	stream.indirect_vreg.gather [hbm4b:s3+s2], $0x80, v3, vm0, $0xb8;
	[tilespmem:$0x18280] =	vst v63  }
0x191: {  	_ =	swait.ge [sflag:s15], $0x8000  }
0x192: {  	[sflag:s15] =	ssyncset.done $0x0  }
0x193: {  	s1 =	rddreg [dreg:$0x8];
	[sflag:s15] =	ssyncadd.s32 $0xFFFF8000  }
0x194: {  	[hbm4b:s1+s2] =	stream.linear.scatter [tilespmem:s0], [sflag:$0x5], $0x8000, $0x38;
	[tilespmem:$0x18280] =	vst v63  }
0x195: {  	_ =	swait.ge [sflag:s16], $0x8000  }
0x196: {  	[sflag:s16] =	ssyncset.done $0x0  }
0x197: {  	[sflag:s16] =	ssyncadd.s32 $0xFFFF8000  }
0x198: {  	v3 =	vld [tilespmem:$0x200];
	_ =	sdelay $0x4  }
0x199: {  	v56 =	vshll.u32 v3, $0x1  }
0x19a: {  	v3 =	vand.u32 $0x7, v3;
	v4 =	vand.u32 $0xFFFFFFF0, v56  }
0x19b: {  	v3 =	vor.u32 v3, v4  }
0x19c: {  	v4 =	vperm.xlane v3, v0;
	_ =	sdelay $0x1  }
0x19d: {  	v3 =	vperm.xlane v3, v2;
	v4 =	vadd.s32 v1, v4;
	_ =	sdelay $0x1  }
0x19e: {  	v3 =	vadd.s32 v1, v3;
	_ =	sdelay $0x2  }
0x19f: {  	[tilespmem:s0], [sflag:$0x2] =	stream.indirect_vreg.gather [hbm4b:s3+s2], $0x80, v4, vm0, $0xb8;
	[tilespmem:$0x18280] =	vst v63  }
0x1a0: {  	s19 =	simm.s32 $0x8A80  }
0x1a1: {  	[tilespmem:s19], [sflag:$0x2] =	stream.indirect_vreg.gather [hbm4b:s3+s2], $0x80, v3, vm0, $0xb8;
	[tilespmem:$0x18280] =	vst v63  }
0x1a2: {  	v3 =	vld [tilespmem:$0x210];
	_ =	sdelay $0x4  }
0x1a3: {  	v57 =	vshll.u32 v3, $0x1  }
0x1a4: {  	v3 =	vand.u32 $0x7, v3;
	v4 =	vand.u32 $0xFFFFFFF0, v57  }
0x1a5: {  	v3 =	vor.u32 v3, v4  }
0x1a6: {  	v4 =	vperm.xlane v3, v0;
	_ =	sdelay $0x1  }
0x1a7: {  	v3 =	vperm.xlane v3, v2;
	v4 =	vadd.s32 v1, v4;
	_ =	sdelay $0x1  }
0x1a8: {  	v3 =	vadd.s32 v1, v3;
	_ =	sdelay $0x2  }
0x1a9: {  	[tilespmem:s12], [sflag:$0x2] =	stream.indirect_vreg.gather [hbm4b:s3+s2], $0x80, v4, vm0, $0xb8;
	[tilespmem:$0x18280] =	vst v63  }
0x1aa: {  	_ = 	snop  }
0x1ab: {  	[tilespmem:s17], [sflag:$0x2] =	stream.indirect_vreg.gather [hbm4b:s3+s2], $0x80, v3, vm0, $0xb8;
	[tilespmem:$0x18280] =	vst v63  }
0x1ac: {  	v3 =	vld [tilespmem:$0x220];
	_ =	sdelay $0x4  }
0x1ad: {  	v58 =	vshll.u32 v3, $0x1  }
0x1ae: {  	v3 =	vand.u32 $0x7, v3;
	v4 =	vand.u32 $0xFFFFFFF0, v58  }
0x1af: {  	v3 =	vor.u32 v3, v4  }
0x1b0: {  	v4 =	vperm.xlane v3, v0;
	_ =	sdelay $0x1  }
0x1b1: {  	v3 =	vperm.xlane v3, v2;
	v4 =	vadd.s32 v1, v4;
	_ =	sdelay $0x1  }
0x1b2: {  	v3 =	vadd.s32 v1, v3;
	_ =	sdelay $0x2  }
0x1b3: {  	[tilespmem:s18], [sflag:$0x2] =	stream.indirect_vreg.gather [hbm4b:s3+s2], $0x80, v4, vm0, $0xb8;
	[tilespmem:$0x18280] =	vst v63  }
0x1b4: {  	s20 =	simm.s32 $0xAA80  }
0x1b5: {  	[tilespmem:s20], [sflag:$0x2] =	stream.indirect_vreg.gather [hbm4b:s3+s2], $0x80, v3, vm0, $0xb8;
	[tilespmem:$0x18280] =	vst v63  }
0x1b6: {  	v3 =	vld [tilespmem:$0x230];
	_ =	sdelay $0x4  }
0x1b7: {  	v59 =	vshll.u32 v3, $0x1  }
0x1b8: {  	v3 =	vand.u32 $0x7, v3;
	v4 =	vand.u32 $0xFFFFFFF0, v59  }
0x1b9: {  	v3 =	vor.u32 v3, v4  }
0x1ba: {  	v4 =	vperm.xlane v3, v0;
	_ =	sdelay $0x1  }
0x1bb: {  	v3 =	vperm.xlane v3, v2;
	v4 =	vadd.s32 v1, v4;
	_ =	sdelay $0x1  }
0x1bc: {  	v3 =	vadd.s32 v1, v3;
	_ =	sdelay $0x1  }
0x1bd: {  	s19 =	simm.s32 $0xB280  }
0x1be: {  	[tilespmem:s19], [sflag:$0x2] =	stream.indirect_vreg.gather [hbm4b:s3+s2], $0x80, v4, vm0, $0xb8;
	[tilespmem:$0x18280] =	vst v63  }
0x1bf: {  	s20 =	simm.s32 $0xBA80  }
0x1c0: {  	[tilespmem:s20], [sflag:$0x2] =	stream.indirect_vreg.gather [hbm4b:s3+s2], $0x80, v3, vm0, $0xb8;
	[tilespmem:$0x18280] =	vst v63  }
0x1c1: {  	v3 =	vld [tilespmem:$0x240];
	_ =	sdelay $0x4  }
0x1c2: {  	v60 =	vshll.u32 v3, $0x1  }
0x1c3: {  	v3 =	vand.u32 $0x7, v3;
	v4 =	vand.u32 $0xFFFFFFF0, v60  }
0x1c4: {  	v3 =	vor.u32 v3, v4  }
0x1c5: {  	v4 =	vperm.xlane v3, v0;
	_ =	sdelay $0x1  }
0x1c6: {  	v3 =	vperm.xlane v3, v2;
	v4 =	vadd.s32 v1, v4;
	_ =	sdelay $0x1  }
0x1c7: {  	v3 =	vadd.s32 v1, v3;
	_ =	sdelay $0x1  }
0x1c8: {  	s19 =	simm.s32 $0xC280  }
0x1c9: {  	[tilespmem:s19], [sflag:$0x2] =	stream.indirect_vreg.gather [hbm4b:s3+s2], $0x80, v4, vm0, $0xb8;
	[tilespmem:$0x18280] =	vst v63  }
0x1ca: {  	s20 =	simm.s32 $0xCA80  }
0x1cb: {  	[tilespmem:s20], [sflag:$0x2] =	stream.indirect_vreg.gather [hbm4b:s3+s2], $0x80, v3, vm0, $0xb8;
	[tilespmem:$0x18280] =	vst v63  }
0x1cc: {  	v3 =	vld [tilespmem:$0x250];
	_ =	sdelay $0x4  }
0x1cd: {  	v61 =	vshll.u32 v3, $0x1  }
0x1ce: {  	v3 =	vand.u32 $0x7, v3;
	v4 =	vand.u32 $0xFFFFFFF0, v61  }
0x1cf: {  	v3 =	vor.u32 v3, v4  }
0x1d0: {  	v4 =	vperm.xlane v3, v0;
	_ =	sdelay $0x1  }
0x1d1: {  	v3 =	vperm.xlane v3, v2;
	v4 =	vadd.s32 v1, v4;
	_ =	sdelay $0x1  }
0x1d2: {  	v3 =	vadd.s32 v1, v3;
	_ =	sdelay $0x1  }
0x1d3: {  	s19 =	simm.s32 $0xD280  }
0x1d4: {  	[tilespmem:s19], [sflag:$0x2] =	stream.indirect_vreg.gather [hbm4b:s3+s2], $0x80, v4, vm0, $0xb8;
	[tilespmem:$0x18280] =	vst v63  }
0x1d5: {  	s20 =	simm.s32 $0xDA80  }
0x1d6: {  	[tilespmem:s20], [sflag:$0x2] =	stream.indirect_vreg.gather [hbm4b:s3+s2], $0x80, v3, vm0, $0xb8;
	[tilespmem:$0x18280] =	vst v63  }
0x1d7: {  	v3 =	vld [tilespmem:$0x260];
	_ =	sdelay $0x4  }
0x1d8: {  	v62 =	vshll.u32 v3, $0x1  }
0x1d9: {  	v3 =	vand.u32 $0x7, v3;
	v4 =	vand.u32 $0xFFFFFFF0, v62  }
0x1da: {  	v3 =	vor.u32 v3, v4  }
0x1db: {  	v4 =	vperm.xlane v3, v0;
	_ =	sdelay $0x1  }
0x1dc: {  	v3 =	vperm.xlane v3, v2;
	v4 =	vadd.s32 v1, v4;
	_ =	sdelay $0x1  }
0x1dd: {  	v3 =	vadd.s32 v1, v3;
	_ =	sdelay $0x1  }
0x1de: {  	s19 =	simm.s32 $0xE280  }
0x1df: {  	[tilespmem:s19], [sflag:$0x2] =	stream.indirect_vreg.gather [hbm4b:s3+s2], $0x80, v4, vm0, $0xb8;
	[tilespmem:$0x18280] =	vst v63  }
0x1e0: {  	s20 =	simm.s32 $0xEA80  }
0x1e1: {  	[tilespmem:s20], [sflag:$0x2] =	stream.indirect_vreg.gather [hbm4b:s3+s2], $0x80, v3, vm0, $0xb8;
	[tilespmem:$0x18280] =	vst v63  }
0x1e2: {  	v3 =	vld [tilespmem:$0x270];
	_ =	sdelay $0x4  }
0x1e3: {  	v63 =	vshll.u32 v3, $0x1  }
0x1e4: {  	v3 =	vand.u32 $0x7, v3;
	v4 =	vand.u32 $0xFFFFFFF0, v63  }
0x1e5: {  	v3 =	vor.u32 v3, v4  }
0x1e6: {  	v4 =	vperm.xlane v3, v0;
	_ =	sdelay $0x1  }
0x1e7: {  	v3 =	vperm.xlane v3, v2;
	v4 =	vadd.s32 v1, v4;
	_ =	sdelay $0x1  }
0x1e8: {  	v3 =	vadd.s32 v1, v3;
	_ =	sdelay $0x1  }
0x1e9: {  	s19 =	simm.s32 $0xF280  }
0x1ea: {  	[tilespmem:s19], [sflag:$0x2] =	stream.indirect_vreg.gather [hbm4b:s3+s2], $0x80, v4, vm0, $0xb8;
	[tilespmem:$0x18280] =	vst v63  }
0x1eb: {  	s20 =	simm.s32 $0xFA80;
	s19 =	simm.s32 $0x3  }
0x1ec: {  	[tilespmem:s20], [sflag:$0x2] =	stream.indirect_vreg.gather [hbm4b:s3+s2], $0x80, v3, vm0, $0xb8;
	[tilespmem:$0x18280] =	vst v63  }
0x1ed: {  	_ =	swait.ge [sflag:s19], $0x8000  }
0x1ee: {  	[sflag:s19] =	ssyncset.done $0x0  }
0x1ef: {  	s20 =	rddreg [dreg:$0x9];
	[sflag:s19] =	ssyncadd.s32 $0xFFFF8000  }
0x1f0: {  	[hbm4b:s20+s2] =	stream.linear.scatter [tilespmem:s11], [sflag:$0x6], $0x8000, $0x38;
	[tilespmem:$0x18280] =	vst v63  }
0x1f1: {  	_ =	swait.ge [sflag:s13], $0x8000  }
0x1f2: {  	[sflag:s13] =	ssyncset.done $0x0  }
0x1f3: {  	s1 =	rddreg [dreg:$0xa];
	[sflag:s13] =	ssyncadd.s32 $0xFFFF8000  }
0x1f4: {  	[hbm4b:s1+s2] =	stream.linear.scatter [tilespmem:s22], [sflag:$0x4], $0x8000, $0x38;
	[tilespmem:$0x18280] =	vst v63  }
0x1f5: {  	_ =	swait.ge [sflag:s15], $0x8000  }
0x1f6: {  	[sflag:s15] =	ssyncset.done $0x0  }
0x1f7: {  	s20 =	simm.s32 $0x6;
	s11 =	rddreg [dreg:$0xb];
	[sflag:s15] =	ssyncadd.s32 $0xFFFF8000  }
0x1f8: {  	[hbm4b:s11+s2] =	stream.linear.scatter [tilespmem:s0], [sflag:$0x5], $0x8000, $0x38;
	[tilespmem:$0x18280] =	vst v63  }
0x1f9: {  	_ =	swait.ge [sflag:s20], $0x8000  }
0x1fa: {  	[sflag:s20] =	ssyncset.done $0x0  }
0x1fb: {  	[sflag:s20] =	ssyncadd.s32 $0xFFFF8000  }
0x1fc: {  	p0 =	sne.s32 s4, $0x1;
	_ =	swait.ge [sflag:s14], $0x8000  }
.Ltmp0:
0x1fd: {  	[sflag:s14] =	ssyncset.done $0x0;
	(pc) =	sbr.rel @p0 .LBB2_1-.Ltmp0, $4  }
0x1fe: {  	[sflag:s14] =	ssyncadd.s32 $0xFFFF8000  }
0x1ff: {  	_ =	swait.ge [sflag:s16], $0x8000  }
0x200: {  	[sflag:s16] =	ssyncset.done $0x0  }
0x201: {  	s4 =	sadd.s32 $0xFFFFFFFF, s4;
	[sflag:s16] =	ssyncadd.s32 $0xFFFF8000  }
0x202: {  	_ =	sfence.sel $0x180000  }
0x203: {  	[bflag:$0x0] =	sbarrier.arrive $0xFFFF  }
0x204: {  	_ =	strace $0x9000004D  }
0x205: {  	s0 =	stileid.u32;
	[bflag:$0x2] =	sbarrier.arrive $0xFFFF  }
0x206: {  	p0 =	sne.s32 s0, $0x0;
	s0 =	rddreg [dreg:$0x1]  }
0x207: {  	s0 =	sadd.s32 @!p0 $0x100000, s0  }
0x208: {  	[sflag:s0] =	ssyncadd.tile.s32 @!p0 $0x1;
	_ =	shalt  }
.Lfunc_end2:
_tile_overlayer_lowered:
.L_overlay_start_2:
0x209: {  	(tag) =	ssettag $0x2  }
0x20a: {  	s0 =	rddreg [dreg:$0x0];
	s2 =	stileid.u32  }
0x20b: {  	s1 =	rddreg [dreg:$0x1];
	p0 =	sne.s32 s2, $0x0  }
0x20c: {  	s3 =	rddreg [dreg:$0x2];
	[bflag:$0x3] =	sbarrier.arrive $0xFFFF;
	s2 =	simm.s32 @!p0 $0x1C07  }
0x20d: {  	[timem:s3], [sflag:s2] =	dma.local @!p0 [hbm:s0], s1  }
0x20e: {  	s0 =	simm.s32 @!p0 $0x7  }
0x20f: {  	_ =	swait.ge @!p0 [sflag:s0], s1  }
0x210: {  	s1 =	ssub.s32 @!p0 $0x0, s1;
	[sflag:s0] =	ssyncset.done @!p0 $0x0  }
0x211: {  	[sflag:s0] =	ssyncadd.s32 @!p0 s1  }
0x212: {  	[bflag:$0x3] =	sbarrier.arrive $0xFFFF  }
0x213: {  	_ =	shalt  }

// kernel: kernel.27.cloned.1.call-start
scs
__scs_entry_jumppad:
0x0: {  	(pc) =	sbr.rel $0x88, $3  }
0x1: {  	(tag) =	ssettag $0x0;
	lr =	simm.s32 $0x1  }
0x2: {  	[smem:$0x3F9A] =	sst lr;
	_ =	strace $0xD0000000  }
0x3: {  	_ = 	snop  }
0x4: {  	_ = 	snop  }
0x5: {  	_ = 	snop  }
0x6: {  	_ = 	snop  }
0x7: {  	_ = 	snop  }
__scs_overlays_trampoline_lowered:
0x8: {  	[smem:$0x3FA9] =	sst s0  }
0x9: {  	[smem:$0x3FAA] =	sst s1  }
0xa: {  	[smem:$0x3FAB] =	sst s2  }
0xb: {  	[smem:$0x3FAC] =	sst s3  }
0xc: {  	[smem:$0x3FAD] =	sst s4  }
0xd: {  	[smem:$0x3FAE] =	sst s5  }
0xe: {  	[smem:$0x3FAF] =	sst s6  }
0xf: {  	[smem:$0x3FB0] =	sst s7  }
0x10: {  	[smem:$0x3FB1] =	sst s8  }
0x11: {  	[smem:$0x3FB2] =	sst s9;
	s0 =	simm.s32 @!p0 $0x0  }
0x12: {  	s1 =	sld [smem:$0x3F98];
	s0 =	simm.s32 @p0 $0x1  }
0x13: {  	[smem:$0x3FB3] =	sst s0;
	s0 =	simm.s32 @!p1 $0x0  }
0x14: {  	s2 =	sld [smem:$0x3F97];
	s0 =	simm.s32 @p1 $0x1  }
0x15: {  	[smem:$0x3FB4] =	sst s0;
	s0 =	simm.s32 @!p2 $0x0  }
0x16: {  	s3 =	sld [smem:$0x3FDB];
	s0 =	simm.s32 @p2 $0x1  }
0x17: {  	s4 =	simm.s32 $0x1BF5;
	[smem:$0x3FB6] =	sst s0  }
0x18: {  	s0 =	sld [smem:$0x3F99];
	_ =	swait.ge [sflag:s4], $0x0  }
0x19: {  	s7 =	sld [smem:$0x3F9A]  }
0x1a: {  	s8 =	sadd.s32 $0xFFFFE003, lr  }
0x1b: {  	s9 =	sadd.s32 $0xFFFFFEF7, lr;
	s5 =	simm.s32 $0xFFFFFFFF;
	p2 =	slt.u32 s8, $0xFFFFF086  }
0x1c: {  	p1 =	slt.u32 s9, $0xF7A;
	s5 =	simm.s32 @!p2 $0x0  }
0x1d: {  	s5 =	simm.s32 @p1 $0x1;
	p0 =	seq.s32 s7, s2  }
0x1e: {  	s7 =	smul.u32 @!p0 $0xF7A, s2;
	p2 =	seq.s32 @!p0 s5, $0x0  }
0x1f: {  	s9 =	smul.u32 $0xF7A, s1;
	s8 =	simm.s32 @!p0 $0x1BF5;
	p2 =	por !p2, p0  }
0x20: {  	[sflag:s8] =	ssyncset.s32 @!p0 $0xFFFFF086;
	s6 =	sadd.s32 @!p0 s3, s7;
	s7 =	simm.s32 @!p0 $0x108  }
0x21: {  	s3 =	sadd.s32 s3, s9;
	s6 =	sadd.s32 @!p0 $0x88, s6;
	s7 =	simm.s32 @p2 $0x1082  }
0x22: {  	[simem:s7], [sflag:s8] =	dma.local @!p0 [hbm:s6], $0xF7A  }
0x23: {  	s9 =	sor.u32 $0xD0000000, s2;
	s6 =	simm.s32 $0x108;
	_ =	swait.ge @!p0 [sflag:s8], $0x0  }
0x24: {  	s3 =	sadd.s32 $0x88, s3;
	s6 =	simm.s32 @!p1 $0x1082;
	[sflag:s4] =	ssyncset.s32 $0xFFFFF086  }
0x25: {  	[simem:s6], [sflag:s4] =	dma.local [hbm:s3], $0xF7A  }
0x26: {  	[smem:$0x3F9A] =	sst s1;
	(tag) =	ssettag s2;
	_ =	strace s9  }
0x27: {  	s1 =	sld [smem:$0x3FAA]  }
0x28: {  	s2 =	sld [smem:$0x3FAB]  }
0x29: {  	s4 =	sld [smem:$0x3FAD]  }
0x2a: {  	p0 =	seq.s32 s5, $0x0;
	s5 =	sld [smem:$0x3FAE]  }
0x2b: {  	s6 =	sld [smem:$0x3FAF]  }
0x2c: {  	s7 =	sld [smem:$0x3FB0]  }
0x2d: {  	s3 =	simm.s32 $0x108;
	s8 =	sld [smem:$0x3FB1]  }
0x2e: {  	s3 =	simm.s32 @!p0 $0x1082;
	s9 =	sld [smem:$0x3FB2]  }
0x2f: {  	lr =	sadd.s32 s0, s3;
	s0 =	sld [smem:$0x3FA9]  }
0x30: {  	s3 =	sld [smem:$0x3FAC]  }
0x31: {  	[smem:$0x3FB5] =	sst s10  }
0x32: {  	s10 =	sld [smem:$0x3FB3];
	_ =	sdelay $0x3  }
0x33: {  	p0 =	seq.s32 s10, $0x1;
	s10 =	sld [smem:$0x3FB5];
	_ =	sdelay $0x3  }
0x34: {  	[smem:$0x3FB5] =	sst s10  }
0x35: {  	s10 =	sld [smem:$0x3FB4];
	_ =	sdelay $0x3  }
0x36: {  	p1 =	seq.s32 s10, $0x1;
	s10 =	sld [smem:$0x3FB5];
	_ =	sdelay $0x3  }
0x37: {  	[smem:$0x3FB5] =	sst s10  }
0x38: {  	s10 =	sld [smem:$0x3FB6]  }
0x39: {  	_ = 	snop;
	(pc) =	sbr.ind lr, $3  }
0x3a: {  	_ = 	snop  }
0x3b: {  	_ = 	snop  }
0x3c: {  	p2 =	seq.s32 s10, $0x1;
	s10 =	sld [smem:$0x3FB5]  }
0x3d: {  	_ =	shalt  }
0x3e: {  	_ =	shalt  }
0x3f: {  	_ =	shalt  }
0x40: {  	_ =	shalt  }
0x41: {  	_ =	shalt  }
0x42: {  	_ =	shalt  }
0x43: {  	_ =	shalt  }
0x44: {  	_ =	shalt  }
0x45: {  	_ =	shalt  }
0x46: {  	_ =	shalt  }
0x47: {  	_ =	shalt  }
0x48: {  	_ =	shalt  }
0x49: {  	_ =	shalt  }
0x4a: {  	_ =	shalt  }
0x4b: {  	_ =	shalt  }
0x4c: {  	_ =	shalt  }
0x4d: {  	_ =	shalt  }
0x4e: {  	_ =	shalt  }
0x4f: {  	_ =	shalt  }
0x50: {  	_ =	shalt  }
0x51: {  	_ =	shalt  }
0x52: {  	_ =	shalt  }
0x53: {  	_ =	shalt  }
0x54: {  	_ =	shalt  }
0x55: {  	_ =	shalt  }
0x56: {  	_ =	shalt  }
0x57: {  	_ =	shalt  }
0x58: {  	_ =	shalt  }
0x59: {  	_ =	shalt  }
0x5a: {  	_ =	shalt  }
0x5b: {  	_ =	shalt  }
0x5c: {  	_ =	shalt  }
0x5d: {  	_ =	shalt  }
0x5e: {  	_ =	shalt  }
0x5f: {  	_ =	shalt  }
0x60: {  	_ =	shalt  }
0x61: {  	_ =	shalt  }
0x62: {  	_ =	shalt  }
0x63: {  	_ =	shalt  }
0x64: {  	_ =	shalt  }
0x65: {  	_ =	shalt  }
0x66: {  	_ =	shalt  }
0x67: {  	_ =	shalt  }
0x68: {  	_ =	shalt  }
0x69: {  	_ =	shalt  }
0x6a: {  	_ =	shalt  }
0x6b: {  	_ =	shalt  }
0x6c: {  	_ =	shalt  }
0x6d: {  	_ =	shalt  }
0x6e: {  	_ =	shalt  }
0x6f: {  	_ =	shalt  }
0x70: {  	_ =	shalt  }
0x71: {  	_ =	shalt  }
0x72: {  	_ =	shalt  }
0x73: {  	_ =	shalt  }
0x74: {  	_ =	shalt  }
0x75: {  	_ =	shalt  }
0x76: {  	_ =	shalt  }
0x77: {  	_ =	shalt  }
0x78: {  	_ =	shalt  }
0x79: {  	_ =	shalt  }
0x7a: {  	_ =	shalt  }
0x7b: {  	_ =	shalt  }
0x7c: {  	_ =	shalt  }
0x7d: {  	_ =	shalt  }
0x7e: {  	_ =	shalt  }
0x7f: {  	_ =	shalt  }
0x80: {  	_ =	shalt  }
0x81: {  	_ =	shalt  }
0x82: {  	_ =	shalt  }
0x83: {  	_ =	shalt  }
0x84: {  	_ =	shalt  }
0x85: {  	_ =	shalt  }
0x86: {  	_ =	shalt  }
0x87: {  	_ =	shalt  }
.Lfunc_end0:
.L_simem_size_0:
called_computation.3_lowered:
.L_overlay_start_0:
0x88: {  	s2 =	sld [smem:$0x3FD9]  }
0x89: {  	s3 =	sld [smem:$0x3FFE];
	_ =	sdelay $0x1  }
0x8a: {  	s1 =	srdreg.scid  }
0x8b: {  	s0 =	sand.u32 $0x1, s1  }
0x8c: {  	s17 =	sshll.u32 s0, $0xA;
	s2 =	sadd.s32 s3, s2  }
0x8d: {  	s2 =	sadd.s32 s2, s17  }
0x8e: {  	[smem:$0x3FC1] =	sst s2  }
0x8f: {  	_ = 	snop  }
0x90: {  	(tm) =	ssettm $0x1  }
0x91: {  	s18 =	sld [smem:$0x3FFB];
	_ =	sdelay $0x3  }
0x92: {  	_ =	strace s18  }
0x93: {  	s2 =	sld [smem:$0x3FFC];
	_ =	sdelay $0x3  }
0x94: {  	_ =	strace s2  }
0x95: {  	s2 =	sld [smem:$0x3FFD];
	_ =	sdelay $0x3  }
0x96: {  	_ =	strace s2  }
0x97: {  	_ =	strace $0x8FFFFFFF  }
0x98: {  	s19 =	sld [smem:$0x3FDB];
	_ =	sdelay $0x1  }
0x99: {  	s20 =	simm.s32 $_scs_section_size  }
0x9a: {  	s4 =	simm.s32 $_size__tile_overlayer_lowered;
	s5 =	simm.s32 $_tile_overlayer_lowered  }
0x9b: {  	s6 =	simm.s32 $0x1BFF;
	s21 =	sshll.u32 s5, $0x1;
	s3 =	sadd.s32 s20, s19  }
0x9c: {  	s22 =	simm.s32 $0x0;
	s4 =	sshll.u32 s4, $0x1;
	s5 =	sadd.s32 s21, s3  }
0x9d: {  	[timem:s22], [sflag:s6] =	dma.local [hbm:s5], s4  }
0x9e: {  	_ =	swait.ge [sflag:s6], s4  }
0x9f: {  	s4 =	ssub.s32 $0x0, s4;
	[sflag:s6] =	ssyncset.done $0x0  }
0xa0: {  	[sflag:s6] =	ssyncadd.s32 s4;
	_ =	sdelay $0x1  }
0xa1: {  	s23 =	simm.s32 $0x1B8B  }
0xa2: {  	_ =	swait.ge [sflag:s23], $0x1  }
0xa3: {  	[sflag:s23] =	ssyncset.done $0x0  }
0xa4: {  	[sflag:s23] =	ssyncadd.s32 $0xFFFFFFFF  }
0xa5: {  	s4 =	sld [smem:$0x0]  }
0xa6: {  	s5 =	sand.u32 $0xFFFFFFFE, s1  }
0xa7: {  	p0 =	sne.s32 s1, s5  }
0xa8: {  	s5 =	sshll.u32 @p0 s5, $0xE  }
0xa9: {  	s5 =	sadd.s32 @p0 $0x11B8D, s5;
	s6 =	sshll.u32 @p0 s4, $0x11  }
0xaa: {  	s5 =	sor.u32 @p0 s6, s5  }
0xab: {  	[sflag:s5] =	ssyncadd.remote.s32 @p0 $0x1;
	_ =	sdelay $0x1  }
0xac: {  	s5 =	simm.s32 @p0 $0x1B8D  }
0xad: {  	_ =	swait.eq @p0 [sflag:s5], $0x1  }
0xae: {  	[sflag:s5] =	ssyncadd.s32 @p0 $0xFFFFFFFF  }
0xaf: {  	s6 =	sshll.u32 @!p0 s1, $0xE  }
0xb0: {  	s6 =	sor.u32 @!p0 $0x4000, s6;
	s5 =	simm.s32 @!p0 $0x1B8D  }
0xb1: {  	s4 =	sshll.u32 @!p0 s4, $0x11;
	s6 =	sadd.s32 @!p0 $0x11B8D, s6;
	_ =	swait.eq @!p0 [sflag:s5], $0x1  }
0xb2: {  	s4 =	sor.u32 @!p0 s4, s6;
	[sflag:s5] =	ssyncadd.s32 @!p0 $0xFFFFFFFF  }
0xb3: {  	s25 =	simm.s32 $0x1B8E;
	s24 =	sld [smem:$0x3FFE];
	[sflag:s4] =	ssyncadd.remote.s32 @!p0 $0x1  }
0xb4: {  	s26 =	simm.s32 $execute0_lowered;
	[smem:$0x3FD2] =	sst s25  }
0xb5: {  	s5 =	sshll.u32 s26, $0x1;
	_ =	strace $0x8000004F;
	[dreg:$0x1] =	wrdreg $0xFFFFFFFF  }
0xb6: {  	s28 =	simm.s32 $_size_execute0_lowered;
	s3 =	sadd.s32 s3, s5;
	[dreg:$0x0] =	wrdreg $0x0  }
0xb7: {  	s5 =	sshll.u32 s28, $0x1;
	[dreg:$0x2] =	wrdreg s3  }
0xb8: {  	[dreg:$0x3] =	wrdreg s5  }
0xb9: {  	[dreg:$0x4] =	wrdreg $0xC0  }
0xba: {  	_ =	task [dreg:s22], $0x5FFFF  }
0xbb: {  	[dreg:$0x1] =	wrdreg $0xFFFFFFFF  }
0xbc: {  	[dreg:$0x0] =	wrdreg $0x60  }
0xbd: {  	[dreg:$0x2] =	wrdreg s24  }
0xbe: {  	[dreg:$0x3] =	wrdreg $0xA  }
0xbf: {  	_ =	task.clear_ibuf [dreg:s22], $0x4FFFF;
	_ =	strace $0x9000004F  }
0xc0: {  	s29 =	simm.s32 $0xA;
	_ =	strace $0x80000051  }
0xc1: {  	_ =	swait.ge [sflag:s29], $0x1  }
0xc2: {  	[sflag:s29] =	ssyncadd.s32 $0xFFFFFFFF  }
0xc3: {  	_ =	strace $0x90000051  }
0xc4: {  	_ =	sfence  }
0xc5: {  	s30 =	sld [smem:$0x0];
	_ =	sdelay $0x2  }
0xc6: {  	s31 =	sshll.u32 s1, $0xD;
	s1 =	sshrl.u32 s1, $0x2  }
0xc7: {  	s4 =	sand.u32 $0x4000, s31;
	s1 =	sadd.s32 s1, s30  }
0xc8: {  	s0 =	sor.u32 s4, s0;
	s1 =	sshll.u32 s1, $0x11  }
0xc9: {  	s0 =	sor.u32 s1, s0  }
0xca: {  	s0 =	sadd.s32 $0x8F2B, s0  }
0xcb: {  	[sflag:s0] =	ssyncadd.remote.s32 $0x1  }
0xcc: {  	_ =	sfence.sel $0xFFFF  }
0xcd: {  	[dreg:$0x0] =	wrdreg $0xFFFFFFFF;
	(pc) =	sbr.abs _section_cstart, $3  }
0xce: {  	[dreg:$0x1] =	wrdreg $0xFFFFFFFF  }
0xcf: {  	_ =	task.clear_ibuf [dreg:s22], $0x2FFFF;
	_ =	strace $0x9FFFFFFF  }
0xd0: {  	(tm) =	ssettm $0x7FFFFFFF  }
0xd1: {  	_ =	shalt  }
tec
execute0_lowered:
.L_overlay_start_1:
0x0: {  	(tag) =	ssettag $0x1  }
0x1: {  	s0 =	rddreg [dreg:$0x0]  }
0x2: {  	s1 =	srdreg.scid;
	s2 =	simm.s32 $0x0;
	s3 =	stileid.u32  }
0x3: {  	s12 =	simm.s32 $0x10A80;
	s13 =	simm.s32 $0x11280;
	s14 =	simm.s32 $0x11A80  }
0x4: {  	s15 =	simm.s32 $0x12280;
	s28 =	simm.s32 $0x3280;
	s29 =	simm.s32 $0x3A80  }
0x5: {  	s30 =	simm.s32 $0x4280;
	s31 =	simm.s32 $0x4A80;
	[smem:$0x7FF] =	sst s2  }
0x6: {  	s1 =	sand.u32 $0x1, s1;
	_ =	strace $0x80000050;
	[dreg:$0x10] =	wrdreg s12  }
0x7: {  	s3 =	sshll.u32 s3, $0x8;
	s4 =	sshll.u32 s1, $0x7;
	[dreg:$0x11] =	wrdreg s13  }
0x8: {  	s16 =	sadd.s32 $0x126800, s0;
	[dreg:$0x12] =	wrdreg s14;
	s3 =	sor.u32 s4, s3  }
0x9: {  	s7 =	sadd.s32 $0x127200, s0;
	[dreg:$0x13] =	wrdreg s15;
	s5 =	sshrl.u32 s3, $0x3  }
0xa: {  	s6 =	sor.u32 $0x1000, s3;
	s18 =	sor.u32 $0x2000, s3;
	s9 =	sor.u32 $0x3000, s3  }
0xb: {  	s11 =	sor.u32 $0x4000, s3;
	s3 =	sshll.u32 s3, $0x5;
	s5 =	sadd.s32 s16, s5  }
0xc: {  	s8 =	sshrl.u32 s6, $0x3;
	s19 =	sshrl.u32 s18, $0x3;
	s21 =	sshrl.u32 s11, $0x3  }
0xd: {  	s3 =	sadd.s32 s7, s3;
	s22 =	sshll.u32 s6, $0x5;
	[dreg:$0x2] =	wrdreg s5  }
0xe: {  	s6 =	sshll.u32 s11, $0x5;
	s11 =	simm.s32 $0x200;
	[dreg:$0x7] =	wrdreg s3  }
0xf: {  	s24 =	sshll.u32 s18, $0x5;
	s18 =	simm.s32 $0x13A80;
	[dreg:$0xf] =	wrdreg s11  }
0x10: {  	s1 =	ssub.s32 $0x2, s1;
	s17 =	sadd.s32 s16, s8;
	[dreg:$0x16] =	wrdreg s18  }
0x11: {  	s10 =	sshrl.u32 s9, $0x3;
	s5 =	sadd.s32 s16, s19;
	[dreg:$0x3] =	wrdreg s17  }
0x12: {  	s13 =	simm.s32 $0x1;
	s20 =	sadd.s32 s16, s10;
	[dreg:$0x4] =	wrdreg s5  }
0x13: {  	s14 =	simm.s32 $0x4;
	s4 =	sadd.s32 s16, s21;
	[dreg:$0x5] =	wrdreg s20  }
0x14: {  	s15 =	simm.s32 $0x2;
	s23 =	sadd.s32 s7, s22;
	[dreg:$0x6] =	wrdreg s4  }
0x15: {  	s12 =	simm.s32 $0x9280;
	s25 =	sadd.s32 s7, s24;
	[dreg:$0x8] =	wrdreg s23  }
0x16: {  	s26 =	sshll.u32 s9, $0x5;
	s8 =	simm.s32 $0x100;
	[dreg:$0x9] =	wrdreg s25  }
0x17: {  	s9 =	sshrl.u32 s1, $0x1;
	s10 =	simm.s32 $0x180;
	[dreg:$0xd] =	wrdreg s8  }
0x18: {  	s3 =	sadd.s32 $0x25E00, s0;
	s16 =	simm.s32 $0x12A80;
	[dreg:$0xe] =	wrdreg s10  }
0x19: {  	s1 =	ssub.s32 s1, s9;
	s19 =	simm.s32 $0x14280;
	[dreg:$0x14] =	wrdreg s16  }
0x1a: {  	s21 =	simm.s32 $0x15280;
	s22 =	simm.s32 $0x15A80;
	[dreg:$0x17] =	wrdreg s19  }
0x1b: {  	s24 =	simm.s32 $0x16A80;
	s9 =	simm.s32 $0x7280;
	[dreg:$0x19] =	wrdreg s21  }
0x1c: {  	s18 =	simm.s32 $0xA280;
	s5 =	sadd.s32 s7, s26;
	[dreg:$0x1a] =	wrdreg s22  }
0x1d: {  	s4 =	sadd.s32 s7, s6;
	s7 =	simm.s32 $0x80;
	[dreg:$0x1c] =	wrdreg s24  }
0x1e: {  	s17 =	simm.s32 $0x13280;
	s20 =	simm.s32 $0x14A80;
	[dreg:$0xa] =	wrdreg s5  }
0x1f: {  	s23 =	simm.s32 $0x16280;
	s25 =	simm.s32 $0x17280;
	[dreg:$0xb] =	wrdreg s4  }
0x20: {  	s26 =	simm.s32 $0x17A80;
	s16 =	simm.s32 $0x5;
	[dreg:$0xc] =	wrdreg s7  }
0x21: {  	s22 =	simm.s32 $0x280;
	s21 =	simm.s32 $0xA80;
	[dreg:$0x15] =	wrdreg s17  }
0x22: {  	s24 =	simm.s32 $0x1A80;
	s6 =	simm.s32 $0x5280;
	[dreg:$0x18] =	wrdreg s20  }
0x23: {  	s8 =	simm.s32 $0x6A80;
	s10 =	simm.s32 $0x7A80;
	[dreg:$0x1b] =	wrdreg s23  }
0x24: {  	v2 =	vlaneseq.u32;
	s4 =	smax.u32 s1, $0x1;
	s5 =	simm.s32 $0x7;
	[dreg:$0x1d] =	wrdreg s25  }
0x25: {  	vm0 =	vmmov $0xffff;
	v1 =	vshrl.u32 v2, $0x3;
	[dreg:$0x1e] =	wrdreg s26;
	s23 =	simm.s32 $0x1280;
	s25 =	simm.s32 $0x2280  }
0x26: {  	v0 =	vand.u32 $0x7, v2;
	v2 =	vor.u32 $0x8, v2;
	v1 =	vmul.u32 $0x8, v1;
	s26 =	simm.s32 $0x2A80;
	s7 =	simm.s32 $0x6280;
	s17 =	simm.s32 $0x9A80  }
.LBB2_1:
0x27: {  	s19 =	rddreg [dreg:$0x2]  }
0x28: {  	[tilespmem:s2], [sflag:$0x7] =	stream.linear.gather [hbm4b:s19+s2], $0x80, $0x38;
	[tilespmem:$0x18280] =	vst v63  }
0x29: {  	_ =	swait.ge [sflag:s5], $0x80  }
0x2a: {  	s0 =	rddreg [dreg:$0x3];
	[sflag:s5] =	ssyncset.done $0x0  }
0x2b: {  	s20 =	rddreg [dreg:$0xc];
	[sflag:s5] =	ssyncadd.s32 $0xFFFFFF80  }
0x2c: {  	[tilespmem:s20], [sflag:$0x7] =	stream.linear.gather [hbm4b:s0+s2], $0x80, $0x38;
	[tilespmem:$0x18280] =	vst v63  }
0x2d: {  	_ =	swait.ge [sflag:s5], $0x80  }
0x2e: {  	s1 =	rddreg [dreg:$0x4];
	[sflag:s5] =	ssyncset.done $0x0  }
0x2f: {  	s11 =	rddreg [dreg:$0xd];
	[sflag:s5] =	ssyncadd.s32 $0xFFFFFF80  }
0x30: {  	[tilespmem:s11], [sflag:$0x7] =	stream.linear.gather [hbm4b:s1+s2], $0x80, $0x38;
	[tilespmem:$0x18280] =	vst v63  }
0x31: {  	_ =	swait.ge [sflag:s5], $0x80  }
0x32: {  	s20 =	rddreg [dreg:$0x5];
	[sflag:s5] =	ssyncset.done $0x0  }
0x33: {  	s0 =	rddreg [dreg:$0xe];
	[sflag:s5] =	ssyncadd.s32 $0xFFFFFF80  }
0x34: {  	[tilespmem:s0], [sflag:$0x7] =	stream.linear.gather [hbm4b:s20+s2], $0x80, $0x38;
	[tilespmem:$0x18280] =	vst v63  }
0x35: {  	_ =	swait.ge [sflag:s5], $0x80  }
0x36: {  	s1 =	rddreg [dreg:$0x6];
	[sflag:s5] =	ssyncset.done $0x0  }
0x37: {  	s11 =	rddreg [dreg:$0xf];
	[sflag:s5] =	ssyncadd.s32 $0xFFFFFF80  }
0x38: {  	[tilespmem:s11], [sflag:$0x7] =	stream.linear.gather [hbm4b:s1+s2], $0x80, $0x38;
	[tilespmem:$0x18280] =	vst v63  }
0x39: {  	_ =	swait.ge [sflag:s5], $0x80  }
0x3a: {  	[sflag:s5] =	ssyncset.done $0x0  }
0x3b: {  	[sflag:s5] =	ssyncadd.s32 $0xFFFFFF80  }
0x3c: {  	v3 =	vld [tilespmem:$0x0];
	_ =	sdelay $0x4  }
0x3d: {  	v4 =	vshll.u32 v3, $0x1  }
0x3e: {  	v3 =	vand.u32 $0x7, v3;
	v4 =	vand.u32 $0xFFFFFFF0, v4  }
0x3f: {  	v3 =	vor.u32 v3, v4  }
0x40: {  	v4 =	vperm.xlane v3, v0;
	_ =	sdelay $0x1  }
0x41: {  	v3 =	vperm.xlane v3, v2;
	v4 =	vadd.s32 v1, v4;
	_ =	sdelay $0x1  }
0x42: {  	v3 =	vadd.s32 v1, v3;
	_ =	sdelay $0x2  }
0x43: {  	[tilespmem:s22], [sflag:$0x1] =	stream.indirect_vreg.gather [hbm4b:s3+s2], $0x80, v4, vm0, $0xb8;
	[tilespmem:$0x18280] =	vst v63  }
0x44: {  	_ = 	snop  }
0x45: {  	[tilespmem:s21], [sflag:$0x1] =	stream.indirect_vreg.gather [hbm4b:s3+s2], $0x80, v3, vm0, $0xb8;
	[tilespmem:$0x18280] =	vst v63  }
0x46: {  	v3 =	vld [tilespmem:$0x10];
	_ =	sdelay $0x4  }
0x47: {  	v25 =	vshll.u32 v3, $0x1  }
0x48: {  	v3 =	vand.u32 $0x7, v3;
	v4 =	vand.u32 $0xFFFFFFF0, v25  }
0x49: {  	v3 =	vor.u32 v3, v4  }
0x4a: {  	v4 =	vperm.xlane v3, v0;
	_ =	sdelay $0x1  }
0x4b: {  	v3 =	vperm.xlane v3, v2;
	v4 =	vadd.s32 v1, v4;
	_ =	sdelay $0x1  }
0x4c: {  	v3 =	vadd.s32 v1, v3;
	_ =	sdelay $0x2  }
0x4d: {  	[tilespmem:s23], [sflag:$0x1] =	stream.indirect_vreg.gather [hbm4b:s3+s2], $0x80, v4, vm0, $0xb8;
	[tilespmem:$0x18280] =	vst v63  }
0x4e: {  	_ = 	snop  }
0x4f: {  	[tilespmem:s24], [sflag:$0x1] =	stream.indirect_vreg.gather [hbm4b:s3+s2], $0x80, v3, vm0, $0xb8;
	[tilespmem:$0x18280] =	vst v63  }
0x50: {  	v3 =	vld [tilespmem:$0x20];
	_ =	sdelay $0x4  }
0x51: {  	v26 =	vshll.u32 v3, $0x1  }
0x52: {  	v3 =	vand.u32 $0x7, v3;
	v4 =	vand.u32 $0xFFFFFFF0, v26  }
0x53: {  	v3 =	vor.u32 v3, v4  }
0x54: {  	v4 =	vperm.xlane v3, v0;
	_ =	sdelay $0x1  }
0x55: {  	v3 =	vperm.xlane v3, v2;
	v4 =	vadd.s32 v1, v4;
	_ =	sdelay $0x1  }
0x56: {  	v3 =	vadd.s32 v1, v3;
	_ =	sdelay $0x2  }
0x57: {  	[tilespmem:s25], [sflag:$0x1] =	stream.indirect_vreg.gather [hbm4b:s3+s2], $0x80, v4, vm0, $0xb8;
	[tilespmem:$0x18280] =	vst v63  }
0x58: {  	_ = 	snop  }
0x59: {  	[tilespmem:s26], [sflag:$0x1] =	stream.indirect_vreg.gather [hbm4b:s3+s2], $0x80, v3, vm0, $0xb8;
	[tilespmem:$0x18280] =	vst v63  }
0x5a: {  	v3 =	vld [tilespmem:$0x30];
	_ =	sdelay $0x4  }
0x5b: {  	v27 =	vshll.u32 v3, $0x1  }
0x5c: {  	v3 =	vand.u32 $0x7, v3;
	v4 =	vand.u32 $0xFFFFFFF0, v27  }
0x5d: {  	v3 =	vor.u32 v3, v4  }
0x5e: {  	v4 =	vperm.xlane v3, v0;
	_ =	sdelay $0x1  }
0x5f: {  	v3 =	vperm.xlane v3, v2;
	v4 =	vadd.s32 v1, v4;
	_ =	sdelay $0x1  }
0x60: {  	v3 =	vadd.s32 v1, v3;
	_ =	sdelay $0x2  }
0x61: {  	[tilespmem:s28], [sflag:$0x1] =	stream.indirect_vreg.gather [hbm4b:s3+s2], $0x80, v4, vm0, $0xb8;
	[tilespmem:$0x18280] =	vst v63  }
0x62: {  	_ = 	snop  }
0x63: {  	[tilespmem:s29], [sflag:$0x1] =	stream.indirect_vreg.gather [hbm4b:s3+s2], $0x80, v3, vm0, $0xb8;
	[tilespmem:$0x18280] =	vst v63  }
0x64: {  	v3 =	vld [tilespmem:$0x40];
	_ =	sdelay $0x4  }
0x65: {  	v28 =	vshll.u32 v3, $0x1  }
0x66: {  	v3 =	vand.u32 $0x7, v3;
	v4 =	vand.u32 $0xFFFFFFF0, v28  }
0x67: {  	v3 =	vor.u32 v3, v4  }
0x68: {  	v4 =	vperm.xlane v3, v0;
	_ =	sdelay $0x1  }
0x69: {  	v3 =	vperm.xlane v3, v2;
	v4 =	vadd.s32 v1, v4;
	_ =	sdelay $0x1  }
0x6a: {  	v3 =	vadd.s32 v1, v3;
	_ =	sdelay $0x2  }
0x6b: {  	[tilespmem:s30], [sflag:$0x1] =	stream.indirect_vreg.gather [hbm4b:s3+s2], $0x80, v4, vm0, $0xb8;
	[tilespmem:$0x18280] =	vst v63  }
0x6c: {  	_ = 	snop  }
0x6d: {  	[tilespmem:s31], [sflag:$0x1] =	stream.indirect_vreg.gather [hbm4b:s3+s2], $0x80, v3, vm0, $0xb8;
	[tilespmem:$0x18280] =	vst v63  }
0x6e: {  	v3 =	vld [tilespmem:$0x50];
	_ =	sdelay $0x4  }
0x6f: {  	v29 =	vshll.u32 v3, $0x1  }
0x70: {  	v3 =	vand.u32 $0x7, v3;
	v4 =	vand.u32 $0xFFFFFFF0, v29  }
0x71: {  	v3 =	vor.u32 v3, v4  }
0x72: {  	v4 =	vperm.xlane v3, v0;
	_ =	sdelay $0x1  }
0x73: {  	v3 =	vperm.xlane v3, v2;
	v4 =	vadd.s32 v1, v4;
	_ =	sdelay $0x1  }
0x74: {  	v3 =	vadd.s32 v1, v3;
	_ =	sdelay $0x2  }
0x75: {  	[tilespmem:s6], [sflag:$0x1] =	stream.indirect_vreg.gather [hbm4b:s3+s2], $0x80, v4, vm0, $0xb8;
	[tilespmem:$0x18280] =	vst v63  }
0x76: {  	s1 =	simm.s32 $0x5A80  }
0x77: {  	[tilespmem:s1], [sflag:$0x1] =	stream.indirect_vreg.gather [hbm4b:s3+s2], $0x80, v3, vm0, $0xb8;
	[tilespmem:$0x18280] =	vst v63  }
0x78: {  	v3 =	vld [tilespmem:$0x60];
	_ =	sdelay $0x4  }
0x79: {  	v30 =	vshll.u32 v3, $0x1  }
0x7a: {  	v3 =	vand.u32 $0x7, v3;
	v4 =	vand.u32 $0xFFFFFFF0, v30  }
0x7b: {  	v3 =	vor.u32 v3, v4  }
0x7c: {  	v4 =	vperm.xlane v3, v0;
	_ =	sdelay $0x1  }
0x7d: {  	v3 =	vperm.xlane v3, v2;
	v4 =	vadd.s32 v1, v4;
	_ =	sdelay $0x1  }
0x7e: {  	v3 =	vadd.s32 v1, v3;
	_ =	sdelay $0x2  }
0x7f: {  	[tilespmem:s7], [sflag:$0x1] =	stream.indirect_vreg.gather [hbm4b:s3+s2], $0x80, v4, vm0, $0xb8;
	[tilespmem:$0x18280] =	vst v63  }
0x80: {  	_ = 	snop  }
0x81: {  	[tilespmem:s8], [sflag:$0x1] =	stream.indirect_vreg.gather [hbm4b:s3+s2], $0x80, v3, vm0, $0xb8;
	[tilespmem:$0x18280] =	vst v63  }
0x82: {  	v3 =	vld [tilespmem:$0x70];
	_ =	sdelay $0x4  }
0x83: {  	v31 =	vshll.u32 v3, $0x1  }
0x84: {  	v3 =	vand.u32 $0x7, v3;
	v4 =	vand.u32 $0xFFFFFFF0, v31  }
0x85: {  	v3 =	vor.u32 v3, v4  }
0x86: {  	v4 =	vperm.xlane v3, v0;
	_ =	sdelay $0x1  }
0x87: {  	v3 =	vperm.xlane v3, v2;
	v4 =	vadd.s32 v1, v4;
	_ =	sdelay $0x1  }
0x88: {  	v3 =	vadd.s32 v1, v3;
	_ =	sdelay $0x2  }
0x89: {  	[tilespmem:s9], [sflag:$0x1] =	stream.indirect_vreg.gather [hbm4b:s3+s2], $0x80, v4, vm0, $0xb8;
	[tilespmem:$0x18280] =	vst v63  }
0x8a: {  	_ = 	snop  }
0x8b: {  	[tilespmem:s10], [sflag:$0x1] =	stream.indirect_vreg.gather [hbm4b:s3+s2], $0x80, v3, vm0, $0xb8;
	[tilespmem:$0x18280] =	vst v63  }
0x8c: {  	v3 =	vld [tilespmem:$0x80];
	_ =	sdelay $0x4  }
0x8d: {  	v32 =	vshll.u32 v3, $0x1  }
0x8e: {  	v3 =	vand.u32 $0x7, v3;
	v4 =	vand.u32 $0xFFFFFFF0, v32  }
0x8f: {  	v3 =	vor.u32 v3, v4  }
0x90: {  	v4 =	vperm.xlane v3, v0;
	_ =	sdelay $0x1  }
0x91: {  	v3 =	vperm.xlane v3, v2;
	v4 =	vadd.s32 v1, v4;
	_ =	sdelay $0x1  }
0x92: {  	v3 =	vadd.s32 v1, v3;
	_ =	sdelay $0x1  }
0x93: {  	s0 =	simm.s32 $0x8280  }
0x94: {  	[tilespmem:s0], [sflag:$0x2] =	stream.indirect_vreg.gather [hbm4b:s3+s2], $0x80, v4, vm0, $0xb8;
	[tilespmem:$0x18280] =	vst v63  }
0x95: {  	s11 =	simm.s32 $0x8A80  }
0x96: {  	[tilespmem:s11], [sflag:$0x2] =	stream.indirect_vreg.gather [hbm4b:s3+s2], $0x80, v3, vm0, $0xb8;
	[tilespmem:$0x18280] =	vst v63  }
0x97: {  	v3 =	vld [tilespmem:$0x90];
	_ =	sdelay $0x4  }
0x98: {  	v33 =	vshll.u32 v3, $0x1  }
0x99: {  	v3 =	vand.u32 $0x7, v3;
	v4 =	vand.u32 $0xFFFFFFF0, v33  }
0x9a: {  	v3 =	vor.u32 v3, v4  }
0x9b: {  	v4 =	vperm.xlane v3, v0;
	_ =	sdelay $0x1  }
0x9c: {  	v3 =	vperm.xlane v3, v2;
	v4 =	vadd.s32 v1, v4;
	_ =	sdelay $0x1  }
0x9d: {  	v3 =	vadd.s32 v1, v3;
	_ =	sdelay $0x2  }
0x9e: {  	[tilespmem:s12], [sflag:$0x2] =	stream.indirect_vreg.gather [hbm4b:s3+s2], $0x80, v4, vm0, $0xb8;
	[tilespmem:$0x18280] =	vst v63  }
0x9f: {  	_ = 	snop  }
0xa0: {  	[tilespmem:s17], [sflag:$0x2] =	stream.indirect_vreg.gather [hbm4b:s3+s2], $0x80, v3, vm0, $0xb8;
	[tilespmem:$0x18280] =	vst v63  }
0xa1: {  	v3 =	vld [tilespmem:$0xA0];
	_ =	sdelay $0x4  }
0xa2: {  	v34 =	vshll.u32 v3, $0x1  }
0xa3: {  	v3 =	vand.u32 $0x7, v3;
	v4 =	vand.u32 $0xFFFFFFF0, v34  }
0xa4: {  	v3 =	vor.u32 v3, v4  }
0xa5: {  	v4 =	vperm.xlane v3, v0;
	_ =	sdelay $0x1  }
0xa6: {  	v3 =	vperm.xlane v3, v2;
	v4 =	vadd.s32 v1, v4;
	_ =	sdelay $0x1  }
0xa7: {  	v3 =	vadd.s32 v1, v3;
	_ =	sdelay $0x2  }
0xa8: {  	[tilespmem:s18], [sflag:$0x2] =	stream.indirect_vreg.gather [hbm4b:s3+s2], $0x80, v4, vm0, $0xb8;
	[tilespmem:$0x18280] =	vst v63  }
0xa9: {  	s19 =	simm.s32 $0xAA80  }
0xaa: {  	[tilespmem:s19], [sflag:$0x2] =	stream.indirect_vreg.gather [hbm4b:s3+s2], $0x80, v3, vm0, $0xb8;
	[tilespmem:$0x18280] =	vst v63  }
0xab: {  	v3 =	vld [tilespmem:$0xB0];
	_ =	sdelay $0x4  }
0xac: {  	v35 =	vshll.u32 v3, $0x1  }
0xad: {  	v3 =	vand.u32 $0x7, v3;
	v4 =	vand.u32 $0xFFFFFFF0, v35  }
0xae: {  	v3 =	vor.u32 v3, v4  }
0xaf: {  	v4 =	vperm.xlane v3, v0;
	_ =	sdelay $0x1  }
0xb0: {  	v3 =	vperm.xlane v3, v2;
	v4 =	vadd.s32 v1, v4;
	_ =	sdelay $0x1  }
0xb1: {  	v3 =	vadd.s32 v1, v3;
	_ =	sdelay $0x1  }
0xb2: {  	s20 =	simm.s32 $0xB280  }
0xb3: {  	[tilespmem:s20], [sflag:$0x2] =	stream.indirect_vreg.gather [hbm4b:s3+s2], $0x80, v4, vm0, $0xb8;
	[tilespmem:$0x18280] =	vst v63  }
0xb4: {  	s19 =	simm.s32 $0xBA80  }
0xb5: {  	[tilespmem:s19], [sflag:$0x2] =	stream.indirect_vreg.gather [hbm4b:s3+s2], $0x80, v3, vm0, $0xb8;
	[tilespmem:$0x18280] =	vst v63  }
0xb6: {  	v3 =	vld [tilespmem:$0xC0];
	_ =	sdelay $0x4  }
0xb7: {  	v36 =	vshll.u32 v3, $0x1  }
0xb8: {  	v3 =	vand.u32 $0x7, v3;
	v4 =	vand.u32 $0xFFFFFFF0, v36  }
0xb9: {  	v3 =	vor.u32 v3, v4  }
0xba: {  	v4 =	vperm.xlane v3, v0;
	_ =	sdelay $0x1  }
0xbb: {  	v3 =	vperm.xlane v3, v2;
	v4 =	vadd.s32 v1, v4;
	_ =	sdelay $0x1  }
0xbc: {  	v3 =	vadd.s32 v1, v3;
	_ =	sdelay $0x1  }
0xbd: {  	s20 =	simm.s32 $0xC280  }
0xbe: {  	[tilespmem:s20], [sflag:$0x2] =	stream.indirect_vreg.gather [hbm4b:s3+s2], $0x80, v4, vm0, $0xb8;
	[tilespmem:$0x18280] =	vst v63  }
0xbf: {  	s19 =	simm.s32 $0xCA80  }
0xc0: {  	[tilespmem:s19], [sflag:$0x2] =	stream.indirect_vreg.gather [hbm4b:s3+s2], $0x80, v3, vm0, $0xb8;
	[tilespmem:$0x18280] =	vst v63  }
0xc1: {  	v3 =	vld [tilespmem:$0xD0];
	_ =	sdelay $0x4  }
0xc2: {  	v37 =	vshll.u32 v3, $0x1  }
0xc3: {  	v3 =	vand.u32 $0x7, v3;
	v4 =	vand.u32 $0xFFFFFFF0, v37  }
0xc4: {  	v3 =	vor.u32 v3, v4  }
0xc5: {  	v4 =	vperm.xlane v3, v0;
	_ =	sdelay $0x1  }
0xc6: {  	v3 =	vperm.xlane v3, v2;
	v4 =	vadd.s32 v1, v4;
	_ =	sdelay $0x1  }
0xc7: {  	v3 =	vadd.s32 v1, v3;
	_ =	sdelay $0x1  }
0xc8: {  	s20 =	simm.s32 $0xD280  }
0xc9: {  	[tilespmem:s20], [sflag:$0x2] =	stream.indirect_vreg.gather [hbm4b:s3+s2], $0x80, v4, vm0, $0xb8;
	[tilespmem:$0x18280] =	vst v63  }
0xca: {  	s19 =	simm.s32 $0xDA80  }
0xcb: {  	[tilespmem:s19], [sflag:$0x2] =	stream.indirect_vreg.gather [hbm4b:s3+s2], $0x80, v3, vm0, $0xb8;
	[tilespmem:$0x18280] =	vst v63  }
0xcc: {  	v3 =	vld [tilespmem:$0xE0];
	_ =	sdelay $0x4  }
0xcd: {  	v38 =	vshll.u32 v3, $0x1  }
0xce: {  	v3 =	vand.u32 $0x7, v3;
	v4 =	vand.u32 $0xFFFFFFF0, v38  }
0xcf: {  	v3 =	vor.u32 v3, v4  }
0xd0: {  	v4 =	vperm.xlane v3, v0;
	_ =	sdelay $0x1  }
0xd1: {  	v3 =	vperm.xlane v3, v2;
	v4 =	vadd.s32 v1, v4;
	_ =	sdelay $0x1  }
0xd2: {  	v3 =	vadd.s32 v1, v3;
	_ =	sdelay $0x1  }
0xd3: {  	s20 =	simm.s32 $0xE280  }
0xd4: {  	[tilespmem:s20], [sflag:$0x2] =	stream.indirect_vreg.gather [hbm4b:s3+s2], $0x80, v4, vm0, $0xb8;
	[tilespmem:$0x18280] =	vst v63  }
0xd5: {  	s19 =	simm.s32 $0xEA80  }
0xd6: {  	[tilespmem:s19], [sflag:$0x2] =	stream.indirect_vreg.gather [hbm4b:s3+s2], $0x80, v3, vm0, $0xb8;
	[tilespmem:$0x18280] =	vst v63  }
0xd7: {  	v3 =	vld [tilespmem:$0xF0];
	_ =	sdelay $0x4  }
0xd8: {  	v39 =	vshll.u32 v3, $0x1  }
0xd9: {  	v3 =	vand.u32 $0x7, v3;
	v4 =	vand.u32 $0xFFFFFFF0, v39  }
0xda: {  	v3 =	vor.u32 v3, v4  }
0xdb: {  	v4 =	vperm.xlane v3, v0;
	_ =	sdelay $0x1  }
0xdc: {  	v3 =	vperm.xlane v3, v2;
	v4 =	vadd.s32 v1, v4;
	_ =	sdelay $0x1  }
0xdd: {  	v3 =	vadd.s32 v1, v3;
	_ =	sdelay $0x1  }
0xde: {  	s20 =	simm.s32 $0xF280  }
0xdf: {  	[tilespmem:s20], [sflag:$0x2] =	stream.indirect_vreg.gather [hbm4b:s3+s2], $0x80, v4, vm0, $0xb8;
	[tilespmem:$0x18280] =	vst v63  }
0xe0: {  	s19 =	simm.s32 $0xFA80  }
0xe1: {  	[tilespmem:s19], [sflag:$0x2] =	stream.indirect_vreg.gather [hbm4b:s3+s2], $0x80, v3, vm0, $0xb8;
	[tilespmem:$0x18280] =	vst v63  }
0xe2: {  	v3 =	vld [tilespmem:$0x100];
	_ =	sdelay $0x4  }
0xe3: {  	v40 =	vshll.u32 v3, $0x1  }
0xe4: {  	v3 =	vand.u32 $0x7, v3;
	v4 =	vand.u32 $0xFFFFFFF0, v40  }
0xe5: {  	v3 =	vor.u32 v3, v4  }
0xe6: {  	v4 =	vperm.xlane v3, v0;
	_ =	sdelay $0x1  }
0xe7: {  	v3 =	vperm.xlane v3, v2;
	v4 =	vadd.s32 v1, v4;
	_ =	sdelay $0x1  }
0xe8: {  	v3 =	vadd.s32 v1, v3;
	_ =	sdelay $0x1  }
0xe9: {  	s11 =	simm.s32 $0x10280  }
0xea: {  	[tilespmem:s11], [sflag:$0x3] =	stream.indirect_vreg.gather [hbm4b:s3+s2], $0x80, v4, vm0, $0xb8;
	[tilespmem:$0x18280] =	vst v63  }
0xeb: {  	s20 =	rddreg [dreg:$0x10]  }
0xec: {  	[tilespmem:s20], [sflag:$0x3] =	stream.indirect_vreg.gather [hbm4b:s3+s2], $0x80, v3, vm0, $0xb8;
	[tilespmem:$0x18280] =	vst v63  }
0xed: {  	v3 =	vld [tilespmem:$0x110];
	_ =	sdelay $0x4  }
0xee: {  	v41 =	vshll.u32 v3, $0x1  }
0xef: {  	v3 =	vand.u32 $0x7, v3;
	v4 =	vand.u32 $0xFFFFFFF0, v41  }
0xf0: {  	v3 =	vor.u32 v3, v4  }
0xf1: {  	v4 =	vperm.xlane v3, v0;
	_ =	sdelay $0x1  }
0xf2: {  	v3 =	vperm.xlane v3, v2;
	v4 =	vadd.s32 v1, v4;
	_ =	sdelay $0x1  }
0xf3: {  	v3 =	vadd.s32 v1, v3;
	_ =	sdelay $0x1  }
0xf4: {  	s19 =	rddreg [dreg:$0x11]  }
0xf5: {  	[tilespmem:s19], [sflag:$0x3] =	stream.indirect_vreg.gather [hbm4b:s3+s2], $0x80, v4, vm0, $0xb8;
	[tilespmem:$0x18280] =	vst v63  }
0xf6: {  	s20 =	rddreg [dreg:$0x12]  }
0xf7: {  	[tilespmem:s20], [sflag:$0x3] =	stream.indirect_vreg.gather [hbm4b:s3+s2], $0x80, v3, vm0, $0xb8;
	[tilespmem:$0x18280] =	vst v63  }
0xf8: {  	v3 =	vld [tilespmem:$0x120];
	_ =	sdelay $0x4  }
0xf9: {  	v42 =	vshll.u32 v3, $0x1  }
0xfa: {  	v3 =	vand.u32 $0x7, v3;
	v4 =	vand.u32 $0xFFFFFFF0, v42  }
0xfb: {  	v3 =	vor.u32 v3, v4  }
0xfc: {  	v4 =	vperm.xlane v3, v0;
	_ =	sdelay $0x1  }
0xfd: {  	v3 =	vperm.xlane v3, v2;
	v4 =	vadd.s32 v1, v4;
	_ =	sdelay $0x1  }
0xfe: {  	v3 =	vadd.s32 v1, v3;
	_ =	sdelay $0x1  }
0xff: {  	s19 =	rddreg [dreg:$0x13]  }
0x100: {  	[tilespmem:s19], [sflag:$0x3] =	stream.indirect_vreg.gather [hbm4b:s3+s2], $0x80, v4, vm0, $0xb8;
	[tilespmem:$0x18280] =	vst v63  }
0x101: {  	s20 =	rddreg [dreg:$0x14]  }
0x102: {  	[tilespmem:s20], [sflag:$0x3] =	stream.indirect_vreg.gather [hbm4b:s3+s2], $0x80, v3, vm0, $0xb8;
	[tilespmem:$0x18280] =	vst v63  }
0x103: {  	v3 =	vld [tilespmem:$0x130];
	_ =	sdelay $0x4  }
0x104: {  	v43 =	vshll.u32 v3, $0x1  }
0x105: {  	v3 =	vand.u32 $0x7, v3;
	v4 =	vand.u32 $0xFFFFFFF0, v43  }
0x106: {  	v3 =	vor.u32 v3, v4  }
0x107: {  	v4 =	vperm.xlane v3, v0;
	_ =	sdelay $0x1  }
0x108: {  	v3 =	vperm.xlane v3, v2;
	v4 =	vadd.s32 v1, v4;
	_ =	sdelay $0x1  }
0x109: {  	v3 =	vadd.s32 v1, v3;
	_ =	sdelay $0x1  }
0x10a: {  	s19 =	rddreg [dreg:$0x15]  }
0x10b: {  	[tilespmem:s19], [sflag:$0x3] =	stream.indirect_vreg.gather [hbm4b:s3+s2], $0x80, v4, vm0, $0xb8;
	[tilespmem:$0x18280] =	vst v63  }
0x10c: {  	s20 =	rddreg [dreg:$0x16]  }
0x10d: {  	[tilespmem:s20], [sflag:$0x3] =	stream.indirect_vreg.gather [hbm4b:s3+s2], $0x80, v3, vm0, $0xb8;
	[tilespmem:$0x18280] =	vst v63  }
0x10e: {  	v3 =	vld [tilespmem:$0x140];
	_ =	sdelay $0x4  }
0x10f: {  	v44 =	vshll.u32 v3, $0x1  }
0x110: {  	v3 =	vand.u32 $0x7, v3;
	v4 =	vand.u32 $0xFFFFFFF0, v44  }
0x111: {  	v3 =	vor.u32 v3, v4  }
0x112: {  	v4 =	vperm.xlane v3, v0;
	_ =	sdelay $0x1  }
0x113: {  	v3 =	vperm.xlane v3, v2;
	v4 =	vadd.s32 v1, v4;
	_ =	sdelay $0x1  }
0x114: {  	v3 =	vadd.s32 v1, v3;
	_ =	sdelay $0x1  }
0x115: {  	s19 =	rddreg [dreg:$0x17]  }
0x116: {  	[tilespmem:s19], [sflag:$0x3] =	stream.indirect_vreg.gather [hbm4b:s3+s2], $0x80, v4, vm0, $0xb8;
	[tilespmem:$0x18280] =	vst v63  }
0x117: {  	s20 =	rddreg [dreg:$0x18]  }
0x118: {  	[tilespmem:s20], [sflag:$0x3] =	stream.indirect_vreg.gather [hbm4b:s3+s2], $0x80, v3, vm0, $0xb8;
	[tilespmem:$0x18280] =	vst v63  }
0x119: {  	v3 =	vld [tilespmem:$0x150];
	_ =	sdelay $0x4  }
0x11a: {  	v45 =	vshll.u32 v3, $0x1  }
0x11b: {  	v3 =	vand.u32 $0x7, v3;
	v4 =	vand.u32 $0xFFFFFFF0, v45  }
0x11c: {  	v3 =	vor.u32 v3, v4  }
0x11d: {  	v4 =	vperm.xlane v3, v0;
	_ =	sdelay $0x1  }
0x11e: {  	v3 =	vperm.xlane v3, v2;
	v4 =	vadd.s32 v1, v4;
	_ =	sdelay $0x1  }
0x11f: {  	v3 =	vadd.s32 v1, v3;
	_ =	sdelay $0x1  }
0x120: {  	s19 =	rddreg [dreg:$0x19]  }
0x121: {  	[tilespmem:s19], [sflag:$0x3] =	stream.indirect_vreg.gather [hbm4b:s3+s2], $0x80, v4, vm0, $0xb8;
	[tilespmem:$0x18280] =	vst v63  }
0x122: {  	s20 =	rddreg [dreg:$0x1a]  }
0x123: {  	[tilespmem:s20], [sflag:$0x3] =	stream.indirect_vreg.gather [hbm4b:s3+s2], $0x80, v3, vm0, $0xb8;
	[tilespmem:$0x18280] =	vst v63  }
0x124: {  	v3 =	vld [tilespmem:$0x160];
	_ =	sdelay $0x4  }
0x125: {  	v46 =	vshll.u32 v3, $0x1  }
0x126: {  	v3 =	vand.u32 $0x7, v3;
	v4 =	vand.u32 $0xFFFFFFF0, v46  }
0x127: {  	v3 =	vor.u32 v3, v4  }
0x128: {  	v4 =	vperm.xlane v3, v0;
	_ =	sdelay $0x1  }
0x129: {  	v3 =	vperm.xlane v3, v2;
	v4 =	vadd.s32 v1, v4;
	_ =	sdelay $0x1  }
0x12a: {  	v3 =	vadd.s32 v1, v3;
	_ =	sdelay $0x1  }
0x12b: {  	s19 =	rddreg [dreg:$0x1b]  }
0x12c: {  	[tilespmem:s19], [sflag:$0x3] =	stream.indirect_vreg.gather [hbm4b:s3+s2], $0x80, v4, vm0, $0xb8;
	[tilespmem:$0x18280] =	vst v63  }
0x12d: {  	s20 =	rddreg [dreg:$0x1c]  }
0x12e: {  	[tilespmem:s20], [sflag:$0x3] =	stream.indirect_vreg.gather [hbm4b:s3+s2], $0x80, v3, vm0, $0xb8;
	[tilespmem:$0x18280] =	vst v63  }
0x12f: {  	v3 =	vld [tilespmem:$0x170];
	_ =	sdelay $0x4  }
0x130: {  	v47 =	vshll.u32 v3, $0x1  }
0x131: {  	v3 =	vand.u32 $0x7, v3;
	v4 =	vand.u32 $0xFFFFFFF0, v47  }
0x132: {  	v3 =	vor.u32 v3, v4  }
0x133: {  	v4 =	vperm.xlane v3, v0;
	_ =	sdelay $0x1  }
0x134: {  	v3 =	vperm.xlane v3, v2;
	v4 =	vadd.s32 v1, v4;
	_ =	sdelay $0x1  }
0x135: {  	v3 =	vadd.s32 v1, v3;
	_ =	sdelay $0x1  }
0x136: {  	s19 =	rddreg [dreg:$0x1d]  }
0x137: {  	[tilespmem:s19], [sflag:$0x3] =	stream.indirect_vreg.gather [hbm4b:s3+s2], $0x80, v4, vm0, $0xb8;
	[tilespmem:$0x18280] =	vst v63  }
0x138: {  	s20 =	rddreg [dreg:$0x1e]  }
0x139: {  	[tilespmem:s20], [sflag:$0x3] =	stream.indirect_vreg.gather [hbm4b:s3+s2], $0x80, v3, vm0, $0xb8;
	[tilespmem:$0x18280] =	vst v63  }
0x13a: {  	_ =	swait.ge [sflag:s13], $0x8000  }
0x13b: {  	[sflag:s13] =	ssyncset.done $0x0  }
0x13c: {  	s20 =	rddreg [dreg:$0x7];
	[sflag:s13] =	ssyncadd.s32 $0xFFFF8000  }
0x13d: {  	[hbm4b:s20+s2] =	stream.linear.scatter [tilespmem:s22], [sflag:$0x4], $0x8000, $0x38;
	[tilespmem:$0x18280] =	vst v63  }
0x13e: {  	_ =	swait.ge [sflag:s14], $0x8000  }
0x13f: {  	[sflag:s14] =	ssyncset.done $0x0  }
0x140: {  	[sflag:s14] =	ssyncadd.s32 $0xFFFF8000  }
0x141: {  	v3 =	vld [tilespmem:$0x180];
	_ =	sdelay $0x4  }
0x142: {  	v48 =	vshll.u32 v3, $0x1  }
0x143: {  	v3 =	vand.u32 $0x7, v3;
	v4 =	vand.u32 $0xFFFFFFF0, v48  }
0x144: {  	v3 =	vor.u32 v3, v4  }
0x145: {  	v4 =	vperm.xlane v3, v0;
	_ =	sdelay $0x1  }
0x146: {  	v3 =	vperm.xlane v3, v2;
	v4 =	vadd.s32 v1, v4;
	_ =	sdelay $0x1  }
0x147: {  	v3 =	vadd.s32 v1, v3;
	_ =	sdelay $0x2  }
0x148: {  	[tilespmem:s22], [sflag:$0x1] =	stream.indirect_vreg.gather [hbm4b:s3+s2], $0x80, v4, vm0, $0xb8;
	[tilespmem:$0x18280] =	vst v63  }
0x149: {  	_ = 	snop  }
0x14a: {  	[tilespmem:s21], [sflag:$0x1] =	stream.indirect_vreg.gather [hbm4b:s3+s2], $0x80, v3, vm0, $0xb8;
	[tilespmem:$0x18280] =	vst v63  }
0x14b: {  	v3 =	vld [tilespmem:$0x190];
	_ =	sdelay $0x4  }
0x14c: {  	v49 =	vshll.u32 v3, $0x1  }
0x14d: {  	v3 =	vand.u32 $0x7, v3;
	v4 =	vand.u32 $0xFFFFFFF0, v49  }
0x14e: {  	v3 =	vor.u32 v3, v4  }
0x14f: {  	v4 =	vperm.xlane v3, v0;
	_ =	sdelay $0x1  }
0x150: {  	v3 =	vperm.xlane v3, v2;
	v4 =	vadd.s32 v1, v4;
	_ =	sdelay $0x1  }
0x151: {  	v3 =	vadd.s32 v1, v3;
	_ =	sdelay $0x2  }
0x152: {  	[tilespmem:s23], [sflag:$0x1] =	stream.indirect_vreg.gather [hbm4b:s3+s2], $0x80, v4, vm0, $0xb8;
	[tilespmem:$0x18280] =	vst v63  }
0x153: {  	_ = 	snop  }
0x154: {  	[tilespmem:s24], [sflag:$0x1] =	stream.indirect_vreg.gather [hbm4b:s3+s2], $0x80, v3, vm0, $0xb8;
	[tilespmem:$0x18280] =	vst v63  }
0x155: {  	v3 =	vld [tilespmem:$0x1A0];
	_ =	sdelay $0x4  }
0x156: {  	v50 =	vshll.u32 v3, $0x1  }
0x157: {  	v3 =	vand.u32 $0x7, v3;
	v4 =	vand.u32 $0xFFFFFFF0, v50  }
0x158: {  	v3 =	vor.u32 v3, v4  }
0x159: {  	v4 =	vperm.xlane v3, v0;
	_ =	sdelay $0x1  }
0x15a: {  	v3 =	vperm.xlane v3, v2;
	v4 =	vadd.s32 v1, v4;
	_ =	sdelay $0x1  }
0x15b: {  	v3 =	vadd.s32 v1, v3;
	_ =	sdelay $0x2  }
0x15c: {  	[tilespmem:s25], [sflag:$0x1] =	stream.indirect_vreg.gather [hbm4b:s3+s2], $0x80, v4, vm0, $0xb8;
	[tilespmem:$0x18280] =	vst v63  }
0x15d: {  	_ = 	snop  }
0x15e: {  	[tilespmem:s26], [sflag:$0x1] =	stream.indirect_vreg.gather [hbm4b:s3+s2], $0x80, v3, vm0, $0xb8;
	[tilespmem:$0x18280] =	vst v63  }
0x15f: {  	v3 =	vld [tilespmem:$0x1B0];
	_ =	sdelay $0x4  }
0x160: {  	v51 =	vshll.u32 v3, $0x1  }
0x161: {  	v3 =	vand.u32 $0x7, v3;
	v4 =	vand.u32 $0xFFFFFFF0, v51  }
0x162: {  	v3 =	vor.u32 v3, v4  }
0x163: {  	v4 =	vperm.xlane v3, v0;
	_ =	sdelay $0x1  }
0x164: {  	v3 =	vperm.xlane v3, v2;
	v4 =	vadd.s32 v1, v4;
	_ =	sdelay $0x1  }
0x165: {  	v3 =	vadd.s32 v1, v3;
	_ =	sdelay $0x2  }
0x166: {  	[tilespmem:s28], [sflag:$0x1] =	stream.indirect_vreg.gather [hbm4b:s3+s2], $0x80, v4, vm0, $0xb8;
	[tilespmem:$0x18280] =	vst v63  }
0x167: {  	_ = 	snop  }
0x168: {  	[tilespmem:s29], [sflag:$0x1] =	stream.indirect_vreg.gather [hbm4b:s3+s2], $0x80, v3, vm0, $0xb8;
	[tilespmem:$0x18280] =	vst v63  }
0x169: {  	v3 =	vld [tilespmem:$0x1C0];
	_ =	sdelay $0x4  }
0x16a: {  	v52 =	vshll.u32 v3, $0x1  }
0x16b: {  	v3 =	vand.u32 $0x7, v3;
	v4 =	vand.u32 $0xFFFFFFF0, v52  }
0x16c: {  	v3 =	vor.u32 v3, v4  }
0x16d: {  	v4 =	vperm.xlane v3, v0;
	_ =	sdelay $0x1  }
0x16e: {  	v3 =	vperm.xlane v3, v2;
	v4 =	vadd.s32 v1, v4;
	_ =	sdelay $0x1  }
0x16f: {  	v3 =	vadd.s32 v1, v3;
	_ =	sdelay $0x2  }
0x170: {  	[tilespmem:s30], [sflag:$0x1] =	stream.indirect_vreg.gather [hbm4b:s3+s2], $0x80, v4, vm0, $0xb8;
	[tilespmem:$0x18280] =	vst v63  }
0x171: {  	_ = 	snop  }
0x172: {  	[tilespmem:s31], [sflag:$0x1] =	stream.indirect_vreg.gather [hbm4b:s3+s2], $0x80, v3, vm0, $0xb8;
	[tilespmem:$0x18280] =	vst v63  }
0x173: {  	v3 =	vld [tilespmem:$0x1D0];
	_ =	sdelay $0x4  }
0x174: {  	v53 =	vshll.u32 v3, $0x1  }
0x175: {  	v3 =	vand.u32 $0x7, v3;
	v4 =	vand.u32 $0xFFFFFFF0, v53  }
0x176: {  	v3 =	vor.u32 v3, v4  }
0x177: {  	v4 =	vperm.xlane v3, v0;
	_ =	sdelay $0x1  }
0x178: {  	v3 =	vperm.xlane v3, v2;
	v4 =	vadd.s32 v1, v4;
	_ =	sdelay $0x1  }
0x179: {  	v3 =	vadd.s32 v1, v3;
	_ =	sdelay $0x2  }
0x17a: {  	[tilespmem:s6], [sflag:$0x1] =	stream.indirect_vreg.gather [hbm4b:s3+s2], $0x80, v4, vm0, $0xb8;
	[tilespmem:$0x18280] =	vst v63  }
0x17b: {  	_ = 	snop  }
0x17c: {  	[tilespmem:s1], [sflag:$0x1] =	stream.indirect_vreg.gather [hbm4b:s3+s2], $0x80, v3, vm0, $0xb8;
	[tilespmem:$0x18280] =	vst v63  }
0x17d: {  	v3 =	vld [tilespmem:$0x1E0];
	_ =	sdelay $0x4  }
0x17e: {  	v54 =	vshll.u32 v3, $0x1  }
0x17f: {  	v3 =	vand.u32 $0x7, v3;
	v4 =	vand.u32 $0xFFFFFFF0, v54  }
0x180: {  	v3 =	vor.u32 v3, v4  }
0x181: {  	v4 =	vperm.xlane v3, v0;
	_ =	sdelay $0x1  }
0x182: {  	v3 =	vperm.xlane v3, v2;
	v4 =	vadd.s32 v1, v4;
	_ =	sdelay $0x1  }
0x183: {  	v3 =	vadd.s32 v1, v3;
	_ =	sdelay $0x2  }
0x184: {  	[tilespmem:s7], [sflag:$0x1] =	stream.indirect_vreg.gather [hbm4b:s3+s2], $0x80, v4, vm0, $0xb8;
	[tilespmem:$0x18280] =	vst v63  }
0x185: {  	_ = 	snop  }
0x186: {  	[tilespmem:s8], [sflag:$0x1] =	stream.indirect_vreg.gather [hbm4b:s3+s2], $0x80, v3, vm0, $0xb8;
	[tilespmem:$0x18280] =	vst v63  }
0x187: {  	v3 =	vld [tilespmem:$0x1F0];
	_ =	sdelay $0x4  }
0x188: {  	v55 =	vshll.u32 v3, $0x1  }
0x189: {  	v3 =	vand.u32 $0x7, v3;
	v4 =	vand.u32 $0xFFFFFFF0, v55  }
0x18a: {  	v3 =	vor.u32 v3, v4  }
0x18b: {  	v4 =	vperm.xlane v3, v0;
	_ =	sdelay $0x1  }
0x18c: {  	v3 =	vperm.xlane v3, v2;
	v4 =	vadd.s32 v1, v4;
	_ =	sdelay $0x1  }
0x18d: {  	v3 =	vadd.s32 v1, v3;
	_ =	sdelay $0x2  }
0x18e: {  	[tilespmem:s9], [sflag:$0x1] =	stream.indirect_vreg.gather [hbm4b:s3+s2], $0x80, v4, vm0, $0xb8;
	[tilespmem:$0x18280] =	vst v63  }
0x18f: {  	_ = 	snop  }
0x190: {  	[tilespmem:s10], [sflag:$0x1] =	stream.indirect_vreg.gather [hbm4b:s3+s2], $0x80, v3, vm0, $0xb8;
	[tilespmem:$0x18280] =	vst v63  }
0x191: {  	_ =	swait.ge [sflag:s15], $0x8000  }
0x192: {  	[sflag:s15] =	ssyncset.done $0x0  }
0x193: {  	s1 =	rddreg [dreg:$0x8];
	[sflag:s15] =	ssyncadd.s32 $0xFFFF8000  }
0x194: {  	[hbm4b:s1+s2] =	stream.linear.scatter [tilespmem:s0], [sflag:$0x5], $0x8000, $0x38;
	[tilespmem:$0x18280] =	vst v63  }
0x195: {  	_ =	swait.ge [sflag:s16], $0x8000  }
0x196: {  	[sflag:s16] =	ssyncset.done $0x0  }
0x197: {  	[sflag:s16] =	ssyncadd.s32 $0xFFFF8000  }
0x198: {  	v3 =	vld [tilespmem:$0x200];
	_ =	sdelay $0x4  }
0x199: {  	v56 =	vshll.u32 v3, $0x1  }
0x19a: {  	v3 =	vand.u32 $0x7, v3;
	v4 =	vand.u32 $0xFFFFFFF0, v56  }
0x19b: {  	v3 =	vor.u32 v3, v4  }
0x19c: {  	v4 =	vperm.xlane v3, v0;
	_ =	sdelay $0x1  }
0x19d: {  	v3 =	vperm.xlane v3, v2;
	v4 =	vadd.s32 v1, v4;
	_ =	sdelay $0x1  }
0x19e: {  	v3 =	vadd.s32 v1, v3;
	_ =	sdelay $0x2  }
0x19f: {  	[tilespmem:s0], [sflag:$0x2] =	stream.indirect_vreg.gather [hbm4b:s3+s2], $0x80, v4, vm0, $0xb8;
	[tilespmem:$0x18280] =	vst v63  }
0x1a0: {  	s19 =	simm.s32 $0x8A80  }
0x1a1: {  	[tilespmem:s19], [sflag:$0x2] =	stream.indirect_vreg.gather [hbm4b:s3+s2], $0x80, v3, vm0, $0xb8;
	[tilespmem:$0x18280] =	vst v63  }
0x1a2: {  	v3 =	vld [tilespmem:$0x210];
	_ =	sdelay $0x4  }
0x1a3: {  	v57 =	vshll.u32 v3, $0x1  }
0x1a4: {  	v3 =	vand.u32 $0x7, v3;
	v4 =	vand.u32 $0xFFFFFFF0, v57  }
0x1a5: {  	v3 =	vor.u32 v3, v4  }
0x1a6: {  	v4 =	vperm.xlane v3, v0;
	_ =	sdelay $0x1  }
0x1a7: {  	v3 =	vperm.xlane v3, v2;
	v4 =	vadd.s32 v1, v4;
	_ =	sdelay $0x1  }
0x1a8: {  	v3 =	vadd.s32 v1, v3;
	_ =	sdelay $0x2  }
0x1a9: {  	[tilespmem:s12], [sflag:$0x2] =	stream.indirect_vreg.gather [hbm4b:s3+s2], $0x80, v4, vm0, $0xb8;
	[tilespmem:$0x18280] =	vst v63  }
0x1aa: {  	_ = 	snop  }
0x1ab: {  	[tilespmem:s17], [sflag:$0x2] =	stream.indirect_vreg.gather [hbm4b:s3+s2], $0x80, v3, vm0, $0xb8;
	[tilespmem:$0x18280] =	vst v63  }
0x1ac: {  	v3 =	vld [tilespmem:$0x220];
	_ =	sdelay $0x4  }
0x1ad: {  	v58 =	vshll.u32 v3, $0x1  }
0x1ae: {  	v3 =	vand.u32 $0x7, v3;
	v4 =	vand.u32 $0xFFFFFFF0, v58  }
0x1af: {  	v3 =	vor.u32 v3, v4  }
0x1b0: {  	v4 =	vperm.xlane v3, v0;
	_ =	sdelay $0x1  }
0x1b1: {  	v3 =	vperm.xlane v3, v2;
	v4 =	vadd.s32 v1, v4;
	_ =	sdelay $0x1  }
0x1b2: {  	v3 =	vadd.s32 v1, v3;
	_ =	sdelay $0x2  }
0x1b3: {  	[tilespmem:s18], [sflag:$0x2] =	stream.indirect_vreg.gather [hbm4b:s3+s2], $0x80, v4, vm0, $0xb8;
	[tilespmem:$0x18280] =	vst v63  }
0x1b4: {  	s20 =	simm.s32 $0xAA80  }
0x1b5: {  	[tilespmem:s20], [sflag:$0x2] =	stream.indirect_vreg.gather [hbm4b:s3+s2], $0x80, v3, vm0, $0xb8;
	[tilespmem:$0x18280] =	vst v63  }
0x1b6: {  	v3 =	vld [tilespmem:$0x230];
	_ =	sdelay $0x4  }
0x1b7: {  	v59 =	vshll.u32 v3, $0x1  }
0x1b8: {  	v3 =	vand.u32 $0x7, v3;
	v4 =	vand.u32 $0xFFFFFFF0, v59  }
0x1b9: {  	v3 =	vor.u32 v3, v4  }
0x1ba: {  	v4 =	vperm.xlane v3, v0;
	_ =	sdelay $0x1  }
0x1bb: {  	v3 =	vperm.xlane v3, v2;
	v4 =	vadd.s32 v1, v4;
	_ =	sdelay $0x1  }
0x1bc: {  	v3 =	vadd.s32 v1, v3;
	_ =	sdelay $0x1  }
0x1bd: {  	s19 =	simm.s32 $0xB280  }
0x1be: {  	[tilespmem:s19], [sflag:$0x2] =	stream.indirect_vreg.gather [hbm4b:s3+s2], $0x80, v4, vm0, $0xb8;
	[tilespmem:$0x18280] =	vst v63  }
0x1bf: {  	s20 =	simm.s32 $0xBA80  }
0x1c0: {  	[tilespmem:s20], [sflag:$0x2] =	stream.indirect_vreg.gather [hbm4b:s3+s2], $0x80, v3, vm0, $0xb8;
	[tilespmem:$0x18280] =	vst v63  }
0x1c1: {  	v3 =	vld [tilespmem:$0x240];
	_ =	sdelay $0x4  }
0x1c2: {  	v60 =	vshll.u32 v3, $0x1  }
0x1c3: {  	v3 =	vand.u32 $0x7, v3;
	v4 =	vand.u32 $0xFFFFFFF0, v60  }
0x1c4: {  	v3 =	vor.u32 v3, v4  }
0x1c5: {  	v4 =	vperm.xlane v3, v0;
	_ =	sdelay $0x1  }
0x1c6: {  	v3 =	vperm.xlane v3, v2;
	v4 =	vadd.s32 v1, v4;
	_ =	sdelay $0x1  }
0x1c7: {  	v3 =	vadd.s32 v1, v3;
	_ =	sdelay $0x1  }
0x1c8: {  	s19 =	simm.s32 $0xC280  }
0x1c9: {  	[tilespmem:s19], [sflag:$0x2] =	stream.indirect_vreg.gather [hbm4b:s3+s2], $0x80, v4, vm0, $0xb8;
	[tilespmem:$0x18280] =	vst v63  }
0x1ca: {  	s20 =	simm.s32 $0xCA80  }
0x1cb: {  	[tilespmem:s20], [sflag:$0x2] =	stream.indirect_vreg.gather [hbm4b:s3+s2], $0x80, v3, vm0, $0xb8;
	[tilespmem:$0x18280] =	vst v63  }
0x1cc: {  	v3 =	vld [tilespmem:$0x250];
	_ =	sdelay $0x4  }
0x1cd: {  	v61 =	vshll.u32 v3, $0x1  }
0x1ce: {  	v3 =	vand.u32 $0x7, v3;
	v4 =	vand.u32 $0xFFFFFFF0, v61  }
0x1cf: {  	v3 =	vor.u32 v3, v4  }
0x1d0: {  	v4 =	vperm.xlane v3, v0;
	_ =	sdelay $0x1  }
0x1d1: {  	v3 =	vperm.xlane v3, v2;
	v4 =	vadd.s32 v1, v4;
	_ =	sdelay $0x1  }
0x1d2: {  	v3 =	vadd.s32 v1, v3;
	_ =	sdelay $0x1  }
0x1d3: {  	s19 =	simm.s32 $0xD280  }
0x1d4: {  	[tilespmem:s19], [sflag:$0x2] =	stream.indirect_vreg.gather [hbm4b:s3+s2], $0x80, v4, vm0, $0xb8;
	[tilespmem:$0x18280] =	vst v63  }
0x1d5: {  	s20 =	simm.s32 $0xDA80  }
0x1d6: {  	[tilespmem:s20], [sflag:$0x2] =	stream.indirect_vreg.gather [hbm4b:s3+s2], $0x80, v3, vm0, $0xb8;
	[tilespmem:$0x18280] =	vst v63  }
0x1d7: {  	v3 =	vld [tilespmem:$0x260];
	_ =	sdelay $0x4  }
0x1d8: {  	v62 =	vshll.u32 v3, $0x1  }
0x1d9: {  	v3 =	vand.u32 $0x7, v3;
	v4 =	vand.u32 $0xFFFFFFF0, v62  }
0x1da: {  	v3 =	vor.u32 v3, v4  }
0x1db: {  	v4 =	vperm.xlane v3, v0;
	_ =	sdelay $0x1  }
0x1dc: {  	v3 =	vperm.xlane v3, v2;
	v4 =	vadd.s32 v1, v4;
	_ =	sdelay $0x1  }
0x1dd: {  	v3 =	vadd.s32 v1, v3;
	_ =	sdelay $0x1  }
0x1de: {  	s19 =	simm.s32 $0xE280  }
0x1df: {  	[tilespmem:s19], [sflag:$0x2] =	stream.indirect_vreg.gather [hbm4b:s3+s2], $0x80, v4, vm0, $0xb8;
	[tilespmem:$0x18280] =	vst v63  }
0x1e0: {  	s20 =	simm.s32 $0xEA80  }
0x1e1: {  	[tilespmem:s20], [sflag:$0x2] =	stream.indirect_vreg.gather [hbm4b:s3+s2], $0x80, v3, vm0, $0xb8;
	[tilespmem:$0x18280] =	vst v63  }
0x1e2: {  	v3 =	vld [tilespmem:$0x270];
	_ =	sdelay $0x4  }
0x1e3: {  	v63 =	vshll.u32 v3, $0x1  }
0x1e4: {  	v3 =	vand.u32 $0x7, v3;
	v4 =	vand.u32 $0xFFFFFFF0, v63  }
0x1e5: {  	v3 =	vor.u32 v3, v4  }
0x1e6: {  	v4 =	vperm.xlane v3, v0;
	_ =	sdelay $0x1  }
0x1e7: {  	v3 =	vperm.xlane v3, v2;
	v4 =	vadd.s32 v1, v4;
	_ =	sdelay $0x1  }
0x1e8: {  	v3 =	vadd.s32 v1, v3;
	_ =	sdelay $0x1  }
0x1e9: {  	s19 =	simm.s32 $0xF280  }
0x1ea: {  	[tilespmem:s19], [sflag:$0x2] =	stream.indirect_vreg.gather [hbm4b:s3+s2], $0x80, v4, vm0, $0xb8;
	[tilespmem:$0x18280] =	vst v63  }
0x1eb: {  	s20 =	simm.s32 $0xFA80;
	s19 =	simm.s32 $0x3  }
0x1ec: {  	[tilespmem:s20], [sflag:$0x2] =	stream.indirect_vreg.gather [hbm4b:s3+s2], $0x80, v3, vm0, $0xb8;
	[tilespmem:$0x18280] =	vst v63  }
0x1ed: {  	_ =	swait.ge [sflag:s19], $0x8000  }
0x1ee: {  	[sflag:s19] =	ssyncset.done $0x0  }
0x1ef: {  	s20 =	rddreg [dreg:$0x9];
	[sflag:s19] =	ssyncadd.s32 $0xFFFF8000  }
0x1f0: {  	[hbm4b:s20+s2] =	stream.linear.scatter [tilespmem:s11], [sflag:$0x6], $0x8000, $0x38;
	[tilespmem:$0x18280] =	vst v63  }
0x1f1: {  	_ =	swait.ge [sflag:s13], $0x8000  }
0x1f2: {  	[sflag:s13] =	ssyncset.done $0x0  }
0x1f3: {  	s1 =	rddreg [dreg:$0xa];
	[sflag:s13] =	ssyncadd.s32 $0xFFFF8000  }
0x1f4: {  	[hbm4b:s1+s2] =	stream.linear.scatter [tilespmem:s22], [sflag:$0x4], $0x8000, $0x38;
	[tilespmem:$0x18280] =	vst v63  }
0x1f5: {  	_ =	swait.ge [sflag:s15], $0x8000  }
0x1f6: {  	[sflag:s15] =	ssyncset.done $0x0  }
0x1f7: {  	s20 =	simm.s32 $0x6;
	s11 =	rddreg [dreg:$0xb];
	[sflag:s15] =	ssyncadd.s32 $0xFFFF8000  }
0x1f8: {  	[hbm4b:s11+s2] =	stream.linear.scatter [tilespmem:s0], [sflag:$0x5], $0x8000, $0x38;
	[tilespmem:$0x18280] =	vst v63  }
0x1f9: {  	_ =	swait.ge [sflag:s20], $0x8000  }
0x1fa: {  	[sflag:s20] =	ssyncset.done $0x0  }
0x1fb: {  	[sflag:s20] =	ssyncadd.s32 $0xFFFF8000  }
0x1fc: {  	p0 =	sne.s32 s4, $0x1;
	_ =	swait.ge [sflag:s14], $0x8000  }
.Ltmp0:
0x1fd: {  	[sflag:s14] =	ssyncset.done $0x0;
	(pc) =	sbr.rel @p0 .LBB2_1-.Ltmp0, $4  }
0x1fe: {  	[sflag:s14] =	ssyncadd.s32 $0xFFFF8000  }
0x1ff: {  	_ =	swait.ge [sflag:s16], $0x8000  }
0x200: {  	[sflag:s16] =	ssyncset.done $0x0  }
0x201: {  	s4 =	sadd.s32 $0xFFFFFFFF, s4;
	[sflag:s16] =	ssyncadd.s32 $0xFFFF8000  }
0x202: {  	_ =	sfence.sel $0x180000  }
0x203: {  	[bflag:$0x0] =	sbarrier.arrive $0xFFFF  }
0x204: {  	_ =	strace $0x90000050  }
0x205: {  	s0 =	stileid.u32;
	[bflag:$0x2] =	sbarrier.arrive $0xFFFF  }
0x206: {  	p0 =	sne.s32 s0, $0x0;
	s0 =	rddreg [dreg:$0x1]  }
0x207: {  	s0 =	sadd.s32 @!p0 $0x100000, s0  }
0x208: {  	[sflag:s0] =	ssyncadd.tile.s32 @!p0 $0x1;
	_ =	shalt  }
.Lfunc_end2:
_tile_overlayer_lowered:
.L_overlay_start_2:
0x209: {  	(tag) =	ssettag $0x2  }
0x20a: {  	s0 =	rddreg [dreg:$0x0];
	s2 =	stileid.u32  }
0x20b: {  	s1 =	rddreg [dreg:$0x1];
	p0 =	sne.s32 s2, $0x0  }
0x20c: {  	s3 =	rddreg [dreg:$0x2];
	[bflag:$0x3] =	sbarrier.arrive $0xFFFF;
	s2 =	simm.s32 @!p0 $0x1C07  }
0x20d: {  	[timem:s3], [sflag:s2] =	dma.local @!p0 [hbm:s0], s1  }
0x20e: {  	s0 =	simm.s32 @!p0 $0x7  }
0x20f: {  	_ =	swait.ge @!p0 [sflag:s0], s1  }
0x210: {  	s1 =	ssub.s32 @!p0 $0x0, s1;
	[sflag:s0] =	ssyncset.done @!p0 $0x0  }
0x211: {  	[sflag:s0] =	ssyncadd.s32 @!p0 s1  }
0x212: {  	[bflag:$0x3] =	sbarrier.arrive $0xFFFF  }
0x213: {  	_ =	shalt  }

</sc_bundles>
